<compile_context>
chip_gen: v7x
topology: tpu7x:2x2x1
jax: 0.10.2.dev20260603
libtpu: 0.0.44.dev20260713+nightly
codegen_flags: <defaults>
</compile_context>

<pallas_src>
import jax
import jax.numpy as jnp
from jax import lax
from jax.experimental import pallas as pl
from jax.experimental.pallas import tpu as pltpu
from jax.experimental.pallas import tpu_sc as plsc

MARGIN = 1.0
LANES = 16
BW = 128
CW = 64
NW = 32
PADDIM = 128


def _sc_distance_body(h_t, r_t, t_t, ent, rel, pos_out, negt_out, part_out,
                      ihv, irv, itv, distt_v, loss_v,
                      h0, r0, t0, h1, r1, t1,
                      sem_in, sem_g0, sem_g1):
    np1 = h_t.shape[0]
    dim = 64
    nc = lax.axis_size("c")
    wid = lax.axis_index("s") * nc + lax.axis_index("c")
    b0 = wid * BW

    row_ids = lax.iota(jnp.int32, LANES)

    cps = [pltpu.async_copy(src.at[:, pl.ds(b0, BW)], dst, sem_in)
           for src, dst in ((h_t, ihv), (r_t, irv), (t_t, itv))]
    for cp in cps:
        cp.wait()

    def fire(c, bufs, sem):
        n = c // 2
        j = (c % 2) * CW
        hB, rB, tB = bufs
        pltpu.async_copy(ent.at[ihv.at[n, pl.ds(j, CW)]], hB, sem)
        pltpu.async_copy(rel.at[irv.at[n, pl.ds(j, CW)]], rB, sem)
        pltpu.async_copy(ent.at[itv.at[n, pl.ds(j, CW)]], tB, sem)

    def drain(bufs, sem):
        hB, rB, tB = bufs
        pltpu.make_async_copy(ent.at[ihv.at[0, pl.ds(0, CW)]], hB, sem).wait()
        pltpu.make_async_copy(rel.at[irv.at[0, pl.ds(0, CW)]], rB, sem).wait()
        pltpu.make_async_copy(ent.at[itv.at[0, pl.ds(0, CW)]], tB, sem).wait()

    def compute(c, bufs):
        n = c // 2
        joff = (c % 2) * CW
        hB, rB, tB = bufs

        def gbody(g, carry):
            vec = jnp.zeros((LANES,), jnp.float32)
            for r in range(LANES):
                l = g * LANES + r
                acc = None
                for k in range(dim // LANES):
                    sl = pl.ds(k * LANES, LANES)
                    a = jnp.abs(hB[l, sl] + rB[l, sl] - tB[l, sl])
                    acc = a if acc is None else acc + a
                s = jnp.sum(acc)
                vec = jnp.where(row_ids == r, s, vec)
            distt_v[n, pl.ds(joff + g * LANES, LANES)] = vec
            return carry

        lax.fori_loop(0, CW // LANES, gbody, 0)

    bufs0 = (h0, r0, t0)
    bufs1 = (h1, r1, t1)
    n_chunks = np1 * 2

    fire(0, bufs0, sem_g0)

    def pair_body(p, carry):
        c0 = p * 2
        fire(c0 + 1, bufs1, sem_g1)
        drain(bufs0, sem_g0)
        compute(c0, bufs0)

        @pl.when(p + 1 < n_chunks // 2)
        def _():
            fire(c0 + 2, bufs0, sem_g0)

        drain(bufs1, sem_g1)
        compute(c0 + 1, bufs1)
        return carry

    lax.fori_loop(0, n_chunks // 2, pair_body, 0)

    def loss_body(n, acc):
        for g in range(BW // LANES):
            sl = pl.ds(g * LANES, LANES)
            acc = acc + jnp.maximum(distt_v[0, sl] - distt_v[n, sl] + MARGIN,
                                    0.0)
        return acc

    lacc = lax.fori_loop(1, np1, loss_body, jnp.zeros((LANES,), jnp.float32))
    loss_v[...] = lacc

    pltpu.sync_copy(distt_v.at[0], pos_out.at[pl.ds(b0, BW)])
    pltpu.sync_copy(distt_v.at[pl.ds(1, np1 - 1)],
                    negt_out.at[:, pl.ds(b0, BW)])
    pltpu.sync_copy(loss_v, part_out.at[wid])


def _loss_body(p_ref, denom_ref, loss_ref):
    loss_ref[0, 0] = jnp.sum(p_ref[...]) / denom_ref[0]


@jax.jit
def kernel(triple_matrix, entities_emb, relations_emb):
    b, np1, _ = triple_matrix.shape
    neg_n = np1 - 1
    dim = entities_emb.shape[1]

    tri_t = jnp.transpose(triple_matrix, (2, 1, 0))
    h_t = tri_t[0]
    r_t = tri_t[1]
    t_t = tri_t[2]

    ent128 = jnp.pad(entities_emb, ((0, 0), (0, PADDIM - dim)))
    rel128 = jnp.pad(relations_emb, ((0, 0), (0, PADDIM - dim)))

    mesh = plsc.VectorSubcoreMesh(core_axis_name="c", subcore_axis_name="s")
    pos, negt, partials = pl.kernel(
        _sc_distance_body,
        out_type=(
            jax.ShapeDtypeStruct((b,), jnp.float32),
            jax.ShapeDtypeStruct((neg_n, b), jnp.float32),
            jax.ShapeDtypeStruct((NW, LANES), jnp.float32),
        ),
        mesh=mesh,
        compiler_params=pltpu.CompilerParams(
            needs_layout_passes=False, use_tc_tiling_on_sc=True),
        scratch_types=[
            pltpu.VMEM((np1, BW), jnp.int32),
            pltpu.VMEM((np1, BW), jnp.int32),
            pltpu.VMEM((np1, BW), jnp.int32),
            pltpu.VMEM((np1, BW), jnp.float32),
            pltpu.VMEM((LANES,), jnp.float32),
            pltpu.VMEM((CW, PADDIM), jnp.float32),
            pltpu.VMEM((CW, PADDIM), jnp.float32),
            pltpu.VMEM((CW, PADDIM), jnp.float32),
            pltpu.VMEM((CW, PADDIM), jnp.float32),
            pltpu.VMEM((CW, PADDIM), jnp.float32),
            pltpu.VMEM((CW, PADDIM), jnp.float32),
            pltpu.SemaphoreType.DMA,
            pltpu.SemaphoreType.DMA,
            pltpu.SemaphoreType.DMA,
        ],
    )(h_t, r_t, t_t, ent128, rel128)

    denom = jnp.full((1,), float(b * neg_n), jnp.float32)
    loss = pl.pallas_call(
        _loss_body,
        out_shape=jax.ShapeDtypeStruct((1, 1), jnp.float32),
        in_specs=[pl.BlockSpec(memory_space=pltpu.VMEM),
                  pl.BlockSpec(memory_space=pltpu.SMEM)],
        out_specs=pl.BlockSpec(memory_space=pltpu.SMEM),
    )(partials, denom)[0, 0]

    return (loss, pos, negt.T)

# --- scband reference (transcript-rebuilt; emitter-appended) ---
"""Pipeline reference for scband-trans-e-60799557042232 (READ-ONLY COPY).

The authoritative reference and input builder live on the scoring server;
editing this copy changes nothing except your own understanding.
"""

import jax, jax.numpy as jnp
import numpy as np

ENTITY_COUNT = 1000000
RELATION_COUNT = 1000000
DIM = 64
B = 4096
NEG = 64
MARGIN = 1.0


def setup_inputs(seed: int = 0) -> dict:
    key = jax.random.key(seed)
    k1, k2, k3 = jax.random.split(key, 3)
    triple_matrix = jax.random.randint(k1, (B, 1 + NEG, 3), 0, ENTITY_COUNT, dtype=jnp.int32)
    r = 6.0 / np.sqrt(DIM)
    ent = jax.random.uniform(k2, (ENTITY_COUNT + 1, DIM), minval=-r, maxval=r, dtype=jnp.float32)
    ent = ent / jnp.linalg.norm(ent, axis=1, keepdims=True)
    rel = jax.random.uniform(k3, (RELATION_COUNT + 1, DIM), minval=-r, maxval=r, dtype=jnp.float32)
    rel = rel / jnp.linalg.norm(rel, axis=1, keepdims=True)
    return {"triple_matrix": triple_matrix, "entities_emb": ent, "relations_emb": rel}


def _distance(triple, entities_emb, relations_emb):
    head = triple[:, :, 0]
    relations = triple[:, :, 1]
    tails = triple[:, :, 2]
    distance = jnp.take(entities_emb, head, axis=0) + jnp.take(relations_emb, relations, axis=0) - jnp.take(entities_emb, tails, axis=0)
    # torch.squeeze(0): only removes leading dim if it is 1
    if distance.shape[0] == 1:
        distance = jnp.squeeze(distance, axis=0)
    # norm=1 -> L1 norm along last dim
    return jnp.sum(jnp.abs(distance), axis=-1)


def reference(triple_matrix, entities_emb, relations_emb):
    positive_distances = _distance(triple_matrix[:, 0, :][None, :, :], entities_emb, relations_emb)  # [B]
    negative_distances = _distance(triple_matrix[:, 1:, :], entities_emb, relations_emb)  # [B, NEG]
    n = negative_distances.shape[1]
    pos_rep = jnp.repeat(positive_distances, n, axis=0).reshape(negative_distances.shape)
    target = -jnp.ones_like(negative_distances)
    # MarginRankingLoss(mean): max(0, -target*(x1-x2) + margin)
    loss = jnp.mean(jnp.maximum(0.0, -target * (pos_rep - negative_distances) + MARGIN))
    return (loss, positive_distances, negative_distances)

if __name__ == "__main__":
    import jax
    _d = setup_inputs()
    print(jax.jit(kernel)(*tuple(_d.values())))

</pallas_src>

<mosaic_0001>
#map = affine_map<(d0, d1) -> (0, 0)>
#map1 = affine_map<(d0, d1) -> (0)>
module attributes {stable_mosaic.version = 14 : i64} {
  func.func @_sc_distance_body(%arg0: i32, %arg1: i32, %arg2: memref<65x4096xi32, #tpu.memory_space<hbm>>, %arg3: memref<65x4096xi32, #tpu.memory_space<hbm>>, %arg4: memref<65x4096xi32, #tpu.memory_space<hbm>>, %arg5: memref<1000001x128xf32, #tpu.memory_space<hbm>>, %arg6: memref<1000001x128xf32, #tpu.memory_space<hbm>>, %arg7: memref<4096xf32, #tpu.memory_space<hbm>>, %arg8: memref<64x4096xf32, #tpu.memory_space<hbm>>, %arg9: memref<32x16xf32, #tpu.memory_space<hbm>>, %arg10: memref<65x128xi32, #tpu.memory_space<vmem>>, %arg11: memref<65x128xi32, #tpu.memory_space<vmem>>, %arg12: memref<65x128xi32, #tpu.memory_space<vmem>>, %arg13: memref<65x128xf32, #tpu.memory_space<vmem>>, %arg14: memref<16xf32, #tpu.memory_space<vmem>>, %arg15: memref<64x128xf32, #tpu.memory_space<vmem>>, %arg16: memref<64x128xf32, #tpu.memory_space<vmem>>, %arg17: memref<64x128xf32, #tpu.memory_space<vmem>>, %arg18: memref<64x128xf32, #tpu.memory_space<vmem>>, %arg19: memref<64x128xf32, #tpu.memory_space<vmem>>, %arg20: memref<64x128xf32, #tpu.memory_space<vmem>>, %arg21: memref<!tpu.dma_semaphore, #tpu.memory_space<semaphore_mem>>, %arg22: memref<!tpu.dma_semaphore, #tpu.memory_space<semaphore_mem>>, %arg23: memref<!tpu.dma_semaphore, #tpu.memory_space<semaphore_mem>>) attributes {dimension_semantics = [#tpu.dimension_semantics<core_parallel>, #tpu.dimension_semantics<subcore_parallel>], iteration_bounds = array<i64: 2, 16>, scalar_prefetch = 0 : i64, scratch_operands = 14 : i64, tpu.core_type = #tpu.core_type<sc_vector_subcore>, window_params = [{transform_indices = #map}, {transform_indices = #map}, {transform_indices = #map}, {transform_indices = #map}, {transform_indices = #map}, {transform_indices = #map1}, {transform_indices = #map}, {transform_indices = #map}]} {
    %mul3A = arith.constant 2 : i32
    %mul3A_0 = arith.muli %arg1, %mul3A : i32
    %add3A = arith.addi %mul3A_0, %arg0 : i32
    %mul3A_1 = arith.constant 128 : i32
    %mul3A_2 = arith.muli %add3A, %mul3A_1 : i32
    %iota3A = tpu.iota {dimensions = array<i32: 0>} : vector<16xi32>
    %dma_start3A = arith.constant 0 : i32
    %dma_start3A_3 = tpu.memref_slice %arg2[%dma_start3A, %mul3A_2] : memref<65x4096xi32, #tpu.memory_space<hbm>> -> memref<65x128xi32, #tpu.memory_space<hbm>>
    %dma_start3A_4 = arith.constant 0 : i32
    %dma_start3A_5 = tpu.memref_slice %arg2[%dma_start3A_4, %mul3A_2] : memref<65x4096xi32, #tpu.memory_space<hbm>> -> memref<65x128xi32, #tpu.memory_space<hbm>>
    tpu.enqueue_dma source(%dma_start3A_5 : memref<65x128xi32, #tpu.memory_space<hbm>>) target(%arg10 : memref<65x128xi32, #tpu.memory_space<vmem>>) target_semaphore(%arg21 : memref<!tpu.dma_semaphore, #tpu.memory_space<semaphore_mem>>)
    %dma_start3A_6 = arith.constant 0 : i32
    %dma_start3A_7 = tpu.memref_slice %arg3[%dma_start3A_6, %mul3A_2] : memref<65x4096xi32, #tpu.memory_space<hbm>> -> memref<65x128xi32, #tpu.memory_space<hbm>>
    %dma_start3A_8 = arith.constant 0 : i32
    %dma_start3A_9 = tpu.memref_slice %arg3[%dma_start3A_8, %mul3A_2] : memref<65x4096xi32, #tpu.memory_space<hbm>> -> memref<65x128xi32, #tpu.memory_space<hbm>>
    tpu.enqueue_dma source(%dma_start3A_9 : memref<65x128xi32, #tpu.memory_space<hbm>>) target(%arg11 : memref<65x128xi32, #tpu.memory_space<vmem>>) target_semaphore(%arg21 : memref<!tpu.dma_semaphore, #tpu.memory_space<semaphore_mem>>)
    %dma_start3A_10 = arith.constant 0 : i32
    %dma_start3A_11 = tpu.memref_slice %arg4[%dma_start3A_10, %mul3A_2] : memref<65x4096xi32, #tpu.memory_space<hbm>> -> memref<65x128xi32, #tpu.memory_space<hbm>>
    %dma_start3A_12 = arith.constant 0 : i32
    %dma_start3A_13 = tpu.memref_slice %arg4[%dma_start3A_12, %mul3A_2] : memref<65x4096xi32, #tpu.memory_space<hbm>> -> memref<65x128xi32, #tpu.memory_space<hbm>>
    tpu.enqueue_dma source(%dma_start3A_13 : memref<65x128xi32, #tpu.memory_space<hbm>>) target(%arg12 : memref<65x128xi32, #tpu.memory_space<vmem>>) target_semaphore(%arg21 : memref<!tpu.dma_semaphore, #tpu.memory_space<semaphore_mem>>)
    %dma_wait3A = arith.constant 0 : i32
    %dma_wait3A_14 = tpu.memref_slice %arg2[%dma_wait3A, %mul3A_2] : memref<65x4096xi32, #tpu.memory_space<hbm>> -> memref<65x128xi32, #tpu.memory_space<hbm>>
    %dma_wait3A_15 = arith.constant 0 : i32
    %dma_wait3A_16 = tpu.memref_slice %arg2[%dma_wait3A_15, %mul3A_2] : memref<65x4096xi32, #tpu.memory_space<hbm>> -> memref<65x128xi32, #tpu.memory_space<hbm>>
    tpu.wait_dma2 semaphore(%arg21 : memref<!tpu.dma_semaphore, #tpu.memory_space<semaphore_mem>>) src(%dma_wait3A_16 : memref<65x128xi32, #tpu.memory_space<hbm>>) dst(%arg10 : memref<65x128xi32, #tpu.memory_space<vmem>>)
    %dma_wait3A_17 = arith.constant 0 : i32
    %dma_wait3A_18 = tpu.memref_slice %arg3[%dma_wait3A_17, %mul3A_2] : memref<65x4096xi32, #tpu.memory_space<hbm>> -> memref<65x128xi32, #tpu.memory_space<hbm>>
    %dma_wait3A_19 = arith.constant 0 : i32
    %dma_wait3A_20 = tpu.memref_slice %arg3[%dma_wait3A_19, %mul3A_2] : memref<65x4096xi32, #tpu.memory_space<hbm>> -> memref<65x128xi32, #tpu.memory_space<hbm>>
    tpu.wait_dma2 semaphore(%arg21 : memref<!tpu.dma_semaphore, #tpu.memory_space<semaphore_mem>>) src(%dma_wait3A_20 : memref<65x128xi32, #tpu.memory_space<hbm>>) dst(%arg11 : memref<65x128xi32, #tpu.memory_space<vmem>>)
    %dma_wait3A_21 = arith.constant 0 : i32
    %dma_wait3A_22 = tpu.memref_slice %arg4[%dma_wait3A_21, %mul3A_2] : memref<65x4096xi32, #tpu.memory_space<hbm>> -> memref<65x128xi32, #tpu.memory_space<hbm>>
    %dma_wait3A_23 = arith.constant 0 : i32
    %dma_wait3A_24 = tpu.memref_slice %arg4[%dma_wait3A_23, %mul3A_2] : memref<65x4096xi32, #tpu.memory_space<hbm>> -> memref<65x128xi32, #tpu.memory_space<hbm>>
    tpu.wait_dma2 semaphore(%arg21 : memref<!tpu.dma_semaphore, #tpu.memory_space<semaphore_mem>>) src(%dma_wait3A_24 : memref<65x128xi32, #tpu.memory_space<hbm>>) dst(%arg12 : memref<65x128xi32, #tpu.memory_space<vmem>>)
    %dma_start3A_25 = arith.constant 0 : i32
    %dma_start3A_26 = arith.constant 0 : i32
    %dma_start3A_27 = tpu.memref_slice %arg10[%dma_start3A_25, %dma_start3A_26] : memref<65x128xi32, #tpu.memory_space<vmem>> -> memref<1x64xi32, #tpu.memory_space<vmem>>
    %dma_start3A_28 = tpu.memref_squeeze %dma_start3A_27 : memref<1x64xi32, #tpu.memory_space<vmem>> -> memref<64xi32, #tpu.memory_space<vmem>>
    %dma_start3A_29 = arith.constant 0 : i32
    %dma_start3A_30 = arith.constant 0 : i32
    %dma_start3A_31 = tpu.memref_slice %arg5[%dma_start3A_29, %dma_start3A_30] : memref<1000001x128xf32, #tpu.memory_space<hbm>> -> memref<1000001x128xf32, #tpu.memory_space<hbm>>
    tpu.enqueue_indirect_dma source(%dma_start3A_31 : memref<1000001x128xf32, #tpu.memory_space<hbm>>) target(%arg15 : memref<64x128xf32, #tpu.memory_space<vmem>>) offsets(%dma_start3A_28 : memref<64xi32, #tpu.memory_space<vmem>>) semaphore(%arg22 : memref<!tpu.dma_semaphore, #tpu.memory_space<semaphore_mem>>)
    %dma_start3A_32 = arith.constant 0 : i32
    %dma_start3A_33 = arith.constant 0 : i32
    %dma_start3A_34 = tpu.memref_slice %arg11[%dma_start3A_32, %dma_start3A_33] : memref<65x128xi32, #tpu.memory_space<vmem>> -> memref<1x64xi32, #tpu.memory_space<vmem>>
    %dma_start3A_35 = tpu.memref_squeeze %dma_start3A_34 : memref<1x64xi32, #tpu.memory_space<vmem>> -> memref<64xi32, #tpu.memory_space<vmem>>
    %dma_start3A_36 = arith.constant 0 : i32
    %dma_start3A_37 = arith.constant 0 : i32
    %dma_start3A_38 = tpu.memref_slice %arg6[%dma_start3A_36, %dma_start3A_37] : memref<1000001x128xf32, #tpu.memory_space<hbm>> -> memref<1000001x128xf32, #tpu.memory_space<hbm>>
    tpu.enqueue_indirect_dma source(%dma_start3A_38 : memref<1000001x128xf32, #tpu.memory_space<hbm>>) target(%arg16 : memref<64x128xf32, #tpu.memory_space<vmem>>) offsets(%dma_start3A_35 : memref<64xi32, #tpu.memory_space<vmem>>) semaphore(%arg22 : memref<!tpu.dma_semaphore, #tpu.memory_space<semaphore_mem>>)
    %dma_start3A_39 = arith.constant 0 : i32
    %dma_start3A_40 = arith.constant 0 : i32
    %dma_start3A_41 = tpu.memref_slice %arg12[%dma_start3A_39, %dma_start3A_40] : memref<65x128xi32, #tpu.memory_space<vmem>> -> memref<1x64xi32, #tpu.memory_space<vmem>>
    %dma_start3A_42 = tpu.memref_squeeze %dma_start3A_41 : memref<1x64xi32, #tpu.memory_space<vmem>> -> memref<64xi32, #tpu.memory_space<vmem>>
    %dma_start3A_43 = arith.constant 0 : i32
    %dma_start3A_44 = arith.constant 0 : i32
    %dma_start3A_45 = tpu.memref_slice %arg5[%dma_start3A_43, %dma_start3A_44] : memref<1000001x128xf32, #tpu.memory_space<hbm>> -> memref<1000001x128xf32, #tpu.memory_space<hbm>>
    tpu.enqueue_indirect_dma source(%dma_start3A_45 : memref<1000001x128xf32, #tpu.memory_space<hbm>>) target(%arg17 : memref<64x128xf32, #tpu.memory_space<vmem>>) offsets(%dma_start3A_42 : memref<64xi32, #tpu.memory_space<vmem>>) semaphore(%arg22 : memref<!tpu.dma_semaphore, #tpu.memory_space<semaphore_mem>>)
    %scan3A = arith.constant 0 : i32
    %scan3A_46 = arith.constant 0 : i32
    %scan3A_47 = arith.constant 65 : i32
    %scan3A_48 = arith.addi %scan3A_46, %scan3A_47 : i32
    %scan3A_49 = arith.constant 1 : i32
    scf.for %scan3A_59 = %scan3A_46 to %scan3A_48 step %scan3A_49  : i32 {
      %mul3A_60 = arith.constant 2 : i32
      %mul3A_61 = arith.muli %scan3A_59, %mul3A_60 : i32
      %add3A_62 = arith.constant 1 : i32
      %add3A_63 = arith.addi %mul3A_61, %add3A_62 : i32
      %jit3A = arith.constant 2 : i32
      %div3A = arith.divsi %add3A_63, %jit3A : i32
      %sign3A = arith.constant 0 : i32
      %sign3A_64 = arith.cmpi sgt, %add3A_63, %sign3A : i32
      %sign3A_65 = arith.extui %sign3A_64 : i1 to i32
      %sign3A_66 = arith.constant 0 : i32
      %sign3A_67 = arith.cmpi slt, %add3A_63, %sign3A_66 : i32
      %sign3A_68 = arith.extui %sign3A_67 : i1 to i32
      %sign3A_69 = arith.subi %sign3A_65, %sign3A_68 : i32
      %sign3A_70 = arith.constant 0 : i32
      %sign3A_71 = arith.cmpi sgt, %jit3A, %sign3A_70 : i32
      %sign3A_72 = arith.extui %sign3A_71 : i1 to i32
      %sign3A_73 = arith.constant 0 : i32
      %sign3A_74 = arith.cmpi slt, %jit3A, %sign3A_73 : i32
      %sign3A_75 = arith.extui %sign3A_74 : i1 to i32
      %sign3A_76 = arith.subi %sign3A_72, %sign3A_75 : i32
      %ne3A = arith.cmpi ne, %sign3A_69, %sign3A_76 : i32
      %rem3A = arith.remsi %add3A_63, %jit3A : i32
      %ne3A_77 = arith.constant 0 : i32
      %ne3A_78 = arith.cmpi ne, %rem3A, %ne3A_77 : i32
      %and3A = arith.andi %ne3A, %ne3A_78 : i1
      %sub3A = arith.constant 1 : i32
      %sub3A_79 = arith.subi %div3A, %sub3A : i32
      %select_n3A = arith.select %and3A, %sub3A_79, %div3A : i32
      %jit3A_80 = arith.constant 2 : i32
      %eq3A = arith.constant 0 : i32
      %eq3A_81 = arith.cmpi eq, %jit3A_80, %eq3A : i32
      %jit3A_82 = arith.constant 1 : i32
      %select_n3A_83 = arith.select %eq3A_81, %jit3A_82, %jit3A_80 : i32
      %rem3A_84 = arith.remsi %add3A_63, %select_n3A_83 : i32
      %ne3A_85 = arith.constant 0 : i32
      %ne3A_86 = arith.cmpi ne, %rem3A_84, %ne3A_85 : i32
      %lt3A = arith.constant 0 : i32
      %lt3A_87 = arith.cmpi slt, %rem3A_84, %lt3A : i32
      %lt3A_88 = arith.constant 0 : i32
      %lt3A_89 = arith.cmpi slt, %select_n3A_83, %lt3A_88 : i32
      %ne3A_90 = arith.xori %lt3A_87, %lt3A_89 : i1
      %and3A_91 = arith.andi %ne3A_90, %ne3A_86 : i1
      %add3A_92 = arith.addi %rem3A_84, %select_n3A_83 : i32
      %select_n3A_93 = arith.select %and3A_91, %add3A_92, %rem3A_84 : i32
      %mul3A_94 = arith.constant 64 : i32
      %mul3A_95 = arith.muli %select_n3A_93, %mul3A_94 : i32
      %dma_start3A_96 = tpu.memref_slice %arg10[%select_n3A, %mul3A_95] : memref<65x128xi32, #tpu.memory_space<vmem>> -> memref<1x64xi32, #tpu.memory_space<vmem>>
      %dma_start3A_97 = tpu.memref_squeeze %dma_start3A_96 : memref<1x64xi32, #tpu.memory_space<vmem>> -> memref<64xi32, #tpu.memory_space<vmem>>
      %dma_start3A_98 = arith.constant 0 : i32
      %dma_start3A_99 = arith.constant 0 : i32
      %dma_start3A_100 = tpu.memref_slice %arg5[%dma_start3A_98, %dma_start3A_99] : memref<1000001x128xf32, #tpu.memory_space<hbm>> -> memref<1000001x128xf32, #tpu.memory_space<hbm>>
      tpu.enqueue_indirect_dma source(%dma_start3A_100 : memref<1000001x128xf32, #tpu.memory_space<hbm>>) target(%arg18 : memref<64x128xf32, #tpu.memory_space<vmem>>) offsets(%dma_start3A_97 : memref<64xi32, #tpu.memory_space<vmem>>) semaphore(%arg23 : memref<!tpu.dma_semaphore, #tpu.memory_space<semaphore_mem>>)
      %dma_start3A_101 = tpu.memref_slice %arg11[%select_n3A, %mul3A_95] : memref<65x128xi32, #tpu.memory_space<vmem>> -> memref<1x64xi32, #tpu.memory_space<vmem>>
      %dma_start3A_102 = tpu.memref_squeeze %dma_start3A_101 : memref<1x64xi32, #tpu.memory_space<vmem>> -> memref<64xi32, #tpu.memory_space<vmem>>
      %dma_start3A_103 = arith.constant 0 : i32
      %dma_start3A_104 = arith.constant 0 : i32
      %dma_start3A_105 = tpu.memref_slice %arg6[%dma_start3A_103, %dma_start3A_104] : memref<1000001x128xf32, #tpu.memory_space<hbm>> -> memref<1000001x128xf32, #tpu.memory_space<hbm>>
      tpu.enqueue_indirect_dma source(%dma_start3A_105 : memref<1000001x128xf32, #tpu.memory_space<hbm>>) target(%arg19 : memref<64x128xf32, #tpu.memory_space<vmem>>) offsets(%dma_start3A_102 : memref<64xi32, #tpu.memory_space<vmem>>) semaphore(%arg23 : memref<!tpu.dma_semaphore, #tpu.memory_space<semaphore_mem>>)
      %dma_start3A_106 = tpu.memref_slice %arg12[%select_n3A, %mul3A_95] : memref<65x128xi32, #tpu.memory_space<vmem>> -> memref<1x64xi32, #tpu.memory_space<vmem>>
      %dma_start3A_107 = tpu.memref_squeeze %dma_start3A_106 : memref<1x64xi32, #tpu.memory_space<vmem>> -> memref<64xi32, #tpu.memory_space<vmem>>
      %dma_start3A_108 = arith.constant 0 : i32
      %dma_start3A_109 = arith.constant 0 : i32
      %dma_start3A_110 = tpu.memref_slice %arg5[%dma_start3A_108, %dma_start3A_109] : memref<1000001x128xf32, #tpu.memory_space<hbm>> -> memref<1000001x128xf32, #tpu.memory_space<hbm>>
      tpu.enqueue_indirect_dma source(%dma_start3A_110 : memref<1000001x128xf32, #tpu.memory_space<hbm>>) target(%arg20 : memref<64x128xf32, #tpu.memory_space<vmem>>) offsets(%dma_start3A_107 : memref<64xi32, #tpu.memory_space<vmem>>) semaphore(%arg23 : memref<!tpu.dma_semaphore, #tpu.memory_space<semaphore_mem>>)
      %dma_wait3A_111 = arith.constant 0 : i32
      %dma_wait3A_112 = arith.constant 0 : i32
      %dma_wait3A_113 = tpu.memref_slice %arg10[%dma_wait3A_111, %dma_wait3A_112] : memref<65x128xi32, #tpu.memory_space<vmem>> -> memref<1x64xi32, #tpu.memory_space<vmem>>
      %dma_wait3A_114 = tpu.memref_squeeze %dma_wait3A_113 : memref<1x64xi32, #tpu.memory_space<vmem>> -> memref<64xi32, #tpu.memory_space<vmem>>
      %dma_wait3A_115 = arith.constant 0 : i32
      %dma_wait3A_116 = arith.constant 0 : i32
      %dma_wait3A_117 = tpu.memref_slice %arg5[%dma_wait3A_115, %dma_wait3A_116] : memref<1000001x128xf32, #tpu.memory_space<hbm>> -> memref<1000001x128xf32, #tpu.memory_space<hbm>>
      tpu.wait_indirect_dma semaphore(%arg22 : memref<!tpu.dma_semaphore, #tpu.memory_space<semaphore_mem>>) src(%dma_wait3A_117 : memref<1000001x128xf32, #tpu.memory_space<hbm>>) dst(%arg15 : memref<64x128xf32, #tpu.memory_space<vmem>>)
      %dma_wait3A_118 = arith.constant 0 : i32
      %dma_wait3A_119 = arith.constant 0 : i32
      %dma_wait3A_120 = tpu.memref_slice %arg11[%dma_wait3A_118, %dma_wait3A_119] : memref<65x128xi32, #tpu.memory_space<vmem>> -> memref<1x64xi32, #tpu.memory_space<vmem>>
      %dma_wait3A_121 = tpu.memref_squeeze %dma_wait3A_120 : memref<1x64xi32, #tpu.memory_space<vmem>> -> memref<64xi32, #tpu.memory_space<vmem>>
      %dma_wait3A_122 = arith.constant 0 : i32
      %dma_wait3A_123 = arith.constant 0 : i32
      %dma_wait3A_124 = tpu.memref_slice %arg6[%dma_wait3A_122, %dma_wait3A_123] : memref<1000001x128xf32, #tpu.memory_space<hbm>> -> memref<1000001x128xf32, #tpu.memory_space<hbm>>
      tpu.wait_indirect_dma semaphore(%arg22 : memref<!tpu.dma_semaphore, #tpu.memory_space<semaphore_mem>>) src(%dma_wait3A_124 : memref<1000001x128xf32, #tpu.memory_space<hbm>>) dst(%arg16 : memref<64x128xf32, #tpu.memory_space<vmem>>)
      %dma_wait3A_125 = arith.constant 0 : i32
      %dma_wait3A_126 = arith.constant 0 : i32
      %dma_wait3A_127 = tpu.memref_slice %arg12[%dma_wait3A_125, %dma_wait3A_126] : memref<65x128xi32, #tpu.memory_space<vmem>> -> memref<1x64xi32, #tpu.memory_space<vmem>>
      %dma_wait3A_128 = tpu.memref_squeeze %dma_wait3A_127 : memref<1x64xi32, #tpu.memory_space<vmem>> -> memref<64xi32, #tpu.memory_space<vmem>>
      %dma_wait3A_129 = arith.constant 0 : i32
      %dma_wait3A_130 = arith.constant 0 : i32
      %dma_wait3A_131 = tpu.memref_slice %arg5[%dma_wait3A_129, %dma_wait3A_130] : memref<1000001x128xf32, #tpu.memory_space<hbm>> -> memref<1000001x128xf32, #tpu.memory_space<hbm>>
      tpu.wait_indirect_dma semaphore(%arg22 : memref<!tpu.dma_semaphore, #tpu.memory_space<semaphore_mem>>) src(%dma_wait3A_131 : memref<1000001x128xf32, #tpu.memory_space<hbm>>) dst(%arg17 : memref<64x128xf32, #tpu.memory_space<vmem>>)
      %jit3A_132 = arith.constant 2 : i32
      %div3A_133 = arith.divsi %mul3A_61, %jit3A_132 : i32
      %sign3A_134 = arith.constant 0 : i32
      %sign3A_135 = arith.cmpi sgt, %mul3A_61, %sign3A_134 : i32
      %sign3A_136 = arith.extui %sign3A_135 : i1 to i32
      %sign3A_137 = arith.constant 0 : i32
      %sign3A_138 = arith.cmpi slt, %mul3A_61, %sign3A_137 : i32
      %sign3A_139 = arith.extui %sign3A_138 : i1 to i32
      %sign3A_140 = arith.subi %sign3A_136, %sign3A_139 : i32
      %sign3A_141 = arith.constant 0 : i32
      %sign3A_142 = arith.cmpi sgt, %jit3A_132, %sign3A_141 : i32
      %sign3A_143 = arith.extui %sign3A_142 : i1 to i32
      %sign3A_144 = arith.constant 0 : i32
      %sign3A_145 = arith.cmpi slt, %jit3A_132, %sign3A_144 : i32
      %sign3A_146 = arith.extui %sign3A_145 : i1 to i32
      %sign3A_147 = arith.subi %sign3A_143, %sign3A_146 : i32
      %ne3A_148 = arith.cmpi ne, %sign3A_140, %sign3A_147 : i32
      %rem3A_149 = arith.remsi %mul3A_61, %jit3A_132 : i32
      %ne3A_150 = arith.constant 0 : i32
      %ne3A_151 = arith.cmpi ne, %rem3A_149, %ne3A_150 : i32
      %and3A_152 = arith.andi %ne3A_148, %ne3A_151 : i1
      %sub3A_153 = arith.constant 1 : i32
      %sub3A_154 = arith.subi %div3A_133, %sub3A_153 : i32
      %select_n3A_155 = arith.select %and3A_152, %sub3A_154, %div3A_133 : i32
      %jit3A_156 = arith.constant 2 : i32
      %eq3A_157 = arith.constant 0 : i32
      %eq3A_158 = arith.cmpi eq, %jit3A_156, %eq3A_157 : i32
      %jit3A_159 = arith.constant 1 : i32
      %select_n3A_160 = arith.select %eq3A_158, %jit3A_159, %jit3A_156 : i32
      %rem3A_161 = arith.remsi %mul3A_61, %select_n3A_160 : i32
      %ne3A_162 = arith.constant 0 : i32
      %ne3A_163 = arith.cmpi ne, %rem3A_161, %ne3A_162 : i32
      %lt3A_164 = arith.constant 0 : i32
      %lt3A_165 = arith.cmpi slt, %rem3A_161, %lt3A_164 : i32
      %lt3A_166 = arith.constant 0 : i32
      %lt3A_167 = arith.cmpi slt, %select_n3A_160, %lt3A_166 : i32
      %ne3A_168 = arith.xori %lt3A_165, %lt3A_167 : i1
      %and3A_169 = arith.andi %ne3A_168, %ne3A_163 : i1
      %add3A_170 = arith.addi %rem3A_161, %select_n3A_160 : i32
      %select_n3A_171 = arith.select %and3A_169, %add3A_170, %rem3A_161 : i32
      %mul3A_172 = arith.constant 64 : i32
      %mul3A_173 = arith.muli %select_n3A_171, %mul3A_172 : i32
      %scan3A_174 = arith.constant 0 : i32
      %scan3A_175 = arith.constant 0 : i32
      %scan3A_176 = arith.constant 4 : i32
      %scan3A_177 = arith.addi %scan3A_175, %scan3A_176 : i32
      %scan3A_178 = arith.constant 1 : i32
      scf.for %scan3A_256 = %scan3A_175 to %scan3A_177 step %scan3A_178  : i32 {
        %broadcast_in_dim3A_257 = arith.constant 0.000000e+00 : f32
        %broadcast_in_dim3A_258 = vector.broadcast %broadcast_in_dim3A_257 : f32 to vector<16xf32>
        %mul3A_259 = arith.constant 16 : i32
        %mul3A_260 = arith.muli %scan3A_256, %mul3A_259 : i32
        %add3A_261 = arith.constant 0 : i32
        %add3A_262 = arith.addi %mul3A_260, %add3A_261 : i32
        %get3A = arith.index_cast %add3A_262 : i32 to index
        %get3A_263 = arith.constant 0 : index
        %get3A_264 = tpu.vector_load %arg15[%get3A, %get3A_263] {strides = array<i32>} : memref<64x128xf32, #tpu.memory_space<vmem>>, vector<16xf32>,
        %get3A_265 = arith.index_cast %add3A_262 : i32 to index
        %get3A_266 = arith.constant 0 : index
        %get3A_267 = tpu.vector_load %arg16[%get3A_265, %get3A_266] {strides = array<i32>} : memref<64x128xf32, #tpu.memory_space<vmem>>, vector<16xf32>,
        %add3A_268 = arith.addf %get3A_264, %get3A_267 : vector<16xf32>
        %get3A_269 = arith.index_cast %add3A_262 : i32 to index
        %get3A_270 = arith.constant 0 : index
        %get3A_271 = tpu.vector_load %arg17[%get3A_269, %get3A_270] {strides = array<i32>} : memref<64x128xf32, #tpu.memory_space<vmem>>, vector<16xf32>,
        %sub3A_272 = arith.subf %add3A_268, %get3A_271 : vector<16xf32>
        %abs3A = math.absf %sub3A_272 : vector<16xf32>
        %get3A_273 = arith.index_cast %add3A_262 : i32 to index
        %get3A_274 = arith.constant 16 : index
        %get3A_275 = tpu.vector_load %arg15[%get3A_273, %get3A_274] {strides = array<i32>} : memref<64x128xf32, #tpu.memory_space<vmem>>, vector<16xf32>,
        %get3A_276 = arith.index_cast %add3A_262 : i32 to index
        %get3A_277 = arith.constant 16 : index
        %get3A_278 = tpu.vector_load %arg16[%get3A_276, %get3A_277] {strides = array<i32>} : memref<64x128xf32, #tpu.memory_space<vmem>>, vector<16xf32>,
        %add3A_279 = arith.addf %get3A_275, %get3A_278 : vector<16xf32>
        %get3A_280 = arith.index_cast %add3A_262 : i32 to index
        %get3A_281 = arith.constant 16 : index
        %get3A_282 = tpu.vector_load %arg17[%get3A_280, %get3A_281] {strides = array<i32>} : memref<64x128xf32, #tpu.memory_space<vmem>>, vector<16xf32>,
        %sub3A_283 = arith.subf %add3A_279, %get3A_282 : vector<16xf32>
        %abs3A_284 = math.absf %sub3A_283 : vector<16xf32>
        %add3A_285 = arith.addf %abs3A, %abs3A_284 : vector<16xf32>
        %get3A_286 = arith.index_cast %add3A_262 : i32 to index
        %get3A_287 = arith.constant 32 : index
        %get3A_288 = tpu.vector_load %arg15[%get3A_286, %get3A_287] {strides = array<i32>} : memref<64x128xf32, #tpu.memory_space<vmem>>, vector<16xf32>,
        %get3A_289 = arith.index_cast %add3A_262 : i32 to index
        %get3A_290 = arith.constant 32 : index
        %get3A_291 = tpu.vector_load %arg16[%get3A_289, %get3A_290] {strides = array<i32>} : memref<64x128xf32, #tpu.memory_space<vmem>>, vector<16xf32>,
        %add3A_292 = arith.addf %get3A_288, %get3A_291 : vector<16xf32>
        %get3A_293 = arith.index_cast %add3A_262 : i32 to index
        %get3A_294 = arith.constant 32 : index
        %get3A_295 = tpu.vector_load %arg17[%get3A_293, %get3A_294] {strides = array<i32>} : memref<64x128xf32, #tpu.memory_space<vmem>>, vector<16xf32>,
        %sub3A_296 = arith.subf %add3A_292, %get3A_295 : vector<16xf32>
        %abs3A_297 = math.absf %sub3A_296 : vector<16xf32>
        %add3A_298 = arith.addf %add3A_285, %abs3A_297 : vector<16xf32>
        %get3A_299 = arith.index_cast %add3A_262 : i32 to index
        %get3A_300 = arith.constant 48 : index
        %get3A_301 = tpu.vector_load %arg15[%get3A_299, %get3A_300] {strides = array<i32>} : memref<64x128xf32, #tpu.memory_space<vmem>>, vector<16xf32>,
        %get3A_302 = arith.index_cast %add3A_262 : i32 to index
        %get3A_303 = arith.constant 48 : index
        %get3A_304 = tpu.vector_load %arg16[%get3A_302, %get3A_303] {strides = array<i32>} : memref<64x128xf32, #tpu.memory_space<vmem>>, vector<16xf32>,
        %add3A_305 = arith.addf %get3A_301, %get3A_304 : vector<16xf32>
        %get3A_306 = arith.index_cast %add3A_262 : i32 to index
        %get3A_307 = arith.constant 48 : index
        %get3A_308 = tpu.vector_load %arg17[%get3A_306, %get3A_307] {strides = array<i32>} : memref<64x128xf32, #tpu.memory_space<vmem>>, vector<16xf32>,
        %sub3A_309 = arith.subf %add3A_305, %get3A_308 : vector<16xf32>
        %abs3A_310 = math.absf %sub3A_309 : vector<16xf32>
        %add3A_311 = arith.addf %add3A_298, %abs3A_310 : vector<16xf32>
        %reduce_sum3A = arith.constant true
        %reduce_sum3A_312 = vector.broadcast %reduce_sum3A : i1 to vector<16xi1>
        %reduce_sum3A_313 = tpu.scan <sum>, %add3A_311 masked %reduce_sum3A_312 : vector<16xf32>, vector<16xi1> -> vector<16xf32>
        %reduce_sum3A_314 = vector.extract %reduce_sum3A_313[15] : f32 from vector<16xf32>
        %eq3A_315 = arith.constant 0 : i32
        %eq3A_316 = vector.broadcast %eq3A_315 : i32 to vector<16xi32>
        %eq3A_317 = arith.cmpi eq, %iota3A, %eq3A_316 : vector<16xi32>
        %broadcast_in_dim3A_318 = vector.broadcast %reduce_sum3A_314 : f32 to vector<16xf32>
        %select_n3A_319 = arith.select %eq3A_317, %broadcast_in_dim3A_318, %broadcast_in_dim3A_258 : vector<16xi1>, vector<16xf32>
        %mul3A_320 = arith.constant 16 : i32
        %mul3A_321 = arith.muli %scan3A_256, %mul3A_320 : i32
        %add3A_322 = arith.constant 1 : i32
        %add3A_323 = arith.addi %mul3A_321, %add3A_322 : i32
        %get3A_324 = arith.index_cast %add3A_323 : i32 to index
        %get3A_325 = arith.constant 0 : index
        %get3A_326 = tpu.vector_load %arg15[%get3A_324, %get3A_325] {strides = array<i32>} : memref<64x128xf32, #tpu.memory_space<vmem>>, vector<16xf32>,
        %get3A_327 = arith.index_cast %add3A_323 : i32 to index
        %get3A_328 = arith.constant 0 : index
        %get3A_329 = tpu.vector_load %arg16[%get3A_327, %get3A_328] {strides = array<i32>} : memref<64x128xf32, #tpu.memory_space<vmem>>, vector<16xf32>,
        %add3A_330 = arith.addf %get3A_326, %get3A_329 : vector<16xf32>
        %get3A_331 = arith.index_cast %add3A_323 : i32 to index
        %get3A_332 = arith.constant 0 : index
        %get3A_333 = tpu.vector_load %arg17[%get3A_331, %get3A_332] {strides = array<i32>} : memref<64x128xf32, #tpu.memory_space<vmem>>, vector<16xf32>,
        %sub3A_334 = arith.subf %add3A_330, %get3A_333 : vector<16xf32>
        %abs3A_335 = math.absf %sub3A_334 : vector<16xf32>
        %get3A_336 = arith.index_cast %add3A_323 : i32 to index
        %get3A_337 = arith.constant 16 : index
        %get3A_338 = tpu.vector_load %arg15[%get3A_336, %get3A_337] {strides = array<i32>} : memref<64x128xf32, #tpu.memory_space<vmem>>, vector<16xf32>,
        %get3A_339 = arith.index_cast %add3A_323 : i32 to index
        %get3A_340 = arith.constant 16 : index
        %get3A_341 = tpu.vector_load %arg16[%get3A_339, %get3A_340] {strides = array<i32>} : memref<64x128xf32, #tpu.memory_space<vmem>>, vector<16xf32>,
        %add3A_342 = arith.addf %get3A_338, %get3A_341 : vector<16xf32>
        %get3A_343 = arith.index_cast %add3A_323 : i32 to index
        %get3A_344 = arith.constant 16 : index
        %get3A_345 = tpu.vector_load %arg17[%get3A_343, %get3A_344] {strides = array<i32>} : memref<64x128xf32, #tpu.memory_space<vmem>>, vector<16xf32>,
        %sub3A_346 = arith.subf %add3A_342, %get3A_345 : vector<16xf32>
        %abs3A_347 = math.absf %sub3A_346 : vector<16xf32>
        %add3A_348 = arith.addf %abs3A_335, %abs3A_347 : vector<16xf32>
        %get3A_349 = arith.index_cast %add3A_323 : i32 to index
        %get3A_350 = arith.constant 32 : index
        %get3A_351 = tpu.vector_load %arg15[%get3A_349, %get3A_350] {strides = array<i32>} : memref<64x128xf32, #tpu.memory_space<vmem>>, vector<16xf32>,
        %get3A_352 = arith.index_cast %add3A_323 : i32 to index
        %get3A_353 = arith.constant 32 : index
        %get3A_354 = tpu.vector_load %arg16[%get3A_352, %get3A_353] {strides = array<i32>} : memref<64x128xf32, #tpu.memory_space<vmem>>, vector<16xf32>,
        %add3A_355 = arith.addf %get3A_351, %get3A_354 : vector<16xf32>
        %get3A_356 = arith.index_cast %add3A_323 : i32 to index
        %get3A_357 = arith.constant 32 : index
        %get3A_358 = tpu.vector_load %arg17[%get3A_356, %get3A_357] {strides = array<i32>} : memref<64x128xf32, #tpu.memory_space<vmem>>, vector<16xf32>,
        %sub3A_359 = arith.subf %add3A_355, %get3A_358 : vector<16xf32>
        %abs3A_360 = math.absf %sub3A_359 : vector<16xf32>
        %add3A_361 = arith.addf %add3A_348, %abs3A_360 : vector<16xf32>
        %get3A_362 = arith.index_cast %add3A_323 : i32 to index
        %get3A_363 = arith.constant 48 : index
        %get3A_364 = tpu.vector_load %arg15[%get3A_362, %get3A_363] {strides = array<i32>} : memref<64x128xf32, #tpu.memory_space<vmem>>, vector<16xf32>,
        %get3A_365 = arith.index_cast %add3A_323 : i32 to index
        %get3A_366 = arith.constant 48 : index
        %get3A_367 = tpu.vector_load %arg16[%get3A_365, %get3A_366] {strides = array<i32>} : memref<64x128xf32, #tpu.memory_space<vmem>>, vector<16xf32>,
        %add3A_368 = arith.addf %get3A_364, %get3A_367 : vector<16xf32>
        %get3A_369 = arith.index_cast %add3A_323 : i32 to index
        %get3A_370 = arith.constant 48 : index
        %get3A_371 = tpu.vector_load %arg17[%get3A_369, %get3A_370] {strides = array<i32>} : memref<64x128xf32, #tpu.memory_space<vmem>>, vector<16xf32>,
        %sub3A_372 = arith.subf %add3A_368, %get3A_371 : vector<16xf32>
        %abs3A_373 = math.absf %sub3A_372 : vector<16xf32>
        %add3A_374 = arith.addf %add3A_361, %abs3A_373 : vector<16xf32>
        %reduce_sum3A_375 = arith.constant true
        %reduce_sum3A_376 = vector.broadcast %reduce_sum3A_375 : i1 to vector<16xi1>
        %reduce_sum3A_377 = tpu.scan <sum>, %add3A_374 masked %reduce_sum3A_376 : vector<16xf32>, vector<16xi1> -> vector<16xf32>
        %reduce_sum3A_378 = vector.extract %reduce_sum3A_377[15] : f32 from vector<16xf32>
        %eq3A_379 = arith.constant 1 : i32
        %eq3A_380 = vector.broadcast %eq3A_379 : i32 to vector<16xi32>
        %eq3A_381 = arith.cmpi eq, %iota3A, %eq3A_380 : vector<16xi32>
        %broadcast_in_dim3A_382 = vector.broadcast %reduce_sum3A_378 : f32 to vector<16xf32>
        %select_n3A_383 = arith.select %eq3A_381, %broadcast_in_dim3A_382, %select_n3A_319 : vector<16xi1>, vector<16xf32>
        %mul3A_384 = arith.constant 16 : i32
        %mul3A_385 = arith.muli %scan3A_256, %mul3A_384 : i32
        %add3A_386 = arith.constant 2 : i32
        %add3A_387 = arith.addi %mul3A_385, %add3A_386 : i32
        %get3A_388 = arith.index_cast %add3A_387 : i32 to index
        %get3A_389 = arith.constant 0 : index
        %get3A_390 = tpu.vector_load %arg15[%get3A_388, %get3A_389] {strides = array<i32>} : memref<64x128xf32, #tpu.memory_space<vmem>>, vector<16xf32>,
        %get3A_391 = arith.index_cast %add3A_387 : i32 to index
        %get3A_392 = arith.constant 0 : index
        %get3A_393 = tpu.vector_load %arg16[%get3A_391, %get3A_392] {strides = array<i32>} : memref<64x128xf32, #tpu.memory_space<vmem>>, vector<16xf32>,
        %add3A_394 = arith.addf %get3A_390, %get3A_393 : vector<16xf32>
        %get3A_395 = arith.index_cast %add3A_387 : i32 to index
        %get3A_396 = arith.constant 0 : index
        %get3A_397 = tpu.vector_load %arg17[%get3A_395, %get3A_396] {strides = array<i32>} : memref<64x128xf32, #tpu.memory_space<vmem>>, vector<16xf32>,
        %sub3A_398 = arith.subf %add3A_394, %get3A_397 : vector<16xf32>
        %abs3A_399 = math.absf %sub3A_398 : vector<16xf32>
        %get3A_400 = arith.index_cast %add3A_387 : i32 to index
        %get3A_401 = arith.constant 16 : index
        %get3A_402 = tpu.vector_load %arg15[%get3A_400, %get3A_401] {strides = array<i32>} : memref<64x128xf32, #tpu.memory_space<vmem>>, vector<16xf32>,
        %get3A_403 = arith.index_cast %add3A_387 : i32 to index
        %get3A_404 = arith.constant 16 : index
        %get3A_405 = tpu.vector_load %arg16[%get3A_403, %get3A_404] {strides = array<i32>} : memref<64x128xf32, #tpu.memory_space<vmem>>, vector<16xf32>,
        %add3A_406 = arith.addf %get3A_402, %get3A_405 : vector<16xf32>
        %get3A_407 = arith.index_cast %add3A_387 : i32 to index
        %get3A_408 = arith.constant 16 : index
        %get3A_409 = tpu.vector_load %arg17[%get3A_407, %get3A_408] {strides = array<i32>} : memref<64x128xf32, #tpu.memory_space<vmem>>, vector<16xf32>,
        %sub3A_410 = arith.subf %add3A_406, %get3A_409 : vector<16xf32>
        %abs3A_411 = math.absf %sub3A_410 : vector<16xf32>
        %add3A_412 = arith.addf %abs3A_399, %abs3A_411 : vector<16xf32>
        %get3A_413 = arith.index_cast %add3A_387 : i32 to index
        %get3A_414 = arith.constant 32 : index
        %get3A_415 = tpu.vector_load %arg15[%get3A_413, %get3A_414] {strides = array<i32>} : memref<64x128xf32, #tpu.memory_space<vmem>>, vector<16xf32>,
        %get3A_416 = arith.index_cast %add3A_387 : i32 to index
        %get3A_417 = arith.constant 32 : index
        %get3A_418 = tpu.vector_load %arg16[%get3A_416, %get3A_417] {strides = array<i32>} : memref<64x128xf32, #tpu.memory_space<vmem>>, vector<16xf32>,
        %add3A_419 = arith.addf %get3A_415, %get3A_418 : vector<16xf32>
        %get3A_420 = arith.index_cast %add3A_387 : i32 to index
        %get3A_421 = arith.constant 32 : index
        %get3A_422 = tpu.vector_load %arg17[%get3A_420, %get3A_421] {strides = array<i32>} : memref<64x128xf32, #tpu.memory_space<vmem>>, vector<16xf32>,
        %sub3A_423 = arith.subf %add3A_419, %get3A_422 : vector<16xf32>
        %abs3A_424 = math.absf %sub3A_423 : vector<16xf32>
        %add3A_425 = arith.addf %add3A_412, %abs3A_424 : vector<16xf32>
        %get3A_426 = arith.index_cast %add3A_387 : i32 to index
        %get3A_427 = arith.constant 48 : index
        %get3A_428 = tpu.vector_load %arg15[%get3A_426, %get3A_427] {strides = array<i32>} : memref<64x128xf32, #tpu.memory_space<vmem>>, vector<16xf32>,
        %get3A_429 = arith.index_cast %add3A_387 : i32 to index
        %get3A_430 = arith.constant 48 : index
        %get3A_431 = tpu.vector_load %arg16[%get3A_429, %get3A_430] {strides = array<i32>} : memref<64x128xf32, #tpu.memory_space<vmem>>, vector<16xf32>,
        %add3A_432 = arith.addf %get3A_428, %get3A_431 : vector<16xf32>
        %get3A_433 = arith.index_cast %add3A_387 : i32 to index
        %get3A_434 = arith.constant 48 : index
        %get3A_435 = tpu.vector_load %arg17[%get3A_433, %get3A_434] {strides = array<i32>} : memref<64x128xf32, #tpu.memory_space<vmem>>, vector<16xf32>,
        %sub3A_436 = arith.subf %add3A_432, %get3A_435 : vector<16xf32>
        %abs3A_437 = math.absf %sub3A_436 : vector<16xf32>
        %add3A_438 = arith.addf %add3A_425, %abs3A_437 : vector<16xf32>
        %reduce_sum3A_439 = arith.constant true
        %reduce_sum3A_440 = vector.broadcast %reduce_sum3A_439 : i1 to vector<16xi1>
        %reduce_sum3A_441 = tpu.scan <sum>, %add3A_438 masked %reduce_sum3A_440 : vector<16xf32>, vector<16xi1> -> vector<16xf32>
        %reduce_sum3A_442 = vector.extract %reduce_sum3A_441[15] : f32 from vector<16xf32>
        %eq3A_443 = arith.constant 2 : i32
        %eq3A_444 = vector.broadcast %eq3A_443 : i32 to vector<16xi32>
        %eq3A_445 = arith.cmpi eq, %iota3A, %eq3A_444 : vector<16xi32>
        %broadcast_in_dim3A_446 = vector.broadcast %reduce_sum3A_442 : f32 to vector<16xf32>
        %select_n3A_447 = arith.select %eq3A_445, %broadcast_in_dim3A_446, %select_n3A_383 : vector<16xi1>, vector<16xf32>
        %mul3A_448 = arith.constant 16 : i32
        %mul3A_449 = arith.muli %scan3A_256, %mul3A_448 : i32
        %add3A_450 = arith.constant 3 : i32
        %add3A_451 = arith.addi %mul3A_449, %add3A_450 : i32
        %get3A_452 = arith.index_cast %add3A_451 : i32 to index
        %get3A_453 = arith.constant 0 : index
        %get3A_454 = tpu.vector_load %arg15[%get3A_452, %get3A_453] {strides = array<i32>} : memref<64x128xf32, #tpu.memory_space<vmem>>, vector<16xf32>,
        %get3A_455 = arith.index_cast %add3A_451 : i32 to index
        %get3A_456 = arith.constant 0 : index
        %get3A_457 = tpu.vector_load %arg16[%get3A_455, %get3A_456] {strides = array<i32>} : memref<64x128xf32, #tpu.memory_space<vmem>>, vector<16xf32>,
        %add3A_458 = arith.addf %get3A_454, %get3A_457 : vector<16xf32>
        %get3A_459 = arith.index_cast %add3A_451 : i32 to index
        %get3A_460 = arith.constant 0 : index
        %get3A_461 = tpu.vector_load %arg17[%get3A_459, %get3A_460] {strides = array<i32>} : memref<64x128xf32, #tpu.memory_space<vmem>>, vector<16xf32>,
        %sub3A_462 = arith.subf %add3A_458, %get3A_461 : vector<16xf32>
        %abs3A_463 = math.absf %sub3A_462 : vector<16xf32>
        %get3A_464 = arith.index_cast %add3A_451 : i32 to index
        %get3A_465 = arith.constant 16 : index
        %get3A_466 = tpu.vector_load %arg15[%get3A_464, %get3A_465] {strides = array<i32>} : memref<64x128xf32, #tpu.memory_space<vmem>>, vector<16xf32>,
        %get3A_467 = arith.index_cast %add3A_451 : i32 to index
        %get3A_468 = arith.constant 16 : index
        %get3A_469 = tpu.vector_load %arg16[%get3A_467, %get3A_468] {strides = array<i32>} : memref<64x128xf32, #tpu.memory_space<vmem>>, vector<16xf32>,
        %add3A_470 = arith.addf %get3A_466, %get3A_469 : vector<16xf32>
        %get3A_471 = arith.index_cast %add3A_451 : i32 to index
        %get3A_472 = arith.constant 16 : index
        %get3A_473 = tpu.vector_load %arg17[%get3A_471, %get3A_472] {strides = array<i32>} : memref<64x128xf32, #tpu.memory_space<vmem>>, vector<16xf32>,
        %sub3A_474 = arith.subf %add3A_470, %get3A_473 : vector<16xf32>
        %abs3A_475 = math.absf %sub3A_474 : vector<16xf32>
        %add3A_476 = arith.addf %abs3A_463, %abs3A_475 : vector<16xf32>
        %get3A_477 = arith.index_cast %add3A_451 : i32 to index
        %get3A_478 = arith.constant 32 : index
        %get3A_479 = tpu.vector_load %arg15[%get3A_477, %get3A_478] {strides = array<i32>} : memref<64x128xf32, #tpu.memory_space<vmem>>, vector<16xf32>,
        %get3A_480 = arith.index_cast %add3A_451 : i32 to index
        %get3A_481 = arith.constant 32 : index
        %get3A_482 = tpu.vector_load %arg16[%get3A_480, %get3A_481] {strides = array<i32>} : memref<64x128xf32, #tpu.memory_space<vmem>>, vector<16xf32>,
        %add3A_483 = arith.addf %get3A_479, %get3A_482 : vector<16xf32>
        %get3A_484 = arith.index_cast %add3A_451 : i32 to index
        %get3A_485 = arith.constant 32 : index
        %get3A_486 = tpu.vector_load %arg17[%get3A_484, %get3A_485] {strides = array<i32>} : memref<64x128xf32, #tpu.memory_space<vmem>>, vector<16xf32>,
        %sub3A_487 = arith.subf %add3A_483, %get3A_486 : vector<16xf32>
        %abs3A_488 = math.absf %sub3A_487 : vector<16xf32>
        %add3A_489 = arith.addf %add3A_476, %abs3A_488 : vector<16xf32>
        %get3A_490 = arith.index_cast %add3A_451 : i32 to index
        %get3A_491 = arith.constant 48 : index
        %get3A_492 = tpu.vector_load %arg15[%get3A_490, %get3A_491] {strides = array<i32>} : memref<64x128xf32, #tpu.memory_space<vmem>>, vector<16xf32>,
        %get3A_493 = arith.index_cast %add3A_451 : i32 to index
        %get3A_494 = arith.constant 48 : index
        %get3A_495 = tpu.vector_load %arg16[%get3A_493, %get3A_494] {strides = array<i32>} : memref<64x128xf32, #tpu.memory_space<vmem>>, vector<16xf32>,
        %add3A_496 = arith.addf %get3A_492, %get3A_495 : vector<16xf32>
        %get3A_497 = arith.index_cast %add3A_451 : i32 to index
        %get3A_498 = arith.constant 48 : index
        %get3A_499 = tpu.vector_load %arg17[%get3A_497, %get3A_498] {strides = array<i32>} : memref<64x128xf32, #tpu.memory_space<vmem>>, vector<16xf32>,
        %sub3A_500 = arith.subf %add3A_496, %get3A_499 : vector<16xf32>
        %abs3A_501 = math.absf %sub3A_500 : vector<16xf32>
        %add3A_502 = arith.addf %add3A_489, %abs3A_501 : vector<16xf32>
        %reduce_sum3A_503 = arith.constant true
        %reduce_sum3A_504 = vector.broadcast %reduce_sum3A_503 : i1 to vector<16xi1>
        %reduce_sum3A_505 = tpu.scan <sum>, %add3A_502 masked %reduce_sum3A_504 : vector<16xf32>, vector<16xi1> -> vector<16xf32>
        %reduce_sum3A_506 = vector.extract %reduce_sum3A_505[15] : f32 from vector<16xf32>
        %eq3A_507 = arith.constant 3 : i32
        %eq3A_508 = vector.broadcast %eq3A_507 : i32 to vector<16xi32>
        %eq3A_509 = arith.cmpi eq, %iota3A, %eq3A_508 : vector<16xi32>
        %broadcast_in_dim3A_510 = vector.broadcast %reduce_sum3A_506 : f32 to vector<16xf32>
        %select_n3A_511 = arith.select %eq3A_509, %broadcast_in_dim3A_510, %select_n3A_447 : vector<16xi1>, vector<16xf32>
        %mul3A_512 = arith.constant 16 : i32
        %mul3A_513 = arith.muli %scan3A_256, %mul3A_512 : i32
        %add3A_514 = arith.constant 4 : i32
        %add3A_515 = arith.addi %mul3A_513, %add3A_514 : i32
        %get3A_516 = arith.index_cast %add3A_515 : i32 to index
        %get3A_517 = arith.constant 0 : index
        %get3A_518 = tpu.vector_load %arg15[%get3A_516, %get3A_517] {strides = array<i32>} : memref<64x128xf32, #tpu.memory_space<vmem>>, vector<16xf32>,
        %get3A_519 = arith.index_cast %add3A_515 : i32 to index
        %get3A_520 = arith.constant 0 : index
        %get3A_521 = tpu.vector_load %arg16[%get3A_519, %get3A_520] {strides = array<i32>} : memref<64x128xf32, #tpu.memory_space<vmem>>, vector<16xf32>,
        %add3A_522 = arith.addf %get3A_518, %get3A_521 : vector<16xf32>
        %get3A_523 = arith.index_cast %add3A_515 : i32 to index
        %get3A_524 = arith.constant 0 : index
        %get3A_525 = tpu.vector_load %arg17[%get3A_523, %get3A_524] {strides = array<i32>} : memref<64x128xf32, #tpu.memory_space<vmem>>, vector<16xf32>,
        %sub3A_526 = arith.subf %add3A_522, %get3A_525 : vector<16xf32>
        %abs3A_527 = math.absf %sub3A_526 : vector<16xf32>
        %get3A_528 = arith.index_cast %add3A_515 : i32 to index
        %get3A_529 = arith.constant 16 : index
        %get3A_530 = tpu.vector_load %arg15[%get3A_528, %get3A_529] {strides = array<i32>} : memref<64x128xf32, #tpu.memory_space<vmem>>, vector<16xf32>,
        %get3A_531 = arith.index_cast %add3A_515 : i32 to index
        %get3A_532 = arith.constant 16 : index
        %get3A_533 = tpu.vector_load %arg16[%get3A_531, %get3A_532] {strides = array<i32>} : memref<64x128xf32, #tpu.memory_space<vmem>>, vector<16xf32>,
        %add3A_534 = arith.addf %get3A_530, %get3A_533 : vector<16xf32>
        %get3A_535 = arith.index_cast %add3A_515 : i32 to index
        %get3A_536 = arith.constant 16 : index
        %get3A_537 = tpu.vector_load %arg17[%get3A_535, %get3A_536] {strides = array<i32>} : memref<64x128xf32, #tpu.memory_space<vmem>>, vector<16xf32>,
        %sub3A_538 = arith.subf %add3A_534, %get3A_537 : vector<16xf32>
        %abs3A_539 = math.absf %sub3A_538 : vector<16xf32>
        %add3A_540 = arith.addf %abs3A_527, %abs3A_539 : vector<16xf32>
        %get3A_541 = arith.index_cast %add3A_515 : i32 to index
        %get3A_542 = arith.constant 32 : index
        %get3A_543 = tpu.vector_load %arg15[%get3A_541, %get3A_542] {strides = array<i32>} : memref<64x128xf32, #tpu.memory_space<vmem>>, vector<16xf32>,
        %get3A_544 = arith.index_cast %add3A_515 : i32 to index
        %get3A_545 = arith.constant 32 : index
        %get3A_546 = tpu.vector_load %arg16[%get3A_544, %get3A_545] {strides = array<i32>} : memref<64x128xf32, #tpu.memory_space<vmem>>, vector<16xf32>,
        %add3A_547 = arith.addf %get3A_543, %get3A_546 : vector<16xf32>
        %get3A_548 = arith.index_cast %add3A_515 : i32 to index
        %get3A_549 = arith.constant 32 : index
        %get3A_550 = tpu.vector_load %arg17[%get3A_548, %get3A_549] {strides = array<i32>} : memref<64x128xf32, #tpu.memory_space<vmem>>, vector<16xf32>,
        %sub3A_551 = arith.subf %add3A_547, %get3A_550 : vector<16xf32>
        %abs3A_552 = math.absf %sub3A_551 : vector<16xf32>
        %add3A_553 = arith.addf %add3A_540, %abs3A_552 : vector<16xf32>
        %get3A_554 = arith.index_cast %add3A_515 : i32 to index
        %get3A_555 = arith.constant 48 : index
        %get3A_556 = tpu.vector_load %arg15[%get3A_554, %get3A_555] {strides = array<i32>} : memref<64x128xf32, #tpu.memory_space<vmem>>, vector<16xf32>,
        %get3A_557 = arith.index_cast %add3A_515 : i32 to index
        %get3A_558 = arith.constant 48 : index
        %get3A_559 = tpu.vector_load %arg16[%get3A_557, %get3A_558] {strides = array<i32>} : memref<64x128xf32, #tpu.memory_space<vmem>>, vector<16xf32>,
        %add3A_560 = arith.addf %get3A_556, %get3A_559 : vector<16xf32>
        %get3A_561 = arith.index_cast %add3A_515 : i32 to index
        %get3A_562 = arith.constant 48 : index
        %get3A_563 = tpu.vector_load %arg17[%get3A_561, %get3A_562] {strides = array<i32>} : memref<64x128xf32, #tpu.memory_space<vmem>>, vector<16xf32>,
        %sub3A_564 = arith.subf %add3A_560, %get3A_563 : vector<16xf32>
        %abs3A_565 = math.absf %sub3A_564 : vector<16xf32>
        %add3A_566 = arith.addf %add3A_553, %abs3A_565 : vector<16xf32>
        %reduce_sum3A_567 = arith.constant true
        %reduce_sum3A_568 = vector.broadcast %reduce_sum3A_567 : i1 to vector<16xi1>
        %reduce_sum3A_569 = tpu.scan <sum>, %add3A_566 masked %reduce_sum3A_568 : vector<16xf32>, vector<16xi1> -> vector<16xf32>
        %reduce_sum3A_570 = vector.extract %reduce_sum3A_569[15] : f32 from vector<16xf32>
        %eq3A_571 = arith.constant 4 : i32
        %eq3A_572 = vector.broadcast %eq3A_571 : i32 to vector<16xi32>
        %eq3A_573 = arith.cmpi eq, %iota3A, %eq3A_572 : vector<16xi32>
        %broadcast_in_dim3A_574 = vector.broadcast %reduce_sum3A_570 : f32 to vector<16xf32>
        %select_n3A_575 = arith.select %eq3A_573, %broadcast_in_dim3A_574, %select_n3A_511 : vector<16xi1>, vector<16xf32>
        %mul3A_576 = arith.constant 16 : i32
        %mul3A_577 = arith.muli %scan3A_256, %mul3A_576 : i32
        %add3A_578 = arith.constant 5 : i32
        %add3A_579 = arith.addi %mul3A_577, %add3A_578 : i32
        %get3A_580 = arith.index_cast %add3A_579 : i32 to index
        %get3A_581 = arith.constant 0 : index
        %get3A_582 = tpu.vector_load %arg15[%get3A_580, %get3A_581] {strides = array<i32>} : memref<64x128xf32, #tpu.memory_space<vmem>>, vector<16xf32>,
        %get3A_583 = arith.index_cast %add3A_579 : i32 to index
        %get3A_584 = arith.constant 0 : index
        %get3A_585 = tpu.vector_load %arg16[%get3A_583, %get3A_584] {strides = array<i32>} : memref<64x128xf32, #tpu.memory_space<vmem>>, vector<16xf32>,
        %add3A_586 = arith.addf %get3A_582, %get3A_585 : vector<16xf32>
        %get3A_587 = arith.index_cast %add3A_579 : i32 to index
        %get3A_588 = arith.constant 0 : index
        %get3A_589 = tpu.vector_load %arg17[%get3A_587, %get3A_588] {strides = array<i32>} : memref<64x128xf32, #tpu.memory_space<vmem>>, vector<16xf32>,
        %sub3A_590 = arith.subf %add3A_586, %get3A_589 : vector<16xf32>
        %abs3A_591 = math.absf %sub3A_590 : vector<16xf32>
        %get3A_592 = arith.index_cast %add3A_579 : i32 to index
        %get3A_593 = arith.constant 16 : index
        %get3A_594 = tpu.vector_load %arg15[%get3A_592, %get3A_593] {strides = array<i32>} : memref<64x128xf32, #tpu.memory_space<vmem>>, vector<16xf32>,
        %get3A_595 = arith.index_cast %add3A_579 : i32 to index
        %get3A_596 = arith.constant 16 : index
        %get3A_597 = tpu.vector_load %arg16[%get3A_595, %get3A_596] {strides = array<i32>} : memref<64x128xf32, #tpu.memory_space<vmem>>, vector<16xf32>,
        %add3A_598 = arith.addf %get3A_594, %get3A_597 : vector<16xf32>
        %get3A_599 = arith.index_cast %add3A_579 : i32 to index
        %get3A_600 = arith.constant 16 : index
        %get3A_601 = tpu.vector_load %arg17[%get3A_599, %get3A_600] {strides = array<i32>} : memref<64x128xf32, #tpu.memory_space<vmem>>, vector<16xf32>,
        %sub3A_602 = arith.subf %add3A_598, %get3A_601 : vector<16xf32>
        %abs3A_603 = math.absf %sub3A_602 : vector<16xf32>
        %add3A_604 = arith.addf %abs3A_591, %abs3A_603 : vector<16xf32>
        %get3A_605 = arith.index_cast %add3A_579 : i32 to index
        %get3A_606 = arith.constant 32 : index
        %get3A_607 = tpu.vector_load %arg15[%get3A_605, %get3A_606] {strides = array<i32>} : memref<64x128xf32, #tpu.memory_space<vmem>>, vector<16xf32>,
        %get3A_608 = arith.index_cast %add3A_579 : i32 to index
        %get3A_609 = arith.constant 32 : index
        %get3A_610 = tpu.vector_load %arg16[%get3A_608, %get3A_609] {strides = array<i32>} : memref<64x128xf32, #tpu.memory_space<vmem>>, vector<16xf32>,
        %add3A_611 = arith.addf %get3A_607, %get3A_610 : vector<16xf32>
        %get3A_612 = arith.index_cast %add3A_579 : i32 to index
        %get3A_613 = arith.constant 32 : index
        %get3A_614 = tpu.vector_load %arg17[%get3A_612, %get3A_613] {strides = array<i32>} : memref<64x128xf32, #tpu.memory_space<vmem>>, vector<16xf32>,
        %sub3A_615 = arith.subf %add3A_611, %get3A_614 : vector<16xf32>
        %abs3A_616 = math.absf %sub3A_615 : vector<16xf32>
        %add3A_617 = arith.addf %add3A_604, %abs3A_616 : vector<16xf32>
        %get3A_618 = arith.index_cast %add3A_579 : i32 to index
        %get3A_619 = arith.constant 48 : index
        %get3A_620 = tpu.vector_load %arg15[%get3A_618, %get3A_619] {strides = array<i32>} : memref<64x128xf32, #tpu.memory_space<vmem>>, vector<16xf32>,
        %get3A_621 = arith.index_cast %add3A_579 : i32 to index
        %get3A_622 = arith.constant 48 : index
        %get3A_623 = tpu.vector_load %arg16[%get3A_621, %get3A_622] {strides = array<i32>} : memref<64x128xf32, #tpu.memory_space<vmem>>, vector<16xf32>,
        %add3A_624 = arith.addf %get3A_620, %get3A_623 : vector<16xf32>
        %get3A_625 = arith.index_cast %add3A_579 : i32 to index
        %get3A_626 = arith.constant 48 : index
        %get3A_627 = tpu.vector_load %arg17[%get3A_625, %get3A_626] {strides = array<i32>} : memref<64x128xf32, #tpu.memory_space<vmem>>, vector<16xf32>,
        %sub3A_628 = arith.subf %add3A_624, %get3A_627 : vector<16xf32>
        %abs3A_629 = math.absf %sub3A_628 : vector<16xf32>
        %add3A_630 = arith.addf %add3A_617, %abs3A_629 : vector<16xf32>
        %reduce_sum3A_631 = arith.constant true
        %reduce_sum3A_632 = vector.broadcast %reduce_sum3A_631 : i1 to vector<16xi1>
        %reduce_sum3A_633 = tpu.scan <sum>, %add3A_630 masked %reduce_sum3A_632 : vector<16xf32>, vector<16xi1> -> vector<16xf32>
        %reduce_sum3A_634 = vector.extract %reduce_sum3A_633[15] : f32 from vector<16xf32>
        %eq3A_635 = arith.constant 5 : i32
        %eq3A_636 = vector.broadcast %eq3A_635 : i32 to vector<16xi32>
        %eq3A_637 = arith.cmpi eq, %iota3A, %eq3A_636 : vector<16xi32>
        %broadcast_in_dim3A_638 = vector.broadcast %reduce_sum3A_634 : f32 to vector<16xf32>
        %select_n3A_639 = arith.select %eq3A_637, %broadcast_in_dim3A_638, %select_n3A_575 : vector<16xi1>, vector<16xf32>
        %mul3A_640 = arith.constant 16 : i32
        %mul3A_641 = arith.muli %scan3A_256, %mul3A_640 : i32
        %add3A_642 = arith.constant 6 : i32
        %add3A_643 = arith.addi %mul3A_641, %add3A_642 : i32
        %get3A_644 = arith.index_cast %add3A_643 : i32 to index
        %get3A_645 = arith.constant 0 : index
        %get3A_646 = tpu.vector_load %arg15[%get3A_644, %get3A_645] {strides = array<i32>} : memref<64x128xf32, #tpu.memory_space<vmem>>, vector<16xf32>,
        %get3A_647 = arith.index_cast %add3A_643 : i32 to index
        %get3A_648 = arith.constant 0 : index
        %get3A_649 = tpu.vector_load %arg16[%get3A_647, %get3A_648] {strides = array<i32>} : memref<64x128xf32, #tpu.memory_space<vmem>>, vector<16xf32>,
        %add3A_650 = arith.addf %get3A_646, %get3A_649 : vector<16xf32>
        %get3A_651 = arith.index_cast %add3A_643 : i32 to index
        %get3A_652 = arith.constant 0 : index
        %get3A_653 = tpu.vector_load %arg17[%get3A_651, %get3A_652] {strides = array<i32>} : memref<64x128xf32, #tpu.memory_space<vmem>>, vector<16xf32>,
        %sub3A_654 = arith.subf %add3A_650, %get3A_653 : vector<16xf32>
        %abs3A_655 = math.absf %sub3A_654 : vector<16xf32>
        %get3A_656 = arith.index_cast %add3A_643 : i32 to index
        %get3A_657 = arith.constant 16 : index
        %get3A_658 = tpu.vector_load %arg15[%get3A_656, %get3A_657] {strides = array<i32>} : memref<64x128xf32, #tpu.memory_space<vmem>>, vector<16xf32>,
        %get3A_659 = arith.index_cast %add3A_643 : i32 to index
        %get3A_660 = arith.constant 16 : index
        %get3A_661 = tpu.vector_load %arg16[%get3A_659, %get3A_660] {strides = array<i32>} : memref<64x128xf32, #tpu.memory_space<vmem>>, vector<16xf32>,
        %add3A_662 = arith.addf %get3A_658, %get3A_661 : vector<16xf32>
        %get3A_663 = arith.index_cast %add3A_643 : i32 to index
        %get3A_664 = arith.constant 16 : index
        %get3A_665 = tpu.vector_load %arg17[%get3A_663, %get3A_664] {strides = array<i32>} : memref<64x128xf32, #tpu.memory_space<vmem>>, vector<16xf32>,
        %sub3A_666 = arith.subf %add3A_662, %get3A_665 : vector<16xf32>
        %abs3A_667 = math.absf %sub3A_666 : vector<16xf32>
        %add3A_668 = arith.addf %abs3A_655, %abs3A_667 : vector<16xf32>
        %get3A_669 = arith.index_cast %add3A_643 : i32 to index
        %get3A_670 = arith.constant 32 : index
        %get3A_671 = tpu.vector_load %arg15[%get3A_669, %get3A_670] {strides = array<i32>} : memref<64x128xf32, #tpu.memory_space<vmem>>, vector<16xf32>,
        %get3A_672 = arith.index_cast %add3A_643 : i32 to index
        %get3A_673 = arith.constant 32 : index
        %get3A_674 = tpu.vector_load %arg16[%get3A_672, %get3A_673] {strides = array<i32>} : memref<64x128xf32, #tpu.memory_space<vmem>>, vector<16xf32>,
        %add3A_675 = arith.addf %get3A_671, %get3A_674 : vector<16xf32>
        %get3A_676 = arith.index_cast %add3A_643 : i32 to index
        %get3A_677 = arith.constant 32 : index
        %get3A_678 = tpu.vector_load %arg17[%get3A_676, %get3A_677] {strides = array<i32>} : memref<64x128xf32, #tpu.memory_space<vmem>>, vector<16xf32>,
        %sub3A_679 = arith.subf %add3A_675, %get3A_678 : vector<16xf32>
        %abs3A_680 = math.absf %sub3A_679 : vector<16xf32>
        %add3A_681 = arith.addf %add3A_668, %abs3A_680 : vector<16xf32>
        %get3A_682 = arith.index_cast %add3A_643 : i32 to index
        %get3A_683 = arith.constant 48 : index
        %get3A_684 = tpu.vector_load %arg15[%get3A_682, %get3A_683] {strides = array<i32>} : memref<64x128xf32, #tpu.memory_space<vmem>>, vector<16xf32>,
        %get3A_685 = arith.index_cast %add3A_643 : i32 to index
        %get3A_686 = arith.constant 48 : index
        %get3A_687 = tpu.vector_load %arg16[%get3A_685, %get3A_686] {strides = array<i32>} : memref<64x128xf32, #tpu.memory_space<vmem>>, vector<16xf32>,
        %add3A_688 = arith.addf %get3A_684, %get3A_687 : vector<16xf32>
        %get3A_689 = arith.index_cast %add3A_643 : i32 to index
        %get3A_690 = arith.constant 48 : index
        %get3A_691 = tpu.vector_load %arg17[%get3A_689, %get3A_690] {strides = array<i32>} : memref<64x128xf32, #tpu.memory_space<vmem>>, vector<16xf32>,
        %sub3A_692 = arith.subf %add3A_688, %get3A_691 : vector<16xf32>
        %abs3A_693 = math.absf %sub3A_692 : vector<16xf32>
        %add3A_694 = arith.addf %add3A_681, %abs3A_693 : vector<16xf32>
        %reduce_sum3A_695 = arith.constant true
        %reduce_sum3A_696 = vector.broadcast %reduce_sum3A_695 : i1 to vector<16xi1>
        %reduce_sum3A_697 = tpu.scan <sum>, %add3A_694 masked %reduce_sum3A_696 : vector<16xf32>, vector<16xi1> -> vector<16xf32>
        %reduce_sum3A_698 = vector.extract %reduce_sum3A_697[15] : f32 from vector<16xf32>
        %eq3A_699 = arith.constant 6 : i32
        %eq3A_700 = vector.broadcast %eq3A_699 : i32 to vector<16xi32>
        %eq3A_701 = arith.cmpi eq, %iota3A, %eq3A_700 : vector<16xi32>
        %broadcast_in_dim3A_702 = vector.broadcast %reduce_sum3A_698 : f32 to vector<16xf32>
        %select_n3A_703 = arith.select %eq3A_701, %broadcast_in_dim3A_702, %select_n3A_639 : vector<16xi1>, vector<16xf32>
        %mul3A_704 = arith.constant 16 : i32
        %mul3A_705 = arith.muli %scan3A_256, %mul3A_704 : i32
        %add3A_706 = arith.constant 7 : i32
        %add3A_707 = arith.addi %mul3A_705, %add3A_706 : i32
        %get3A_708 = arith.index_cast %add3A_707 : i32 to index
        %get3A_709 = arith.constant 0 : index
        %get3A_710 = tpu.vector_load %arg15[%get3A_708, %get3A_709] {strides = array<i32>} : memref<64x128xf32, #tpu.memory_space<vmem>>, vector<16xf32>,
        %get3A_711 = arith.index_cast %add3A_707 : i32 to index
        %get3A_712 = arith.constant 0 : index
        %get3A_713 = tpu.vector_load %arg16[%get3A_711, %get3A_712] {strides = array<i32>} : memref<64x128xf32, #tpu.memory_space<vmem>>, vector<16xf32>,
        %add3A_714 = arith.addf %get3A_710, %get3A_713 : vector<16xf32>
        %get3A_715 = arith.index_cast %add3A_707 : i32 to index
        %get3A_716 = arith.constant 0 : index
        %get3A_717 = tpu.vector_load %arg17[%get3A_715, %get3A_716] {strides = array<i32>} : memref<64x128xf32, #tpu.memory_space<vmem>>, vector<16xf32>,
        %sub3A_718 = arith.subf %add3A_714, %get3A_717 : vector<16xf32>
        %abs3A_719 = math.absf %sub3A_718 : vector<16xf32>
        %get3A_720 = arith.index_cast %add3A_707 : i32 to index
        %get3A_721 = arith.constant 16 : index
        %get3A_722 = tpu.vector_load %arg15[%get3A_720, %get3A_721] {strides = array<i32>} : memref<64x128xf32, #tpu.memory_space<vmem>>, vector<16xf32>,
        %get3A_723 = arith.index_cast %add3A_707 : i32 to index
        %get3A_724 = arith.constant 16 : index
        %get3A_725 = tpu.vector_load %arg16[%get3A_723, %get3A_724] {strides = array<i32>} : memref<64x128xf32, #tpu.memory_space<vmem>>, vector<16xf32>,
        %add3A_726 = arith.addf %get3A_722, %get3A_725 : vector<16xf32>
        %get3A_727 = arith.index_cast %add3A_707 : i32 to index
        %get3A_728 = arith.constant 16 : index
        %get3A_729 = tpu.vector_load %arg17[%get3A_727, %get3A_728] {strides = array<i32>} : memref<64x128xf32, #tpu.memory_space<vmem>>, vector<16xf32>,
        %sub3A_730 = arith.subf %add3A_726, %get3A_729 : vector<16xf32>
        %abs3A_731 = math.absf %sub3A_730 : vector<16xf32>
        %add3A_732 = arith.addf %abs3A_719, %abs3A_731 : vector<16xf32>
        %get3A_733 = arith.index_cast %add3A_707 : i32 to index
        %get3A_734 = arith.constant 32 : index
        %get3A_735 = tpu.vector_load %arg15[%get3A_733, %get3A_734] {strides = array<i32>} : memref<64x128xf32, #tpu.memory_space<vmem>>, vector<16xf32>,
        %get3A_736 = arith.index_cast %add3A_707 : i32 to index
        %get3A_737 = arith.constant 32 : index
        %get3A_738 = tpu.vector_load %arg16[%get3A_736, %get3A_737] {strides = array<i32>} : memref<64x128xf32, #tpu.memory_space<vmem>>, vector<16xf32>,
        %add3A_739 = arith.addf %get3A_735, %get3A_738 : vector<16xf32>
        %get3A_740 = arith.index_cast %add3A_707 : i32 to index
        %get3A_741 = arith.constant 32 : index
        %get3A_742 = tpu.vector_load %arg17[%get3A_740, %get3A_741] {strides = array<i32>} : memref<64x128xf32, #tpu.memory_space<vmem>>, vector<16xf32>,
        %sub3A_743 = arith.subf %add3A_739, %get3A_742 : vector<16xf32>
        %abs3A_744 = math.absf %sub3A_743 : vector<16xf32>
        %add3A_745 = arith.addf %add3A_732, %abs3A_744 : vector<16xf32>
        %get3A_746 = arith.index_cast %add3A_707 : i32 to index
        %get3A_747 = arith.constant 48 : index
        %get3A_748 = tpu.vector_load %arg15[%get3A_746, %get3A_747] {strides = array<i32>} : memref<64x128xf32, #tpu.memory_space<vmem>>, vector<16xf32>,
        %get3A_749 = arith.index_cast %add3A_707 : i32 to index
        %get3A_750 = arith.constant 48 : index
        %get3A_751 = tpu.vector_load %arg16[%get3A_749, %get3A_750] {strides = array<i32>} : memref<64x128xf32, #tpu.memory_space<vmem>>, vector<16xf32>,
        %add3A_752 = arith.addf %get3A_748, %get3A_751 : vector<16xf32>
        %get3A_753 = arith.index_cast %add3A_707 : i32 to index
        %get3A_754 = arith.constant 48 : index
        %get3A_755 = tpu.vector_load %arg17[%get3A_753, %get3A_754] {strides = array<i32>} : memref<64x128xf32, #tpu.memory_space<vmem>>, vector<16xf32>,
        %sub3A_756 = arith.subf %add3A_752, %get3A_755 : vector<16xf32>
        %abs3A_757 = math.absf %sub3A_756 : vector<16xf32>
        %add3A_758 = arith.addf %add3A_745, %abs3A_757 : vector<16xf32>
        %reduce_sum3A_759 = arith.constant true
        %reduce_sum3A_760 = vector.broadcast %reduce_sum3A_759 : i1 to vector<16xi1>
        %reduce_sum3A_761 = tpu.scan <sum>, %add3A_758 masked %reduce_sum3A_760 : vector<16xf32>, vector<16xi1> -> vector<16xf32>
        %reduce_sum3A_762 = vector.extract %reduce_sum3A_761[15] : f32 from vector<16xf32>
        %eq3A_763 = arith.constant 7 : i32
        %eq3A_764 = vector.broadcast %eq3A_763 : i32 to vector<16xi32>
        %eq3A_765 = arith.cmpi eq, %iota3A, %eq3A_764 : vector<16xi32>
        %broadcast_in_dim3A_766 = vector.broadcast %reduce_sum3A_762 : f32 to vector<16xf32>
        %select_n3A_767 = arith.select %eq3A_765, %broadcast_in_dim3A_766, %select_n3A_703 : vector<16xi1>, vector<16xf32>
        %mul3A_768 = arith.constant 16 : i32
        %mul3A_769 = arith.muli %scan3A_256, %mul3A_768 : i32
        %add3A_770 = arith.constant 8 : i32
        %add3A_771 = arith.addi %mul3A_769, %add3A_770 : i32
        %get3A_772 = arith.index_cast %add3A_771 : i32 to index
        %get3A_773 = arith.constant 0 : index
        %get3A_774 = tpu.vector_load %arg15[%get3A_772, %get3A_773] {strides = array<i32>} : memref<64x128xf32, #tpu.memory_space<vmem>>, vector<16xf32>,
        %get3A_775 = arith.index_cast %add3A_771 : i32 to index
        %get3A_776 = arith.constant 0 : index
        %get3A_777 = tpu.vector_load %arg16[%get3A_775, %get3A_776] {strides = array<i32>} : memref<64x128xf32, #tpu.memory_space<vmem>>, vector<16xf32>,
        %add3A_778 = arith.addf %get3A_774, %get3A_777 : vector<16xf32>
        %get3A_779 = arith.index_cast %add3A_771 : i32 to index
        %get3A_780 = arith.constant 0 : index
        %get3A_781 = tpu.vector_load %arg17[%get3A_779, %get3A_780] {strides = array<i32>} : memref<64x128xf32, #tpu.memory_space<vmem>>, vector<16xf32>,
        %sub3A_782 = arith.subf %add3A_778, %get3A_781 : vector<16xf32>
        %abs3A_783 = math.absf %sub3A_782 : vector<16xf32>
        %get3A_784 = arith.index_cast %add3A_771 : i32 to index
        %get3A_785 = arith.constant 16 : index
        %get3A_786 = tpu.vector_load %arg15[%get3A_784, %get3A_785] {strides = array<i32>} : memref<64x128xf32, #tpu.memory_space<vmem>>, vector<16xf32>,
        %get3A_787 = arith.index_cast %add3A_771 : i32 to index
        %get3A_788 = arith.constant 16 : index
        %get3A_789 = tpu.vector_load %arg16[%get3A_787, %get3A_788] {strides = array<i32>} : memref<64x128xf32, #tpu.memory_space<vmem>>, vector<16xf32>,
        %add3A_790 = arith.addf %get3A_786, %get3A_789 : vector<16xf32>
        %get3A_791 = arith.index_cast %add3A_771 : i32 to index
        %get3A_792 = arith.constant 16 : index
        %get3A_793 = tpu.vector_load %arg17[%get3A_791, %get3A_792] {strides = array<i32>} : memref<64x128xf32, #tpu.memory_space<vmem>>, vector<16xf32>,
        %sub3A_794 = arith.subf %add3A_790, %get3A_793 : vector<16xf32>
        %abs3A_795 = math.absf %sub3A_794 : vector<16xf32>
        %add3A_796 = arith.addf %abs3A_783, %abs3A_795 : vector<16xf32>
        %get3A_797 = arith.index_cast %add3A_771 : i32 to index
        %get3A_798 = arith.constant 32 : index
        %get3A_799 = tpu.vector_load %arg15[%get3A_797, %get3A_798] {strides = array<i32>} : memref<64x128xf32, #tpu.memory_space<vmem>>, vector<16xf32>,
        %get3A_800 = arith.index_cast %add3A_771 : i32 to index
        %get3A_801 = arith.constant 32 : index
        %get3A_802 = tpu.vector_load %arg16[%get3A_800, %get3A_801] {strides = array<i32>} : memref<64x128xf32, #tpu.memory_space<vmem>>, vector<16xf32>,
        %add3A_803 = arith.addf %get3A_799, %get3A_802 : vector<16xf32>
        %get3A_804 = arith.index_cast %add3A_771 : i32 to index
        %get3A_805 = arith.constant 32 : index
        %get3A_806 = tpu.vector_load %arg17[%get3A_804, %get3A_805] {strides = array<i32>} : memref<64x128xf32, #tpu.memory_space<vmem>>, vector<16xf32>,
        %sub3A_807 = arith.subf %add3A_803, %get3A_806 : vector<16xf32>
        %abs3A_808 = math.absf %sub3A_807 : vector<16xf32>
        %add3A_809 = arith.addf %add3A_796, %abs3A_808 : vector<16xf32>
        %get3A_810 = arith.index_cast %add3A_771 : i32 to index
        %get3A_811 = arith.constant 48 : index
        %get3A_812 = tpu.vector_load %arg15[%get3A_810, %get3A_811] {strides = array<i32>} : memref<64x128xf32, #tpu.memory_space<vmem>>, vector<16xf32>,
        %get3A_813 = arith.index_cast %add3A_771 : i32 to index
        %get3A_814 = arith.constant 48 : index
        %get3A_815 = tpu.vector_load %arg16[%get3A_813, %get3A_814] {strides = array<i32>} : memref<64x128xf32, #tpu.memory_space<vmem>>, vector<16xf32>,
        %add3A_816 = arith.addf %get3A_812, %get3A_815 : vector<16xf32>
        %get3A_817 = arith.index_cast %add3A_771 : i32 to index
        %get3A_818 = arith.constant 48 : index
        %get3A_819 = tpu.vector_load %arg17[%get3A_817, %get3A_818] {strides = array<i32>} : memref<64x128xf32, #tpu.memory_space<vmem>>, vector<16xf32>,
        %sub3A_820 = arith.subf %add3A_816, %get3A_819 : vector<16xf32>
        %abs3A_821 = math.absf %sub3A_820 : vector<16xf32>
        %add3A_822 = arith.addf %add3A_809, %abs3A_821 : vector<16xf32>
        %reduce_sum3A_823 = arith.constant true
        %reduce_sum3A_824 = vector.broadcast %reduce_sum3A_823 : i1 to vector<16xi1>
        %reduce_sum3A_825 = tpu.scan <sum>, %add3A_822 masked %reduce_sum3A_824 : vector<16xf32>, vector<16xi1> -> vector<16xf32>
        %reduce_sum3A_826 = vector.extract %reduce_sum3A_825[15] : f32 from vector<16xf32>
        %eq3A_827 = arith.constant 8 : i32
        %eq3A_828 = vector.broadcast %eq3A_827 : i32 to vector<16xi32>
        %eq3A_829 = arith.cmpi eq, %iota3A, %eq3A_828 : vector<16xi32>
        %broadcast_in_dim3A_830 = vector.broadcast %reduce_sum3A_826 : f32 to vector<16xf32>
        %select_n3A_831 = arith.select %eq3A_829, %broadcast_in_dim3A_830, %select_n3A_767 : vector<16xi1>, vector<16xf32>
        %mul3A_832 = arith.constant 16 : i32
        %mul3A_833 = arith.muli %scan3A_256, %mul3A_832 : i32
        %add3A_834 = arith.constant 9 : i32
        %add3A_835 = arith.addi %mul3A_833, %add3A_834 : i32
        %get3A_836 = arith.index_cast %add3A_835 : i32 to index
        %get3A_837 = arith.constant 0 : index
        %get3A_838 = tpu.vector_load %arg15[%get3A_836, %get3A_837] {strides = array<i32>} : memref<64x128xf32, #tpu.memory_space<vmem>>, vector<16xf32>,
        %get3A_839 = arith.index_cast %add3A_835 : i32 to index
        %get3A_840 = arith.constant 0 : index
        %get3A_841 = tpu.vector_load %arg16[%get3A_839, %get3A_840] {strides = array<i32>} : memref<64x128xf32, #tpu.memory_space<vmem>>, vector<16xf32>,
        %add3A_842 = arith.addf %get3A_838, %get3A_841 : vector<16xf32>
        %get3A_843 = arith.index_cast %add3A_835 : i32 to index
        %get3A_844 = arith.constant 0 : index
        %get3A_845 = tpu.vector_load %arg17[%get3A_843, %get3A_844] {strides = array<i32>} : memref<64x128xf32, #tpu.memory_space<vmem>>, vector<16xf32>,
        %sub3A_846 = arith.subf %add3A_842, %get3A_845 : vector<16xf32>
        %abs3A_847 = math.absf %sub3A_846 : vector<16xf32>
        %get3A_848 = arith.index_cast %add3A_835 : i32 to index
        %get3A_849 = arith.constant 16 : index
        %get3A_850 = tpu.vector_load %arg15[%get3A_848, %get3A_849] {strides = array<i32>} : memref<64x128xf32, #tpu.memory_space<vmem>>, vector<16xf32>,
        %get3A_851 = arith.index_cast %add3A_835 : i32 to index
        %get3A_852 = arith.constant 16 : index
        %get3A_853 = tpu.vector_load %arg16[%get3A_851, %get3A_852] {strides = array<i32>} : memref<64x128xf32, #tpu.memory_space<vmem>>, vector<16xf32>,
        %add3A_854 = arith.addf %get3A_850, %get3A_853 : vector<16xf32>
        %get3A_855 = arith.index_cast %add3A_835 : i32 to index
        %get3A_856 = arith.constant 16 : index
        %get3A_857 = tpu.vector_load %arg17[%get3A_855, %get3A_856] {strides = array<i32>} : memref<64x128xf32, #tpu.memory_space<vmem>>, vector<16xf32>,
        %sub3A_858 = arith.subf %add3A_854, %get3A_857 : vector<16xf32>
        %abs3A_859 = math.absf %sub3A_858 : vector<16xf32>
        %add3A_860 = arith.addf %abs3A_847, %abs3A_859 : vector<16xf32>
        %get3A_861 = arith.index_cast %add3A_835 : i32 to index
        %get3A_862 = arith.constant 32 : index
        %get3A_863 = tpu.vector_load %arg15[%get3A_861, %get3A_862] {strides = array<i32>} : memref<64x128xf32, #tpu.memory_space<vmem>>, vector<16xf32>,
        %get3A_864 = arith.index_cast %add3A_835 : i32 to index
        %get3A_865 = arith.constant 32 : index
        %get3A_866 = tpu.vector_load %arg16[%get3A_864, %get3A_865] {strides = array<i32>} : memref<64x128xf32, #tpu.memory_space<vmem>>, vector<16xf32>,
        %add3A_867 = arith.addf %get3A_863, %get3A_866 : vector<16xf32>
        %get3A_868 = arith.index_cast %add3A_835 : i32 to index
        %get3A_869 = arith.constant 32 : index
        %get3A_870 = tpu.vector_load %arg17[%get3A_868, %get3A_869] {strides = array<i32>} : memref<64x128xf32, #tpu.memory_space<vmem>>, vector<16xf32>,
        %sub3A_871 = arith.subf %add3A_867, %get3A_870 : vector<16xf32>
        %abs3A_872 = math.absf %sub3A_871 : vector<16xf32>
        %add3A_873 = arith.addf %add3A_860, %abs3A_872 : vector<16xf32>
        %get3A_874 = arith.index_cast %add3A_835 : i32 to index
        %get3A_875 = arith.constant 48 : index
        %get3A_876 = tpu.vector_load %arg15[%get3A_874, %get3A_875] {strides = array<i32>} : memref<64x128xf32, #tpu.memory_space<vmem>>, vector<16xf32>,
        %get3A_877 = arith.index_cast %add3A_835 : i32 to index
        %get3A_878 = arith.constant 48 : index
        %get3A_879 = tpu.vector_load %arg16[%get3A_877, %get3A_878] {strides = array<i32>} : memref<64x128xf32, #tpu.memory_space<vmem>>, vector<16xf32>,
        %add3A_880 = arith.addf %get3A_876, %get3A_879 : vector<16xf32>
        %get3A_881 = arith.index_cast %add3A_835 : i32 to index
        %get3A_882 = arith.constant 48 : index
        %get3A_883 = tpu.vector_load %arg17[%get3A_881, %get3A_882] {strides = array<i32>} : memref<64x128xf32, #tpu.memory_space<vmem>>, vector<16xf32>,
        %sub3A_884 = arith.subf %add3A_880, %get3A_883 : vector<16xf32>
        %abs3A_885 = math.absf %sub3A_884 : vector<16xf32>
        %add3A_886 = arith.addf %add3A_873, %abs3A_885 : vector<16xf32>
        %reduce_sum3A_887 = arith.constant true
        %reduce_sum3A_888 = vector.broadcast %reduce_sum3A_887 : i1 to vector<16xi1>
        %reduce_sum3A_889 = tpu.scan <sum>, %add3A_886 masked %reduce_sum3A_888 : vector<16xf32>, vector<16xi1> -> vector<16xf32>
        %reduce_sum3A_890 = vector.extract %reduce_sum3A_889[15] : f32 from vector<16xf32>
        %eq3A_891 = arith.constant 9 : i32
        %eq3A_892 = vector.broadcast %eq3A_891 : i32 to vector<16xi32>
        %eq3A_893 = arith.cmpi eq, %iota3A, %eq3A_892 : vector<16xi32>
        %broadcast_in_dim3A_894 = vector.broadcast %reduce_sum3A_890 : f32 to vector<16xf32>
        %select_n3A_895 = arith.select %eq3A_893, %broadcast_in_dim3A_894, %select_n3A_831 : vector<16xi1>, vector<16xf32>
        %mul3A_896 = arith.constant 16 : i32
        %mul3A_897 = arith.muli %scan3A_256, %mul3A_896 : i32
        %add3A_898 = arith.constant 10 : i32
        %add3A_899 = arith.addi %mul3A_897, %add3A_898 : i32
        %get3A_900 = arith.index_cast %add3A_899 : i32 to index
        %get3A_901 = arith.constant 0 : index
        %get3A_902 = tpu.vector_load %arg15[%get3A_900, %get3A_901] {strides = array<i32>} : memref<64x128xf32, #tpu.memory_space<vmem>>, vector<16xf32>,
        %get3A_903 = arith.index_cast %add3A_899 : i32 to index
        %get3A_904 = arith.constant 0 : index
        %get3A_905 = tpu.vector_load %arg16[%get3A_903, %get3A_904] {strides = array<i32>} : memref<64x128xf32, #tpu.memory_space<vmem>>, vector<16xf32>,
        %add3A_906 = arith.addf %get3A_902, %get3A_905 : vector<16xf32>
        %get3A_907 = arith.index_cast %add3A_899 : i32 to index
        %get3A_908 = arith.constant 0 : index
        %get3A_909 = tpu.vector_load %arg17[%get3A_907, %get3A_908] {strides = array<i32>} : memref<64x128xf32, #tpu.memory_space<vmem>>, vector<16xf32>,
        %sub3A_910 = arith.subf %add3A_906, %get3A_909 : vector<16xf32>
        %abs3A_911 = math.absf %sub3A_910 : vector<16xf32>
        %get3A_912 = arith.index_cast %add3A_899 : i32 to index
        %get3A_913 = arith.constant 16 : index
        %get3A_914 = tpu.vector_load %arg15[%get3A_912, %get3A_913] {strides = array<i32>} : memref<64x128xf32, #tpu.memory_space<vmem>>, vector<16xf32>,
        %get3A_915 = arith.index_cast %add3A_899 : i32 to index
        %get3A_916 = arith.constant 16 : index
        %get3A_917 = tpu.vector_load %arg16[%get3A_915, %get3A_916] {strides = array<i32>} : memref<64x128xf32, #tpu.memory_space<vmem>>, vector<16xf32>,
        %add3A_918 = arith.addf %get3A_914, %get3A_917 : vector<16xf32>
        %get3A_919 = arith.index_cast %add3A_899 : i32 to index
        %get3A_920 = arith.constant 16 : index
        %get3A_921 = tpu.vector_load %arg17[%get3A_919, %get3A_920] {strides = array<i32>} : memref<64x128xf32, #tpu.memory_space<vmem>>, vector<16xf32>,
        %sub3A_922 = arith.subf %add3A_918, %get3A_921 : vector<16xf32>
        %abs3A_923 = math.absf %sub3A_922 : vector<16xf32>
        %add3A_924 = arith.addf %abs3A_911, %abs3A_923 : vector<16xf32>
        %get3A_925 = arith.index_cast %add3A_899 : i32 to index
        %get3A_926 = arith.constant 32 : index
        %get3A_927 = tpu.vector_load %arg15[%get3A_925, %get3A_926] {strides = array<i32>} : memref<64x128xf32, #tpu.memory_space<vmem>>, vector<16xf32>,
        %get3A_928 = arith.index_cast %add3A_899 : i32 to index
        %get3A_929 = arith.constant 32 : index
        %get3A_930 = tpu.vector_load %arg16[%get3A_928, %get3A_929] {strides = array<i32>} : memref<64x128xf32, #tpu.memory_space<vmem>>, vector<16xf32>,
        %add3A_931 = arith.addf %get3A_927, %get3A_930 : vector<16xf32>
        %get3A_932 = arith.index_cast %add3A_899 : i32 to index
        %get3A_933 = arith.constant 32 : index
        %get3A_934 = tpu.vector_load %arg17[%get3A_932, %get3A_933] {strides = array<i32>} : memref<64x128xf32, #tpu.memory_space<vmem>>, vector<16xf32>,
        %sub3A_935 = arith.subf %add3A_931, %get3A_934 : vector<16xf32>
        %abs3A_936 = math.absf %sub3A_935 : vector<16xf32>
        %add3A_937 = arith.addf %add3A_924, %abs3A_936 : vector<16xf32>
        %get3A_938 = arith.index_cast %add3A_899 : i32 to index
        %get3A_939 = arith.constant 48 : index
        %get3A_940 = tpu.vector_load %arg15[%get3A_938, %get3A_939] {strides = array<i32>} : memref<64x128xf32, #tpu.memory_space<vmem>>, vector<16xf32>,
        %get3A_941 = arith.index_cast %add3A_899 : i32 to index
        %get3A_942 = arith.constant 48 : index
        %get3A_943 = tpu.vector_load %arg16[%get3A_941, %get3A_942] {strides = array<i32>} : memref<64x128xf32, #tpu.memory_space<vmem>>, vector<16xf32>,
        %add3A_944 = arith.addf %get3A_940, %get3A_943 : vector<16xf32>
        %get3A_945 = arith.index_cast %add3A_899 : i32 to index
        %get3A_946 = arith.constant 48 : index
        %get3A_947 = tpu.vector_load %arg17[%get3A_945, %get3A_946] {strides = array<i32>} : memref<64x128xf32, #tpu.memory_space<vmem>>, vector<16xf32>,
        %sub3A_948 = arith.subf %add3A_944, %get3A_947 : vector<16xf32>
        %abs3A_949 = math.absf %sub3A_948 : vector<16xf32>
        %add3A_950 = arith.addf %add3A_937, %abs3A_949 : vector<16xf32>
        %reduce_sum3A_951 = arith.constant true
        %reduce_sum3A_952 = vector.broadcast %reduce_sum3A_951 : i1 to vector<16xi1>
        %reduce_sum3A_953 = tpu.scan <sum>, %add3A_950 masked %reduce_sum3A_952 : vector<16xf32>, vector<16xi1> -> vector<16xf32>
        %reduce_sum3A_954 = vector.extract %reduce_sum3A_953[15] : f32 from vector<16xf32>
        %eq3A_955 = arith.constant 10 : i32
        %eq3A_956 = vector.broadcast %eq3A_955 : i32 to vector<16xi32>
        %eq3A_957 = arith.cmpi eq, %iota3A, %eq3A_956 : vector<16xi32>
        %broadcast_in_dim3A_958 = vector.broadcast %reduce_sum3A_954 : f32 to vector<16xf32>
        %select_n3A_959 = arith.select %eq3A_957, %broadcast_in_dim3A_958, %select_n3A_895 : vector<16xi1>, vector<16xf32>
        %mul3A_960 = arith.constant 16 : i32
        %mul3A_961 = arith.muli %scan3A_256, %mul3A_960 : i32
        %add3A_962 = arith.constant 11 : i32
        %add3A_963 = arith.addi %mul3A_961, %add3A_962 : i32
        %get3A_964 = arith.index_cast %add3A_963 : i32 to index
        %get3A_965 = arith.constant 0 : index
        %get3A_966 = tpu.vector_load %arg15[%get3A_964, %get3A_965] {strides = array<i32>} : memref<64x128xf32, #tpu.memory_space<vmem>>, vector<16xf32>,
        %get3A_967 = arith.index_cast %add3A_963 : i32 to index
        %get3A_968 = arith.constant 0 : index
        %get3A_969 = tpu.vector_load %arg16[%get3A_967, %get3A_968] {strides = array<i32>} : memref<64x128xf32, #tpu.memory_space<vmem>>, vector<16xf32>,
        %add3A_970 = arith.addf %get3A_966, %get3A_969 : vector<16xf32>
        %get3A_971 = arith.index_cast %add3A_963 : i32 to index
        %get3A_972 = arith.constant 0 : index
        %get3A_973 = tpu.vector_load %arg17[%get3A_971, %get3A_972] {strides = array<i32>} : memref<64x128xf32, #tpu.memory_space<vmem>>, vector<16xf32>,
        %sub3A_974 = arith.subf %add3A_970, %get3A_973 : vector<16xf32>
        %abs3A_975 = math.absf %sub3A_974 : vector<16xf32>
        %get3A_976 = arith.index_cast %add3A_963 : i32 to index
        %get3A_977 = arith.constant 16 : index
        %get3A_978 = tpu.vector_load %arg15[%get3A_976, %get3A_977] {strides = array<i32>} : memref<64x128xf32, #tpu.memory_space<vmem>>, vector<16xf32>,
        %get3A_979 = arith.index_cast %add3A_963 : i32 to index
        %get3A_980 = arith.constant 16 : index
        %get3A_981 = tpu.vector_load %arg16[%get3A_979, %get3A_980] {strides = array<i32>} : memref<64x128xf32, #tpu.memory_space<vmem>>, vector<16xf32>,
        %add3A_982 = arith.addf %get3A_978, %get3A_981 : vector<16xf32>
        %get3A_983 = arith.index_cast %add3A_963 : i32 to index
        %get3A_984 = arith.constant 16 : index
        %get3A_985 = tpu.vector_load %arg17[%get3A_983, %get3A_984] {strides = array<i32>} : memref<64x128xf32, #tpu.memory_space<vmem>>, vector<16xf32>,
        %sub3A_986 = arith.subf %add3A_982, %get3A_985 : vector<16xf32>
        %abs3A_987 = math.absf %sub3A_986 : vector<16xf32>
        %add3A_988 = arith.addf %abs3A_975, %abs3A_987 : vector<16xf32>
        %get3A_989 = arith.index_cast %add3A_963 : i32 to index
        %get3A_990 = arith.constant 32 : index
        %get3A_991 = tpu.vector_load %arg15[%get3A_989, %get3A_990] {strides = array<i32>} : memref<64x128xf32, #tpu.memory_space<vmem>>, vector<16xf32>,
        %get3A_992 = arith.index_cast %add3A_963 : i32 to index
        %get3A_993 = arith.constant 32 : index
        %get3A_994 = tpu.vector_load %arg16[%get3A_992, %get3A_993] {strides = array<i32>} : memref<64x128xf32, #tpu.memory_space<vmem>>, vector<16xf32>,
        %add3A_995 = arith.addf %get3A_991, %get3A_994 : vector<16xf32>
        %get3A_996 = arith.index_cast %add3A_963 : i32 to index
        %get3A_997 = arith.constant 32 : index
        %get3A_998 = tpu.vector_load %arg17[%get3A_996, %get3A_997] {strides = array<i32>} : memref<64x128xf32, #tpu.memory_space<vmem>>, vector<16xf32>,
        %sub3A_999 = arith.subf %add3A_995, %get3A_998 : vector<16xf32>
        %abs3A_1000 = math.absf %sub3A_999 : vector<16xf32>
        %add3A_1001 = arith.addf %add3A_988, %abs3A_1000 : vector<16xf32>
        %get3A_1002 = arith.index_cast %add3A_963 : i32 to index
        %get3A_1003 = arith.constant 48 : index
        %get3A_1004 = tpu.vector_load %arg15[%get3A_1002, %get3A_1003] {strides = array<i32>} : memref<64x128xf32, #tpu.memory_space<vmem>>, vector<16xf32>,
        %get3A_1005 = arith.index_cast %add3A_963 : i32 to index
        %get3A_1006 = arith.constant 48 : index
        %get3A_1007 = tpu.vector_load %arg16[%get3A_1005, %get3A_1006] {strides = array<i32>} : memref<64x128xf32, #tpu.memory_space<vmem>>, vector<16xf32>,
        %add3A_1008 = arith.addf %get3A_1004, %get3A_1007 : vector<16xf32>
        %get3A_1009 = arith.index_cast %add3A_963 : i32 to index
        %get3A_1010 = arith.constant 48 : index
        %get3A_1011 = tpu.vector_load %arg17[%get3A_1009, %get3A_1010] {strides = array<i32>} : memref<64x128xf32, #tpu.memory_space<vmem>>, vector<16xf32>,
        %sub3A_1012 = arith.subf %add3A_1008, %get3A_1011 : vector<16xf32>
        %abs3A_1013 = math.absf %sub3A_1012 : vector<16xf32>
        %add3A_1014 = arith.addf %add3A_1001, %abs3A_1013 : vector<16xf32>
        %reduce_sum3A_1015 = arith.constant true
        %reduce_sum3A_1016 = vector.broadcast %reduce_sum3A_1015 : i1 to vector<16xi1>
        %reduce_sum3A_1017 = tpu.scan <sum>, %add3A_1014 masked %reduce_sum3A_1016 : vector<16xf32>, vector<16xi1> -> vector<16xf32>
        %reduce_sum3A_1018 = vector.extract %reduce_sum3A_1017[15] : f32 from vector<16xf32>
        %eq3A_1019 = arith.constant 11 : i32
        %eq3A_1020 = vector.broadcast %eq3A_1019 : i32 to vector<16xi32>
        %eq3A_1021 = arith.cmpi eq, %iota3A, %eq3A_1020 : vector<16xi32>
        %broadcast_in_dim3A_1022 = vector.broadcast %reduce_sum3A_1018 : f32 to vector<16xf32>
        %select_n3A_1023 = arith.select %eq3A_1021, %broadcast_in_dim3A_1022, %select_n3A_959 : vector<16xi1>, vector<16xf32>
        %mul3A_1024 = arith.constant 16 : i32
        %mul3A_1025 = arith.muli %scan3A_256, %mul3A_1024 : i32
        %add3A_1026 = arith.constant 12 : i32
        %add3A_1027 = arith.addi %mul3A_1025, %add3A_1026 : i32
        %get3A_1028 = arith.index_cast %add3A_1027 : i32 to index
        %get3A_1029 = arith.constant 0 : index
        %get3A_1030 = tpu.vector_load %arg15[%get3A_1028, %get3A_1029] {strides = array<i32>} : memref<64x128xf32, #tpu.memory_space<vmem>>, vector<16xf32>,
        %get3A_1031 = arith.index_cast %add3A_1027 : i32 to index
        %get3A_1032 = arith.constant 0 : index
        %get3A_1033 = tpu.vector_load %arg16[%get3A_1031, %get3A_1032] {strides = array<i32>} : memref<64x128xf32, #tpu.memory_space<vmem>>, vector<16xf32>,
        %add3A_1034 = arith.addf %get3A_1030, %get3A_1033 : vector<16xf32>
        %get3A_1035 = arith.index_cast %add3A_1027 : i32 to index
        %get3A_1036 = arith.constant 0 : index
        %get3A_1037 = tpu.vector_load %arg17[%get3A_1035, %get3A_1036] {strides = array<i32>} : memref<64x128xf32, #tpu.memory_space<vmem>>, vector<16xf32>,
        %sub3A_1038 = arith.subf %add3A_1034, %get3A_1037 : vector<16xf32>
        %abs3A_1039 = math.absf %sub3A_1038 : vector<16xf32>
        %get3A_1040 = arith.index_cast %add3A_1027 : i32 to index
        %get3A_1041 = arith.constant 16 : index
        %get3A_1042 = tpu.vector_load %arg15[%get3A_1040, %get3A_1041] {strides = array<i32>} : memref<64x128xf32, #tpu.memory_space<vmem>>, vector<16xf32>,
        %get3A_1043 = arith.index_cast %add3A_1027 : i32 to index
        %get3A_1044 = arith.constant 16 : index
        %get3A_1045 = tpu.vector_load %arg16[%get3A_1043, %get3A_1044] {strides = array<i32>} : memref<64x128xf32, #tpu.memory_space<vmem>>, vector<16xf32>,
        %add3A_1046 = arith.addf %get3A_1042, %get3A_1045 : vector<16xf32>
        %get3A_1047 = arith.index_cast %add3A_1027 : i32 to index
        %get3A_1048 = arith.constant 16 : index
        %get3A_1049 = tpu.vector_load %arg17[%get3A_1047, %get3A_1048] {strides = array<i32>} : memref<64x128xf32, #tpu.memory_space<vmem>>, vector<16xf32>,
        %sub3A_1050 = arith.subf %add3A_1046, %get3A_1049 : vector<16xf32>
        %abs3A_1051 = math.absf %sub3A_1050 : vector<16xf32>
        %add3A_1052 = arith.addf %abs3A_1039, %abs3A_1051 : vector<16xf32>
        %get3A_1053 = arith.index_cast %add3A_1027 : i32 to index
        %get3A_1054 = arith.constant 32 : index
        %get3A_1055 = tpu.vector_load %arg15[%get3A_1053, %get3A_1054] {strides = array<i32>} : memref<64x128xf32, #tpu.memory_space<vmem>>, vector<16xf32>,
        %get3A_1056 = arith.index_cast %add3A_1027 : i32 to index
        %get3A_1057 = arith.constant 32 : index
        %get3A_1058 = tpu.vector_load %arg16[%get3A_1056, %get3A_1057] {strides = array<i32>} : memref<64x128xf32, #tpu.memory_space<vmem>>, vector<16xf32>,
        %add3A_1059 = arith.addf %get3A_1055, %get3A_1058 : vector<16xf32>
        %get3A_1060 = arith.index_cast %add3A_1027 : i32 to index
        %get3A_1061 = arith.constant 32 : index
        %get3A_1062 = tpu.vector_load %arg17[%get3A_1060, %get3A_1061] {strides = array<i32>} : memref<64x128xf32, #tpu.memory_space<vmem>>, vector<16xf32>,
        %sub3A_1063 = arith.subf %add3A_1059, %get3A_1062 : vector<16xf32>
        %abs3A_1064 = math.absf %sub3A_1063 : vector<16xf32>
        %add3A_1065 = arith.addf %add3A_1052, %abs3A_1064 : vector<16xf32>
        %get3A_1066 = arith.index_cast %add3A_1027 : i32 to index
        %get3A_1067 = arith.constant 48 : index
        %get3A_1068 = tpu.vector_load %arg15[%get3A_1066, %get3A_1067] {strides = array<i32>} : memref<64x128xf32, #tpu.memory_space<vmem>>, vector<16xf32>,
        %get3A_1069 = arith.index_cast %add3A_1027 : i32 to index
        %get3A_1070 = arith.constant 48 : index
        %get3A_1071 = tpu.vector_load %arg16[%get3A_1069, %get3A_1070] {strides = array<i32>} : memref<64x128xf32, #tpu.memory_space<vmem>>, vector<16xf32>,
        %add3A_1072 = arith.addf %get3A_1068, %get3A_1071 : vector<16xf32>
        %get3A_1073 = arith.index_cast %add3A_1027 : i32 to index
        %get3A_1074 = arith.constant 48 : index
        %get3A_1075 = tpu.vector_load %arg17[%get3A_1073, %get3A_1074] {strides = array<i32>} : memref<64x128xf32, #tpu.memory_space<vmem>>, vector<16xf32>,
        %sub3A_1076 = arith.subf %add3A_1072, %get3A_1075 : vector<16xf32>
        %abs3A_1077 = math.absf %sub3A_1076 : vector<16xf32>
        %add3A_1078 = arith.addf %add3A_1065, %abs3A_1077 : vector<16xf32>
        %reduce_sum3A_1079 = arith.constant true
        %reduce_sum3A_1080 = vector.broadcast %reduce_sum3A_1079 : i1 to vector<16xi1>
        %reduce_sum3A_1081 = tpu.scan <sum>, %add3A_1078 masked %reduce_sum3A_1080 : vector<16xf32>, vector<16xi1> -> vector<16xf32>
        %reduce_sum3A_1082 = vector.extract %reduce_sum3A_1081[15] : f32 from vector<16xf32>
        %eq3A_1083 = arith.constant 12 : i32
        %eq3A_1084 = vector.broadcast %eq3A_1083 : i32 to vector<16xi32>
        %eq3A_1085 = arith.cmpi eq, %iota3A, %eq3A_1084 : vector<16xi32>
        %broadcast_in_dim3A_1086 = vector.broadcast %reduce_sum3A_1082 : f32 to vector<16xf32>
        %select_n3A_1087 = arith.select %eq3A_1085, %broadcast_in_dim3A_1086, %select_n3A_1023 : vector<16xi1>, vector<16xf32>
        %mul3A_1088 = arith.constant 16 : i32
        %mul3A_1089 = arith.muli %scan3A_256, %mul3A_1088 : i32
        %add3A_1090 = arith.constant 13 : i32
        %add3A_1091 = arith.addi %mul3A_1089, %add3A_1090 : i32
        %get3A_1092 = arith.index_cast %add3A_1091 : i32 to index
        %get3A_1093 = arith.constant 0 : index
        %get3A_1094 = tpu.vector_load %arg15[%get3A_1092, %get3A_1093] {strides = array<i32>} : memref<64x128xf32, #tpu.memory_space<vmem>>, vector<16xf32>,
        %get3A_1095 = arith.index_cast %add3A_1091 : i32 to index
        %get3A_1096 = arith.constant 0 : index
        %get3A_1097 = tpu.vector_load %arg16[%get3A_1095, %get3A_1096] {strides = array<i32>} : memref<64x128xf32, #tpu.memory_space<vmem>>, vector<16xf32>,
        %add3A_1098 = arith.addf %get3A_1094, %get3A_1097 : vector<16xf32>
        %get3A_1099 = arith.index_cast %add3A_1091 : i32 to index
        %get3A_1100 = arith.constant 0 : index
        %get3A_1101 = tpu.vector_load %arg17[%get3A_1099, %get3A_1100] {strides = array<i32>} : memref<64x128xf32, #tpu.memory_space<vmem>>, vector<16xf32>,
        %sub3A_1102 = arith.subf %add3A_1098, %get3A_1101 : vector<16xf32>
        %abs3A_1103 = math.absf %sub3A_1102 : vector<16xf32>
        %get3A_1104 = arith.index_cast %add3A_1091 : i32 to index
        %get3A_1105 = arith.constant 16 : index
        %get3A_1106 = tpu.vector_load %arg15[%get3A_1104, %get3A_1105] {strides = array<i32>} : memref<64x128xf32, #tpu.memory_space<vmem>>, vector<16xf32>,
        %get3A_1107 = arith.index_cast %add3A_1091 : i32 to index
        %get3A_1108 = arith.constant 16 : index
        %get3A_1109 = tpu.vector_load %arg16[%get3A_1107, %get3A_1108] {strides = array<i32>} : memref<64x128xf32, #tpu.memory_space<vmem>>, vector<16xf32>,
        %add3A_1110 = arith.addf %get3A_1106, %get3A_1109 : vector<16xf32>
        %get3A_1111 = arith.index_cast %add3A_1091 : i32 to index
        %get3A_1112 = arith.constant 16 : index
        %get3A_1113 = tpu.vector_load %arg17[%get3A_1111, %get3A_1112] {strides = array<i32>} : memref<64x128xf32, #tpu.memory_space<vmem>>, vector<16xf32>,
        %sub3A_1114 = arith.subf %add3A_1110, %get3A_1113 : vector<16xf32>
        %abs3A_1115 = math.absf %sub3A_1114 : vector<16xf32>
        %add3A_1116 = arith.addf %abs3A_1103, %abs3A_1115 : vector<16xf32>
        %get3A_1117 = arith.index_cast %add3A_1091 : i32 to index
        %get3A_1118 = arith.constant 32 : index
        %get3A_1119 = tpu.vector_load %arg15[%get3A_1117, %get3A_1118] {strides = array<i32>} : memref<64x128xf32, #tpu.memory_space<vmem>>, vector<16xf32>,
        %get3A_1120 = arith.index_cast %add3A_1091 : i32 to index
        %get3A_1121 = arith.constant 32 : index
        %get3A_1122 = tpu.vector_load %arg16[%get3A_1120, %get3A_1121] {strides = array<i32>} : memref<64x128xf32, #tpu.memory_space<vmem>>, vector<16xf32>,
        %add3A_1123 = arith.addf %get3A_1119, %get3A_1122 : vector<16xf32>
        %get3A_1124 = arith.index_cast %add3A_1091 : i32 to index
        %get3A_1125 = arith.constant 32 : index
        %get3A_1126 = tpu.vector_load %arg17[%get3A_1124, %get3A_1125] {strides = array<i32>} : memref<64x128xf32, #tpu.memory_space<vmem>>, vector<16xf32>,
        %sub3A_1127 = arith.subf %add3A_1123, %get3A_1126 : vector<16xf32>
        %abs3A_1128 = math.absf %sub3A_1127 : vector<16xf32>
        %add3A_1129 = arith.addf %add3A_1116, %abs3A_1128 : vector<16xf32>
        %get3A_1130 = arith.index_cast %add3A_1091 : i32 to index
        %get3A_1131 = arith.constant 48 : index
        %get3A_1132 = tpu.vector_load %arg15[%get3A_1130, %get3A_1131] {strides = array<i32>} : memref<64x128xf32, #tpu.memory_space<vmem>>, vector<16xf32>,
        %get3A_1133 = arith.index_cast %add3A_1091 : i32 to index
        %get3A_1134 = arith.constant 48 : index
        %get3A_1135 = tpu.vector_load %arg16[%get3A_1133, %get3A_1134] {strides = array<i32>} : memref<64x128xf32, #tpu.memory_space<vmem>>, vector<16xf32>,
        %add3A_1136 = arith.addf %get3A_1132, %get3A_1135 : vector<16xf32>
        %get3A_1137 = arith.index_cast %add3A_1091 : i32 to index
        %get3A_1138 = arith.constant 48 : index
        %get3A_1139 = tpu.vector_load %arg17[%get3A_1137, %get3A_1138] {strides = array<i32>} : memref<64x128xf32, #tpu.memory_space<vmem>>, vector<16xf32>,
        %sub3A_1140 = arith.subf %add3A_1136, %get3A_1139 : vector<16xf32>
        %abs3A_1141 = math.absf %sub3A_1140 : vector<16xf32>
        %add3A_1142 = arith.addf %add3A_1129, %abs3A_1141 : vector<16xf32>
        %reduce_sum3A_1143 = arith.constant true
        %reduce_sum3A_1144 = vector.broadcast %reduce_sum3A_1143 : i1 to vector<16xi1>
        %reduce_sum3A_1145 = tpu.scan <sum>, %add3A_1142 masked %reduce_sum3A_1144 : vector<16xf32>, vector<16xi1> -> vector<16xf32>
        %reduce_sum3A_1146 = vector.extract %reduce_sum3A_1145[15] : f32 from vector<16xf32>
        %eq3A_1147 = arith.constant 13 : i32
        %eq3A_1148 = vector.broadcast %eq3A_1147 : i32 to vector<16xi32>
        %eq3A_1149 = arith.cmpi eq, %iota3A, %eq3A_1148 : vector<16xi32>
        %broadcast_in_dim3A_1150 = vector.broadcast %reduce_sum3A_1146 : f32 to vector<16xf32>
        %select_n3A_1151 = arith.select %eq3A_1149, %broadcast_in_dim3A_1150, %select_n3A_1087 : vector<16xi1>, vector<16xf32>
        %mul3A_1152 = arith.constant 16 : i32
        %mul3A_1153 = arith.muli %scan3A_256, %mul3A_1152 : i32
        %add3A_1154 = arith.constant 14 : i32
        %add3A_1155 = arith.addi %mul3A_1153, %add3A_1154 : i32
        %get3A_1156 = arith.index_cast %add3A_1155 : i32 to index
        %get3A_1157 = arith.constant 0 : index
        %get3A_1158 = tpu.vector_load %arg15[%get3A_1156, %get3A_1157] {strides = array<i32>} : memref<64x128xf32, #tpu.memory_space<vmem>>, vector<16xf32>,
        %get3A_1159 = arith.index_cast %add3A_1155 : i32 to index
        %get3A_1160 = arith.constant 0 : index
        %get3A_1161 = tpu.vector_load %arg16[%get3A_1159, %get3A_1160] {strides = array<i32>} : memref<64x128xf32, #tpu.memory_space<vmem>>, vector<16xf32>,
        %add3A_1162 = arith.addf %get3A_1158, %get3A_1161 : vector<16xf32>
        %get3A_1163 = arith.index_cast %add3A_1155 : i32 to index
        %get3A_1164 = arith.constant 0 : index
        %get3A_1165 = tpu.vector_load %arg17[%get3A_1163, %get3A_1164] {strides = array<i32>} : memref<64x128xf32, #tpu.memory_space<vmem>>, vector<16xf32>,
        %sub3A_1166 = arith.subf %add3A_1162, %get3A_1165 : vector<16xf32>
        %abs3A_1167 = math.absf %sub3A_1166 : vector<16xf32>
        %get3A_1168 = arith.index_cast %add3A_1155 : i32 to index
        %get3A_1169 = arith.constant 16 : index
        %get3A_1170 = tpu.vector_load %arg15[%get3A_1168, %get3A_1169] {strides = array<i32>} : memref<64x128xf32, #tpu.memory_space<vmem>>, vector<16xf32>,
        %get3A_1171 = arith.index_cast %add3A_1155 : i32 to index
        %get3A_1172 = arith.constant 16 : index
        %get3A_1173 = tpu.vector_load %arg16[%get3A_1171, %get3A_1172] {strides = array<i32>} : memref<64x128xf32, #tpu.memory_space<vmem>>, vector<16xf32>,
        %add3A_1174 = arith.addf %get3A_1170, %get3A_1173 : vector<16xf32>
        %get3A_1175 = arith.index_cast %add3A_1155 : i32 to index
        %get3A_1176 = arith.constant 16 : index
        %get3A_1177 = tpu.vector_load %arg17[%get3A_1175, %get3A_1176] {strides = array<i32>} : memref<64x128xf32, #tpu.memory_space<vmem>>, vector<16xf32>,
        %sub3A_1178 = arith.subf %add3A_1174, %get3A_1177 : vector<16xf32>
        %abs3A_1179 = math.absf %sub3A_1178 : vector<16xf32>
        %add3A_1180 = arith.addf %abs3A_1167, %abs3A_1179 : vector<16xf32>
        %get3A_1181 = arith.index_cast %add3A_1155 : i32 to index
        %get3A_1182 = arith.constant 32 : index
        %get3A_1183 = tpu.vector_load %arg15[%get3A_1181, %get3A_1182] {strides = array<i32>} : memref<64x128xf32, #tpu.memory_space<vmem>>, vector<16xf32>,
        %get3A_1184 = arith.index_cast %add3A_1155 : i32 to index
        %get3A_1185 = arith.constant 32 : index
        %get3A_1186 = tpu.vector_load %arg16[%get3A_1184, %get3A_1185] {strides = array<i32>} : memref<64x128xf32, #tpu.memory_space<vmem>>, vector<16xf32>,
        %add3A_1187 = arith.addf %get3A_1183, %get3A_1186 : vector<16xf32>
        %get3A_1188 = arith.index_cast %add3A_1155 : i32 to index
        %get3A_1189 = arith.constant 32 : index
        %get3A_1190 = tpu.vector_load %arg17[%get3A_1188, %get3A_1189] {strides = array<i32>} : memref<64x128xf32, #tpu.memory_space<vmem>>, vector<16xf32>,
        %sub3A_1191 = arith.subf %add3A_1187, %get3A_1190 : vector<16xf32>
        %abs3A_1192 = math.absf %sub3A_1191 : vector<16xf32>
        %add3A_1193 = arith.addf %add3A_1180, %abs3A_1192 : vector<16xf32>
        %get3A_1194 = arith.index_cast %add3A_1155 : i32 to index
        %get3A_1195 = arith.constant 48 : index
        %get3A_1196 = tpu.vector_load %arg15[%get3A_1194, %get3A_1195] {strides = array<i32>} : memref<64x128xf32, #tpu.memory_space<vmem>>, vector<16xf32>,
        %get3A_1197 = arith.index_cast %add3A_1155 : i32 to index
        %get3A_1198 = arith.constant 48 : index
        %get3A_1199 = tpu.vector_load %arg16[%get3A_1197, %get3A_1198] {strides = array<i32>} : memref<64x128xf32, #tpu.memory_space<vmem>>, vector<16xf32>,
        %add3A_1200 = arith.addf %get3A_1196, %get3A_1199 : vector<16xf32>
        %get3A_1201 = arith.index_cast %add3A_1155 : i32 to index
        %get3A_1202 = arith.constant 48 : index
        %get3A_1203 = tpu.vector_load %arg17[%get3A_1201, %get3A_1202] {strides = array<i32>} : memref<64x128xf32, #tpu.memory_space<vmem>>, vector<16xf32>,
        %sub3A_1204 = arith.subf %add3A_1200, %get3A_1203 : vector<16xf32>
        %abs3A_1205 = math.absf %sub3A_1204 : vector<16xf32>
        %add3A_1206 = arith.addf %add3A_1193, %abs3A_1205 : vector<16xf32>
        %reduce_sum3A_1207 = arith.constant true
        %reduce_sum3A_1208 = vector.broadcast %reduce_sum3A_1207 : i1 to vector<16xi1>
        %reduce_sum3A_1209 = tpu.scan <sum>, %add3A_1206 masked %reduce_sum3A_1208 : vector<16xf32>, vector<16xi1> -> vector<16xf32>
        %reduce_sum3A_1210 = vector.extract %reduce_sum3A_1209[15] : f32 from vector<16xf32>
        %eq3A_1211 = arith.constant 14 : i32
        %eq3A_1212 = vector.broadcast %eq3A_1211 : i32 to vector<16xi32>
        %eq3A_1213 = arith.cmpi eq, %iota3A, %eq3A_1212 : vector<16xi32>
        %broadcast_in_dim3A_1214 = vector.broadcast %reduce_sum3A_1210 : f32 to vector<16xf32>
        %select_n3A_1215 = arith.select %eq3A_1213, %broadcast_in_dim3A_1214, %select_n3A_1151 : vector<16xi1>, vector<16xf32>
        %mul3A_1216 = arith.constant 16 : i32
        %mul3A_1217 = arith.muli %scan3A_256, %mul3A_1216 : i32
        %add3A_1218 = arith.constant 15 : i32
        %add3A_1219 = arith.addi %mul3A_1217, %add3A_1218 : i32
        %get3A_1220 = arith.index_cast %add3A_1219 : i32 to index
        %get3A_1221 = arith.constant 0 : index
        %get3A_1222 = tpu.vector_load %arg15[%get3A_1220, %get3A_1221] {strides = array<i32>} : memref<64x128xf32, #tpu.memory_space<vmem>>, vector<16xf32>,
        %get3A_1223 = arith.index_cast %add3A_1219 : i32 to index
        %get3A_1224 = arith.constant 0 : index
        %get3A_1225 = tpu.vector_load %arg16[%get3A_1223, %get3A_1224] {strides = array<i32>} : memref<64x128xf32, #tpu.memory_space<vmem>>, vector<16xf32>,
        %add3A_1226 = arith.addf %get3A_1222, %get3A_1225 : vector<16xf32>
        %get3A_1227 = arith.index_cast %add3A_1219 : i32 to index
        %get3A_1228 = arith.constant 0 : index
        %get3A_1229 = tpu.vector_load %arg17[%get3A_1227, %get3A_1228] {strides = array<i32>} : memref<64x128xf32, #tpu.memory_space<vmem>>, vector<16xf32>,
        %sub3A_1230 = arith.subf %add3A_1226, %get3A_1229 : vector<16xf32>
        %abs3A_1231 = math.absf %sub3A_1230 : vector<16xf32>
        %get3A_1232 = arith.index_cast %add3A_1219 : i32 to index
        %get3A_1233 = arith.constant 16 : index
        %get3A_1234 = tpu.vector_load %arg15[%get3A_1232, %get3A_1233] {strides = array<i32>} : memref<64x128xf32, #tpu.memory_space<vmem>>, vector<16xf32>,
        %get3A_1235 = arith.index_cast %add3A_1219 : i32 to index
        %get3A_1236 = arith.constant 16 : index
        %get3A_1237 = tpu.vector_load %arg16[%get3A_1235, %get3A_1236] {strides = array<i32>} : memref<64x128xf32, #tpu.memory_space<vmem>>, vector<16xf32>,
        %add3A_1238 = arith.addf %get3A_1234, %get3A_1237 : vector<16xf32>
        %get3A_1239 = arith.index_cast %add3A_1219 : i32 to index
        %get3A_1240 = arith.constant 16 : index
        %get3A_1241 = tpu.vector_load %arg17[%get3A_1239, %get3A_1240] {strides = array<i32>} : memref<64x128xf32, #tpu.memory_space<vmem>>, vector<16xf32>,
        %sub3A_1242 = arith.subf %add3A_1238, %get3A_1241 : vector<16xf32>
        %abs3A_1243 = math.absf %sub3A_1242 : vector<16xf32>
        %add3A_1244 = arith.addf %abs3A_1231, %abs3A_1243 : vector<16xf32>
        %get3A_1245 = arith.index_cast %add3A_1219 : i32 to index
        %get3A_1246 = arith.constant 32 : index
        %get3A_1247 = tpu.vector_load %arg15[%get3A_1245, %get3A_1246] {strides = array<i32>} : memref<64x128xf32, #tpu.memory_space<vmem>>, vector<16xf32>,
        %get3A_1248 = arith.index_cast %add3A_1219 : i32 to index
        %get3A_1249 = arith.constant 32 : index
        %get3A_1250 = tpu.vector_load %arg16[%get3A_1248, %get3A_1249] {strides = array<i32>} : memref<64x128xf32, #tpu.memory_space<vmem>>, vector<16xf32>,
        %add3A_1251 = arith.addf %get3A_1247, %get3A_1250 : vector<16xf32>
        %get3A_1252 = arith.index_cast %add3A_1219 : i32 to index
        %get3A_1253 = arith.constant 32 : index
        %get3A_1254 = tpu.vector_load %arg17[%get3A_1252, %get3A_1253] {strides = array<i32>} : memref<64x128xf32, #tpu.memory_space<vmem>>, vector<16xf32>,
        %sub3A_1255 = arith.subf %add3A_1251, %get3A_1254 : vector<16xf32>
        %abs3A_1256 = math.absf %sub3A_1255 : vector<16xf32>
        %add3A_1257 = arith.addf %add3A_1244, %abs3A_1256 : vector<16xf32>
        %get3A_1258 = arith.index_cast %add3A_1219 : i32 to index
        %get3A_1259 = arith.constant 48 : index
        %get3A_1260 = tpu.vector_load %arg15[%get3A_1258, %get3A_1259] {strides = array<i32>} : memref<64x128xf32, #tpu.memory_space<vmem>>, vector<16xf32>,
        %get3A_1261 = arith.index_cast %add3A_1219 : i32 to index
        %get3A_1262 = arith.constant 48 : index
        %get3A_1263 = tpu.vector_load %arg16[%get3A_1261, %get3A_1262] {strides = array<i32>} : memref<64x128xf32, #tpu.memory_space<vmem>>, vector<16xf32>,
        %add3A_1264 = arith.addf %get3A_1260, %get3A_1263 : vector<16xf32>
        %get3A_1265 = arith.index_cast %add3A_1219 : i32 to index
        %get3A_1266 = arith.constant 48 : index
        %get3A_1267 = tpu.vector_load %arg17[%get3A_1265, %get3A_1266] {strides = array<i32>} : memref<64x128xf32, #tpu.memory_space<vmem>>, vector<16xf32>,
        %sub3A_1268 = arith.subf %add3A_1264, %get3A_1267 : vector<16xf32>
        %abs3A_1269 = math.absf %sub3A_1268 : vector<16xf32>
        %add3A_1270 = arith.addf %add3A_1257, %abs3A_1269 : vector<16xf32>
        %reduce_sum3A_1271 = arith.constant true
        %reduce_sum3A_1272 = vector.broadcast %reduce_sum3A_1271 : i1 to vector<16xi1>
        %reduce_sum3A_1273 = tpu.scan <sum>, %add3A_1270 masked %reduce_sum3A_1272 : vector<16xf32>, vector<16xi1> -> vector<16xf32>
        %reduce_sum3A_1274 = vector.extract %reduce_sum3A_1273[15] : f32 from vector<16xf32>
        %eq3A_1275 = arith.constant 15 : i32
        %eq3A_1276 = vector.broadcast %eq3A_1275 : i32 to vector<16xi32>
        %eq3A_1277 = arith.cmpi eq, %iota3A, %eq3A_1276 : vector<16xi32>
        %broadcast_in_dim3A_1278 = vector.broadcast %reduce_sum3A_1274 : f32 to vector<16xf32>
        %select_n3A_1279 = arith.select %eq3A_1277, %broadcast_in_dim3A_1278, %select_n3A_1215 : vector<16xi1>, vector<16xf32>
        %mul3A_1280 = arith.constant 16 : i32
        %mul3A_1281 = arith.muli %scan3A_256, %mul3A_1280 : i32
        %add3A_1282 = arith.addi %mul3A_173, %mul3A_1281 : i32
        %swap3A_1283 = arith.index_cast %select_n3A_155 : i32 to index
        %swap3A_1284 = arith.index_cast %add3A_1282 : i32 to index
        %swap3A_1285 = tpu.vector_load %arg13[%swap3A_1283, %swap3A_1284] {strides = array<i32>} : memref<65x128xf32, #tpu.memory_space<vmem>>, vector<16xf32>,
        tpu.vector_store %arg13[%swap3A_1283, %swap3A_1284], %select_n3A_1279 {strides = array<i32>} : memref<65x128xf32, #tpu.memory_space<vmem>>, vector<16xf32>,
      }
      %scan3A_179 = arith.constant 4 : i32
      %add3A_180 = arith.constant 1 : i32
      %add3A_181 = arith.addi %scan3A_59, %add3A_180 : i32
      %lt3A_182 = arith.constant 65 : i32
      %lt3A_183 = arith.cmpi slt, %add3A_181, %lt3A_182 : i32
      %convert_element_type3A = arith.extui %lt3A_183 : i1 to i32
      %cond3A = arith.constant 0 : i32
      %cond3A_184 = arith.cmpi ne, %convert_element_type3A, %cond3A : i32
      scf.if %cond3A_184 {
        %add3A_256 = arith.constant 2 : i32
        %add3A_257 = arith.addi %mul3A_61, %add3A_256 : i32
        %jit3A_258 = arith.constant 2 : i32
        %div3A_259 = arith.divsi %add3A_257, %jit3A_258 : i32
        %sign3A_260 = arith.constant 0 : i32
        %sign3A_261 = arith.cmpi sgt, %add3A_257, %sign3A_260 : i32
        %sign3A_262 = arith.extui %sign3A_261 : i1 to i32
        %sign3A_263 = arith.constant 0 : i32
        %sign3A_264 = arith.cmpi slt, %add3A_257, %sign3A_263 : i32
        %sign3A_265 = arith.extui %sign3A_264 : i1 to i32
        %sign3A_266 = arith.subi %sign3A_262, %sign3A_265 : i32
        %sign3A_267 = arith.constant 0 : i32
        %sign3A_268 = arith.cmpi sgt, %jit3A_258, %sign3A_267 : i32
        %sign3A_269 = arith.extui %sign3A_268 : i1 to i32
        %sign3A_270 = arith.constant 0 : i32
        %sign3A_271 = arith.cmpi slt, %jit3A_258, %sign3A_270 : i32
        %sign3A_272 = arith.extui %sign3A_271 : i1 to i32
        %sign3A_273 = arith.subi %sign3A_269, %sign3A_272 : i32
        %ne3A_274 = arith.cmpi ne, %sign3A_266, %sign3A_273 : i32
        %rem3A_275 = arith.remsi %add3A_257, %jit3A_258 : i32
        %ne3A_276 = arith.constant 0 : i32
        %ne3A_277 = arith.cmpi ne, %rem3A_275, %ne3A_276 : i32
        %and3A_278 = arith.andi %ne3A_274, %ne3A_277 : i1
        %sub3A_279 = arith.constant 1 : i32
        %sub3A_280 = arith.subi %div3A_259, %sub3A_279 : i32
        %select_n3A_281 = arith.select %and3A_278, %sub3A_280, %div3A_259 : i32
        %jit3A_282 = arith.constant 2 : i32
        %eq3A_283 = arith.constant 0 : i32
        %eq3A_284 = arith.cmpi eq, %jit3A_282, %eq3A_283 : i32
        %jit3A_285 = arith.constant 1 : i32
        %select_n3A_286 = arith.select %eq3A_284, %jit3A_285, %jit3A_282 : i32
        %rem3A_287 = arith.remsi %add3A_257, %select_n3A_286 : i32
        %ne3A_288 = arith.constant 0 : i32
        %ne3A_289 = arith.cmpi ne, %rem3A_287, %ne3A_288 : i32
        %lt3A_290 = arith.constant 0 : i32
        %lt3A_291 = arith.cmpi slt, %rem3A_287, %lt3A_290 : i32
        %lt3A_292 = arith.constant 0 : i32
        %lt3A_293 = arith.cmpi slt, %select_n3A_286, %lt3A_292 : i32
        %ne3A_294 = arith.xori %lt3A_291, %lt3A_293 : i1
        %and3A_295 = arith.andi %ne3A_294, %ne3A_289 : i1
        %add3A_296 = arith.addi %rem3A_287, %select_n3A_286 : i32
        %select_n3A_297 = arith.select %and3A_295, %add3A_296, %rem3A_287 : i32
        %mul3A_298 = arith.constant 64 : i32
        %mul3A_299 = arith.muli %select_n3A_297, %mul3A_298 : i32
        %dma_start3A_300 = tpu.memref_slice %arg10[%select_n3A_281, %mul3A_299] : memref<65x128xi32, #tpu.memory_space<vmem>> -> memref<1x64xi32, #tpu.memory_space<vmem>>
        %dma_start3A_301 = tpu.memref_squeeze %dma_start3A_300 : memref<1x64xi32, #tpu.memory_space<vmem>> -> memref<64xi32, #tpu.memory_space<vmem>>
        %dma_start3A_302 = arith.constant 0 : i32
        %dma_start3A_303 = arith.constant 0 : i32
        %dma_start3A_304 = tpu.memref_slice %arg5[%dma_start3A_302, %dma_start3A_303] : memref<1000001x128xf32, #tpu.memory_space<hbm>> -> memref<1000001x128xf32, #tpu.memory_space<hbm>>
        tpu.enqueue_indirect_dma source(%dma_start3A_304 : memref<1000001x128xf32, #tpu.memory_space<hbm>>) target(%arg15 : memref<64x128xf32, #tpu.memory_space<vmem>>) offsets(%dma_start3A_301 : memref<64xi32, #tpu.memory_space<vmem>>) semaphore(%arg22 : memref<!tpu.dma_semaphore, #tpu.memory_space<semaphore_mem>>)
        %dma_start3A_305 = tpu.memref_slice %arg11[%select_n3A_281, %mul3A_299] : memref<65x128xi32, #tpu.memory_space<vmem>> -> memref<1x64xi32, #tpu.memory_space<vmem>>
        %dma_start3A_306 = tpu.memref_squeeze %dma_start3A_305 : memref<1x64xi32, #tpu.memory_space<vmem>> -> memref<64xi32, #tpu.memory_space<vmem>>
        %dma_start3A_307 = arith.constant 0 : i32
        %dma_start3A_308 = arith.constant 0 : i32
        %dma_start3A_309 = tpu.memref_slice %arg6[%dma_start3A_307, %dma_start3A_308] : memref<1000001x128xf32, #tpu.memory_space<hbm>> -> memref<1000001x128xf32, #tpu.memory_space<hbm>>
        tpu.enqueue_indirect_dma source(%dma_start3A_309 : memref<1000001x128xf32, #tpu.memory_space<hbm>>) target(%arg16 : memref<64x128xf32, #tpu.memory_space<vmem>>) offsets(%dma_start3A_306 : memref<64xi32, #tpu.memory_space<vmem>>) semaphore(%arg22 : memref<!tpu.dma_semaphore, #tpu.memory_space<semaphore_mem>>)
        %dma_start3A_310 = tpu.memref_slice %arg12[%select_n3A_281, %mul3A_299] : memref<65x128xi32, #tpu.memory_space<vmem>> -> memref<1x64xi32, #tpu.memory_space<vmem>>
        %dma_start3A_311 = tpu.memref_squeeze %dma_start3A_310 : memref<1x64xi32, #tpu.memory_space<vmem>> -> memref<64xi32, #tpu.memory_space<vmem>>
        %dma_start3A_312 = arith.constant 0 : i32
        %dma_start3A_313 = arith.constant 0 : i32
        %dma_start3A_314 = tpu.memref_slice %arg5[%dma_start3A_312, %dma_start3A_313] : memref<1000001x128xf32, #tpu.memory_space<hbm>> -> memref<1000001x128xf32, #tpu.memory_space<hbm>>
        tpu.enqueue_indirect_dma source(%dma_start3A_314 : memref<1000001x128xf32, #tpu.memory_space<hbm>>) target(%arg17 : memref<64x128xf32, #tpu.memory_space<vmem>>) offsets(%dma_start3A_311 : memref<64xi32, #tpu.memory_space<vmem>>) semaphore(%arg22 : memref<!tpu.dma_semaphore, #tpu.memory_space<semaphore_mem>>)
      } else {
      }
      %dma_wait3A_185 = arith.constant 0 : i32
      %dma_wait3A_186 = arith.constant 0 : i32
      %dma_wait3A_187 = tpu.memref_slice %arg10[%dma_wait3A_185, %dma_wait3A_186] : memref<65x128xi32, #tpu.memory_space<vmem>> -> memref<1x64xi32, #tpu.memory_space<vmem>>
      %dma_wait3A_188 = tpu.memref_squeeze %dma_wait3A_187 : memref<1x64xi32, #tpu.memory_space<vmem>> -> memref<64xi32, #tpu.memory_space<vmem>>
      %dma_wait3A_189 = arith.constant 0 : i32
      %dma_wait3A_190 = arith.constant 0 : i32
      %dma_wait3A_191 = tpu.memref_slice %arg5[%dma_wait3A_189, %dma_wait3A_190] : memref<1000001x128xf32, #tpu.memory_space<hbm>> -> memref<1000001x128xf32, #tpu.memory_space<hbm>>
      tpu.wait_indirect_dma semaphore(%arg23 : memref<!tpu.dma_semaphore, #tpu.memory_space<semaphore_mem>>) src(%dma_wait3A_191 : memref<1000001x128xf32, #tpu.memory_space<hbm>>) dst(%arg18 : memref<64x128xf32, #tpu.memory_space<vmem>>)
      %dma_wait3A_192 = arith.constant 0 : i32
      %dma_wait3A_193 = arith.constant 0 : i32
      %dma_wait3A_194 = tpu.memref_slice %arg11[%dma_wait3A_192, %dma_wait3A_193] : memref<65x128xi32, #tpu.memory_space<vmem>> -> memref<1x64xi32, #tpu.memory_space<vmem>>
      %dma_wait3A_195 = tpu.memref_squeeze %dma_wait3A_194 : memref<1x64xi32, #tpu.memory_space<vmem>> -> memref<64xi32, #tpu.memory_space<vmem>>
      %dma_wait3A_196 = arith.constant 0 : i32
      %dma_wait3A_197 = arith.constant 0 : i32
      %dma_wait3A_198 = tpu.memref_slice %arg6[%dma_wait3A_196, %dma_wait3A_197] : memref<1000001x128xf32, #tpu.memory_space<hbm>> -> memref<1000001x128xf32, #tpu.memory_space<hbm>>
      tpu.wait_indirect_dma semaphore(%arg23 : memref<!tpu.dma_semaphore, #tpu.memory_space<semaphore_mem>>) src(%dma_wait3A_198 : memref<1000001x128xf32, #tpu.memory_space<hbm>>) dst(%arg19 : memref<64x128xf32, #tpu.memory_space<vmem>>)
      %dma_wait3A_199 = arith.constant 0 : i32
      %dma_wait3A_200 = arith.constant 0 : i32
      %dma_wait3A_201 = tpu.memref_slice %arg12[%dma_wait3A_199, %dma_wait3A_200] : memref<65x128xi32, #tpu.memory_space<vmem>> -> memref<1x64xi32, #tpu.memory_space<vmem>>
      %dma_wait3A_202 = tpu.memref_squeeze %dma_wait3A_201 : memref<1x64xi32, #tpu.memory_space<vmem>> -> memref<64xi32, #tpu.memory_space<vmem>>
      %dma_wait3A_203 = arith.constant 0 : i32
      %dma_wait3A_204 = arith.constant 0 : i32
      %dma_wait3A_205 = tpu.memref_slice %arg5[%dma_wait3A_203, %dma_wait3A_204] : memref<1000001x128xf32, #tpu.memory_space<hbm>> -> memref<1000001x128xf32, #tpu.memory_space<hbm>>
      tpu.wait_indirect_dma semaphore(%arg23 : memref<!tpu.dma_semaphore, #tpu.memory_space<semaphore_mem>>) src(%dma_wait3A_205 : memref<1000001x128xf32, #tpu.memory_space<hbm>>) dst(%arg20 : memref<64x128xf32, #tpu.memory_space<vmem>>)
      %add3A_206 = arith.constant 1 : i32
      %add3A_207 = arith.addi %mul3A_61, %add3A_206 : i32
      %jit3A_208 = arith.constant 2 : i32
      %div3A_209 = arith.divsi %add3A_207, %jit3A_208 : i32
      %sign3A_210 = arith.constant 0 : i32
      %sign3A_211 = arith.cmpi sgt, %add3A_207, %sign3A_210 : i32
      %sign3A_212 = arith.extui %sign3A_211 : i1 to i32
      %sign3A_213 = arith.constant 0 : i32
      %sign3A_214 = arith.cmpi slt, %add3A_207, %sign3A_213 : i32
      %sign3A_215 = arith.extui %sign3A_214 : i1 to i32
      %sign3A_216 = arith.subi %sign3A_212, %sign3A_215 : i32
      %sign3A_217 = arith.constant 0 : i32
      %sign3A_218 = arith.cmpi sgt, %jit3A_208, %sign3A_217 : i32
      %sign3A_219 = arith.extui %sign3A_218 : i1 to i32
      %sign3A_220 = arith.constant 0 : i32
      %sign3A_221 = arith.cmpi slt, %jit3A_208, %sign3A_220 : i32
      %sign3A_222 = arith.extui %sign3A_221 : i1 to i32
      %sign3A_223 = arith.subi %sign3A_219, %sign3A_222 : i32
      %ne3A_224 = arith.cmpi ne, %sign3A_216, %sign3A_223 : i32
      %rem3A_225 = arith.remsi %add3A_207, %jit3A_208 : i32
      %ne3A_226 = arith.constant 0 : i32
      %ne3A_227 = arith.cmpi ne, %rem3A_225, %ne3A_226 : i32
      %and3A_228 = arith.andi %ne3A_224, %ne3A_227 : i1
      %sub3A_229 = arith.constant 1 : i32
      %sub3A_230 = arith.subi %div3A_209, %sub3A_229 : i32
      %select_n3A_231 = arith.select %and3A_228, %sub3A_230, %div3A_209 : i32
      %jit3A_232 = arith.constant 2 : i32
      %eq3A_233 = arith.constant 0 : i32
      %eq3A_234 = arith.cmpi eq, %jit3A_232, %eq3A_233 : i32
      %jit3A_235 = arith.constant 1 : i32
      %select_n3A_236 = arith.select %eq3A_234, %jit3A_235, %jit3A_232 : i32
      %rem3A_237 = arith.remsi %add3A_207, %select_n3A_236 : i32
      %ne3A_238 = arith.constant 0 : i32
      %ne3A_239 = arith.cmpi ne, %rem3A_237, %ne3A_238 : i32
      %lt3A_240 = arith.constant 0 : i32
      %lt3A_241 = arith.cmpi slt, %rem3A_237, %lt3A_240 : i32
      %lt3A_242 = arith.constant 0 : i32
      %lt3A_243 = arith.cmpi slt, %select_n3A_236, %lt3A_242 : i32
      %ne3A_244 = arith.xori %lt3A_241, %lt3A_243 : i1
      %and3A_245 = arith.andi %ne3A_244, %ne3A_239 : i1
      %add3A_246 = arith.addi %rem3A_237, %select_n3A_236 : i32
      %select_n3A_247 = arith.select %and3A_245, %add3A_246, %rem3A_237 : i32
      %mul3A_248 = arith.constant 64 : i32
      %mul3A_249 = arith.muli %select_n3A_247, %mul3A_248 : i32
      %scan3A_250 = arith.constant 0 : i32
      %scan3A_251 = arith.constant 0 : i32
      %scan3A_252 = arith.constant 4 : i32
      %scan3A_253 = arith.addi %scan3A_251, %scan3A_252 : i32
      %scan3A_254 = arith.constant 1 : i32
      scf.for %scan3A_256 = %scan3A_251 to %scan3A_253 step %scan3A_254  : i32 {
        %broadcast_in_dim3A_257 = arith.constant 0.000000e+00 : f32
        %broadcast_in_dim3A_258 = vector.broadcast %broadcast_in_dim3A_257 : f32 to vector<16xf32>
        %mul3A_259 = arith.constant 16 : i32
        %mul3A_260 = arith.muli %scan3A_256, %mul3A_259 : i32
        %add3A_261 = arith.constant 0 : i32
        %add3A_262 = arith.addi %mul3A_260, %add3A_261 : i32
        %get3A = arith.index_cast %add3A_262 : i32 to index
        %get3A_263 = arith.constant 0 : index
        %get3A_264 = tpu.vector_load %arg18[%get3A, %get3A_263] {strides = array<i32>} : memref<64x128xf32, #tpu.memory_space<vmem>>, vector<16xf32>,
        %get3A_265 = arith.index_cast %add3A_262 : i32 to index
        %get3A_266 = arith.constant 0 : index
        %get3A_267 = tpu.vector_load %arg19[%get3A_265, %get3A_266] {strides = array<i32>} : memref<64x128xf32, #tpu.memory_space<vmem>>, vector<16xf32>,
        %add3A_268 = arith.addf %get3A_264, %get3A_267 : vector<16xf32>
        %get3A_269 = arith.index_cast %add3A_262 : i32 to index
        %get3A_270 = arith.constant 0 : index
        %get3A_271 = tpu.vector_load %arg20[%get3A_269, %get3A_270] {strides = array<i32>} : memref<64x128xf32, #tpu.memory_space<vmem>>, vector<16xf32>,
        %sub3A_272 = arith.subf %add3A_268, %get3A_271 : vector<16xf32>
        %abs3A = math.absf %sub3A_272 : vector<16xf32>
        %get3A_273 = arith.index_cast %add3A_262 : i32 to index
        %get3A_274 = arith.constant 16 : index
        %get3A_275 = tpu.vector_load %arg18[%get3A_273, %get3A_274] {strides = array<i32>} : memref<64x128xf32, #tpu.memory_space<vmem>>, vector<16xf32>,
        %get3A_276 = arith.index_cast %add3A_262 : i32 to index
        %get3A_277 = arith.constant 16 : index
        %get3A_278 = tpu.vector_load %arg19[%get3A_276, %get3A_277] {strides = array<i32>} : memref<64x128xf32, #tpu.memory_space<vmem>>, vector<16xf32>,
        %add3A_279 = arith.addf %get3A_275, %get3A_278 : vector<16xf32>
        %get3A_280 = arith.index_cast %add3A_262 : i32 to index
        %get3A_281 = arith.constant 16 : index
        %get3A_282 = tpu.vector_load %arg20[%get3A_280, %get3A_281] {strides = array<i32>} : memref<64x128xf32, #tpu.memory_space<vmem>>, vector<16xf32>,
        %sub3A_283 = arith.subf %add3A_279, %get3A_282 : vector<16xf32>
        %abs3A_284 = math.absf %sub3A_283 : vector<16xf32>
        %add3A_285 = arith.addf %abs3A, %abs3A_284 : vector<16xf32>
        %get3A_286 = arith.index_cast %add3A_262 : i32 to index
        %get3A_287 = arith.constant 32 : index
        %get3A_288 = tpu.vector_load %arg18[%get3A_286, %get3A_287] {strides = array<i32>} : memref<64x128xf32, #tpu.memory_space<vmem>>, vector<16xf32>,
        %get3A_289 = arith.index_cast %add3A_262 : i32 to index
        %get3A_290 = arith.constant 32 : index
        %get3A_291 = tpu.vector_load %arg19[%get3A_289, %get3A_290] {strides = array<i32>} : memref<64x128xf32, #tpu.memory_space<vmem>>, vector<16xf32>,
        %add3A_292 = arith.addf %get3A_288, %get3A_291 : vector<16xf32>
        %get3A_293 = arith.index_cast %add3A_262 : i32 to index
        %get3A_294 = arith.constant 32 : index
        %get3A_295 = tpu.vector_load %arg20[%get3A_293, %get3A_294] {strides = array<i32>} : memref<64x128xf32, #tpu.memory_space<vmem>>, vector<16xf32>,
        %sub3A_296 = arith.subf %add3A_292, %get3A_295 : vector<16xf32>
        %abs3A_297 = math.absf %sub3A_296 : vector<16xf32>
        %add3A_298 = arith.addf %add3A_285, %abs3A_297 : vector<16xf32>
        %get3A_299 = arith.index_cast %add3A_262 : i32 to index
        %get3A_300 = arith.constant 48 : index
        %get3A_301 = tpu.vector_load %arg18[%get3A_299, %get3A_300] {strides = array<i32>} : memref<64x128xf32, #tpu.memory_space<vmem>>, vector<16xf32>,
        %get3A_302 = arith.index_cast %add3A_262 : i32 to index
        %get3A_303 = arith.constant 48 : index
        %get3A_304 = tpu.vector_load %arg19[%get3A_302, %get3A_303] {strides = array<i32>} : memref<64x128xf32, #tpu.memory_space<vmem>>, vector<16xf32>,
        %add3A_305 = arith.addf %get3A_301, %get3A_304 : vector<16xf32>
        %get3A_306 = arith.index_cast %add3A_262 : i32 to index
        %get3A_307 = arith.constant 48 : index
        %get3A_308 = tpu.vector_load %arg20[%get3A_306, %get3A_307] {strides = array<i32>} : memref<64x128xf32, #tpu.memory_space<vmem>>, vector<16xf32>,
        %sub3A_309 = arith.subf %add3A_305, %get3A_308 : vector<16xf32>
        %abs3A_310 = math.absf %sub3A_309 : vector<16xf32>
        %add3A_311 = arith.addf %add3A_298, %abs3A_310 : vector<16xf32>
        %reduce_sum3A = arith.constant true
        %reduce_sum3A_312 = vector.broadcast %reduce_sum3A : i1 to vector<16xi1>
        %reduce_sum3A_313 = tpu.scan <sum>, %add3A_311 masked %reduce_sum3A_312 : vector<16xf32>, vector<16xi1> -> vector<16xf32>
        %reduce_sum3A_314 = vector.extract %reduce_sum3A_313[15] : f32 from vector<16xf32>
        %eq3A_315 = arith.constant 0 : i32
        %eq3A_316 = vector.broadcast %eq3A_315 : i32 to vector<16xi32>
        %eq3A_317 = arith.cmpi eq, %iota3A, %eq3A_316 : vector<16xi32>
        %broadcast_in_dim3A_318 = vector.broadcast %reduce_sum3A_314 : f32 to vector<16xf32>
        %select_n3A_319 = arith.select %eq3A_317, %broadcast_in_dim3A_318, %broadcast_in_dim3A_258 : vector<16xi1>, vector<16xf32>
        %mul3A_320 = arith.constant 16 : i32
        %mul3A_321 = arith.muli %scan3A_256, %mul3A_320 : i32
        %add3A_322 = arith.constant 1 : i32
        %add3A_323 = arith.addi %mul3A_321, %add3A_322 : i32
        %get3A_324 = arith.index_cast %add3A_323 : i32 to index
        %get3A_325 = arith.constant 0 : index
        %get3A_326 = tpu.vector_load %arg18[%get3A_324, %get3A_325] {strides = array<i32>} : memref<64x128xf32, #tpu.memory_space<vmem>>, vector<16xf32>,
        %get3A_327 = arith.index_cast %add3A_323 : i32 to index
        %get3A_328 = arith.constant 0 : index
        %get3A_329 = tpu.vector_load %arg19[%get3A_327, %get3A_328] {strides = array<i32>} : memref<64x128xf32, #tpu.memory_space<vmem>>, vector<16xf32>,
        %add3A_330 = arith.addf %get3A_326, %get3A_329 : vector<16xf32>
        %get3A_331 = arith.index_cast %add3A_323 : i32 to index
        %get3A_332 = arith.constant 0 : index
        %get3A_333 = tpu.vector_load %arg20[%get3A_331, %get3A_332] {strides = array<i32>} : memref<64x128xf32, #tpu.memory_space<vmem>>, vector<16xf32>,
        %sub3A_334 = arith.subf %add3A_330, %get3A_333 : vector<16xf32>
        %abs3A_335 = math.absf %sub3A_334 : vector<16xf32>
        %get3A_336 = arith.index_cast %add3A_323 : i32 to index
        %get3A_337 = arith.constant 16 : index
        %get3A_338 = tpu.vector_load %arg18[%get3A_336, %get3A_337] {strides = array<i32>} : memref<64x128xf32, #tpu.memory_space<vmem>>, vector<16xf32>,
        %get3A_339 = arith.index_cast %add3A_323 : i32 to index
        %get3A_340 = arith.constant 16 : index
        %get3A_341 = tpu.vector_load %arg19[%get3A_339, %get3A_340] {strides = array<i32>} : memref<64x128xf32, #tpu.memory_space<vmem>>, vector<16xf32>,
        %add3A_342 = arith.addf %get3A_338, %get3A_341 : vector<16xf32>
        %get3A_343 = arith.index_cast %add3A_323 : i32 to index
        %get3A_344 = arith.constant 16 : index
        %get3A_345 = tpu.vector_load %arg20[%get3A_343, %get3A_344] {strides = array<i32>} : memref<64x128xf32, #tpu.memory_space<vmem>>, vector<16xf32>,
        %sub3A_346 = arith.subf %add3A_342, %get3A_345 : vector<16xf32>
        %abs3A_347 = math.absf %sub3A_346 : vector<16xf32>
        %add3A_348 = arith.addf %abs3A_335, %abs3A_347 : vector<16xf32>
        %get3A_349 = arith.index_cast %add3A_323 : i32 to index
        %get3A_350 = arith.constant 32 : index
        %get3A_351 = tpu.vector_load %arg18[%get3A_349, %get3A_350] {strides = array<i32>} : memref<64x128xf32, #tpu.memory_space<vmem>>, vector<16xf32>,
        %get3A_352 = arith.index_cast %add3A_323 : i32 to index
        %get3A_353 = arith.constant 32 : index
        %get3A_354 = tpu.vector_load %arg19[%get3A_352, %get3A_353] {strides = array<i32>} : memref<64x128xf32, #tpu.memory_space<vmem>>, vector<16xf32>,
        %add3A_355 = arith.addf %get3A_351, %get3A_354 : vector<16xf32>
        %get3A_356 = arith.index_cast %add3A_323 : i32 to index
        %get3A_357 = arith.constant 32 : index
        %get3A_358 = tpu.vector_load %arg20[%get3A_356, %get3A_357] {strides = array<i32>} : memref<64x128xf32, #tpu.memory_space<vmem>>, vector<16xf32>,
        %sub3A_359 = arith.subf %add3A_355, %get3A_358 : vector<16xf32>
        %abs3A_360 = math.absf %sub3A_359 : vector<16xf32>
        %add3A_361 = arith.addf %add3A_348, %abs3A_360 : vector<16xf32>
        %get3A_362 = arith.index_cast %add3A_323 : i32 to index
        %get3A_363 = arith.constant 48 : index
        %get3A_364 = tpu.vector_load %arg18[%get3A_362, %get3A_363] {strides = array<i32>} : memref<64x128xf32, #tpu.memory_space<vmem>>, vector<16xf32>,
        %get3A_365 = arith.index_cast %add3A_323 : i32 to index
        %get3A_366 = arith.constant 48 : index
        %get3A_367 = tpu.vector_load %arg19[%get3A_365, %get3A_366] {strides = array<i32>} : memref<64x128xf32, #tpu.memory_space<vmem>>, vector<16xf32>,
        %add3A_368 = arith.addf %get3A_364, %get3A_367 : vector<16xf32>
        %get3A_369 = arith.index_cast %add3A_323 : i32 to index
        %get3A_370 = arith.constant 48 : index
        %get3A_371 = tpu.vector_load %arg20[%get3A_369, %get3A_370] {strides = array<i32>} : memref<64x128xf32, #tpu.memory_space<vmem>>, vector<16xf32>,
        %sub3A_372 = arith.subf %add3A_368, %get3A_371 : vector<16xf32>
        %abs3A_373 = math.absf %sub3A_372 : vector<16xf32>
        %add3A_374 = arith.addf %add3A_361, %abs3A_373 : vector<16xf32>
        %reduce_sum3A_375 = arith.constant true
        %reduce_sum3A_376 = vector.broadcast %reduce_sum3A_375 : i1 to vector<16xi1>
        %reduce_sum3A_377 = tpu.scan <sum>, %add3A_374 masked %reduce_sum3A_376 : vector<16xf32>, vector<16xi1> -> vector<16xf32>
        %reduce_sum3A_378 = vector.extract %reduce_sum3A_377[15] : f32 from vector<16xf32>
        %eq3A_379 = arith.constant 1 : i32
        %eq3A_380 = vector.broadcast %eq3A_379 : i32 to vector<16xi32>
        %eq3A_381 = arith.cmpi eq, %iota3A, %eq3A_380 : vector<16xi32>
        %broadcast_in_dim3A_382 = vector.broadcast %reduce_sum3A_378 : f32 to vector<16xf32>
        %select_n3A_383 = arith.select %eq3A_381, %broadcast_in_dim3A_382, %select_n3A_319 : vector<16xi1>, vector<16xf32>
        %mul3A_384 = arith.constant 16 : i32
        %mul3A_385 = arith.muli %scan3A_256, %mul3A_384 : i32
        %add3A_386 = arith.constant 2 : i32
        %add3A_387 = arith.addi %mul3A_385, %add3A_386 : i32
        %get3A_388 = arith.index_cast %add3A_387 : i32 to index
        %get3A_389 = arith.constant 0 : index
        %get3A_390 = tpu.vector_load %arg18[%get3A_388, %get3A_389] {strides = array<i32>} : memref<64x128xf32, #tpu.memory_space<vmem>>, vector<16xf32>,
        %get3A_391 = arith.index_cast %add3A_387 : i32 to index
        %get3A_392 = arith.constant 0 : index
        %get3A_393 = tpu.vector_load %arg19[%get3A_391, %get3A_392] {strides = array<i32>} : memref<64x128xf32, #tpu.memory_space<vmem>>, vector<16xf32>,
        %add3A_394 = arith.addf %get3A_390, %get3A_393 : vector<16xf32>
        %get3A_395 = arith.index_cast %add3A_387 : i32 to index
        %get3A_396 = arith.constant 0 : index
        %get3A_397 = tpu.vector_load %arg20[%get3A_395, %get3A_396] {strides = array<i32>} : memref<64x128xf32, #tpu.memory_space<vmem>>, vector<16xf32>,
        %sub3A_398 = arith.subf %add3A_394, %get3A_397 : vector<16xf32>
        %abs3A_399 = math.absf %sub3A_398 : vector<16xf32>
        %get3A_400 = arith.index_cast %add3A_387 : i32 to index
        %get3A_401 = arith.constant 16 : index
        %get3A_402 = tpu.vector_load %arg18[%get3A_400, %get3A_401] {strides = array<i32>} : memref<64x128xf32, #tpu.memory_space<vmem>>, vector<16xf32>,
        %get3A_403 = arith.index_cast %add3A_387 : i32 to index
        %get3A_404 = arith.constant 16 : index
        %get3A_405 = tpu.vector_load %arg19[%get3A_403, %get3A_404] {strides = array<i32>} : memref<64x128xf32, #tpu.memory_space<vmem>>, vector<16xf32>,
        %add3A_406 = arith.addf %get3A_402, %get3A_405 : vector<16xf32>
        %get3A_407 = arith.index_cast %add3A_387 : i32 to index
        %get3A_408 = arith.constant 16 : index
        %get3A_409 = tpu.vector_load %arg20[%get3A_407, %get3A_408] {strides = array<i32>} : memref<64x128xf32, #tpu.memory_space<vmem>>, vector<16xf32>,
        %sub3A_410 = arith.subf %add3A_406, %get3A_409 : vector<16xf32>
        %abs3A_411 = math.absf %sub3A_410 : vector<16xf32>
        %add3A_412 = arith.addf %abs3A_399, %abs3A_411 : vector<16xf32>
        %get3A_413 = arith.index_cast %add3A_387 : i32 to index
        %get3A_414 = arith.constant 32 : index
        %get3A_415 = tpu.vector_load %arg18[%get3A_413, %get3A_414] {strides = array<i32>} : memref<64x128xf32, #tpu.memory_space<vmem>>, vector<16xf32>,
        %get3A_416 = arith.index_cast %add3A_387 : i32 to index
        %get3A_417 = arith.constant 32 : index
        %get3A_418 = tpu.vector_load %arg19[%get3A_416, %get3A_417] {strides = array<i32>} : memref<64x128xf32, #tpu.memory_space<vmem>>, vector<16xf32>,
        %add3A_419 = arith.addf %get3A_415, %get3A_418 : vector<16xf32>
        %get3A_420 = arith.index_cast %add3A_387 : i32 to index
        %get3A_421 = arith.constant 32 : index
        %get3A_422 = tpu.vector_load %arg20[%get3A_420, %get3A_421] {strides = array<i32>} : memref<64x128xf32, #tpu.memory_space<vmem>>, vector<16xf32>,
        %sub3A_423 = arith.subf %add3A_419, %get3A_422 : vector<16xf32>
        %abs3A_424 = math.absf %sub3A_423 : vector<16xf32>
        %add3A_425 = arith.addf %add3A_412, %abs3A_424 : vector<16xf32>
        %get3A_426 = arith.index_cast %add3A_387 : i32 to index
        %get3A_427 = arith.constant 48 : index
        %get3A_428 = tpu.vector_load %arg18[%get3A_426, %get3A_427] {strides = array<i32>} : memref<64x128xf32, #tpu.memory_space<vmem>>, vector<16xf32>,
        %get3A_429 = arith.index_cast %add3A_387 : i32 to index
        %get3A_430 = arith.constant 48 : index
        %get3A_431 = tpu.vector_load %arg19[%get3A_429, %get3A_430] {strides = array<i32>} : memref<64x128xf32, #tpu.memory_space<vmem>>, vector<16xf32>,
        %add3A_432 = arith.addf %get3A_428, %get3A_431 : vector<16xf32>
        %get3A_433 = arith.index_cast %add3A_387 : i32 to index
        %get3A_434 = arith.constant 48 : index
        %get3A_435 = tpu.vector_load %arg20[%get3A_433, %get3A_434] {strides = array<i32>} : memref<64x128xf32, #tpu.memory_space<vmem>>, vector<16xf32>,
        %sub3A_436 = arith.subf %add3A_432, %get3A_435 : vector<16xf32>
        %abs3A_437 = math.absf %sub3A_436 : vector<16xf32>
        %add3A_438 = arith.addf %add3A_425, %abs3A_437 : vector<16xf32>
        %reduce_sum3A_439 = arith.constant true
        %reduce_sum3A_440 = vector.broadcast %reduce_sum3A_439 : i1 to vector<16xi1>
        %reduce_sum3A_441 = tpu.scan <sum>, %add3A_438 masked %reduce_sum3A_440 : vector<16xf32>, vector<16xi1> -> vector<16xf32>
        %reduce_sum3A_442 = vector.extract %reduce_sum3A_441[15] : f32 from vector<16xf32>
        %eq3A_443 = arith.constant 2 : i32
        %eq3A_444 = vector.broadcast %eq3A_443 : i32 to vector<16xi32>
        %eq3A_445 = arith.cmpi eq, %iota3A, %eq3A_444 : vector<16xi32>
        %broadcast_in_dim3A_446 = vector.broadcast %reduce_sum3A_442 : f32 to vector<16xf32>
        %select_n3A_447 = arith.select %eq3A_445, %broadcast_in_dim3A_446, %select_n3A_383 : vector<16xi1>, vector<16xf32>
        %mul3A_448 = arith.constant 16 : i32
        %mul3A_449 = arith.muli %scan3A_256, %mul3A_448 : i32
        %add3A_450 = arith.constant 3 : i32
        %add3A_451 = arith.addi %mul3A_449, %add3A_450 : i32
        %get3A_452 = arith.index_cast %add3A_451 : i32 to index
        %get3A_453 = arith.constant 0 : index
        %get3A_454 = tpu.vector_load %arg18[%get3A_452, %get3A_453] {strides = array<i32>} : memref<64x128xf32, #tpu.memory_space<vmem>>, vector<16xf32>,
        %get3A_455 = arith.index_cast %add3A_451 : i32 to index
        %get3A_456 = arith.constant 0 : index
        %get3A_457 = tpu.vector_load %arg19[%get3A_455, %get3A_456] {strides = array<i32>} : memref<64x128xf32, #tpu.memory_space<vmem>>, vector<16xf32>,
        %add3A_458 = arith.addf %get3A_454, %get3A_457 : vector<16xf32>
        %get3A_459 = arith.index_cast %add3A_451 : i32 to index
        %get3A_460 = arith.constant 0 : index
        %get3A_461 = tpu.vector_load %arg20[%get3A_459, %get3A_460] {strides = array<i32>} : memref<64x128xf32, #tpu.memory_space<vmem>>, vector<16xf32>,
        %sub3A_462 = arith.subf %add3A_458, %get3A_461 : vector<16xf32>
        %abs3A_463 = math.absf %sub3A_462 : vector<16xf32>
        %get3A_464 = arith.index_cast %add3A_451 : i32 to index
        %get3A_465 = arith.constant 16 : index
        %get3A_466 = tpu.vector_load %arg18[%get3A_464, %get3A_465] {strides = array<i32>} : memref<64x128xf32, #tpu.memory_space<vmem>>, vector<16xf32>,
        %get3A_467 = arith.index_cast %add3A_451 : i32 to index
        %get3A_468 = arith.constant 16 : index
        %get3A_469 = tpu.vector_load %arg19[%get3A_467, %get3A_468] {strides = array<i32>} : memref<64x128xf32, #tpu.memory_space<vmem>>, vector<16xf32>,
        %add3A_470 = arith.addf %get3A_466, %get3A_469 : vector<16xf32>
        %get3A_471 = arith.index_cast %add3A_451 : i32 to index
        %get3A_472 = arith.constant 16 : index
        %get3A_473 = tpu.vector_load %arg20[%get3A_471, %get3A_472] {strides = array<i32>} : memref<64x128xf32, #tpu.memory_space<vmem>>, vector<16xf32>,
        %sub3A_474 = arith.subf %add3A_470, %get3A_473 : vector<16xf32>
        %abs3A_475 = math.absf %sub3A_474 : vector<16xf32>
        %add3A_476 = arith.addf %abs3A_463, %abs3A_475 : vector<16xf32>
        %get3A_477 = arith.index_cast %add3A_451 : i32 to index
        %get3A_478 = arith.constant 32 : index
        %get3A_479 = tpu.vector_load %arg18[%get3A_477, %get3A_478] {strides = array<i32>} : memref<64x128xf32, #tpu.memory_space<vmem>>, vector<16xf32>,
        %get3A_480 = arith.index_cast %add3A_451 : i32 to index
        %get3A_481 = arith.constant 32 : index
        %get3A_482 = tpu.vector_load %arg19[%get3A_480, %get3A_481] {strides = array<i32>} : memref<64x128xf32, #tpu.memory_space<vmem>>, vector<16xf32>,
        %add3A_483 = arith.addf %get3A_479, %get3A_482 : vector<16xf32>
        %get3A_484 = arith.index_cast %add3A_451 : i32 to index
        %get3A_485 = arith.constant 32 : index
        %get3A_486 = tpu.vector_load %arg20[%get3A_484, %get3A_485] {strides = array<i32>} : memref<64x128xf32, #tpu.memory_space<vmem>>, vector<16xf32>,
        %sub3A_487 = arith.subf %add3A_483, %get3A_486 : vector<16xf32>
        %abs3A_488 = math.absf %sub3A_487 : vector<16xf32>
        %add3A_489 = arith.addf %add3A_476, %abs3A_488 : vector<16xf32>
        %get3A_490 = arith.index_cast %add3A_451 : i32 to index
        %get3A_491 = arith.constant 48 : index
        %get3A_492 = tpu.vector_load %arg18[%get3A_490, %get3A_491] {strides = array<i32>} : memref<64x128xf32, #tpu.memory_space<vmem>>, vector<16xf32>,
        %get3A_493 = arith.index_cast %add3A_451 : i32 to index
        %get3A_494 = arith.constant 48 : index
        %get3A_495 = tpu.vector_load %arg19[%get3A_493, %get3A_494] {strides = array<i32>} : memref<64x128xf32, #tpu.memory_space<vmem>>, vector<16xf32>,
        %add3A_496 = arith.addf %get3A_492, %get3A_495 : vector<16xf32>
        %get3A_497 = arith.index_cast %add3A_451 : i32 to index
        %get3A_498 = arith.constant 48 : index
        %get3A_499 = tpu.vector_load %arg20[%get3A_497, %get3A_498] {strides = array<i32>} : memref<64x128xf32, #tpu.memory_space<vmem>>, vector<16xf32>,
        %sub3A_500 = arith.subf %add3A_496, %get3A_499 : vector<16xf32>
        %abs3A_501 = math.absf %sub3A_500 : vector<16xf32>
        %add3A_502 = arith.addf %add3A_489, %abs3A_501 : vector<16xf32>
        %reduce_sum3A_503 = arith.constant true
        %reduce_sum3A_504 = vector.broadcast %reduce_sum3A_503 : i1 to vector<16xi1>
        %reduce_sum3A_505 = tpu.scan <sum>, %add3A_502 masked %reduce_sum3A_504 : vector<16xf32>, vector<16xi1> -> vector<16xf32>
        %reduce_sum3A_506 = vector.extract %reduce_sum3A_505[15] : f32 from vector<16xf32>
        %eq3A_507 = arith.constant 3 : i32
        %eq3A_508 = vector.broadcast %eq3A_507 : i32 to vector<16xi32>
        %eq3A_509 = arith.cmpi eq, %iota3A, %eq3A_508 : vector<16xi32>
        %broadcast_in_dim3A_510 = vector.broadcast %reduce_sum3A_506 : f32 to vector<16xf32>
        %select_n3A_511 = arith.select %eq3A_509, %broadcast_in_dim3A_510, %select_n3A_447 : vector<16xi1>, vector<16xf32>
        %mul3A_512 = arith.constant 16 : i32
        %mul3A_513 = arith.muli %scan3A_256, %mul3A_512 : i32
        %add3A_514 = arith.constant 4 : i32
        %add3A_515 = arith.addi %mul3A_513, %add3A_514 : i32
        %get3A_516 = arith.index_cast %add3A_515 : i32 to index
        %get3A_517 = arith.constant 0 : index
        %get3A_518 = tpu.vector_load %arg18[%get3A_516, %get3A_517] {strides = array<i32>} : memref<64x128xf32, #tpu.memory_space<vmem>>, vector<16xf32>,
        %get3A_519 = arith.index_cast %add3A_515 : i32 to index
        %get3A_520 = arith.constant 0 : index
        %get3A_521 = tpu.vector_load %arg19[%get3A_519, %get3A_520] {strides = array<i32>} : memref<64x128xf32, #tpu.memory_space<vmem>>, vector<16xf32>,
        %add3A_522 = arith.addf %get3A_518, %get3A_521 : vector<16xf32>
        %get3A_523 = arith.index_cast %add3A_515 : i32 to index
        %get3A_524 = arith.constant 0 : index
        %get3A_525 = tpu.vector_load %arg20[%get3A_523, %get3A_524] {strides = array<i32>} : memref<64x128xf32, #tpu.memory_space<vmem>>, vector<16xf32>,
        %sub3A_526 = arith.subf %add3A_522, %get3A_525 : vector<16xf32>
        %abs3A_527 = math.absf %sub3A_526 : vector<16xf32>
        %get3A_528 = arith.index_cast %add3A_515 : i32 to index
        %get3A_529 = arith.constant 16 : index
        %get3A_530 = tpu.vector_load %arg18[%get3A_528, %get3A_529] {strides = array<i32>} : memref<64x128xf32, #tpu.memory_space<vmem>>, vector<16xf32>,
        %get3A_531 = arith.index_cast %add3A_515 : i32 to index
        %get3A_532 = arith.constant 16 : index
        %get3A_533 = tpu.vector_load %arg19[%get3A_531, %get3A_532] {strides = array<i32>} : memref<64x128xf32, #tpu.memory_space<vmem>>, vector<16xf32>,
        %add3A_534 = arith.addf %get3A_530, %get3A_533 : vector<16xf32>
        %get3A_535 = arith.index_cast %add3A_515 : i32 to index
        %get3A_536 = arith.constant 16 : index
        %get3A_537 = tpu.vector_load %arg20[%get3A_535, %get3A_536] {strides = array<i32>} : memref<64x128xf32, #tpu.memory_space<vmem>>, vector<16xf32>,
        %sub3A_538 = arith.subf %add3A_534, %get3A_537 : vector<16xf32>
        %abs3A_539 = math.absf %sub3A_538 : vector<16xf32>
        %add3A_540 = arith.addf %abs3A_527, %abs3A_539 : vector<16xf32>
        %get3A_541 = arith.index_cast %add3A_515 : i32 to index
        %get3A_542 = arith.constant 32 : index
        %get3A_543 = tpu.vector_load %arg18[%get3A_541, %get3A_542] {strides = array<i32>} : memref<64x128xf32, #tpu.memory_space<vmem>>, vector<16xf32>,
        %get3A_544 = arith.index_cast %add3A_515 : i32 to index
        %get3A_545 = arith.constant 32 : index
        %get3A_546 = tpu.vector_load %arg19[%get3A_544, %get3A_545] {strides = array<i32>} : memref<64x128xf32, #tpu.memory_space<vmem>>, vector<16xf32>,
        %add3A_547 = arith.addf %get3A_543, %get3A_546 : vector<16xf32>
        %get3A_548 = arith.index_cast %add3A_515 : i32 to index
        %get3A_549 = arith.constant 32 : index
        %get3A_550 = tpu.vector_load %arg20[%get3A_548, %get3A_549] {strides = array<i32>} : memref<64x128xf32, #tpu.memory_space<vmem>>, vector<16xf32>,
        %sub3A_551 = arith.subf %add3A_547, %get3A_550 : vector<16xf32>
        %abs3A_552 = math.absf %sub3A_551 : vector<16xf32>
        %add3A_553 = arith.addf %add3A_540, %abs3A_552 : vector<16xf32>
        %get3A_554 = arith.index_cast %add3A_515 : i32 to index
        %get3A_555 = arith.constant 48 : index
        %get3A_556 = tpu.vector_load %arg18[%get3A_554, %get3A_555] {strides = array<i32>} : memref<64x128xf32, #tpu.memory_space<vmem>>, vector<16xf32>,
        %get3A_557 = arith.index_cast %add3A_515 : i32 to index
        %get3A_558 = arith.constant 48 : index
        %get3A_559 = tpu.vector_load %arg19[%get3A_557, %get3A_558] {strides = array<i32>} : memref<64x128xf32, #tpu.memory_space<vmem>>, vector<16xf32>,
        %add3A_560 = arith.addf %get3A_556, %get3A_559 : vector<16xf32>
        %get3A_561 = arith.index_cast %add3A_515 : i32 to index
        %get3A_562 = arith.constant 48 : index
        %get3A_563 = tpu.vector_load %arg20[%get3A_561, %get3A_562] {strides = array<i32>} : memref<64x128xf32, #tpu.memory_space<vmem>>, vector<16xf32>,
        %sub3A_564 = arith.subf %add3A_560, %get3A_563 : vector<16xf32>
        %abs3A_565 = math.absf %sub3A_564 : vector<16xf32>
        %add3A_566 = arith.addf %add3A_553, %abs3A_565 : vector<16xf32>
        %reduce_sum3A_567 = arith.constant true
        %reduce_sum3A_568 = vector.broadcast %reduce_sum3A_567 : i1 to vector<16xi1>
        %reduce_sum3A_569 = tpu.scan <sum>, %add3A_566 masked %reduce_sum3A_568 : vector<16xf32>, vector<16xi1> -> vector<16xf32>
        %reduce_sum3A_570 = vector.extract %reduce_sum3A_569[15] : f32 from vector<16xf32>
        %eq3A_571 = arith.constant 4 : i32
        %eq3A_572 = vector.broadcast %eq3A_571 : i32 to vector<16xi32>
        %eq3A_573 = arith.cmpi eq, %iota3A, %eq3A_572 : vector<16xi32>
        %broadcast_in_dim3A_574 = vector.broadcast %reduce_sum3A_570 : f32 to vector<16xf32>
        %select_n3A_575 = arith.select %eq3A_573, %broadcast_in_dim3A_574, %select_n3A_511 : vector<16xi1>, vector<16xf32>
        %mul3A_576 = arith.constant 16 : i32
        %mul3A_577 = arith.muli %scan3A_256, %mul3A_576 : i32
        %add3A_578 = arith.constant 5 : i32
        %add3A_579 = arith.addi %mul3A_577, %add3A_578 : i32
        %get3A_580 = arith.index_cast %add3A_579 : i32 to index
        %get3A_581 = arith.constant 0 : index
        %get3A_582 = tpu.vector_load %arg18[%get3A_580, %get3A_581] {strides = array<i32>} : memref<64x128xf32, #tpu.memory_space<vmem>>, vector<16xf32>,
        %get3A_583 = arith.index_cast %add3A_579 : i32 to index
        %get3A_584 = arith.constant 0 : index
        %get3A_585 = tpu.vector_load %arg19[%get3A_583, %get3A_584] {strides = array<i32>} : memref<64x128xf32, #tpu.memory_space<vmem>>, vector<16xf32>,
        %add3A_586 = arith.addf %get3A_582, %get3A_585 : vector<16xf32>
        %get3A_587 = arith.index_cast %add3A_579 : i32 to index
        %get3A_588 = arith.constant 0 : index
        %get3A_589 = tpu.vector_load %arg20[%get3A_587, %get3A_588] {strides = array<i32>} : memref<64x128xf32, #tpu.memory_space<vmem>>, vector<16xf32>,
        %sub3A_590 = arith.subf %add3A_586, %get3A_589 : vector<16xf32>
        %abs3A_591 = math.absf %sub3A_590 : vector<16xf32>
        %get3A_592 = arith.index_cast %add3A_579 : i32 to index
        %get3A_593 = arith.constant 16 : index
        %get3A_594 = tpu.vector_load %arg18[%get3A_592, %get3A_593] {strides = array<i32>} : memref<64x128xf32, #tpu.memory_space<vmem>>, vector<16xf32>,
        %get3A_595 = arith.index_cast %add3A_579 : i32 to index
        %get3A_596 = arith.constant 16 : index
        %get3A_597 = tpu.vector_load %arg19[%get3A_595, %get3A_596] {strides = array<i32>} : memref<64x128xf32, #tpu.memory_space<vmem>>, vector<16xf32>,
        %add3A_598 = arith.addf %get3A_594, %get3A_597 : vector<16xf32>
        %get3A_599 = arith.index_cast %add3A_579 : i32 to index
        %get3A_600 = arith.constant 16 : index
        %get3A_601 = tpu.vector_load %arg20[%get3A_599, %get3A_600] {strides = array<i32>} : memref<64x128xf32, #tpu.memory_space<vmem>>, vector<16xf32>,
        %sub3A_602 = arith.subf %add3A_598, %get3A_601 : vector<16xf32>
        %abs3A_603 = math.absf %sub3A_602 : vector<16xf32>
        %add3A_604 = arith.addf %abs3A_591, %abs3A_603 : vector<16xf32>
        %get3A_605 = arith.index_cast %add3A_579 : i32 to index
        %get3A_606 = arith.constant 32 : index
        %get3A_607 = tpu.vector_load %arg18[%get3A_605, %get3A_606] {strides = array<i32>} : memref<64x128xf32, #tpu.memory_space<vmem>>, vector<16xf32>,
        %get3A_608 = arith.index_cast %add3A_579 : i32 to index
        %get3A_609 = arith.constant 32 : index
        %get3A_610 = tpu.vector_load %arg19[%get3A_608, %get3A_609] {strides = array<i32>} : memref<64x128xf32, #tpu.memory_space<vmem>>, vector<16xf32>,
        %add3A_611 = arith.addf %get3A_607, %get3A_610 : vector<16xf32>
        %get3A_612 = arith.index_cast %add3A_579 : i32 to index
        %get3A_613 = arith.constant 32 : index
        %get3A_614 = tpu.vector_load %arg20[%get3A_612, %get3A_613] {strides = array<i32>} : memref<64x128xf32, #tpu.memory_space<vmem>>, vector<16xf32>,
        %sub3A_615 = arith.subf %add3A_611, %get3A_614 : vector<16xf32>
        %abs3A_616 = math.absf %sub3A_615 : vector<16xf32>
        %add3A_617 = arith.addf %add3A_604, %abs3A_616 : vector<16xf32>
        %get3A_618 = arith.index_cast %add3A_579 : i32 to index
        %get3A_619 = arith.constant 48 : index
        %get3A_620 = tpu.vector_load %arg18[%get3A_618, %get3A_619] {strides = array<i32>} : memref<64x128xf32, #tpu.memory_space<vmem>>, vector<16xf32>,
        %get3A_621 = arith.index_cast %add3A_579 : i32 to index
        %get3A_622 = arith.constant 48 : index
        %get3A_623 = tpu.vector_load %arg19[%get3A_621, %get3A_622] {strides = array<i32>} : memref<64x128xf32, #tpu.memory_space<vmem>>, vector<16xf32>,
        %add3A_624 = arith.addf %get3A_620, %get3A_623 : vector<16xf32>
        %get3A_625 = arith.index_cast %add3A_579 : i32 to index
        %get3A_626 = arith.constant 48 : index
        %get3A_627 = tpu.vector_load %arg20[%get3A_625, %get3A_626] {strides = array<i32>} : memref<64x128xf32, #tpu.memory_space<vmem>>, vector<16xf32>,
        %sub3A_628 = arith.subf %add3A_624, %get3A_627 : vector<16xf32>
        %abs3A_629 = math.absf %sub3A_628 : vector<16xf32>
        %add3A_630 = arith.addf %add3A_617, %abs3A_629 : vector<16xf32>
        %reduce_sum3A_631 = arith.constant true
        %reduce_sum3A_632 = vector.broadcast %reduce_sum3A_631 : i1 to vector<16xi1>
        %reduce_sum3A_633 = tpu.scan <sum>, %add3A_630 masked %reduce_sum3A_632 : vector<16xf32>, vector<16xi1> -> vector<16xf32>
        %reduce_sum3A_634 = vector.extract %reduce_sum3A_633[15] : f32 from vector<16xf32>
        %eq3A_635 = arith.constant 5 : i32
        %eq3A_636 = vector.broadcast %eq3A_635 : i32 to vector<16xi32>
        %eq3A_637 = arith.cmpi eq, %iota3A, %eq3A_636 : vector<16xi32>
        %broadcast_in_dim3A_638 = vector.broadcast %reduce_sum3A_634 : f32 to vector<16xf32>
        %select_n3A_639 = arith.select %eq3A_637, %broadcast_in_dim3A_638, %select_n3A_575 : vector<16xi1>, vector<16xf32>
        %mul3A_640 = arith.constant 16 : i32
        %mul3A_641 = arith.muli %scan3A_256, %mul3A_640 : i32
        %add3A_642 = arith.constant 6 : i32
        %add3A_643 = arith.addi %mul3A_641, %add3A_642 : i32
        %get3A_644 = arith.index_cast %add3A_643 : i32 to index
        %get3A_645 = arith.constant 0 : index
        %get3A_646 = tpu.vector_load %arg18[%get3A_644, %get3A_645] {strides = array<i32>} : memref<64x128xf32, #tpu.memory_space<vmem>>, vector<16xf32>,
        %get3A_647 = arith.index_cast %add3A_643 : i32 to index
        %get3A_648 = arith.constant 0 : index
        %get3A_649 = tpu.vector_load %arg19[%get3A_647, %get3A_648] {strides = array<i32>} : memref<64x128xf32, #tpu.memory_space<vmem>>, vector<16xf32>,
        %add3A_650 = arith.addf %get3A_646, %get3A_649 : vector<16xf32>
        %get3A_651 = arith.index_cast %add3A_643 : i32 to index
        %get3A_652 = arith.constant 0 : index
        %get3A_653 = tpu.vector_load %arg20[%get3A_651, %get3A_652] {strides = array<i32>} : memref<64x128xf32, #tpu.memory_space<vmem>>, vector<16xf32>,
        %sub3A_654 = arith.subf %add3A_650, %get3A_653 : vector<16xf32>
        %abs3A_655 = math.absf %sub3A_654 : vector<16xf32>
        %get3A_656 = arith.index_cast %add3A_643 : i32 to index
        %get3A_657 = arith.constant 16 : index
        %get3A_658 = tpu.vector_load %arg18[%get3A_656, %get3A_657] {strides = array<i32>} : memref<64x128xf32, #tpu.memory_space<vmem>>, vector<16xf32>,
        %get3A_659 = arith.index_cast %add3A_643 : i32 to index
        %get3A_660 = arith.constant 16 : index
        %get3A_661 = tpu.vector_load %arg19[%get3A_659, %get3A_660] {strides = array<i32>} : memref<64x128xf32, #tpu.memory_space<vmem>>, vector<16xf32>,
        %add3A_662 = arith.addf %get3A_658, %get3A_661 : vector<16xf32>
        %get3A_663 = arith.index_cast %add3A_643 : i32 to index
        %get3A_664 = arith.constant 16 : index
        %get3A_665 = tpu.vector_load %arg20[%get3A_663, %get3A_664] {strides = array<i32>} : memref<64x128xf32, #tpu.memory_space<vmem>>, vector<16xf32>,
        %sub3A_666 = arith.subf %add3A_662, %get3A_665 : vector<16xf32>
        %abs3A_667 = math.absf %sub3A_666 : vector<16xf32>
        %add3A_668 = arith.addf %abs3A_655, %abs3A_667 : vector<16xf32>
        %get3A_669 = arith.index_cast %add3A_643 : i32 to index
        %get3A_670 = arith.constant 32 : index
        %get3A_671 = tpu.vector_load %arg18[%get3A_669, %get3A_670] {strides = array<i32>} : memref<64x128xf32, #tpu.memory_space<vmem>>, vector<16xf32>,
        %get3A_672 = arith.index_cast %add3A_643 : i32 to index
        %get3A_673 = arith.constant 32 : index
        %get3A_674 = tpu.vector_load %arg19[%get3A_672, %get3A_673] {strides = array<i32>} : memref<64x128xf32, #tpu.memory_space<vmem>>, vector<16xf32>,
        %add3A_675 = arith.addf %get3A_671, %get3A_674 : vector<16xf32>
        %get3A_676 = arith.index_cast %add3A_643 : i32 to index
        %get3A_677 = arith.constant 32 : index
        %get3A_678 = tpu.vector_load %arg20[%get3A_676, %get3A_677] {strides = array<i32>} : memref<64x128xf32, #tpu.memory_space<vmem>>, vector<16xf32>,
        %sub3A_679 = arith.subf %add3A_675, %get3A_678 : vector<16xf32>
        %abs3A_680 = math.absf %sub3A_679 : vector<16xf32>
        %add3A_681 = arith.addf %add3A_668, %abs3A_680 : vector<16xf32>
        %get3A_682 = arith.index_cast %add3A_643 : i32 to index
        %get3A_683 = arith.constant 48 : index
        %get3A_684 = tpu.vector_load %arg18[%get3A_682, %get3A_683] {strides = array<i32>} : memref<64x128xf32, #tpu.memory_space<vmem>>, vector<16xf32>,
        %get3A_685 = arith.index_cast %add3A_643 : i32 to index
        %get3A_686 = arith.constant 48 : index
        %get3A_687 = tpu.vector_load %arg19[%get3A_685, %get3A_686] {strides = array<i32>} : memref<64x128xf32, #tpu.memory_space<vmem>>, vector<16xf32>,
        %add3A_688 = arith.addf %get3A_684, %get3A_687 : vector<16xf32>
        %get3A_689 = arith.index_cast %add3A_643 : i32 to index
        %get3A_690 = arith.constant 48 : index
        %get3A_691 = tpu.vector_load %arg20[%get3A_689, %get3A_690] {strides = array<i32>} : memref<64x128xf32, #tpu.memory_space<vmem>>, vector<16xf32>,
        %sub3A_692 = arith.subf %add3A_688, %get3A_691 : vector<16xf32>
        %abs3A_693 = math.absf %sub3A_692 : vector<16xf32>
        %add3A_694 = arith.addf %add3A_681, %abs3A_693 : vector<16xf32>
        %reduce_sum3A_695 = arith.constant true
        %reduce_sum3A_696 = vector.broadcast %reduce_sum3A_695 : i1 to vector<16xi1>
        %reduce_sum3A_697 = tpu.scan <sum>, %add3A_694 masked %reduce_sum3A_696 : vector<16xf32>, vector<16xi1> -> vector<16xf32>
        %reduce_sum3A_698 = vector.extract %reduce_sum3A_697[15] : f32 from vector<16xf32>
        %eq3A_699 = arith.constant 6 : i32
        %eq3A_700 = vector.broadcast %eq3A_699 : i32 to vector<16xi32>
        %eq3A_701 = arith.cmpi eq, %iota3A, %eq3A_700 : vector<16xi32>
        %broadcast_in_dim3A_702 = vector.broadcast %reduce_sum3A_698 : f32 to vector<16xf32>
        %select_n3A_703 = arith.select %eq3A_701, %broadcast_in_dim3A_702, %select_n3A_639 : vector<16xi1>, vector<16xf32>
        %mul3A_704 = arith.constant 16 : i32
        %mul3A_705 = arith.muli %scan3A_256, %mul3A_704 : i32
        %add3A_706 = arith.constant 7 : i32
        %add3A_707 = arith.addi %mul3A_705, %add3A_706 : i32
        %get3A_708 = arith.index_cast %add3A_707 : i32 to index
        %get3A_709 = arith.constant 0 : index
        %get3A_710 = tpu.vector_load %arg18[%get3A_708, %get3A_709] {strides = array<i32>} : memref<64x128xf32, #tpu.memory_space<vmem>>, vector<16xf32>,
        %get3A_711 = arith.index_cast %add3A_707 : i32 to index
        %get3A_712 = arith.constant 0 : index
        %get3A_713 = tpu.vector_load %arg19[%get3A_711, %get3A_712] {strides = array<i32>} : memref<64x128xf32, #tpu.memory_space<vmem>>, vector<16xf32>,
        %add3A_714 = arith.addf %get3A_710, %get3A_713 : vector<16xf32>
        %get3A_715 = arith.index_cast %add3A_707 : i32 to index
        %get3A_716 = arith.constant 0 : index
        %get3A_717 = tpu.vector_load %arg20[%get3A_715, %get3A_716] {strides = array<i32>} : memref<64x128xf32, #tpu.memory_space<vmem>>, vector<16xf32>,
        %sub3A_718 = arith.subf %add3A_714, %get3A_717 : vector<16xf32>
        %abs3A_719 = math.absf %sub3A_718 : vector<16xf32>
        %get3A_720 = arith.index_cast %add3A_707 : i32 to index
        %get3A_721 = arith.constant 16 : index
        %get3A_722 = tpu.vector_load %arg18[%get3A_720, %get3A_721] {strides = array<i32>} : memref<64x128xf32, #tpu.memory_space<vmem>>, vector<16xf32>,
        %get3A_723 = arith.index_cast %add3A_707 : i32 to index
        %get3A_724 = arith.constant 16 : index
        %get3A_725 = tpu.vector_load %arg19[%get3A_723, %get3A_724] {strides = array<i32>} : memref<64x128xf32, #tpu.memory_space<vmem>>, vector<16xf32>,
        %add3A_726 = arith.addf %get3A_722, %get3A_725 : vector<16xf32>
        %get3A_727 = arith.index_cast %add3A_707 : i32 to index
        %get3A_728 = arith.constant 16 : index
        %get3A_729 = tpu.vector_load %arg20[%get3A_727, %get3A_728] {strides = array<i32>} : memref<64x128xf32, #tpu.memory_space<vmem>>, vector<16xf32>,
        %sub3A_730 = arith.subf %add3A_726, %get3A_729 : vector<16xf32>
        %abs3A_731 = math.absf %sub3A_730 : vector<16xf32>
        %add3A_732 = arith.addf %abs3A_719, %abs3A_731 : vector<16xf32>
        %get3A_733 = arith.index_cast %add3A_707 : i32 to index
        %get3A_734 = arith.constant 32 : index
        %get3A_735 = tpu.vector_load %arg18[%get3A_733, %get3A_734] {strides = array<i32>} : memref<64x128xf32, #tpu.memory_space<vmem>>, vector<16xf32>,
        %get3A_736 = arith.index_cast %add3A_707 : i32 to index
        %get3A_737 = arith.constant 32 : index
        %get3A_738 = tpu.vector_load %arg19[%get3A_736, %get3A_737] {strides = array<i32>} : memref<64x128xf32, #tpu.memory_space<vmem>>, vector<16xf32>,
        %add3A_739 = arith.addf %get3A_735, %get3A_738 : vector<16xf32>
        %get3A_740 = arith.index_cast %add3A_707 : i32 to index
        %get3A_741 = arith.constant 32 : index
        %get3A_742 = tpu.vector_load %arg20[%get3A_740, %get3A_741] {strides = array<i32>} : memref<64x128xf32, #tpu.memory_space<vmem>>, vector<16xf32>,
        %sub3A_743 = arith.subf %add3A_739, %get3A_742 : vector<16xf32>
        %abs3A_744 = math.absf %sub3A_743 : vector<16xf32>
        %add3A_745 = arith.addf %add3A_732, %abs3A_744 : vector<16xf32>
        %get3A_746 = arith.index_cast %add3A_707 : i32 to index
        %get3A_747 = arith.constant 48 : index
        %get3A_748 = tpu.vector_load %arg18[%get3A_746, %get3A_747] {strides = array<i32>} : memref<64x128xf32, #tpu.memory_space<vmem>>, vector<16xf32>,
        %get3A_749 = arith.index_cast %add3A_707 : i32 to index
        %get3A_750 = arith.constant 48 : index
        %get3A_751 = tpu.vector_load %arg19[%get3A_749, %get3A_750] {strides = array<i32>} : memref<64x128xf32, #tpu.memory_space<vmem>>, vector<16xf32>,
        %add3A_752 = arith.addf %get3A_748, %get3A_751 : vector<16xf32>
        %get3A_753 = arith.index_cast %add3A_707 : i32 to index
        %get3A_754 = arith.constant 48 : index
        %get3A_755 = tpu.vector_load %arg20[%get3A_753, %get3A_754] {strides = array<i32>} : memref<64x128xf32, #tpu.memory_space<vmem>>, vector<16xf32>,
        %sub3A_756 = arith.subf %add3A_752, %get3A_755 : vector<16xf32>
        %abs3A_757 = math.absf %sub3A_756 : vector<16xf32>
        %add3A_758 = arith.addf %add3A_745, %abs3A_757 : vector<16xf32>
        %reduce_sum3A_759 = arith.constant true
        %reduce_sum3A_760 = vector.broadcast %reduce_sum3A_759 : i1 to vector<16xi1>
        %reduce_sum3A_761 = tpu.scan <sum>, %add3A_758 masked %reduce_sum3A_760 : vector<16xf32>, vector<16xi1> -> vector<16xf32>
        %reduce_sum3A_762 = vector.extract %reduce_sum3A_761[15] : f32 from vector<16xf32>
        %eq3A_763 = arith.constant 7 : i32
        %eq3A_764 = vector.broadcast %eq3A_763 : i32 to vector<16xi32>
        %eq3A_765 = arith.cmpi eq, %iota3A, %eq3A_764 : vector<16xi32>
        %broadcast_in_dim3A_766 = vector.broadcast %reduce_sum3A_762 : f32 to vector<16xf32>
        %select_n3A_767 = arith.select %eq3A_765, %broadcast_in_dim3A_766, %select_n3A_703 : vector<16xi1>, vector<16xf32>
        %mul3A_768 = arith.constant 16 : i32
        %mul3A_769 = arith.muli %scan3A_256, %mul3A_768 : i32
        %add3A_770 = arith.constant 8 : i32
        %add3A_771 = arith.addi %mul3A_769, %add3A_770 : i32
        %get3A_772 = arith.index_cast %add3A_771 : i32 to index
        %get3A_773 = arith.constant 0 : index
        %get3A_774 = tpu.vector_load %arg18[%get3A_772, %get3A_773] {strides = array<i32>} : memref<64x128xf32, #tpu.memory_space<vmem>>, vector<16xf32>,
        %get3A_775 = arith.index_cast %add3A_771 : i32 to index
        %get3A_776 = arith.constant 0 : index
        %get3A_777 = tpu.vector_load %arg19[%get3A_775, %get3A_776] {strides = array<i32>} : memref<64x128xf32, #tpu.memory_space<vmem>>, vector<16xf32>,
        %add3A_778 = arith.addf %get3A_774, %get3A_777 : vector<16xf32>
        %get3A_779 = arith.index_cast %add3A_771 : i32 to index
        %get3A_780 = arith.constant 0 : index
        %get3A_781 = tpu.vector_load %arg20[%get3A_779, %get3A_780] {strides = array<i32>} : memref<64x128xf32, #tpu.memory_space<vmem>>, vector<16xf32>,
        %sub3A_782 = arith.subf %add3A_778, %get3A_781 : vector<16xf32>
        %abs3A_783 = math.absf %sub3A_782 : vector<16xf32>
        %get3A_784 = arith.index_cast %add3A_771 : i32 to index
        %get3A_785 = arith.constant 16 : index
        %get3A_786 = tpu.vector_load %arg18[%get3A_784, %get3A_785] {strides = array<i32>} : memref<64x128xf32, #tpu.memory_space<vmem>>, vector<16xf32>,
        %get3A_787 = arith.index_cast %add3A_771 : i32 to index
        %get3A_788 = arith.constant 16 : index
        %get3A_789 = tpu.vector_load %arg19[%get3A_787, %get3A_788] {strides = array<i32>} : memref<64x128xf32, #tpu.memory_space<vmem>>, vector<16xf32>,
        %add3A_790 = arith.addf %get3A_786, %get3A_789 : vector<16xf32>
        %get3A_791 = arith.index_cast %add3A_771 : i32 to index
        %get3A_792 = arith.constant 16 : index
        %get3A_793 = tpu.vector_load %arg20[%get3A_791, %get3A_792] {strides = array<i32>} : memref<64x128xf32, #tpu.memory_space<vmem>>, vector<16xf32>,
        %sub3A_794 = arith.subf %add3A_790, %get3A_793 : vector<16xf32>
        %abs3A_795 = math.absf %sub3A_794 : vector<16xf32>
        %add3A_796 = arith.addf %abs3A_783, %abs3A_795 : vector<16xf32>
        %get3A_797 = arith.index_cast %add3A_771 : i32 to index
        %get3A_798 = arith.constant 32 : index
        %get3A_799 = tpu.vector_load %arg18[%get3A_797, %get3A_798] {strides = array<i32>} : memref<64x128xf32, #tpu.memory_space<vmem>>, vector<16xf32>,
        %get3A_800 = arith.index_cast %add3A_771 : i32 to index
        %get3A_801 = arith.constant 32 : index
        %get3A_802 = tpu.vector_load %arg19[%get3A_800, %get3A_801] {strides = array<i32>} : memref<64x128xf32, #tpu.memory_space<vmem>>, vector<16xf32>,
        %add3A_803 = arith.addf %get3A_799, %get3A_802 : vector<16xf32>
        %get3A_804 = arith.index_cast %add3A_771 : i32 to index
        %get3A_805 = arith.constant 32 : index
        %get3A_806 = tpu.vector_load %arg20[%get3A_804, %get3A_805] {strides = array<i32>} : memref<64x128xf32, #tpu.memory_space<vmem>>, vector<16xf32>,
        %sub3A_807 = arith.subf %add3A_803, %get3A_806 : vector<16xf32>
        %abs3A_808 = math.absf %sub3A_807 : vector<16xf32>
        %add3A_809 = arith.addf %add3A_796, %abs3A_808 : vector<16xf32>
        %get3A_810 = arith.index_cast %add3A_771 : i32 to index
        %get3A_811 = arith.constant 48 : index
        %get3A_812 = tpu.vector_load %arg18[%get3A_810, %get3A_811] {strides = array<i32>} : memref<64x128xf32, #tpu.memory_space<vmem>>, vector<16xf32>,
        %get3A_813 = arith.index_cast %add3A_771 : i32 to index
        %get3A_814 = arith.constant 48 : index
        %get3A_815 = tpu.vector_load %arg19[%get3A_813, %get3A_814] {strides = array<i32>} : memref<64x128xf32, #tpu.memory_space<vmem>>, vector<16xf32>,
        %add3A_816 = arith.addf %get3A_812, %get3A_815 : vector<16xf32>
        %get3A_817 = arith.index_cast %add3A_771 : i32 to index
        %get3A_818 = arith.constant 48 : index
        %get3A_819 = tpu.vector_load %arg20[%get3A_817, %get3A_818] {strides = array<i32>} : memref<64x128xf32, #tpu.memory_space<vmem>>, vector<16xf32>,
        %sub3A_820 = arith.subf %add3A_816, %get3A_819 : vector<16xf32>
        %abs3A_821 = math.absf %sub3A_820 : vector<16xf32>
        %add3A_822 = arith.addf %add3A_809, %abs3A_821 : vector<16xf32>
        %reduce_sum3A_823 = arith.constant true
        %reduce_sum3A_824 = vector.broadcast %reduce_sum3A_823 : i1 to vector<16xi1>
        %reduce_sum3A_825 = tpu.scan <sum>, %add3A_822 masked %reduce_sum3A_824 : vector<16xf32>, vector<16xi1> -> vector<16xf32>
        %reduce_sum3A_826 = vector.extract %reduce_sum3A_825[15] : f32 from vector<16xf32>
        %eq3A_827 = arith.constant 8 : i32
        %eq3A_828 = vector.broadcast %eq3A_827 : i32 to vector<16xi32>
        %eq3A_829 = arith.cmpi eq, %iota3A, %eq3A_828 : vector<16xi32>
        %broadcast_in_dim3A_830 = vector.broadcast %reduce_sum3A_826 : f32 to vector<16xf32>
        %select_n3A_831 = arith.select %eq3A_829, %broadcast_in_dim3A_830, %select_n3A_767 : vector<16xi1>, vector<16xf32>
        %mul3A_832 = arith.constant 16 : i32
        %mul3A_833 = arith.muli %scan3A_256, %mul3A_832 : i32
        %add3A_834 = arith.constant 9 : i32
        %add3A_835 = arith.addi %mul3A_833, %add3A_834 : i32
        %get3A_836 = arith.index_cast %add3A_835 : i32 to index
        %get3A_837 = arith.constant 0 : index
        %get3A_838 = tpu.vector_load %arg18[%get3A_836, %get3A_837] {strides = array<i32>} : memref<64x128xf32, #tpu.memory_space<vmem>>, vector<16xf32>,
        %get3A_839 = arith.index_cast %add3A_835 : i32 to index
        %get3A_840 = arith.constant 0 : index
        %get3A_841 = tpu.vector_load %arg19[%get3A_839, %get3A_840] {strides = array<i32>} : memref<64x128xf32, #tpu.memory_space<vmem>>, vector<16xf32>,
        %add3A_842 = arith.addf %get3A_838, %get3A_841 : vector<16xf32>
        %get3A_843 = arith.index_cast %add3A_835 : i32 to index
        %get3A_844 = arith.constant 0 : index
        %get3A_845 = tpu.vector_load %arg20[%get3A_843, %get3A_844] {strides = array<i32>} : memref<64x128xf32, #tpu.memory_space<vmem>>, vector<16xf32>,
        %sub3A_846 = arith.subf %add3A_842, %get3A_845 : vector<16xf32>
        %abs3A_847 = math.absf %sub3A_846 : vector<16xf32>
        %get3A_848 = arith.index_cast %add3A_835 : i32 to index
        %get3A_849 = arith.constant 16 : index
        %get3A_850 = tpu.vector_load %arg18[%get3A_848, %get3A_849] {strides = array<i32>} : memref<64x128xf32, #tpu.memory_space<vmem>>, vector<16xf32>,
        %get3A_851 = arith.index_cast %add3A_835 : i32 to index
        %get3A_852 = arith.constant 16 : index
        %get3A_853 = tpu.vector_load %arg19[%get3A_851, %get3A_852] {strides = array<i32>} : memref<64x128xf32, #tpu.memory_space<vmem>>, vector<16xf32>,
        %add3A_854 = arith.addf %get3A_850, %get3A_853 : vector<16xf32>
        %get3A_855 = arith.index_cast %add3A_835 : i32 to index
        %get3A_856 = arith.constant 16 : index
        %get3A_857 = tpu.vector_load %arg20[%get3A_855, %get3A_856] {strides = array<i32>} : memref<64x128xf32, #tpu.memory_space<vmem>>, vector<16xf32>,
        %sub3A_858 = arith.subf %add3A_854, %get3A_857 : vector<16xf32>
        %abs3A_859 = math.absf %sub3A_858 : vector<16xf32>
        %add3A_860 = arith.addf %abs3A_847, %abs3A_859 : vector<16xf32>
        %get3A_861 = arith.index_cast %add3A_835 : i32 to index
        %get3A_862 = arith.constant 32 : index
        %get3A_863 = tpu.vector_load %arg18[%get3A_861, %get3A_862] {strides = array<i32>} : memref<64x128xf32, #tpu.memory_space<vmem>>, vector<16xf32>,
        %get3A_864 = arith.index_cast %add3A_835 : i32 to index
        %get3A_865 = arith.constant 32 : index
        %get3A_866 = tpu.vector_load %arg19[%get3A_864, %get3A_865] {strides = array<i32>} : memref<64x128xf32, #tpu.memory_space<vmem>>, vector<16xf32>,
        %add3A_867 = arith.addf %get3A_863, %get3A_866 : vector<16xf32>
        %get3A_868 = arith.index_cast %add3A_835 : i32 to index
        %get3A_869 = arith.constant 32 : index
        %get3A_870 = tpu.vector_load %arg20[%get3A_868, %get3A_869] {strides = array<i32>} : memref<64x128xf32, #tpu.memory_space<vmem>>, vector<16xf32>,
        %sub3A_871 = arith.subf %add3A_867, %get3A_870 : vector<16xf32>
        %abs3A_872 = math.absf %sub3A_871 : vector<16xf32>
        %add3A_873 = arith.addf %add3A_860, %abs3A_872 : vector<16xf32>
        %get3A_874 = arith.index_cast %add3A_835 : i32 to index
        %get3A_875 = arith.constant 48 : index
        %get3A_876 = tpu.vector_load %arg18[%get3A_874, %get3A_875] {strides = array<i32>} : memref<64x128xf32, #tpu.memory_space<vmem>>, vector<16xf32>,
        %get3A_877 = arith.index_cast %add3A_835 : i32 to index
        %get3A_878 = arith.constant 48 : index
        %get3A_879 = tpu.vector_load %arg19[%get3A_877, %get3A_878] {strides = array<i32>} : memref<64x128xf32, #tpu.memory_space<vmem>>, vector<16xf32>,
        %add3A_880 = arith.addf %get3A_876, %get3A_879 : vector<16xf32>
        %get3A_881 = arith.index_cast %add3A_835 : i32 to index
        %get3A_882 = arith.constant 48 : index
        %get3A_883 = tpu.vector_load %arg20[%get3A_881, %get3A_882] {strides = array<i32>} : memref<64x128xf32, #tpu.memory_space<vmem>>, vector<16xf32>,
        %sub3A_884 = arith.subf %add3A_880, %get3A_883 : vector<16xf32>
        %abs3A_885 = math.absf %sub3A_884 : vector<16xf32>
        %add3A_886 = arith.addf %add3A_873, %abs3A_885 : vector<16xf32>
        %reduce_sum3A_887 = arith.constant true
        %reduce_sum3A_888 = vector.broadcast %reduce_sum3A_887 : i1 to vector<16xi1>
        %reduce_sum3A_889 = tpu.scan <sum>, %add3A_886 masked %reduce_sum3A_888 : vector<16xf32>, vector<16xi1> -> vector<16xf32>
        %reduce_sum3A_890 = vector.extract %reduce_sum3A_889[15] : f32 from vector<16xf32>
        %eq3A_891 = arith.constant 9 : i32
        %eq3A_892 = vector.broadcast %eq3A_891 : i32 to vector<16xi32>
        %eq3A_893 = arith.cmpi eq, %iota3A, %eq3A_892 : vector<16xi32>
        %broadcast_in_dim3A_894 = vector.broadcast %reduce_sum3A_890 : f32 to vector<16xf32>
        %select_n3A_895 = arith.select %eq3A_893, %broadcast_in_dim3A_894, %select_n3A_831 : vector<16xi1>, vector<16xf32>
        %mul3A_896 = arith.constant 16 : i32
        %mul3A_897 = arith.muli %scan3A_256, %mul3A_896 : i32
        %add3A_898 = arith.constant 10 : i32
        %add3A_899 = arith.addi %mul3A_897, %add3A_898 : i32
        %get3A_900 = arith.index_cast %add3A_899 : i32 to index
        %get3A_901 = arith.constant 0 : index
        %get3A_902 = tpu.vector_load %arg18[%get3A_900, %get3A_901] {strides = array<i32>} : memref<64x128xf32, #tpu.memory_space<vmem>>, vector<16xf32>,
        %get3A_903 = arith.index_cast %add3A_899 : i32 to index
        %get3A_904 = arith.constant 0 : index
        %get3A_905 = tpu.vector_load %arg19[%get3A_903, %get3A_904] {strides = array<i32>} : memref<64x128xf32, #tpu.memory_space<vmem>>, vector<16xf32>,
        %add3A_906 = arith.addf %get3A_902, %get3A_905 : vector<16xf32>
        %get3A_907 = arith.index_cast %add3A_899 : i32 to index
        %get3A_908 = arith.constant 0 : index
        %get3A_909 = tpu.vector_load %arg20[%get3A_907, %get3A_908] {strides = array<i32>} : memref<64x128xf32, #tpu.memory_space<vmem>>, vector<16xf32>,
        %sub3A_910 = arith.subf %add3A_906, %get3A_909 : vector<16xf32>
        %abs3A_911 = math.absf %sub3A_910 : vector<16xf32>
        %get3A_912 = arith.index_cast %add3A_899 : i32 to index
        %get3A_913 = arith.constant 16 : index
        %get3A_914 = tpu.vector_load %arg18[%get3A_912, %get3A_913] {strides = array<i32>} : memref<64x128xf32, #tpu.memory_space<vmem>>, vector<16xf32>,
        %get3A_915 = arith.index_cast %add3A_899 : i32 to index
        %get3A_916 = arith.constant 16 : index
        %get3A_917 = tpu.vector_load %arg19[%get3A_915, %get3A_916] {strides = array<i32>} : memref<64x128xf32, #tpu.memory_space<vmem>>, vector<16xf32>,
        %add3A_918 = arith.addf %get3A_914, %get3A_917 : vector<16xf32>
        %get3A_919 = arith.index_cast %add3A_899 : i32 to index
        %get3A_920 = arith.constant 16 : index
        %get3A_921 = tpu.vector_load %arg20[%get3A_919, %get3A_920] {strides = array<i32>} : memref<64x128xf32, #tpu.memory_space<vmem>>, vector<16xf32>,
        %sub3A_922 = arith.subf %add3A_918, %get3A_921 : vector<16xf32>
        %abs3A_923 = math.absf %sub3A_922 : vector<16xf32>
        %add3A_924 = arith.addf %abs3A_911, %abs3A_923 : vector<16xf32>
        %get3A_925 = arith.index_cast %add3A_899 : i32 to index
        %get3A_926 = arith.constant 32 : index
        %get3A_927 = tpu.vector_load %arg18[%get3A_925, %get3A_926] {strides = array<i32>} : memref<64x128xf32, #tpu.memory_space<vmem>>, vector<16xf32>,
        %get3A_928 = arith.index_cast %add3A_899 : i32 to index
        %get3A_929 = arith.constant 32 : index
        %get3A_930 = tpu.vector_load %arg19[%get3A_928, %get3A_929] {strides = array<i32>} : memref<64x128xf32, #tpu.memory_space<vmem>>, vector<16xf32>,
        %add3A_931 = arith.addf %get3A_927, %get3A_930 : vector<16xf32>
        %get3A_932 = arith.index_cast %add3A_899 : i32 to index
        %get3A_933 = arith.constant 32 : index
        %get3A_934 = tpu.vector_load %arg20[%get3A_932, %get3A_933] {strides = array<i32>} : memref<64x128xf32, #tpu.memory_space<vmem>>, vector<16xf32>,
        %sub3A_935 = arith.subf %add3A_931, %get3A_934 : vector<16xf32>
        %abs3A_936 = math.absf %sub3A_935 : vector<16xf32>
        %add3A_937 = arith.addf %add3A_924, %abs3A_936 : vector<16xf32>
        %get3A_938 = arith.index_cast %add3A_899 : i32 to index
        %get3A_939 = arith.constant 48 : index
        %get3A_940 = tpu.vector_load %arg18[%get3A_938, %get3A_939] {strides = array<i32>} : memref<64x128xf32, #tpu.memory_space<vmem>>, vector<16xf32>,
        %get3A_941 = arith.index_cast %add3A_899 : i32 to index
        %get3A_942 = arith.constant 48 : index
        %get3A_943 = tpu.vector_load %arg19[%get3A_941, %get3A_942] {strides = array<i32>} : memref<64x128xf32, #tpu.memory_space<vmem>>, vector<16xf32>,
        %add3A_944 = arith.addf %get3A_940, %get3A_943 : vector<16xf32>
        %get3A_945 = arith.index_cast %add3A_899 : i32 to index
        %get3A_946 = arith.constant 48 : index
        %get3A_947 = tpu.vector_load %arg20[%get3A_945, %get3A_946] {strides = array<i32>} : memref<64x128xf32, #tpu.memory_space<vmem>>, vector<16xf32>,
        %sub3A_948 = arith.subf %add3A_944, %get3A_947 : vector<16xf32>
        %abs3A_949 = math.absf %sub3A_948 : vector<16xf32>
        %add3A_950 = arith.addf %add3A_937, %abs3A_949 : vector<16xf32>
        %reduce_sum3A_951 = arith.constant true
        %reduce_sum3A_952 = vector.broadcast %reduce_sum3A_951 : i1 to vector<16xi1>
        %reduce_sum3A_953 = tpu.scan <sum>, %add3A_950 masked %reduce_sum3A_952 : vector<16xf32>, vector<16xi1> -> vector<16xf32>
        %reduce_sum3A_954 = vector.extract %reduce_sum3A_953[15] : f32 from vector<16xf32>
        %eq3A_955 = arith.constant 10 : i32
        %eq3A_956 = vector.broadcast %eq3A_955 : i32 to vector<16xi32>
        %eq3A_957 = arith.cmpi eq, %iota3A, %eq3A_956 : vector<16xi32>
        %broadcast_in_dim3A_958 = vector.broadcast %reduce_sum3A_954 : f32 to vector<16xf32>
        %select_n3A_959 = arith.select %eq3A_957, %broadcast_in_dim3A_958, %select_n3A_895 : vector<16xi1>, vector<16xf32>
        %mul3A_960 = arith.constant 16 : i32
        %mul3A_961 = arith.muli %scan3A_256, %mul3A_960 : i32
        %add3A_962 = arith.constant 11 : i32
        %add3A_963 = arith.addi %mul3A_961, %add3A_962 : i32
        %get3A_964 = arith.index_cast %add3A_963 : i32 to index
        %get3A_965 = arith.constant 0 : index
        %get3A_966 = tpu.vector_load %arg18[%get3A_964, %get3A_965] {strides = array<i32>} : memref<64x128xf32, #tpu.memory_space<vmem>>, vector<16xf32>,
        %get3A_967 = arith.index_cast %add3A_963 : i32 to index
        %get3A_968 = arith.constant 0 : index
        %get3A_969 = tpu.vector_load %arg19[%get3A_967, %get3A_968] {strides = array<i32>} : memref<64x128xf32, #tpu.memory_space<vmem>>, vector<16xf32>,
        %add3A_970 = arith.addf %get3A_966, %get3A_969 : vector<16xf32>
        %get3A_971 = arith.index_cast %add3A_963 : i32 to index
        %get3A_972 = arith.constant 0 : index
        %get3A_973 = tpu.vector_load %arg20[%get3A_971, %get3A_972] {strides = array<i32>} : memref<64x128xf32, #tpu.memory_space<vmem>>, vector<16xf32>,
        %sub3A_974 = arith.subf %add3A_970, %get3A_973 : vector<16xf32>
        %abs3A_975 = math.absf %sub3A_974 : vector<16xf32>
        %get3A_976 = arith.index_cast %add3A_963 : i32 to index
        %get3A_977 = arith.constant 16 : index
        %get3A_978 = tpu.vector_load %arg18[%get3A_976, %get3A_977] {strides = array<i32>} : memref<64x128xf32, #tpu.memory_space<vmem>>, vector<16xf32>,
        %get3A_979 = arith.index_cast %add3A_963 : i32 to index
        %get3A_980 = arith.constant 16 : index
        %get3A_981 = tpu.vector_load %arg19[%get3A_979, %get3A_980] {strides = array<i32>} : memref<64x128xf32, #tpu.memory_space<vmem>>, vector<16xf32>,
        %add3A_982 = arith.addf %get3A_978, %get3A_981 : vector<16xf32>
        %get3A_983 = arith.index_cast %add3A_963 : i32 to index
        %get3A_984 = arith.constant 16 : index
        %get3A_985 = tpu.vector_load %arg20[%get3A_983, %get3A_984] {strides = array<i32>} : memref<64x128xf32, #tpu.memory_space<vmem>>, vector<16xf32>,
        %sub3A_986 = arith.subf %add3A_982, %get3A_985 : vector<16xf32>
        %abs3A_987 = math.absf %sub3A_986 : vector<16xf32>
        %add3A_988 = arith.addf %abs3A_975, %abs3A_987 : vector<16xf32>
        %get3A_989 = arith.index_cast %add3A_963 : i32 to index
        %get3A_990 = arith.constant 32 : index
        %get3A_991 = tpu.vector_load %arg18[%get3A_989, %get3A_990] {strides = array<i32>} : memref<64x128xf32, #tpu.memory_space<vmem>>, vector<16xf32>,
        %get3A_992 = arith.index_cast %add3A_963 : i32 to index
        %get3A_993 = arith.constant 32 : index
        %get3A_994 = tpu.vector_load %arg19[%get3A_992, %get3A_993] {strides = array<i32>} : memref<64x128xf32, #tpu.memory_space<vmem>>, vector<16xf32>,
        %add3A_995 = arith.addf %get3A_991, %get3A_994 : vector<16xf32>
        %get3A_996 = arith.index_cast %add3A_963 : i32 to index
        %get3A_997 = arith.constant 32 : index
        %get3A_998 = tpu.vector_load %arg20[%get3A_996, %get3A_997] {strides = array<i32>} : memref<64x128xf32, #tpu.memory_space<vmem>>, vector<16xf32>,
        %sub3A_999 = arith.subf %add3A_995, %get3A_998 : vector<16xf32>
        %abs3A_1000 = math.absf %sub3A_999 : vector<16xf32>
        %add3A_1001 = arith.addf %add3A_988, %abs3A_1000 : vector<16xf32>
        %get3A_1002 = arith.index_cast %add3A_963 : i32 to index
        %get3A_1003 = arith.constant 48 : index
        %get3A_1004 = tpu.vector_load %arg18[%get3A_1002, %get3A_1003] {strides = array<i32>} : memref<64x128xf32, #tpu.memory_space<vmem>>, vector<16xf32>,
        %get3A_1005 = arith.index_cast %add3A_963 : i32 to index
        %get3A_1006 = arith.constant 48 : index
        %get3A_1007 = tpu.vector_load %arg19[%get3A_1005, %get3A_1006] {strides = array<i32>} : memref<64x128xf32, #tpu.memory_space<vmem>>, vector<16xf32>,
        %add3A_1008 = arith.addf %get3A_1004, %get3A_1007 : vector<16xf32>
        %get3A_1009 = arith.index_cast %add3A_963 : i32 to index
        %get3A_1010 = arith.constant 48 : index
        %get3A_1011 = tpu.vector_load %arg20[%get3A_1009, %get3A_1010] {strides = array<i32>} : memref<64x128xf32, #tpu.memory_space<vmem>>, vector<16xf32>,
        %sub3A_1012 = arith.subf %add3A_1008, %get3A_1011 : vector<16xf32>
        %abs3A_1013 = math.absf %sub3A_1012 : vector<16xf32>
        %add3A_1014 = arith.addf %add3A_1001, %abs3A_1013 : vector<16xf32>
        %reduce_sum3A_1015 = arith.constant true
        %reduce_sum3A_1016 = vector.broadcast %reduce_sum3A_1015 : i1 to vector<16xi1>
        %reduce_sum3A_1017 = tpu.scan <sum>, %add3A_1014 masked %reduce_sum3A_1016 : vector<16xf32>, vector<16xi1> -> vector<16xf32>
        %reduce_sum3A_1018 = vector.extract %reduce_sum3A_1017[15] : f32 from vector<16xf32>
        %eq3A_1019 = arith.constant 11 : i32
        %eq3A_1020 = vector.broadcast %eq3A_1019 : i32 to vector<16xi32>
        %eq3A_1021 = arith.cmpi eq, %iota3A, %eq3A_1020 : vector<16xi32>
        %broadcast_in_dim3A_1022 = vector.broadcast %reduce_sum3A_1018 : f32 to vector<16xf32>
        %select_n3A_1023 = arith.select %eq3A_1021, %broadcast_in_dim3A_1022, %select_n3A_959 : vector<16xi1>, vector<16xf32>
        %mul3A_1024 = arith.constant 16 : i32
        %mul3A_1025 = arith.muli %scan3A_256, %mul3A_1024 : i32
        %add3A_1026 = arith.constant 12 : i32
        %add3A_1027 = arith.addi %mul3A_1025, %add3A_1026 : i32
        %get3A_1028 = arith.index_cast %add3A_1027 : i32 to index
        %get3A_1029 = arith.constant 0 : index
        %get3A_1030 = tpu.vector_load %arg18[%get3A_1028, %get3A_1029] {strides = array<i32>} : memref<64x128xf32, #tpu.memory_space<vmem>>, vector<16xf32>,
        %get3A_1031 = arith.index_cast %add3A_1027 : i32 to index
        %get3A_1032 = arith.constant 0 : index
        %get3A_1033 = tpu.vector_load %arg19[%get3A_1031, %get3A_1032] {strides = array<i32>} : memref<64x128xf32, #tpu.memory_space<vmem>>, vector<16xf32>,
        %add3A_1034 = arith.addf %get3A_1030, %get3A_1033 : vector<16xf32>
        %get3A_1035 = arith.index_cast %add3A_1027 : i32 to index
        %get3A_1036 = arith.constant 0 : index
        %get3A_1037 = tpu.vector_load %arg20[%get3A_1035, %get3A_1036] {strides = array<i32>} : memref<64x128xf32, #tpu.memory_space<vmem>>, vector<16xf32>,
        %sub3A_1038 = arith.subf %add3A_1034, %get3A_1037 : vector<16xf32>
        %abs3A_1039 = math.absf %sub3A_1038 : vector<16xf32>
        %get3A_1040 = arith.index_cast %add3A_1027 : i32 to index
        %get3A_1041 = arith.constant 16 : index
        %get3A_1042 = tpu.vector_load %arg18[%get3A_1040, %get3A_1041] {strides = array<i32>} : memref<64x128xf32, #tpu.memory_space<vmem>>, vector<16xf32>,
        %get3A_1043 = arith.index_cast %add3A_1027 : i32 to index
        %get3A_1044 = arith.constant 16 : index
        %get3A_1045 = tpu.vector_load %arg19[%get3A_1043, %get3A_1044] {strides = array<i32>} : memref<64x128xf32, #tpu.memory_space<vmem>>, vector<16xf32>,
        %add3A_1046 = arith.addf %get3A_1042, %get3A_1045 : vector<16xf32>
        %get3A_1047 = arith.index_cast %add3A_1027 : i32 to index
        %get3A_1048 = arith.constant 16 : index
        %get3A_1049 = tpu.vector_load %arg20[%get3A_1047, %get3A_1048] {strides = array<i32>} : memref<64x128xf32, #tpu.memory_space<vmem>>, vector<16xf32>,
        %sub3A_1050 = arith.subf %add3A_1046, %get3A_1049 : vector<16xf32>
        %abs3A_1051 = math.absf %sub3A_1050 : vector<16xf32>
        %add3A_1052 = arith.addf %abs3A_1039, %abs3A_1051 : vector<16xf32>
        %get3A_1053 = arith.index_cast %add3A_1027 : i32 to index
        %get3A_1054 = arith.constant 32 : index
        %get3A_1055 = tpu.vector_load %arg18[%get3A_1053, %get3A_1054] {strides = array<i32>} : memref<64x128xf32, #tpu.memory_space<vmem>>, vector<16xf32>,
        %get3A_1056 = arith.index_cast %add3A_1027 : i32 to index
        %get3A_1057 = arith.constant 32 : index
        %get3A_1058 = tpu.vector_load %arg19[%get3A_1056, %get3A_1057] {strides = array<i32>} : memref<64x128xf32, #tpu.memory_space<vmem>>, vector<16xf32>,
        %add3A_1059 = arith.addf %get3A_1055, %get3A_1058 : vector<16xf32>
        %get3A_1060 = arith.index_cast %add3A_1027 : i32 to index
        %get3A_1061 = arith.constant 32 : index
        %get3A_1062 = tpu.vector_load %arg20[%get3A_1060, %get3A_1061] {strides = array<i32>} : memref<64x128xf32, #tpu.memory_space<vmem>>, vector<16xf32>,
        %sub3A_1063 = arith.subf %add3A_1059, %get3A_1062 : vector<16xf32>
        %abs3A_1064 = math.absf %sub3A_1063 : vector<16xf32>
        %add3A_1065 = arith.addf %add3A_1052, %abs3A_1064 : vector<16xf32>
        %get3A_1066 = arith.index_cast %add3A_1027 : i32 to index
        %get3A_1067 = arith.constant 48 : index
        %get3A_1068 = tpu.vector_load %arg18[%get3A_1066, %get3A_1067] {strides = array<i32>} : memref<64x128xf32, #tpu.memory_space<vmem>>, vector<16xf32>,
        %get3A_1069 = arith.index_cast %add3A_1027 : i32 to index
        %get3A_1070 = arith.constant 48 : index
        %get3A_1071 = tpu.vector_load %arg19[%get3A_1069, %get3A_1070] {strides = array<i32>} : memref<64x128xf32, #tpu.memory_space<vmem>>, vector<16xf32>,
        %add3A_1072 = arith.addf %get3A_1068, %get3A_1071 : vector<16xf32>
        %get3A_1073 = arith.index_cast %add3A_1027 : i32 to index
        %get3A_1074 = arith.constant 48 : index
        %get3A_1075 = tpu.vector_load %arg20[%get3A_1073, %get3A_1074] {strides = array<i32>} : memref<64x128xf32, #tpu.memory_space<vmem>>, vector<16xf32>,
        %sub3A_1076 = arith.subf %add3A_1072, %get3A_1075 : vector<16xf32>
        %abs3A_1077 = math.absf %sub3A_1076 : vector<16xf32>
        %add3A_1078 = arith.addf %add3A_1065, %abs3A_1077 : vector<16xf32>
        %reduce_sum3A_1079 = arith.constant true
        %reduce_sum3A_1080 = vector.broadcast %reduce_sum3A_1079 : i1 to vector<16xi1>
        %reduce_sum3A_1081 = tpu.scan <sum>, %add3A_1078 masked %reduce_sum3A_1080 : vector<16xf32>, vector<16xi1> -> vector<16xf32>
        %reduce_sum3A_1082 = vector.extract %reduce_sum3A_1081[15] : f32 from vector<16xf32>
        %eq3A_1083 = arith.constant 12 : i32
        %eq3A_1084 = vector.broadcast %eq3A_1083 : i32 to vector<16xi32>
        %eq3A_1085 = arith.cmpi eq, %iota3A, %eq3A_1084 : vector<16xi32>
        %broadcast_in_dim3A_1086 = vector.broadcast %reduce_sum3A_1082 : f32 to vector<16xf32>
        %select_n3A_1087 = arith.select %eq3A_1085, %broadcast_in_dim3A_1086, %select_n3A_1023 : vector<16xi1>, vector<16xf32>
        %mul3A_1088 = arith.constant 16 : i32
        %mul3A_1089 = arith.muli %scan3A_256, %mul3A_1088 : i32
        %add3A_1090 = arith.constant 13 : i32
        %add3A_1091 = arith.addi %mul3A_1089, %add3A_1090 : i32
        %get3A_1092 = arith.index_cast %add3A_1091 : i32 to index
        %get3A_1093 = arith.constant 0 : index
        %get3A_1094 = tpu.vector_load %arg18[%get3A_1092, %get3A_1093] {strides = array<i32>} : memref<64x128xf32, #tpu.memory_space<vmem>>, vector<16xf32>,
        %get3A_1095 = arith.index_cast %add3A_1091 : i32 to index
        %get3A_1096 = arith.constant 0 : index
        %get3A_1097 = tpu.vector_load %arg19[%get3A_1095, %get3A_1096] {strides = array<i32>} : memref<64x128xf32, #tpu.memory_space<vmem>>, vector<16xf32>,
        %add3A_1098 = arith.addf %get3A_1094, %get3A_1097 : vector<16xf32>
        %get3A_1099 = arith.index_cast %add3A_1091 : i32 to index
        %get3A_1100 = arith.constant 0 : index
        %get3A_1101 = tpu.vector_load %arg20[%get3A_1099, %get3A_1100] {strides = array<i32>} : memref<64x128xf32, #tpu.memory_space<vmem>>, vector<16xf32>,
        %sub3A_1102 = arith.subf %add3A_1098, %get3A_1101 : vector<16xf32>
        %abs3A_1103 = math.absf %sub3A_1102 : vector<16xf32>
        %get3A_1104 = arith.index_cast %add3A_1091 : i32 to index
        %get3A_1105 = arith.constant 16 : index
        %get3A_1106 = tpu.vector_load %arg18[%get3A_1104, %get3A_1105] {strides = array<i32>} : memref<64x128xf32, #tpu.memory_space<vmem>>, vector<16xf32>,
        %get3A_1107 = arith.index_cast %add3A_1091 : i32 to index
        %get3A_1108 = arith.constant 16 : index
        %get3A_1109 = tpu.vector_load %arg19[%get3A_1107, %get3A_1108] {strides = array<i32>} : memref<64x128xf32, #tpu.memory_space<vmem>>, vector<16xf32>,
        %add3A_1110 = arith.addf %get3A_1106, %get3A_1109 : vector<16xf32>
        %get3A_1111 = arith.index_cast %add3A_1091 : i32 to index
        %get3A_1112 = arith.constant 16 : index
        %get3A_1113 = tpu.vector_load %arg20[%get3A_1111, %get3A_1112] {strides = array<i32>} : memref<64x128xf32, #tpu.memory_space<vmem>>, vector<16xf32>,
        %sub3A_1114 = arith.subf %add3A_1110, %get3A_1113 : vector<16xf32>
        %abs3A_1115 = math.absf %sub3A_1114 : vector<16xf32>
        %add3A_1116 = arith.addf %abs3A_1103, %abs3A_1115 : vector<16xf32>
        %get3A_1117 = arith.index_cast %add3A_1091 : i32 to index
        %get3A_1118 = arith.constant 32 : index
        %get3A_1119 = tpu.vector_load %arg18[%get3A_1117, %get3A_1118] {strides = array<i32>} : memref<64x128xf32, #tpu.memory_space<vmem>>, vector<16xf32>,
        %get3A_1120 = arith.index_cast %add3A_1091 : i32 to index
        %get3A_1121 = arith.constant 32 : index
        %get3A_1122 = tpu.vector_load %arg19[%get3A_1120, %get3A_1121] {strides = array<i32>} : memref<64x128xf32, #tpu.memory_space<vmem>>, vector<16xf32>,
        %add3A_1123 = arith.addf %get3A_1119, %get3A_1122 : vector<16xf32>
        %get3A_1124 = arith.index_cast %add3A_1091 : i32 to index
        %get3A_1125 = arith.constant 32 : index
        %get3A_1126 = tpu.vector_load %arg20[%get3A_1124, %get3A_1125] {strides = array<i32>} : memref<64x128xf32, #tpu.memory_space<vmem>>, vector<16xf32>,
        %sub3A_1127 = arith.subf %add3A_1123, %get3A_1126 : vector<16xf32>
        %abs3A_1128 = math.absf %sub3A_1127 : vector<16xf32>
        %add3A_1129 = arith.addf %add3A_1116, %abs3A_1128 : vector<16xf32>
        %get3A_1130 = arith.index_cast %add3A_1091 : i32 to index
        %get3A_1131 = arith.constant 48 : index
        %get3A_1132 = tpu.vector_load %arg18[%get3A_1130, %get3A_1131] {strides = array<i32>} : memref<64x128xf32, #tpu.memory_space<vmem>>, vector<16xf32>,
        %get3A_1133 = arith.index_cast %add3A_1091 : i32 to index
        %get3A_1134 = arith.constant 48 : index
        %get3A_1135 = tpu.vector_load %arg19[%get3A_1133, %get3A_1134] {strides = array<i32>} : memref<64x128xf32, #tpu.memory_space<vmem>>, vector<16xf32>,
        %add3A_1136 = arith.addf %get3A_1132, %get3A_1135 : vector<16xf32>
        %get3A_1137 = arith.index_cast %add3A_1091 : i32 to index
        %get3A_1138 = arith.constant 48 : index
        %get3A_1139 = tpu.vector_load %arg20[%get3A_1137, %get3A_1138] {strides = array<i32>} : memref<64x128xf32, #tpu.memory_space<vmem>>, vector<16xf32>,
        %sub3A_1140 = arith.subf %add3A_1136, %get3A_1139 : vector<16xf32>
        %abs3A_1141 = math.absf %sub3A_1140 : vector<16xf32>
        %add3A_1142 = arith.addf %add3A_1129, %abs3A_1141 : vector<16xf32>
        %reduce_sum3A_1143 = arith.constant true
        %reduce_sum3A_1144 = vector.broadcast %reduce_sum3A_1143 : i1 to vector<16xi1>
        %reduce_sum3A_1145 = tpu.scan <sum>, %add3A_1142 masked %reduce_sum3A_1144 : vector<16xf32>, vector<16xi1> -> vector<16xf32>
        %reduce_sum3A_1146 = vector.extract %reduce_sum3A_1145[15] : f32 from vector<16xf32>
        %eq3A_1147 = arith.constant 13 : i32
        %eq3A_1148 = vector.broadcast %eq3A_1147 : i32 to vector<16xi32>
        %eq3A_1149 = arith.cmpi eq, %iota3A, %eq3A_1148 : vector<16xi32>
        %broadcast_in_dim3A_1150 = vector.broadcast %reduce_sum3A_1146 : f32 to vector<16xf32>
        %select_n3A_1151 = arith.select %eq3A_1149, %broadcast_in_dim3A_1150, %select_n3A_1087 : vector<16xi1>, vector<16xf32>
        %mul3A_1152 = arith.constant 16 : i32
        %mul3A_1153 = arith.muli %scan3A_256, %mul3A_1152 : i32
        %add3A_1154 = arith.constant 14 : i32
        %add3A_1155 = arith.addi %mul3A_1153, %add3A_1154 : i32
        %get3A_1156 = arith.index_cast %add3A_1155 : i32 to index
        %get3A_1157 = arith.constant 0 : index
        %get3A_1158 = tpu.vector_load %arg18[%get3A_1156, %get3A_1157] {strides = array<i32>} : memref<64x128xf32, #tpu.memory_space<vmem>>, vector<16xf32>,
        %get3A_1159 = arith.index_cast %add3A_1155 : i32 to index
        %get3A_1160 = arith.constant 0 : index
        %get3A_1161 = tpu.vector_load %arg19[%get3A_1159, %get3A_1160] {strides = array<i32>} : memref<64x128xf32, #tpu.memory_space<vmem>>, vector<16xf32>,
        %add3A_1162 = arith.addf %get3A_1158, %get3A_1161 : vector<16xf32>
        %get3A_1163 = arith.index_cast %add3A_1155 : i32 to index
        %get3A_1164 = arith.constant 0 : index
        %get3A_1165 = tpu.vector_load %arg20[%get3A_1163, %get3A_1164] {strides = array<i32>} : memref<64x128xf32, #tpu.memory_space<vmem>>, vector<16xf32>,
        %sub3A_1166 = arith.subf %add3A_1162, %get3A_1165 : vector<16xf32>
        %abs3A_1167 = math.absf %sub3A_1166 : vector<16xf32>
        %get3A_1168 = arith.index_cast %add3A_1155 : i32 to index
        %get3A_1169 = arith.constant 16 : index
        %get3A_1170 = tpu.vector_load %arg18[%get3A_1168, %get3A_1169] {strides = array<i32>} : memref<64x128xf32, #tpu.memory_space<vmem>>, vector<16xf32>,
        %get3A_1171 = arith.index_cast %add3A_1155 : i32 to index
        %get3A_1172 = arith.constant 16 : index
        %get3A_1173 = tpu.vector_load %arg19[%get3A_1171, %get3A_1172] {strides = array<i32>} : memref<64x128xf32, #tpu.memory_space<vmem>>, vector<16xf32>,
        %add3A_1174 = arith.addf %get3A_1170, %get3A_1173 : vector<16xf32>
        %get3A_1175 = arith.index_cast %add3A_1155 : i32 to index
        %get3A_1176 = arith.constant 16 : index
        %get3A_1177 = tpu.vector_load %arg20[%get3A_1175, %get3A_1176] {strides = array<i32>} : memref<64x128xf32, #tpu.memory_space<vmem>>, vector<16xf32>,
        %sub3A_1178 = arith.subf %add3A_1174, %get3A_1177 : vector<16xf32>
        %abs3A_1179 = math.absf %sub3A_1178 : vector<16xf32>
        %add3A_1180 = arith.addf %abs3A_1167, %abs3A_1179 : vector<16xf32>
        %get3A_1181 = arith.index_cast %add3A_1155 : i32 to index
        %get3A_1182 = arith.constant 32 : index
        %get3A_1183 = tpu.vector_load %arg18[%get3A_1181, %get3A_1182] {strides = array<i32>} : memref<64x128xf32, #tpu.memory_space<vmem>>, vector<16xf32>,
        %get3A_1184 = arith.index_cast %add3A_1155 : i32 to index
        %get3A_1185 = arith.constant 32 : index
        %get3A_1186 = tpu.vector_load %arg19[%get3A_1184, %get3A_1185] {strides = array<i32>} : memref<64x128xf32, #tpu.memory_space<vmem>>, vector<16xf32>,
        %add3A_1187 = arith.addf %get3A_1183, %get3A_1186 : vector<16xf32>
        %get3A_1188 = arith.index_cast %add3A_1155 : i32 to index
        %get3A_1189 = arith.constant 32 : index
        %get3A_1190 = tpu.vector_load %arg20[%get3A_1188, %get3A_1189] {strides = array<i32>} : memref<64x128xf32, #tpu.memory_space<vmem>>, vector<16xf32>,
        %sub3A_1191 = arith.subf %add3A_1187, %get3A_1190 : vector<16xf32>
        %abs3A_1192 = math.absf %sub3A_1191 : vector<16xf32>
        %add3A_1193 = arith.addf %add3A_1180, %abs3A_1192 : vector<16xf32>
        %get3A_1194 = arith.index_cast %add3A_1155 : i32 to index
        %get3A_1195 = arith.constant 48 : index
        %get3A_1196 = tpu.vector_load %arg18[%get3A_1194, %get3A_1195] {strides = array<i32>} : memref<64x128xf32, #tpu.memory_space<vmem>>, vector<16xf32>,
        %get3A_1197 = arith.index_cast %add3A_1155 : i32 to index
        %get3A_1198 = arith.constant 48 : index
        %get3A_1199 = tpu.vector_load %arg19[%get3A_1197, %get3A_1198] {strides = array<i32>} : memref<64x128xf32, #tpu.memory_space<vmem>>, vector<16xf32>,
        %add3A_1200 = arith.addf %get3A_1196, %get3A_1199 : vector<16xf32>
        %get3A_1201 = arith.index_cast %add3A_1155 : i32 to index
        %get3A_1202 = arith.constant 48 : index
        %get3A_1203 = tpu.vector_load %arg20[%get3A_1201, %get3A_1202] {strides = array<i32>} : memref<64x128xf32, #tpu.memory_space<vmem>>, vector<16xf32>,
        %sub3A_1204 = arith.subf %add3A_1200, %get3A_1203 : vector<16xf32>
        %abs3A_1205 = math.absf %sub3A_1204 : vector<16xf32>
        %add3A_1206 = arith.addf %add3A_1193, %abs3A_1205 : vector<16xf32>
        %reduce_sum3A_1207 = arith.constant true
        %reduce_sum3A_1208 = vector.broadcast %reduce_sum3A_1207 : i1 to vector<16xi1>
        %reduce_sum3A_1209 = tpu.scan <sum>, %add3A_1206 masked %reduce_sum3A_1208 : vector<16xf32>, vector<16xi1> -> vector<16xf32>
        %reduce_sum3A_1210 = vector.extract %reduce_sum3A_1209[15] : f32 from vector<16xf32>
        %eq3A_1211 = arith.constant 14 : i32
        %eq3A_1212 = vector.broadcast %eq3A_1211 : i32 to vector<16xi32>
        %eq3A_1213 = arith.cmpi eq, %iota3A, %eq3A_1212 : vector<16xi32>
        %broadcast_in_dim3A_1214 = vector.broadcast %reduce_sum3A_1210 : f32 to vector<16xf32>
        %select_n3A_1215 = arith.select %eq3A_1213, %broadcast_in_dim3A_1214, %select_n3A_1151 : vector<16xi1>, vector<16xf32>
        %mul3A_1216 = arith.constant 16 : i32
        %mul3A_1217 = arith.muli %scan3A_256, %mul3A_1216 : i32
        %add3A_1218 = arith.constant 15 : i32
        %add3A_1219 = arith.addi %mul3A_1217, %add3A_1218 : i32
        %get3A_1220 = arith.index_cast %add3A_1219 : i32 to index
        %get3A_1221 = arith.constant 0 : index
        %get3A_1222 = tpu.vector_load %arg18[%get3A_1220, %get3A_1221] {strides = array<i32>} : memref<64x128xf32, #tpu.memory_space<vmem>>, vector<16xf32>,
        %get3A_1223 = arith.index_cast %add3A_1219 : i32 to index
        %get3A_1224 = arith.constant 0 : index
        %get3A_1225 = tpu.vector_load %arg19[%get3A_1223, %get3A_1224] {strides = array<i32>} : memref<64x128xf32, #tpu.memory_space<vmem>>, vector<16xf32>,
        %add3A_1226 = arith.addf %get3A_1222, %get3A_1225 : vector<16xf32>
        %get3A_1227 = arith.index_cast %add3A_1219 : i32 to index
        %get3A_1228 = arith.constant 0 : index
        %get3A_1229 = tpu.vector_load %arg20[%get3A_1227, %get3A_1228] {strides = array<i32>} : memref<64x128xf32, #tpu.memory_space<vmem>>, vector<16xf32>,
        %sub3A_1230 = arith.subf %add3A_1226, %get3A_1229 : vector<16xf32>
        %abs3A_1231 = math.absf %sub3A_1230 : vector<16xf32>
        %get3A_1232 = arith.index_cast %add3A_1219 : i32 to index
        %get3A_1233 = arith.constant 16 : index
        %get3A_1234 = tpu.vector_load %arg18[%get3A_1232, %get3A_1233] {strides = array<i32>} : memref<64x128xf32, #tpu.memory_space<vmem>>, vector<16xf32>,
        %get3A_1235 = arith.index_cast %add3A_1219 : i32 to index
        %get3A_1236 = arith.constant 16 : index
        %get3A_1237 = tpu.vector_load %arg19[%get3A_1235, %get3A_1236] {strides = array<i32>} : memref<64x128xf32, #tpu.memory_space<vmem>>, vector<16xf32>,
        %add3A_1238 = arith.addf %get3A_1234, %get3A_1237 : vector<16xf32>
        %get3A_1239 = arith.index_cast %add3A_1219 : i32 to index
        %get3A_1240 = arith.constant 16 : index
        %get3A_1241 = tpu.vector_load %arg20[%get3A_1239, %get3A_1240] {strides = array<i32>} : memref<64x128xf32, #tpu.memory_space<vmem>>, vector<16xf32>,
        %sub3A_1242 = arith.subf %add3A_1238, %get3A_1241 : vector<16xf32>
        %abs3A_1243 = math.absf %sub3A_1242 : vector<16xf32>
        %add3A_1244 = arith.addf %abs3A_1231, %abs3A_1243 : vector<16xf32>
        %get3A_1245 = arith.index_cast %add3A_1219 : i32 to index
        %get3A_1246 = arith.constant 32 : index
        %get3A_1247 = tpu.vector_load %arg18[%get3A_1245, %get3A_1246] {strides = array<i32>} : memref<64x128xf32, #tpu.memory_space<vmem>>, vector<16xf32>,
        %get3A_1248 = arith.index_cast %add3A_1219 : i32 to index
        %get3A_1249 = arith.constant 32 : index
        %get3A_1250 = tpu.vector_load %arg19[%get3A_1248, %get3A_1249] {strides = array<i32>} : memref<64x128xf32, #tpu.memory_space<vmem>>, vector<16xf32>,
        %add3A_1251 = arith.addf %get3A_1247, %get3A_1250 : vector<16xf32>
        %get3A_1252 = arith.index_cast %add3A_1219 : i32 to index
        %get3A_1253 = arith.constant 32 : index
        %get3A_1254 = tpu.vector_load %arg20[%get3A_1252, %get3A_1253] {strides = array<i32>} : memref<64x128xf32, #tpu.memory_space<vmem>>, vector<16xf32>,
        %sub3A_1255 = arith.subf %add3A_1251, %get3A_1254 : vector<16xf32>
        %abs3A_1256 = math.absf %sub3A_1255 : vector<16xf32>
        %add3A_1257 = arith.addf %add3A_1244, %abs3A_1256 : vector<16xf32>
        %get3A_1258 = arith.index_cast %add3A_1219 : i32 to index
        %get3A_1259 = arith.constant 48 : index
        %get3A_1260 = tpu.vector_load %arg18[%get3A_1258, %get3A_1259] {strides = array<i32>} : memref<64x128xf32, #tpu.memory_space<vmem>>, vector<16xf32>,
        %get3A_1261 = arith.index_cast %add3A_1219 : i32 to index
        %get3A_1262 = arith.constant 48 : index
        %get3A_1263 = tpu.vector_load %arg19[%get3A_1261, %get3A_1262] {strides = array<i32>} : memref<64x128xf32, #tpu.memory_space<vmem>>, vector<16xf32>,
        %add3A_1264 = arith.addf %get3A_1260, %get3A_1263 : vector<16xf32>
        %get3A_1265 = arith.index_cast %add3A_1219 : i32 to index
        %get3A_1266 = arith.constant 48 : index
        %get3A_1267 = tpu.vector_load %arg20[%get3A_1265, %get3A_1266] {strides = array<i32>} : memref<64x128xf32, #tpu.memory_space<vmem>>, vector<16xf32>,
        %sub3A_1268 = arith.subf %add3A_1264, %get3A_1267 : vector<16xf32>
        %abs3A_1269 = math.absf %sub3A_1268 : vector<16xf32>
        %add3A_1270 = arith.addf %add3A_1257, %abs3A_1269 : vector<16xf32>
        %reduce_sum3A_1271 = arith.constant true
        %reduce_sum3A_1272 = vector.broadcast %reduce_sum3A_1271 : i1 to vector<16xi1>
        %reduce_sum3A_1273 = tpu.scan <sum>, %add3A_1270 masked %reduce_sum3A_1272 : vector<16xf32>, vector<16xi1> -> vector<16xf32>
        %reduce_sum3A_1274 = vector.extract %reduce_sum3A_1273[15] : f32 from vector<16xf32>
        %eq3A_1275 = arith.constant 15 : i32
        %eq3A_1276 = vector.broadcast %eq3A_1275 : i32 to vector<16xi32>
        %eq3A_1277 = arith.cmpi eq, %iota3A, %eq3A_1276 : vector<16xi32>
        %broadcast_in_dim3A_1278 = vector.broadcast %reduce_sum3A_1274 : f32 to vector<16xf32>
        %select_n3A_1279 = arith.select %eq3A_1277, %broadcast_in_dim3A_1278, %select_n3A_1215 : vector<16xi1>, vector<16xf32>
        %mul3A_1280 = arith.constant 16 : i32
        %mul3A_1281 = arith.muli %scan3A_256, %mul3A_1280 : i32
        %add3A_1282 = arith.addi %mul3A_249, %mul3A_1281 : i32
        %swap3A_1283 = arith.index_cast %select_n3A_231 : i32 to index
        %swap3A_1284 = arith.index_cast %add3A_1282 : i32 to index
        %swap3A_1285 = tpu.vector_load %arg13[%swap3A_1283, %swap3A_1284] {strides = array<i32>} : memref<65x128xf32, #tpu.memory_space<vmem>>, vector<16xf32>,
        tpu.vector_store %arg13[%swap3A_1283, %swap3A_1284], %select_n3A_1279 {strides = array<i32>} : memref<65x128xf32, #tpu.memory_space<vmem>>, vector<16xf32>,
      }
      %scan3A_255 = arith.constant 4 : i32
    }
    %scan3A_50 = arith.constant 65 : i32
    %broadcast_in_dim3A = arith.constant 0.000000e+00 : f32
    %broadcast_in_dim3A_51 = vector.broadcast %broadcast_in_dim3A : f32 to vector<16xf32>
    %scan3A_52 = arith.constant 1 : i32
    %scan3A_53 = arith.constant 64 : i32
    %scan3A_54 = arith.addi %scan3A_52, %scan3A_53 : i32
    %scan3A_55 = arith.constant 1 : i32
    %scan3A_56 = scf.for %scan3A_59 = %scan3A_52 to %scan3A_54 step %scan3A_55 iter_args(%scan3A_60 = %broadcast_in_dim3A_51) -> (vector<16xf32>)  : i32 {
      %get3A = arith.constant 0 : i32
      %get3A_61 = arith.index_cast %get3A : i32 to index
      %get3A_62 = arith.constant 0 : index
      %get3A_63 = tpu.vector_load %arg13[%get3A_61, %get3A_62] {strides = array<i32>} : memref<65x128xf32, #tpu.memory_space<vmem>>, vector<16xf32>,
      %get3A_64 = arith.index_cast %scan3A_59 : i32 to index
      %get3A_65 = arith.constant 0 : index
      %get3A_66 = tpu.vector_load %arg13[%get3A_64, %get3A_65] {strides = array<i32>} : memref<65x128xf32, #tpu.memory_space<vmem>>, vector<16xf32>,
      %sub3A = arith.subf %get3A_63, %get3A_66 : vector<16xf32>
      %add3A_67 = arith.constant 1.000000e+00 : f32
      %add3A_68 = vector.broadcast %add3A_67 : f32 to vector<16xf32>
      %add3A_69 = arith.addf %sub3A, %add3A_68 : vector<16xf32>
      %max3A = arith.constant 0.000000e+00 : f32
      %max3A_70 = vector.broadcast %max3A : f32 to vector<16xf32>
      %max3A_71 = arith.maximumf %add3A_69, %max3A_70 : vector<16xf32>
      %add3A_72 = arith.addf %scan3A_60, %max3A_71 : vector<16xf32>
      %get3A_73 = arith.constant 0 : i32
      %get3A_74 = arith.index_cast %get3A_73 : i32 to index
      %get3A_75 = arith.constant 16 : index
      %get3A_76 = tpu.vector_load %arg13[%get3A_74, %get3A_75] {strides = array<i32>} : memref<65x128xf32, #tpu.memory_space<vmem>>, vector<16xf32>,
      %get3A_77 = arith.index_cast %scan3A_59 : i32 to index
      %get3A_78 = arith.constant 16 : index
      %get3A_79 = tpu.vector_load %arg13[%get3A_77, %get3A_78] {strides = array<i32>} : memref<65x128xf32, #tpu.memory_space<vmem>>, vector<16xf32>,
      %sub3A_80 = arith.subf %get3A_76, %get3A_79 : vector<16xf32>
      %add3A_81 = arith.constant 1.000000e+00 : f32
      %add3A_82 = vector.broadcast %add3A_81 : f32 to vector<16xf32>
      %add3A_83 = arith.addf %sub3A_80, %add3A_82 : vector<16xf32>
      %max3A_84 = arith.constant 0.000000e+00 : f32
      %max3A_85 = vector.broadcast %max3A_84 : f32 to vector<16xf32>
      %max3A_86 = arith.maximumf %add3A_83, %max3A_85 : vector<16xf32>
      %add3A_87 = arith.addf %add3A_72, %max3A_86 : vector<16xf32>
      %get3A_88 = arith.constant 0 : i32
      %get3A_89 = arith.index_cast %get3A_88 : i32 to index
      %get3A_90 = arith.constant 32 : index
      %get3A_91 = tpu.vector_load %arg13[%get3A_89, %get3A_90] {strides = array<i32>} : memref<65x128xf32, #tpu.memory_space<vmem>>, vector<16xf32>,
      %get3A_92 = arith.index_cast %scan3A_59 : i32 to index
      %get3A_93 = arith.constant 32 : index
      %get3A_94 = tpu.vector_load %arg13[%get3A_92, %get3A_93] {strides = array<i32>} : memref<65x128xf32, #tpu.memory_space<vmem>>, vector<16xf32>,
      %sub3A_95 = arith.subf %get3A_91, %get3A_94 : vector<16xf32>
      %add3A_96 = arith.constant 1.000000e+00 : f32
      %add3A_97 = vector.broadcast %add3A_96 : f32 to vector<16xf32>
      %add3A_98 = arith.addf %sub3A_95, %add3A_97 : vector<16xf32>
      %max3A_99 = arith.constant 0.000000e+00 : f32
      %max3A_100 = vector.broadcast %max3A_99 : f32 to vector<16xf32>
      %max3A_101 = arith.maximumf %add3A_98, %max3A_100 : vector<16xf32>
      %add3A_102 = arith.addf %add3A_87, %max3A_101 : vector<16xf32>
      %get3A_103 = arith.constant 0 : i32
      %get3A_104 = arith.index_cast %get3A_103 : i32 to index
      %get3A_105 = arith.constant 48 : index
      %get3A_106 = tpu.vector_load %arg13[%get3A_104, %get3A_105] {strides = array<i32>} : memref<65x128xf32, #tpu.memory_space<vmem>>, vector<16xf32>,
      %get3A_107 = arith.index_cast %scan3A_59 : i32 to index
      %get3A_108 = arith.constant 48 : index
      %get3A_109 = tpu.vector_load %arg13[%get3A_107, %get3A_108] {strides = array<i32>} : memref<65x128xf32, #tpu.memory_space<vmem>>, vector<16xf32>,
      %sub3A_110 = arith.subf %get3A_106, %get3A_109 : vector<16xf32>
      %add3A_111 = arith.constant 1.000000e+00 : f32
      %add3A_112 = vector.broadcast %add3A_111 : f32 to vector<16xf32>
      %add3A_113 = arith.addf %sub3A_110, %add3A_112 : vector<16xf32>
      %max3A_114 = arith.constant 0.000000e+00 : f32
      %max3A_115 = vector.broadcast %max3A_114 : f32 to vector<16xf32>
      %max3A_116 = arith.maximumf %add3A_113, %max3A_115 : vector<16xf32>
      %add3A_117 = arith.addf %add3A_102, %max3A_116 : vector<16xf32>
      %get3A_118 = arith.constant 0 : i32
      %get3A_119 = arith.index_cast %get3A_118 : i32 to index
      %get3A_120 = arith.constant 64 : index
      %get3A_121 = tpu.vector_load %arg13[%get3A_119, %get3A_120] {strides = array<i32>} : memref<65x128xf32, #tpu.memory_space<vmem>>, vector<16xf32>,
      %get3A_122 = arith.index_cast %scan3A_59 : i32 to index
      %get3A_123 = arith.constant 64 : index
      %get3A_124 = tpu.vector_load %arg13[%get3A_122, %get3A_123] {strides = array<i32>} : memref<65x128xf32, #tpu.memory_space<vmem>>, vector<16xf32>,
      %sub3A_125 = arith.subf %get3A_121, %get3A_124 : vector<16xf32>
      %add3A_126 = arith.constant 1.000000e+00 : f32
      %add3A_127 = vector.broadcast %add3A_126 : f32 to vector<16xf32>
      %add3A_128 = arith.addf %sub3A_125, %add3A_127 : vector<16xf32>
      %max3A_129 = arith.constant 0.000000e+00 : f32
      %max3A_130 = vector.broadcast %max3A_129 : f32 to vector<16xf32>
      %max3A_131 = arith.maximumf %add3A_128, %max3A_130 : vector<16xf32>
      %add3A_132 = arith.addf %add3A_117, %max3A_131 : vector<16xf32>
      %get3A_133 = arith.constant 0 : i32
      %get3A_134 = arith.index_cast %get3A_133 : i32 to index
      %get3A_135 = arith.constant 80 : index
      %get3A_136 = tpu.vector_load %arg13[%get3A_134, %get3A_135] {strides = array<i32>} : memref<65x128xf32, #tpu.memory_space<vmem>>, vector<16xf32>,
      %get3A_137 = arith.index_cast %scan3A_59 : i32 to index
      %get3A_138 = arith.constant 80 : index
      %get3A_139 = tpu.vector_load %arg13[%get3A_137, %get3A_138] {strides = array<i32>} : memref<65x128xf32, #tpu.memory_space<vmem>>, vector<16xf32>,
      %sub3A_140 = arith.subf %get3A_136, %get3A_139 : vector<16xf32>
      %add3A_141 = arith.constant 1.000000e+00 : f32
      %add3A_142 = vector.broadcast %add3A_141 : f32 to vector<16xf32>
      %add3A_143 = arith.addf %sub3A_140, %add3A_142 : vector<16xf32>
      %max3A_144 = arith.constant 0.000000e+00 : f32
      %max3A_145 = vector.broadcast %max3A_144 : f32 to vector<16xf32>
      %max3A_146 = arith.maximumf %add3A_143, %max3A_145 : vector<16xf32>
      %add3A_147 = arith.addf %add3A_132, %max3A_146 : vector<16xf32>
      %get3A_148 = arith.constant 0 : i32
      %get3A_149 = arith.index_cast %get3A_148 : i32 to index
      %get3A_150 = arith.constant 96 : index
      %get3A_151 = tpu.vector_load %arg13[%get3A_149, %get3A_150] {strides = array<i32>} : memref<65x128xf32, #tpu.memory_space<vmem>>, vector<16xf32>,
      %get3A_152 = arith.index_cast %scan3A_59 : i32 to index
      %get3A_153 = arith.constant 96 : index
      %get3A_154 = tpu.vector_load %arg13[%get3A_152, %get3A_153] {strides = array<i32>} : memref<65x128xf32, #tpu.memory_space<vmem>>, vector<16xf32>,
      %sub3A_155 = arith.subf %get3A_151, %get3A_154 : vector<16xf32>
      %add3A_156 = arith.constant 1.000000e+00 : f32
      %add3A_157 = vector.broadcast %add3A_156 : f32 to vector<16xf32>
      %add3A_158 = arith.addf %sub3A_155, %add3A_157 : vector<16xf32>
      %max3A_159 = arith.constant 0.000000e+00 : f32
      %max3A_160 = vector.broadcast %max3A_159 : f32 to vector<16xf32>
      %max3A_161 = arith.maximumf %add3A_158, %max3A_160 : vector<16xf32>
      %add3A_162 = arith.addf %add3A_147, %max3A_161 : vector<16xf32>
      %get3A_163 = arith.constant 0 : i32
      %get3A_164 = arith.index_cast %get3A_163 : i32 to index
      %get3A_165 = arith.constant 112 : index
      %get3A_166 = tpu.vector_load %arg13[%get3A_164, %get3A_165] {strides = array<i32>} : memref<65x128xf32, #tpu.memory_space<vmem>>, vector<16xf32>,
      %get3A_167 = arith.index_cast %scan3A_59 : i32 to index
      %get3A_168 = arith.constant 112 : index
      %get3A_169 = tpu.vector_load %arg13[%get3A_167, %get3A_168] {strides = array<i32>} : memref<65x128xf32, #tpu.memory_space<vmem>>, vector<16xf32>,
      %sub3A_170 = arith.subf %get3A_166, %get3A_169 : vector<16xf32>
      %add3A_171 = arith.constant 1.000000e+00 : f32
      %add3A_172 = vector.broadcast %add3A_171 : f32 to vector<16xf32>
      %add3A_173 = arith.addf %sub3A_170, %add3A_172 : vector<16xf32>
      %max3A_174 = arith.constant 0.000000e+00 : f32
      %max3A_175 = vector.broadcast %max3A_174 : f32 to vector<16xf32>
      %max3A_176 = arith.maximumf %add3A_173, %max3A_175 : vector<16xf32>
      %add3A_177 = arith.addf %add3A_162, %max3A_176 : vector<16xf32>
      scf.yield %add3A_177 : vector<16xf32>
    }
    %scan3A_57 = arith.constant 64 : i32
    %swap3A = arith.constant 0 : index
    %swap3A_58 = tpu.vector_load %arg14[%swap3A] {strides = array<i32>} : memref<16xf32, #tpu.memory_space<vmem>>, vector<16xf32>,
    tpu.vector_store %arg14[%swap3A], %scan3A_56 {strides = array<i32>} : memref<16xf32, #tpu.memory_space<vmem>>, vector<16xf32>,
    %run_scoped3A = arith.constant 0 : i32
    "tpu.region"() ({
      %run_scoped3A_59 = tpu.sem_alloc : memref<!tpu.dma_semaphore, #tpu.memory_space<semaphore_mem>>
      %dma_start3A_60 = arith.constant 0 : i32
      %dma_start3A_61 = tpu.memref_slice %arg13[%run_scoped3A, %dma_start3A_60] : memref<65x128xf32, #tpu.memory_space<vmem>> -> memref<1x128xf32, #tpu.memory_space<vmem>>
      %dma_start3A_62 = tpu.memref_squeeze %dma_start3A_61 : memref<1x128xf32, #tpu.memory_space<vmem>> -> memref<128xf32, #tpu.memory_space<vmem>>
      %dma_start3A_63 = tpu.memref_slice %arg7[%mul3A_2] : memref<4096xf32, #tpu.memory_space<hbm>> -> memref<128xf32, #tpu.memory_space<hbm>>
      %dma_start3A_64 = tpu.memref_slice %arg7[%mul3A_2] : memref<4096xf32, #tpu.memory_space<hbm>> -> memref<128xf32, #tpu.memory_space<hbm>>
      %dma_start3A_65 = arith.constant 0 : i32
      %dma_start3A_66 = tpu.memref_slice %arg13[%run_scoped3A, %dma_start3A_65] : memref<65x128xf32, #tpu.memory_space<vmem>> -> memref<1x128xf32, #tpu.memory_space<vmem>>
      %dma_start3A_67 = tpu.memref_squeeze %dma_start3A_66 : memref<1x128xf32, #tpu.memory_space<vmem>> -> memref<128xf32, #tpu.memory_space<vmem>>
      tpu.enqueue_dma source(%dma_start3A_67 : memref<128xf32, #tpu.memory_space<vmem>>) target(%dma_start3A_64 : memref<128xf32, #tpu.memory_space<hbm>>) target_semaphore(%run_scoped3A_59 : memref<!tpu.dma_semaphore, #tpu.memory_space<semaphore_mem>>)
      %dma_wait3A_68 = arith.constant 0 : i32
      %dma_wait3A_69 = tpu.memref_slice %arg13[%run_scoped3A, %dma_wait3A_68] : memref<65x128xf32, #tpu.memory_space<vmem>> -> memref<1x128xf32, #tpu.memory_space<vmem>>
      %dma_wait3A_70 = tpu.memref_squeeze %dma_wait3A_69 : memref<1x128xf32, #tpu.memory_space<vmem>> -> memref<128xf32, #tpu.memory_space<vmem>>
      %dma_wait3A_71 = tpu.memref_slice %arg7[%mul3A_2] : memref<4096xf32, #tpu.memory_space<hbm>> -> memref<128xf32, #tpu.memory_space<hbm>>
      %dma_wait3A_72 = tpu.memref_slice %arg7[%mul3A_2] : memref<4096xf32, #tpu.memory_space<hbm>> -> memref<128xf32, #tpu.memory_space<hbm>>
      %dma_wait3A_73 = arith.constant 0 : i32
      %dma_wait3A_74 = tpu.memref_slice %arg13[%run_scoped3A, %dma_wait3A_73] : memref<65x128xf32, #tpu.memory_space<vmem>> -> memref<1x128xf32, #tpu.memory_space<vmem>>
      %dma_wait3A_75 = tpu.memref_squeeze %dma_wait3A_74 : memref<1x128xf32, #tpu.memory_space<vmem>> -> memref<128xf32, #tpu.memory_space<vmem>>
      tpu.wait_dma2 semaphore(%run_scoped3A_59 : memref<!tpu.dma_semaphore, #tpu.memory_space<semaphore_mem>>) src(%dma_wait3A_75 : memref<128xf32, #tpu.memory_space<vmem>>) dst(%dma_wait3A_72 : memref<128xf32, #tpu.memory_space<hbm>>)
      tpu.yield
    }) : () -> ()
    "tpu.region"() ({
      %run_scoped3A_59 = tpu.sem_alloc : memref<!tpu.dma_semaphore, #tpu.memory_space<semaphore_mem>>
      %dma_start3A_60 = arith.constant 1 : i32
      %dma_start3A_61 = arith.constant 0 : i32
      %dma_start3A_62 = tpu.memref_slice %arg13[%dma_start3A_60, %dma_start3A_61] : memref<65x128xf32, #tpu.memory_space<vmem>> -> memref<64x128xf32, #tpu.memory_space<vmem>>
      %dma_start3A_63 = arith.constant 0 : i32
      %dma_start3A_64 = tpu.memref_slice %arg8[%dma_start3A_63, %mul3A_2] : memref<64x4096xf32, #tpu.memory_space<hbm>> -> memref<64x128xf32, #tpu.memory_space<hbm>>
      %dma_start3A_65 = arith.constant 0 : i32
      %dma_start3A_66 = tpu.memref_slice %arg8[%dma_start3A_65, %mul3A_2] : memref<64x4096xf32, #tpu.memory_space<hbm>> -> memref<64x128xf32, #tpu.memory_space<hbm>>
      %dma_start3A_67 = arith.constant 1 : i32
      %dma_start3A_68 = arith.constant 0 : i32
      %dma_start3A_69 = tpu.memref_slice %arg13[%dma_start3A_67, %dma_start3A_68] : memref<65x128xf32, #tpu.memory_space<vmem>> -> memref<64x128xf32, #tpu.memory_space<vmem>>
      tpu.enqueue_dma source(%dma_start3A_69 : memref<64x128xf32, #tpu.memory_space<vmem>>) target(%dma_start3A_66 : memref<64x128xf32, #tpu.memory_space<hbm>>) target_semaphore(%run_scoped3A_59 : memref<!tpu.dma_semaphore, #tpu.memory_space<semaphore_mem>>)
      %dma_wait3A_70 = arith.constant 1 : i32
      %dma_wait3A_71 = arith.constant 0 : i32
      %dma_wait3A_72 = tpu.memref_slice %arg13[%dma_wait3A_70, %dma_wait3A_71] : memref<65x128xf32, #tpu.memory_space<vmem>> -> memref<64x128xf32, #tpu.memory_space<vmem>>
      %dma_wait3A_73 = arith.constant 0 : i32
      %dma_wait3A_74 = tpu.memref_slice %arg8[%dma_wait3A_73, %mul3A_2] : memref<64x4096xf32, #tpu.memory_space<hbm>> -> memref<64x128xf32, #tpu.memory_space<hbm>>
      %dma_wait3A_75 = arith.constant 0 : i32
      %dma_wait3A_76 = tpu.memref_slice %arg8[%dma_wait3A_75, %mul3A_2] : memref<64x4096xf32, #tpu.memory_space<hbm>> -> memref<64x128xf32, #tpu.memory_space<hbm>>
      %dma_wait3A_77 = arith.constant 1 : i32
      %dma_wait3A_78 = arith.constant 0 : i32
      %dma_wait3A_79 = tpu.memref_slice %arg13[%dma_wait3A_77, %dma_wait3A_78] : memref<65x128xf32, #tpu.memory_space<vmem>> -> memref<64x128xf32, #tpu.memory_space<vmem>>
      tpu.wait_dma2 semaphore(%run_scoped3A_59 : memref<!tpu.dma_semaphore, #tpu.memory_space<semaphore_mem>>) src(%dma_wait3A_79 : memref<64x128xf32, #tpu.memory_space<vmem>>) dst(%dma_wait3A_76 : memref<64x128xf32, #tpu.memory_space<hbm>>)
      tpu.yield
    }) : () -> ()
    "tpu.region"() ({
      %run_scoped3A_59 = tpu.sem_alloc : memref<!tpu.dma_semaphore, #tpu.memory_space<semaphore_mem>>
      %dma_start3A_60 = arith.constant 0 : i32
      %dma_start3A_61 = tpu.memref_slice %arg9[%add3A, %dma_start3A_60] : memref<32x16xf32, #tpu.memory_space<hbm>> -> memref<1x16xf32, #tpu.memory_space<hbm>>
      %dma_start3A_62 = tpu.memref_squeeze %dma_start3A_61 : memref<1x16xf32, #tpu.memory_space<hbm>> -> memref<16xf32, #tpu.memory_space<hbm>>
      %dma_start3A_63 = arith.constant 0 : i32
      %dma_start3A_64 = tpu.memref_slice %arg9[%add3A, %dma_start3A_63] : memref<32x16xf32, #tpu.memory_space<hbm>> -> memref<1x16xf32, #tpu.memory_space<hbm>>
      %dma_start3A_65 = tpu.memref_squeeze %dma_start3A_64 : memref<1x16xf32, #tpu.memory_space<hbm>> -> memref<16xf32, #tpu.memory_space<hbm>>
      tpu.enqueue_dma source(%arg14 : memref<16xf32, #tpu.memory_space<vmem>>) target(%dma_start3A_65 : memref<16xf32, #tpu.memory_space<hbm>>) target_semaphore(%run_scoped3A_59 : memref<!tpu.dma_semaphore, #tpu.memory_space<semaphore_mem>>)
      %dma_wait3A_66 = arith.constant 0 : i32
      %dma_wait3A_67 = tpu.memref_slice %arg9[%add3A, %dma_wait3A_66] : memref<32x16xf32, #tpu.memory_space<hbm>> -> memref<1x16xf32, #tpu.memory_space<hbm>>
      %dma_wait3A_68 = tpu.memref_squeeze %dma_wait3A_67 : memref<1x16xf32, #tpu.memory_space<hbm>> -> memref<16xf32, #tpu.memory_space<hbm>>
      %dma_wait3A_69 = arith.constant 0 : i32
      %dma_wait3A_70 = tpu.memref_slice %arg9[%add3A, %dma_wait3A_69] : memref<32x16xf32, #tpu.memory_space<hbm>> -> memref<1x16xf32, #tpu.memory_space<hbm>>
      %dma_wait3A_71 = tpu.memref_squeeze %dma_wait3A_70 : memref<1x16xf32, #tpu.memory_space<hbm>> -> memref<16xf32, #tpu.memory_space<hbm>>
      tpu.wait_dma2 semaphore(%run_scoped3A_59 : memref<!tpu.dma_semaphore, #tpu.memory_space<semaphore_mem>>) src(%arg14 : memref<16xf32, #tpu.memory_space<vmem>>) dst(%dma_wait3A_71 : memref<16xf32, #tpu.memory_space<hbm>>)
      tpu.yield
    }) : () -> ()
    return
  }
}

module attributes {stable_mosaic.version = 14 : i64} {
  func.func @_loss_body(%arg0: memref<32x16xf32, #tpu.memory_space<vmem>>, %arg1: memref<1xf32, #tpu.memory_space<smem>>, %arg2: memref<1x1xf32, #tpu.memory_space<smem>>) attributes {dimension_semantics = [], scalar_prefetch = 0 : i64, scratch_operands = 0 : i64, tpu.core_type = #tpu.core_type<tc>} {
    %get3A = arith.constant 0 : index
    %get3A_0 = arith.constant 0 : index
    %get3A_1 = vector.load %arg0[%get3A, %get3A_0] : memref<32x16xf32, #tpu.memory_space<vmem>>, vector<32x16xf32>
    %reduce_sum3A = vector.shape_cast %get3A_1 : vector<32x16xf32> to vector<1x32x16xf32>
    %reduce_sum3A_2 = arith.constant dense<0.000000e+00> : vector<1xf32>
    %reduce_sum3A_3 = vector.multi_reduction <add>, %reduce_sum3A, %reduce_sum3A_2 [1, 2] : vector<1x32x16xf32> to vector<1xf32>
    %reduce_sum3A_4 = vector.shape_cast %reduce_sum3A_3 : vector<1xf32> to vector<1x1x1xf32>
    %reduce_sum3A_5 = vector.extract %reduce_sum3A_4[0, 0, 0] : f32 from vector<1x1x1xf32>
    %get3A_6 = arith.constant 0 : index
    %get3A_7 = memref.load %arg1[%get3A_6] : memref<1xf32, #tpu.memory_space<smem>>
    %div3A = arith.divf %reduce_sum3A_5, %get3A_7 : f32
    %swap3A = arith.constant 0 : index
    %swap3A_8 = arith.constant 0 : index
    %swap3A_9 = memref.load %arg2[%swap3A, %swap3A_8] : memref<1x1xf32, #tpu.memory_space<smem>>
    memref.store %div3A, %arg2[%swap3A, %swap3A_8] : memref<1x1xf32, #tpu.memory_space<smem>>
    return
  }
}

</mosaic_0001>

<sc_bundles>
// kernel: kernel.4.cloned.1.call-start
scs
__scs_entry_jumppad:
0x0: {  	(pc) =	sbr.rel $0x88, $3  }
0x1: {  	(tag) =	ssettag $0x0;
	lr =	simm.s32 $0x1  }
0x2: {  	[smem:$0x3F9E] =	sst lr;
	_ =	strace $0xD0000000  }
0x3: {  	_ = 	snop  }
0x4: {  	_ = 	snop  }
0x5: {  	_ = 	snop  }
0x6: {  	_ = 	snop  }
0x7: {  	_ = 	snop  }
__scs_overlays_trampoline_lowered:
0x8: {  	[smem:$0x3FAD] =	sst s0  }
0x9: {  	[smem:$0x3FAE] =	sst s1  }
0xa: {  	[smem:$0x3FAF] =	sst s2  }
0xb: {  	[smem:$0x3FB0] =	sst s3  }
0xc: {  	[smem:$0x3FB1] =	sst s4  }
0xd: {  	[smem:$0x3FB2] =	sst s5  }
0xe: {  	[smem:$0x3FB3] =	sst s6  }
0xf: {  	[smem:$0x3FB4] =	sst s7  }
0x10: {  	[smem:$0x3FB5] =	sst s8  }
0x11: {  	[smem:$0x3FB6] =	sst s9;
	s0 =	simm.s32 @!p0 $0x0  }
0x12: {  	s1 =	sld [smem:$0x3F9C];
	s0 =	simm.s32 @p0 $0x1  }
0x13: {  	[smem:$0x3FB7] =	sst s0;
	s0 =	simm.s32 @!p1 $0x0  }
0x14: {  	s2 =	sld [smem:$0x3F9B];
	s0 =	simm.s32 @p1 $0x1  }
0x15: {  	[smem:$0x3FB8] =	sst s0;
	s0 =	simm.s32 @!p2 $0x0  }
0x16: {  	s3 =	sld [smem:$0x3FDB];
	s0 =	simm.s32 @p2 $0x1  }
0x17: {  	s4 =	simm.s32 $0x1BF5;
	[smem:$0x3FBA] =	sst s0  }
0x18: {  	s0 =	sld [smem:$0x3F9D];
	_ =	swait.ge [sflag:s4], $0x0  }
0x19: {  	s7 =	sld [smem:$0x3F9E]  }
0x1a: {  	s8 =	sadd.s32 $0xFFFFE003, lr  }
0x1b: {  	s9 =	sadd.s32 $0xFFFFFEF7, lr;
	s5 =	simm.s32 $0xFFFFFFFF;
	p2 =	slt.u32 s8, $0xFFFFF086  }
0x1c: {  	p1 =	slt.u32 s9, $0xF7A;
	s5 =	simm.s32 @!p2 $0x0  }
0x1d: {  	s5 =	simm.s32 @p1 $0x1;
	p0 =	seq.s32 s7, s2  }
0x1e: {  	s7 =	smul.u32 @!p0 $0xF7A, s2;
	p2 =	seq.s32 @!p0 s5, $0x0  }
0x1f: {  	s9 =	smul.u32 $0xF7A, s1;
	s8 =	simm.s32 @!p0 $0x1BF5;
	p2 =	por !p2, p0  }
0x20: {  	[sflag:s8] =	ssyncset.s32 @!p0 $0xFFFFF086;
	s6 =	sadd.s32 @!p0 s3, s7;
	s7 =	simm.s32 @!p0 $0x108  }
0x21: {  	s3 =	sadd.s32 s3, s9;
	s6 =	sadd.s32 @!p0 $0x88, s6;
	s7 =	simm.s32 @p2 $0x1082  }
0x22: {  	[simem:s7], [sflag:s8] =	dma.local @!p0 [hbm:s6], $0xF7A  }
0x23: {  	s9 =	sor.u32 $0xD0000000, s2;
	s6 =	simm.s32 $0x108;
	_ =	swait.ge @!p0 [sflag:s8], $0x0  }
0x24: {  	s3 =	sadd.s32 $0x88, s3;
	s6 =	simm.s32 @!p1 $0x1082;
	[sflag:s4] =	ssyncset.s32 $0xFFFFF086  }
0x25: {  	[simem:s6], [sflag:s4] =	dma.local [hbm:s3], $0xF7A  }
0x26: {  	[smem:$0x3F9E] =	sst s1;
	(tag) =	ssettag s2;
	_ =	strace s9  }
0x27: {  	s1 =	sld [smem:$0x3FAE]  }
0x28: {  	s2 =	sld [smem:$0x3FAF]  }
0x29: {  	s4 =	sld [smem:$0x3FB1]  }
0x2a: {  	p0 =	seq.s32 s5, $0x0;
	s5 =	sld [smem:$0x3FB2]  }
0x2b: {  	s6 =	sld [smem:$0x3FB3]  }
0x2c: {  	s7 =	sld [smem:$0x3FB4]  }
0x2d: {  	s3 =	simm.s32 $0x108;
	s8 =	sld [smem:$0x3FB5]  }
0x2e: {  	s3 =	simm.s32 @!p0 $0x1082;
	s9 =	sld [smem:$0x3FB6]  }
0x2f: {  	lr =	sadd.s32 s0, s3;
	s0 =	sld [smem:$0x3FAD]  }
0x30: {  	s3 =	sld [smem:$0x3FB0]  }
0x31: {  	[smem:$0x3FB9] =	sst s10  }
0x32: {  	s10 =	sld [smem:$0x3FB7];
	_ =	sdelay $0x3  }
0x33: {  	p0 =	seq.s32 s10, $0x1;
	s10 =	sld [smem:$0x3FB9];
	_ =	sdelay $0x3  }
0x34: {  	[smem:$0x3FB9] =	sst s10  }
0x35: {  	s10 =	sld [smem:$0x3FB8];
	_ =	sdelay $0x3  }
0x36: {  	p1 =	seq.s32 s10, $0x1;
	s10 =	sld [smem:$0x3FB9];
	_ =	sdelay $0x3  }
0x37: {  	[smem:$0x3FB9] =	sst s10  }
0x38: {  	s10 =	sld [smem:$0x3FBA]  }
0x39: {  	_ = 	snop;
	(pc) =	sbr.ind lr, $3  }
0x3a: {  	_ = 	snop  }
0x3b: {  	_ = 	snop  }
0x3c: {  	p2 =	seq.s32 s10, $0x1;
	s10 =	sld [smem:$0x3FB9]  }
0x3d: {  	_ =	shalt  }
0x3e: {  	_ =	shalt  }
0x3f: {  	_ =	shalt  }
0x40: {  	_ =	shalt  }
0x41: {  	_ =	shalt  }
0x42: {  	_ =	shalt  }
0x43: {  	_ =	shalt  }
0x44: {  	_ =	shalt  }
0x45: {  	_ =	shalt  }
0x46: {  	_ =	shalt  }
0x47: {  	_ =	shalt  }
0x48: {  	_ =	shalt  }
0x49: {  	_ =	shalt  }
0x4a: {  	_ =	shalt  }
0x4b: {  	_ =	shalt  }
0x4c: {  	_ =	shalt  }
0x4d: {  	_ =	shalt  }
0x4e: {  	_ =	shalt  }
0x4f: {  	_ =	shalt  }
0x50: {  	_ =	shalt  }
0x51: {  	_ =	shalt  }
0x52: {  	_ =	shalt  }
0x53: {  	_ =	shalt  }
0x54: {  	_ =	shalt  }
0x55: {  	_ =	shalt  }
0x56: {  	_ =	shalt  }
0x57: {  	_ =	shalt  }
0x58: {  	_ =	shalt  }
0x59: {  	_ =	shalt  }
0x5a: {  	_ =	shalt  }
0x5b: {  	_ =	shalt  }
0x5c: {  	_ =	shalt  }
0x5d: {  	_ =	shalt  }
0x5e: {  	_ =	shalt  }
0x5f: {  	_ =	shalt  }
0x60: {  	_ =	shalt  }
0x61: {  	_ =	shalt  }
0x62: {  	_ =	shalt  }
0x63: {  	_ =	shalt  }
0x64: {  	_ =	shalt  }
0x65: {  	_ =	shalt  }
0x66: {  	_ =	shalt  }
0x67: {  	_ =	shalt  }
0x68: {  	_ =	shalt  }
0x69: {  	_ =	shalt  }
0x6a: {  	_ =	shalt  }
0x6b: {  	_ =	shalt  }
0x6c: {  	_ =	shalt  }
0x6d: {  	_ =	shalt  }
0x6e: {  	_ =	shalt  }
0x6f: {  	_ =	shalt  }
0x70: {  	_ =	shalt  }
0x71: {  	_ =	shalt  }
0x72: {  	_ =	shalt  }
0x73: {  	_ =	shalt  }
0x74: {  	_ =	shalt  }
0x75: {  	_ =	shalt  }
0x76: {  	_ =	shalt  }
0x77: {  	_ =	shalt  }
0x78: {  	_ =	shalt  }
0x79: {  	_ =	shalt  }
0x7a: {  	_ =	shalt  }
0x7b: {  	_ =	shalt  }
0x7c: {  	_ =	shalt  }
0x7d: {  	_ =	shalt  }
0x7e: {  	_ =	shalt  }
0x7f: {  	_ =	shalt  }
0x80: {  	_ =	shalt  }
0x81: {  	_ =	shalt  }
0x82: {  	_ =	shalt  }
0x83: {  	_ =	shalt  }
0x84: {  	_ =	shalt  }
0x85: {  	_ =	shalt  }
0x86: {  	_ =	shalt  }
0x87: {  	_ =	shalt  }
.Lfunc_end0:
.L_simem_size_0:
called_computation_lowered:
.L_overlay_start_0:
0x88: {  	s2 =	sld [smem:$0x3FD9]  }
0x89: {  	s3 =	sld [smem:$0x3FFE];
	_ =	sdelay $0x1  }
0x8a: {  	s1 =	srdreg.scid  }
0x8b: {  	s0 =	sand.u32 $0x1, s1  }
0x8c: {  	s14 =	sshll.u32 s0, $0xA;
	s2 =	sadd.s32 s3, s2  }
0x8d: {  	s2 =	sadd.s32 s2, s14  }
0x8e: {  	[smem:$0x3FC5] =	sst s2  }
0x8f: {  	_ = 	snop  }
0x90: {  	s2 =	sld [smem:$0x3FD0];
	_ =	sdelay $0x2  }
0x91: {  	s15 =	simm.s32 $0xA;
	s4 =	simm.s32 $0x10  }
0x92: {  	[smem:s4], [sflag:s15] =	dma.local [hbm:s2], $0x1  }
0x93: {  	_ =	swait.eq [sflag:s15], $0x1  }
0x94: {  	[sflag:s15] =	ssyncset.done $0x0  }
0x95: {  	s16 =	sld [smem:$0x11];
	[sflag:s15] =	ssyncadd.s32 $0xFFFFFFFF  }
0x96: {  	s17 =	sld [smem:$0x12];
	(tm) =	ssettm $0x1  }
0x97: {  	s18 =	sld [smem:$0x3FFB];
	_ =	sdelay $0x3  }
0x98: {  	_ =	strace s18  }
0x99: {  	s4 =	sld [smem:$0x3FFC];
	_ =	sdelay $0x3  }
0x9a: {  	_ =	strace s4  }
0x9b: {  	s4 =	sld [smem:$0x3FFD];
	_ =	sdelay $0x3  }
0x9c: {  	_ =	strace s4  }
0x9d: {  	_ =	strace $0x8FFFFFFF  }
0x9e: {  	s19 =	sld [smem:$0x3FDB];
	_ =	sdelay $0x1  }
0x9f: {  	s5 =	simm.s32 $_scs_section_size  }
0xa0: {  	s6 =	simm.s32 $_size__tile_overlayer_lowered;
	s7 =	simm.s32 $_tile_overlayer_lowered  }
0xa1: {  	s22 =	simm.s32 $0x1BFF;
	s21 =	sshll.u32 s7, $0x1;
	s4 =	sadd.s32 s5, s19  }
0xa2: {  	s8 =	simm.s32 $0x0;
	s20 =	sshll.u32 s6, $0x1;
	s6 =	sadd.s32 s21, s4  }
0xa3: {  	[timem:s8], [sflag:s22] =	dma.local [hbm:s6], s20  }
0xa4: {  	_ =	swait.ge [sflag:s22], s20  }
0xa5: {  	s5 =	ssub.s32 $0x0, s20;
	[sflag:s22] =	ssyncset.done $0x0  }
0xa6: {  	[sflag:s22] =	ssyncadd.s32 s5;
	_ =	sdelay $0x1  }
0xa7: {  	s23 =	simm.s32 $0x1B8B  }
0xa8: {  	_ =	swait.ge [sflag:s23], $0x1  }
0xa9: {  	[sflag:s23] =	ssyncset.done $0x0  }
0xaa: {  	s25 =	simm.s32 $0x1B8E;
	s24 =	sld [smem:$0x3FFE];
	[sflag:s23] =	ssyncadd.s32 $0xFFFFFFFF  }
0xab: {  	s26 =	simm.s32 $execute0_lowered;
	[smem:$0x3FD2] =	sst s25  }
0xac: {  	s6 =	sshll.u32 s26, $0x1;
	_ =	strace $0x80000046;
	[dreg:$0x1] =	wrdreg $0xFFFFFFFF  }
0xad: {  	s28 =	simm.s32 $_size_execute0_lowered;
	s4 =	sadd.s32 s4, s6;
	[dreg:$0x0] =	wrdreg $0x0  }
0xae: {  	s6 =	sshll.u32 s28, $0x1;
	[dreg:$0x2] =	wrdreg s4  }
0xaf: {  	[dreg:$0x3] =	wrdreg s6  }
0xb0: {  	[dreg:$0x4] =	wrdreg $0xC0  }
0xb1: {  	_ =	task [dreg:s8], $0x5FFFF  }
0xb2: {  	[dreg:$0x1] =	wrdreg $0xFFFFFFFF  }
0xb3: {  	[dreg:$0x0] =	wrdreg $0x60  }
0xb4: {  	[dreg:$0x2] =	wrdreg s24  }
0xb5: {  	[dreg:$0x3] =	wrdreg s16  }
0xb6: {  	[dreg:$0x4] =	wrdreg s17  }
0xb7: {  	[dreg:$0x5] =	wrdreg $0x9  }
0xb8: {  	_ =	task.clear_ibuf [dreg:s8], $0x6FFFF;
	_ =	strace $0x90000046  }
0xb9: {  	s29 =	simm.s32 $0x9;
	_ =	strace $0x80000048  }
0xba: {  	_ =	swait.ge [sflag:s29], $0x1  }
0xbb: {  	[sflag:s29] =	ssyncadd.s32 $0xFFFFFFFF  }
0xbc: {  	_ =	strace $0x90000048  }
0xbd: {  	_ =	sfence  }
0xbe: {  	s30 =	sld [smem:$0x0];
	_ =	sdelay $0x2  }
0xbf: {  	s31 =	sshll.u32 s1, $0xD;
	s1 =	sshrl.u32 s1, $0x2  }
0xc0: {  	s3 =	sand.u32 $0x4000, s31;
	s1 =	sadd.s32 s1, s30  }
0xc1: {  	s0 =	sor.u32 s3, s0;
	s1 =	sshll.u32 s1, $0x11  }
0xc2: {  	s0 =	sor.u32 s1, s0  }
0xc3: {  	s0 =	sadd.s32 $0x8F2B, s0  }
0xc4: {  	[sflag:s0] =	ssyncadd.remote.s32 $0x1  }
0xc5: {  	_ =	sfence.sel $0xFFFF  }
0xc6: {  	[dreg:$0x0] =	wrdreg $0xFFFFFFFF;
	(pc) =	sbr.abs _section_cstart, $3  }
0xc7: {  	[dreg:$0x1] =	wrdreg $0xFFFFFFFF  }
0xc8: {  	_ =	task.clear_ibuf [dreg:s8], $0x2FFFF;
	_ =	strace $0x9FFFFFFF  }
0xc9: {  	(tm) =	ssettm $0x7FFFFFFF  }
tec
execute0_lowered:
.L_overlay_start_1:
0x0: {  	(tag) =	ssettag $0x1  }
0x1: {  	s0 =	rddreg [dreg:$0x0]  }
0x2: {  	s1 =	rddreg [dreg:$0x1];
	s2 =	srdreg.scid  }
0x3: {  	s3 =	stileid.u32;
	s12 =	rddreg [dreg:$0x2]  }
0x4: {  	s15 =	simm.s32 $0x400;
	s16 =	simm.s32 $0x8000;
	s22 =	simm.s32 $0x1  }
0x5: {  	s23 =	simm.s32 $0x40;
	s28 =	simm.s32 $0xF080;
	s29 =	simm.s32 $0x11080  }
0x6: {  	s30 =	simm.s32 $0x13080;
	s31 =	simm.s32 $0x2;
	s17 =	simm.s32 $0x4  }
0x7: {  	s4 =	sand.u32 $0x1, s2;
	s3 =	sshll.u32 s3, $0x1;
	s2 =	simm.s32 $0x0  }
0x8: {  	s24 =	simm.s32 $0x0;
	s5 =	sor.u32 s4, s3;
	[smem:$0x7FF] =	sst s2  }
0x9: {  	s3 =	sadd.s32 $0x1EA0800, s0;
	s26 =	ssub.s32 $0x2, s4;
	s4 =	sadd.s32 $0x1BC00, s0  }
0xa: {  	s13 =	sshll.u32 s5, $0x7;
	_ =	strace $0x80000047;
	s11 =	sshll.u32 s5, $0x4  }
0xb: {  	vm0 =	vmmov $0x1;
	vm1 =	vmmov $0x3;
	vm2 =	vmmov $0x7;
	s6 =	sshrl.u32 s26, $0x1;
	s10 =	sadd.s32 s13, s0;
	s0 =	sadd.s32 s11, s0  }
0xc: {  	vm3 =	vmmov $0xf;
	vm4 =	vmmov $0x1f;
	vm5 =	vmmov $0x3f;
	s14 =	ssub.s32 s26, s6;
	s11 =	sadd.s32 s1, s11;
	s12 =	sadd.s32 s12, s13  }
0xd: {  	vm6 =	vmmov $0x7f;
	vm7 =	vmmov $0xff;
	vm8 =	vmmov $0x1ff;
	s1 =	simm.s32 $0x3;
	s5 =	sadd.s32 $0x12C00, s10;
	s6 =	sadd.s32 $0x1AC00, s10  }
0xe: {  	vm9 =	vmmov $0x3ff;
	vm10 =	vmmov $0x7ff;
	vm11 =	vmmov $0xfff;
	s7 =	sadd.s32 $0x9C00, s10;
	s8 =	sadd.s32 $0x11C00, s10;
	s9 =	sadd.s32 $0xC00, s10  }
0xf: {  	vm12 =	vmmov $0x1fff;
	vm13 =	vmmov $0x3fff;
	vm14 =	vmmov $0x7fff;
	s10 =	sadd.s32 $0x8C00, s10;
	s13 =	sadd.s32 $0xF5E200, s0;
	s14 =	smax.u32 s14, $0x1  }
.LBB2_1:
0x10: {  	[tilespmem:s2], [sflag:$0x1] =	stream.strided.gather [hbm4b:s5+s15], $0x2000, s16, s15, $0x38;
	[tilespmem:$0x15080] =	vst v63  }
0x11: {  	s0 =	simm.s32 $0x2000  }
0x12: {  	[tilespmem:s0], [sflag:$0x1] =	stream.linear.gather [hbm4b:s6+s2], $0x80, $0x38;
	[tilespmem:$0x15080] =	vst v63  }
0x13: {  	s26 =	simm.s32 $0x2400  }
0x14: {  	[tilespmem:s26], [sflag:$0x1] =	stream.strided.gather [hbm4b:s7+s15], $0x2000, s16, s15, $0x38;
	[tilespmem:$0x15080] =	vst v63  }
0x15: {  	s18 =	simm.s32 $0x4400  }
0x16: {  	[tilespmem:s18], [sflag:$0x1] =	stream.linear.gather [hbm4b:s8+s2], $0x80, $0x38;
	[tilespmem:$0x15080] =	vst v63  }
0x17: {  	s20 =	simm.s32 $0x4800  }
0x18: {  	[tilespmem:s20], [sflag:$0x1] =	stream.strided.gather [hbm4b:s9+s15], $0x2000, s16, s15, $0x38;
	[tilespmem:$0x15080] =	vst v63  }
0x19: {  	s19 =	simm.s32 $0x6800  }
0x1a: {  	[tilespmem:s19], [sflag:$0x1] =	stream.linear.gather [hbm4b:s10+s2], $0x80, $0x38;
	[tilespmem:$0x15080] =	vst v63  }
0x1b: {  	_ =	swait.ge [sflag:s22], $0x2080  }
0x1c: {  	[sflag:s22] =	ssyncset.done $0x0  }
0x1d: {  	[sflag:s22] =	ssyncadd.s32 $0xFFFFDF80  }
0x1e: {  	_ =	swait.ge [sflag:s22], $0x2080  }
0x1f: {  	[sflag:s22] =	ssyncset.done $0x0  }
0x20: {  	[sflag:s22] =	ssyncadd.s32 $0xFFFFDF80  }
0x21: {  	_ =	swait.ge [sflag:s22], $0x2080  }
0x22: {  	[sflag:s22] =	ssyncset.done $0x0  }
0x23: {  	s21 =	simm.s32 $0x9080;
	[sflag:s22] =	ssyncadd.s32 $0xFFFFDF80  }
0x24: {  	[tilespmem:s21], [sflag:$0x2] =	stream.indirect.gather [hbm4b:s3+s23], $0x80, s2, s23, $0xb8;
	[tilespmem:$0x15080] =	vst v63  }
0x25: {  	s25 =	simm.s32 $0xB080;
	s0 =	simm.s32 $0x0  }
0x26: {  	[tilespmem:s25], [sflag:$0x2] =	stream.indirect.gather [hbm4b:s4+s23], $0x80, s26, s23, $0xb8;
	[tilespmem:$0x15080] =	vst v63  }
0x27: {  	s18 =	simm.s32 $0x6C00;
	s26 =	simm.s32 $0xD080;
	s25 =	simm.s32 $0x6C40  }
0x28: {  	[tilespmem:s26], [sflag:$0x2] =	stream.indirect.gather [hbm4b:s3+s23], $0x80, s20, s23, $0xb8;
	[tilespmem:$0x15080] =	vst v63  }
.LBB2_2:
0x29: {  	s19 =	sshll.u32 s0, $0x7  }
0x2a: {  	s20 =	sor.u32 $0x40, s19  }
0x2b: {  	[tilespmem:s28], [sflag:$0x3] =	stream.indirect.gather [hbm4b:s3+s23], $0x80, s20, s23, $0xb8;
	[tilespmem:$0x15080] =	vst v63  }
0x2c: {  	s26 =	sadd.s32 $0x2440, s19  }
0x2d: {  	[tilespmem:s29], [sflag:$0x3] =	stream.indirect.gather [hbm4b:s4+s23], $0x80, s26, s23, $0xb8;
	[tilespmem:$0x15080] =	vst v63  }
0x2e: {  	s21 =	sadd.s32 $0x4840, s19  }
0x2f: {  	[tilespmem:s30], [sflag:$0x3] =	stream.indirect.gather [hbm4b:s3+s23], $0x80, s21, s23, $0xb8;
	[tilespmem:$0x15080] =	vst v63  }
0x30: {  	_ =	swait.ge [sflag:s31], $0x2000  }
0x31: {  	[sflag:s31] =	ssyncset.done $0x0  }
0x32: {  	[sflag:s31] =	ssyncadd.s32 $0xFFFFE000  }
0x33: {  	_ =	swait.ge [sflag:s31], $0x2000  }
0x34: {  	[sflag:s31] =	ssyncset.done $0x0  }
0x35: {  	[sflag:s31] =	ssyncadd.s32 $0xFFFFE000  }
0x36: {  	_ =	swait.ge [sflag:s31], $0x2000  }
0x37: {  	[sflag:s31] =	ssyncset.done $0x0  }
0x38: {  	s26 =	simm.s32 $0x0;
	[sflag:s31] =	ssyncadd.s32 $0xFFFFE000  }
0x39: {  	v39 =	vld [tilespmem:s26+$0xD830]  }
0x3a: {  	v0 =	vld [tilespmem:s26+$0x9830]  }
0x3b: {  	v45 =	vld [tilespmem:s26+$0xB830]  }
0x3c: {  	v46 =	vld [tilespmem:s26+$0xD7B0]  }
0x3d: {  	v59 =	vld [tilespmem:s26+$0xD800]  }
0x3e: {  	v17 =	vld [tilespmem:s26+$0x9820]  }
0x3f: {  	v16 =	vld [tilespmem:s26+$0xB820]  }
0x40: {  	v48 =	vld [tilespmem:s26+$0xD7A0]  }
0x41: {  	v23 =	vld [tilespmem:s26+$0x97B0]  }
0x42: {  	v20 =	vld [tilespmem:s26+$0xB7B0]  }
0x43: {  	v31 =	vld [tilespmem:s26+$0x9800]  }
0x44: {  	v36 =	vld [tilespmem:s26+$0xB800]  }
0x45: {  	v51 =	vld [tilespmem:s26+$0x9810]  }
0x46: {  	v56 =	vld [tilespmem:s26+$0xB810]  }
0x47: {  	v63 =	vld [tilespmem:s26+$0xD6B0]  }
0x48: {  	v58 =	vld [tilespmem:s26+$0xD720]  }
0x49: {  	v55 =	vld [tilespmem:s26+$0x9730]  }
0x4a: {  	v54 =	vld [tilespmem:s26+$0xB730]  }
0x4b: {  	v12 =	vld [tilespmem:s26+$0xD780]  }
0x4c: {  	v13 =	vld [tilespmem:s26+$0xD790]  }
0x4d: {  	v15 =	vld [tilespmem:s26+$0x97A0]  }
0x4e: {  	v14 =	vld [tilespmem:s26+$0xB7A0]  }
0x4f: {  	v1 =	vld [tilespmem:s26+$0xD630]  }
0x50: {  	v22 =	vld [tilespmem:s26+$0x96B0]  }
0x51: {  	v19 =	vld [tilespmem:s26+$0xB6B0]  }
0x52: {  	v21 =	vld [tilespmem:s26+$0x9720]  }
0x53: {  	v18 =	vld [tilespmem:s26+$0xB720]  }
0x54: {  	v3 =	vld [tilespmem:s26+$0x9780]  }
0x55: {  	v29 =	vld [tilespmem:s26+$0xD4A0]  }
0x56: {  	v2 =	vld [tilespmem:s26+$0xB780]  }
0x57: {  	v27 =	vld [tilespmem:s26+$0xB790]  }
0x58: {  	v4 =	vld [tilespmem:s26+$0xD620]  }
0x59: {  	v35 =	vld [tilespmem:s26+$0x9630]  }
0x5a: {  	[tilespmem:$0x1FB90] =	vst v29;
	v29 =	vld [tilespmem:s26+$0xD500]  }
0x5b: {  	v28 =	vld [tilespmem:s26+$0xB630]  }
0x5c: {  	v42 =	vld [tilespmem:s26+$0xD680]  }
0x5d: {  	v47 =	vld [tilespmem:s26+$0xD690]  }
0x5e: {  	v26 =	vld [tilespmem:s26+$0x96A0]  }
0x5f: {  	[tilespmem:$0x1FAB0] =	vst v29;
	v29 =	vld [tilespmem:s26+$0xD510]  }
0x60: {  	v24 =	vld [tilespmem:s26+$0xB6A0]  }
0x61: {  	v33 =	vld [tilespmem:s26+$0x9700]  }
0x62: {  	v25 =	vld [tilespmem:s26+$0xB700]  }
0x63: {  	v50 =	vld [tilespmem:s26+$0xD600]  }
0x64: {  	[tilespmem:$0x1FAE0] =	vst v29;
	v29 =	vld [tilespmem:s26+$0x9520]  }
0x65: {  	v49 =	vld [tilespmem:s26+$0xD610]  }
0x66: {  	v44 =	vld [tilespmem:s26+$0x9620]  }
0x67: {  	v43 =	vld [tilespmem:s26+$0xB620]  }
0x68: {  	[tilespmem:$0x1FA00] =	vst v4;
	v4 =	vld [tilespmem:s26+$0x9710]  }
0x69: {  	[tilespmem:$0x1FA90] =	vst v29;
	v29 =	vld [tilespmem:s26+$0xB520]  }
0x6a: {  	v5 =	vld [tilespmem:s26+$0x9680]  }
0x6b: {  	v7 =	vld [tilespmem:s26+$0x9690]  }
0x6c: {  	v6 =	vld [tilespmem:s26+$0xB690]  }
0x6d: {  	[tilespmem:$0x1FA10] =	vst v4;
	v4 =	vld [tilespmem:s26+$0xB710]  }
0x6e: {  	[tilespmem:$0x1FAA0] =	vst v29;
	v29 =	vld [tilespmem:s26+$0x9580]  }
0x6f: {  	v8 =	vld [tilespmem:s26+$0xD4B0]  }
0x70: {  	v61 =	vld [tilespmem:s26+$0x9530]  }
0x71: {  	v57 =	vld [tilespmem:s26+$0xB530]  }
0x72: {  	[tilespmem:$0x1FA20] =	vst v4;
	v4 =	vld [tilespmem:s26+$0xD530]  }
0x73: {  	[tilespmem:$0x1FAC0] =	vst v29;
	v29 =	vld [tilespmem:s26+$0xB580]  }
0x74: {  	v60 =	vld [tilespmem:s26+$0xB5A0]  }
0x75: {  	v11 =	vld [tilespmem:s26+$0x9600]  }
0x76: {  	[tilespmem:$0x1FA80] =	vst v8;
	v8 =	vld [tilespmem:s26+$0xD520]  }
0x77: {  	[tilespmem:$0x1FA60] =	vst v4;
	v4 =	vld [tilespmem:s26+$0xD5A0]  }
0x78: {  	[tilespmem:$0x1FAD0] =	vst v29;
	v29 =	vld [tilespmem:s26+$0x9590]  }
0x79: {  	v10 =	vld [tilespmem:s26+$0x9610]  }
0x7a: {  	[tilespmem:$0x1F9D0] =	vst v1;
	v1 =	vld [tilespmem:s26+$0xD6A0]  }
0x7b: {  	[tilespmem:$0x1FAF0] =	vst v8;
	v8 =	vld [tilespmem:s26+$0xD580]  }
0x7c: {  	[tilespmem:$0x1FA70] =	vst v4;
	v4 =	vld [tilespmem:s26+$0x95B0]  }
0x7d: {  	[tilespmem:$0x1FB10] =	vst v29;
	v29 =	vld [tilespmem:s26+$0xB590]  }
0x7e: {  	v9 =	vld [tilespmem:s26+$0xB610]  }
0x7f: {  	[tilespmem:$0x1F9E0] =	vst v1;
	v1 =	vld [tilespmem:s26+$0xD700]  }
0x80: {  	[tilespmem:$0x1FB00] =	vst v8;
	v8 =	vld [tilespmem:s26+$0x95A0]  }
0x81: {  	[tilespmem:$0x1FA30] =	vst v4;
	v4 =	vld [tilespmem:s26+$0xB5B0]  }
0x82: {  	[tilespmem:$0x1FB20] =	vst v29;
	v29 =	vld [tilespmem:s26+$0xD3B0]  }
0x83: {  	v53 =	vld [tilespmem:s26+$0x94B0]  }
0x84: {  	v52 =	vld [tilespmem:s26+$0xB4B0];
	[tilespmem:$0x1F9F0] =	vst v1  }
0x85: {  	v1 =	vld [tilespmem:s26+$0x9790];
	[tilespmem:$0x1FA50] =	vst v8  }
0x86: {  	v8 =	vld [tilespmem:s26+$0xB600];
	[tilespmem:$0x1FA40] =	vst v4  }
0x87: {  	v4 =	vld [tilespmem:s26+$0xB680];
	[tilespmem:$0x1FC00] =	vst v29  }
0x88: {  	v29 =	vld [tilespmem:s26+$0xD420]  }
0x89: {  	v32 =	vld [tilespmem:s26+$0x9500]  }
0x8a: {  	v34 =	vld [tilespmem:s26+$0x9510]  }
0x8b: {  	v0 =	vadd.f32 v45, v0;
	v2 =	vadd.f32 v2, v3;
	v30 =	vld [tilespmem:s26+$0xB510]  }
0x8c: {  	v1 =	vadd.f32 v27, v1;
	v37 =	vld [tilespmem:s26+$0xD330]  }
0x8d: {  	v0 =	vsub.f32 v0, v39;
	v12 =	vsub.f32 v2, v12;
	v62 =	vld [tilespmem:s26+$0xD3A0]  }
0x8e: {  	v1 =	vsub.f32 v1, v13;
	v13 =	vadd.f32 v14, v15;
	v40 =	vld [tilespmem:s26+$0x93B0]  }
0x8f: {  	v12 =	vand.u32 $0x7FFFFFFF, v12;
	v41 =	vld [tilespmem:s26+$0xB3B0]  }
0x90: {  	v1 =	vand.u32 $0x7FFFFFFF, v1;
	v13 =	vsub.f32 v13, v48;
	[tilespmem:$0x1FCD0] =	vst v0;
	v0 =	vadd.f32 v20, v23;
	v38 =	vld [tilespmem:s26+$0xB490]  }
0x91: {  	v1 =	vadd.f32 v1, v12;
	v45 =	vld [tilespmem:s26+$0xB400]  }
0x92: {  	v13 =	vand.u32 $0x7FFFFFFF, v13;
	v27 =	vld [tilespmem:s26+$0x9410];
	v0 =	vsub.f32 v0, v46  }
0x93: {  	v16 =	vadd.f32 v16, v17;
	v13 =	vadd.f32 v13, v1;
	v3 =	vld [tilespmem:s26+$0xB410]  }
0x94: {  	v2 =	vld [tilespmem:s26+$0xD230];
	v0 =	vand.u32 $0x7FFFFFFF, v0  }
0x95: {  	[tilespmem:$0x1FCB0] =	vst v16;
	v17 =	vld [tilespmem:s26+$0xD2A0];
	v16 =	vadd.f32 v0, v13;
	v0 =	vadd.f32 v4, v5  }
0x96: {  	[tilespmem:$0x1FC10] =	vst v29;
	v29 =	vld [tilespmem:s26+$0x9430]  }
0x97: {  	v5 =	vadd.f32 v6, v7;
	v7 =	vsub.f32 v0, v42;
	v0 =	vld [tilespmem:$0x1F9D0]  }
0x98: {  	v14 =	vadd.f32 v36, v31;
	v31 =	vld [tilespmem:s26+$0x92B0]  }
0x99: {  	v36 =	vld [tilespmem:s26+$0xB2B0]  }
0x9a: {  	v39 =	vld [tilespmem:s26+$0xD300];
	v4 =	vadd.f32 v28, v35  }
0x9b: {  	v12 =	vsub.f32 v14, v59;
	[tilespmem:$0x1FB70] =	vst v29;
	v29 =	vld [tilespmem:s26+$0xB430]  }
0x9c: {  	v14 =	vadd.f32 v18, v21;
	v18 =	vsub.f32 v4, v0;
	v0 =	vld [tilespmem:$0x1F9E0]  }
0x9d: {  	v4 =	vld [tilespmem:$0x1F9F0]  }
0x9e: {  	v21 =	vld [tilespmem:s26+$0x9320]  }
0x9f: {  	v48 =	vld [tilespmem:s26+$0xB320];
	v6 =	vadd.f32 v24, v26;
	v5 =	vsub.f32 v5, v47  }
0xa0: {  	v9 =	vadd.f32 v9, v10;
	v13 =	vadd.f32 v25, v33;
	[tilespmem:$0x1FB80] =	vst v29;
	v29 =	vld [tilespmem:s26+$0xD480]  }
0xa1: {  	v20 =	vld [tilespmem:s26+$0x9380];
	v7 =	vand.u32 $0x7FFFFFFF, v7;
	v5 =	vand.u32 $0x7FFFFFFF, v5;
	v15 =	vsub.f32 v6, v0  }
0xa2: {  	v6 =	vsub.f32 v13, v4;
	v13 =	vadd.f32 v5, v7;
	v7 =	vld [tilespmem:$0x1FA00]  }
0xa3: {  	v8 =	vadd.f32 v8, v11;
	v10 =	vld [tilespmem:s26+$0x9230]  }
0xa4: {  	v9 =	vsub.f32 v9, v49;
	[tilespmem:$0x1FCC0] =	vst v12;
	v12 =	vadd.f32 v19, v22;
	v19 =	vld [tilespmem:$0x1FA20]  }
0xa5: {  	v11 =	vadd.f32 v43, v44;
	v8 =	vsub.f32 v8, v50;
	[tilespmem:$0x1FB30] =	vst v29;
	v29 =	vld [tilespmem:s26+$0xD490]  }
0xa6: {  	v9 =	vand.u32 $0x7FFFFFFF, v9;
	v43 =	vld [tilespmem:s26+$0xB300];
	v15 =	vand.u32 $0x7FFFFFFF, v15  }
0xa7: {  	v44 =	vld [tilespmem:s26+$0x9310];
	v13 =	vadd.f32 v15, v13;
	v15 =	vand.u32 $0x7FFFFFFF, v8;
	v11 =	vsub.f32 v11, v7  }
0xa8: {  	v49 =	vld [tilespmem:s26+$0xD0B0];
	v9 =	vadd.f32 v9, v15  }
0xa9: {  	v22 =	vld [tilespmem:$0x1FAA0];
	v11 =	vand.u32 $0x7FFFFFFF, v11  }
0xaa: {  	v11 =	vadd.f32 v11, v9;
	[tilespmem:$0x1FB40] =	vst v29;
	v29 =	vld [tilespmem:s26+$0x94A0]  }
0xab: {  	v23 =	vld [tilespmem:$0x1FAD0];
	v18 =	vand.u32 $0x7FFFFFFF, v18  }
0xac: {  	v12 =	vsub.f32 v12, v63;
	v18 =	vadd.f32 v18, v11;
	v11 =	vld [tilespmem:$0x1FA80]  }
0xad: {  	v1 =	vadd.f32 v54, v55;
	v55 =	vld [tilespmem:s26+$0xB280]  }
0xae: {  	v46 =	vadd.f32 v56, v51;
	v56 =	vld [tilespmem:s26+$0xD310];
	v12 =	vand.u32 $0x7FFFFFFF, v12  }
0xaf: {  	v15 =	vadd.f32 v12, v13;
	v13 =	vadd.f32 v52, v53;
	[tilespmem:$0x1FB50] =	vst v29;
	v29 =	vld [tilespmem:s26+$0xB4A0]  }
0xb0: {  	v51 =	vld [tilespmem:s26+$0xD200]  }
0xb1: {  	v50 =	vsub.f32 v13, v11;
	v13 =	vld [tilespmem:$0x1FA90]  }
0xb2: {  	v7 =	vld [tilespmem:$0x1FA10]  }
0xb3: {  	v28 =	vld [tilespmem:s26+$0xB380]  }
0xb4: {  	[tilespmem:$0x1FB60] =	vst v29;
	v29 =	vld [tilespmem:s26+$0xB500]  }
0xb5: {  	v8 =	vld [tilespmem:$0x1FA30]  }
0xb6: {  	v13 =	vadd.f32 v22, v13;
	v22 =	vld [tilespmem:$0x1FAB0]  }
0xb7: {  	v7 =	vadd.f32 v19, v7;
	v19 =	vld [tilespmem:$0x1FA40]  }
0xb8: {  	[tilespmem:$0x1FC60] =	vst v62;
	v62 =	vld [tilespmem:s26+$0xD400]  }
0xb9: {  	v9 =	vld [tilespmem:$0x1FA60];
	v11 =	vadd.f32 v29, v32  }
0xba: {  	v24 =	vld [tilespmem:s26+$0x9390]  }
0xbb: {  	v22 =	vsub.f32 v11, v22;
	v11 =	vld [tilespmem:$0x1FAC0]  }
0xbc: {  	v12 =	vld [tilespmem:$0x1FA50];
	v8 =	vadd.f32 v19, v8;
	v19 =	vadd.f32 v57, v61  }
0xbd: {  	[tilespmem:$0x1FC70] =	vst v62;
	v62 =	vld [tilespmem:s26+$0xD320]  }
0xbe: {  	v19 =	vsub.f32 v19, v9;
	v9 =	vld [tilespmem:$0x1FA70]  }
0xbf: {  	v25 =	vld [tilespmem:s26+$0xB390]  }
0xc0: {  	v11 =	vadd.f32 v23, v11;
	v23 =	vld [tilespmem:$0x1FAE0]  }
0xc1: {  	v26 =	vld [tilespmem:s26+$0xB230];
	v12 =	vadd.f32 v60, v12  }
0xc2: {  	[tilespmem:$0x1FCA0] =	vst v62;
	v62 =	vld [tilespmem:s26+$0x9330]  }
0xc3: {  	v33 =	vld [tilespmem:s26+$0x92A0];
	v9 =	vsub.f32 v12, v9;
	v12 =	vadd.f32 v30, v34  }
0xc4: {  	[tilespmem:$0x1FBA0] =	vst v40;
	v40 =	vld [tilespmem:s26+$0x9420]  }
0xc5: {  	v12 =	vsub.f32 v12, v23;
	v23 =	vld [tilespmem:$0x1FAF0]  }
0xc6: {  	[tilespmem:$0x1FBB0] =	vst v41;
	v41 =	vld [tilespmem:s26+$0xB420]  }
0xc7: {  	[tilespmem:$0x1FBE0] =	vst v62;
	v62 =	vld [tilespmem:s26+$0xB330]  }
0xc8: {  	[tilespmem:$0x1FC20] =	vst v37;
	v37 =	vld [tilespmem:s26+$0xB480]  }
0xc9: {  	v14 =	vsub.f32 v14, v58;
	v58 =	vand.u32 $0x7FFFFFFF, v12;
	v12 =	vld [tilespmem:$0x1FB10]  }
0xca: {  	v57 =	vsub.f32 v13, v23;
	v23 =	vld [tilespmem:$0x1FB20]  }
0xcb: {  	[tilespmem:$0x1FBD0] =	vst v41;
	v41 =	vld [tilespmem:s26+$0x9480]  }
0xcc: {  	[tilespmem:$0x1FBF0] =	vst v62;
	v62 =	vld [tilespmem:s26+$0xD380]  }
0xcd: {  	v13 =	vld [tilespmem:$0x1FB00]  }
0xce: {  	v35 =	vld [tilespmem:s26+$0xB2A0]  }
0xcf: {  	v12 =	vadd.f32 v23, v12;
	v23 =	vld [tilespmem:$0x1FB30]  }
0xd0: {  	v31 =	vadd.f32 v36, v31;
	v36 =	vld [tilespmem:s26+$0xD080]  }
0xd1: {  	[tilespmem:$0x1FBC0] =	vst v40;
	v40 =	vld [tilespmem:s26+$0x9490]  }
0xd2: {  	[tilespmem:$0x1FC80] =	vst v62;
	v62 =	vld [tilespmem:s26+$0xD390];
	v11 =	vsub.f32 v11, v13;
	v13 =	vadd.f32 v37, v41  }
0xd3: {  	v42 =	vld [tilespmem:s26+$0x9300]  }
0xd4: {  	v59 =	vsub.f32 v13, v23;
	v13 =	vld [tilespmem:$0x1FB40]  }
0xd5: {  	v47 =	vld [tilespmem:s26+$0xB310]  }
0xd6: {  	v28 =	vadd.f32 v28, v20;
	v20 =	vld [tilespmem:$0x1FC60]  }
0xd7: {  	v38 =	vadd.f32 v38, v40;
	[tilespmem:$0x1FC90] =	vst v62;
	v62 =	vld [tilespmem:s26+$0x93A0]  }
0xd8: {  	v23 =	vld [tilespmem:$0x1FB60]  }
0xd9: {  	v38 =	vsub.f32 v38, v13;
	v13 =	vld [tilespmem:$0x1FB50]  }
0xda: {  	v10 =	vadd.f32 v26, v10;
	v26 =	vadd.f32 v35, v33;
	v33 =	vld [tilespmem:s26+$0xB0A0]  }
0xdb: {  	v35 =	vld [tilespmem:s26+$0x9080]  }
0xdc: {  	v63 =	vld [tilespmem:$0x1FBD0]  }
0xdd: {  	[tilespmem:$0x1FC30] =	vst v62;
	v62 =	vld [tilespmem:s26+$0xB3A0]  }
0xde: {  	v22 =	vand.u32 $0x7FFFFFFF, v22;
	v60 =	vadd.f32 v23, v13;
	v13 =	vld [tilespmem:$0x1FB70]  }
0xdf: {  	v22 =	vadd.f32 v58, v22;
	v23 =	vld [tilespmem:$0x1FB80]  }
0xe0: {  	v42 =	vadd.f32 v43, v42;
	v43 =	vld [tilespmem:s26+$0xB1A0];
	v34 =	vand.u32 $0x7FFFFFFF, v57  }
0xe1: {  	v44 =	vadd.f32 v47, v44;
	v47 =	vld [tilespmem:s26+$0x9200];
	v22 =	vadd.f32 v34, v22  }
0xe2: {  	v19 =	vand.u32 $0x7FFFFFFF, v19;
	[tilespmem:$0x1FC40] =	vst v62;
	v62 =	vld [tilespmem:s26+$0x9400]  }
0xe3: {  	v22 =	vadd.f32 v19, v22;
	v19 =	vld [tilespmem:$0x1FBA0]  }
0xe4: {  	v13 =	vadd.f32 v23, v13;
	v23 =	vld [tilespmem:$0x1FBB0]  }
0xe5: {  	v2 =	vsub.f32 v10, v2;
	v10 =	vsub.f32 v26, v17;
	v26 =	vld [tilespmem:s26+$0xB120]  }
0xe6: {  	v3 =	vadd.f32 v3, v27;
	v27 =	vsub.f32 v42, v39;
	v39 =	vld [tilespmem:s26+$0xB200]  }
0xe7: {  	v42 =	vsub.f32 v44, v56;
	v56 =	vld [tilespmem:s26+$0x9210]  }
0xe8: {  	[tilespmem:$0x1FC50] =	vst v62;
	v62 =	vld [tilespmem:$0x1FB90]  }
0xe9: {  	v19 =	vadd.f32 v23, v19;
	v23 =	vld [tilespmem:$0x1FBC0]  }
0xea: {  	v40 =	vld [tilespmem:s26+$0xB220]  }
0xeb: {  	v0 =	vld [tilespmem:s26+$0xD1B0]  }
0xec: {  	v4 =	vld [tilespmem:s26+$0xD220]  }
0xed: {  	v54 =	vsub.f32 v60, v62;
	v60 =	vld [tilespmem:$0x1FBF0]  }
0xee: {  	v58 =	vadd.f32 v63, v23;
	v23 =	vld [tilespmem:$0x1FBE0]  }
0xef: {  	v5 =	vld [tilespmem:s26+$0xD280]  }
0xf0: {  	v21 =	vadd.f32 v48, v21;
	v27 =	vand.u32 $0x7FFFFFFF, v27;
	v42 =	vand.u32 $0x7FFFFFFF, v42;
	v48 =	vld [tilespmem:$0x1FCA0]  }
0xf1: {  	v27 =	vadd.f32 v42, v27;
	v42 =	vld [tilespmem:s26+$0xD090]  }
0xf2: {  	v63 =	vld [tilespmem:$0x1FC40]  }
0xf3: {  	v61 =	vand.u32 $0x7FFFFFFF, v59;
	v38 =	vand.u32 $0x7FFFFFFF, v38;
	v59 =	vadd.f32 v60, v23;
	v23 =	vld [tilespmem:$0x1FC30]  }
0xf4: {  	v30 =	vld [tilespmem:s26+$0x91B0];
	v34 =	vadd.f32 v38, v61  }
0xf5: {  	v32 =	vld [tilespmem:s26+$0xB1B0];
	v54 =	vand.u32 $0x7FFFFFFF, v54  }
0xf6: {  	v53 =	vld [tilespmem:s26+$0x9280];
	v34 =	vadd.f32 v54, v34  }
0xf7: {  	v52 =	vld [tilespmem:s26+$0x9290];
	v21 =	vsub.f32 v21, v48;
	v50 =	vand.u32 $0x7FFFFFFF, v50  }
0xf8: {  	v34 =	vadd.f32 v50, v34;
	v50 =	vadd.f32 v63, v23;
	v23 =	vld [tilespmem:$0x1FC50]  }
0xf9: {  	v48 =	vld [tilespmem:s26+$0x90A0];
	v21 =	vand.u32 $0x7FFFFFFF, v21  }
0xfa: {  	v21 =	vadd.f32 v21, v27;
	v29 =	vld [tilespmem:s26+$0xD1A0];
	v27 =	vadd.f32 v32, v30  }
0xfb: {  	v32 =	vld [tilespmem:s26+$0xB180]  }
0xfc: {  	v0 =	vsub.f32 v27, v0;
	v27 =	vld [tilespmem:s26+$0xB080]  }
0xfd: {  	v45 =	vadd.f32 v45, v23;
	v23 =	vld [tilespmem:$0x1FC80]  }
0xfe: {  	v61 =	vld [tilespmem:$0x1FC00]  }
0xff: {  	v57 =	vld [tilespmem:s26+$0xD0A0]  }
0x100: {  	v37 =	vld [tilespmem:s26+$0xD210]  }
0x101: {  	v62 =	vld [tilespmem:$0x1FC20]  }
0x102: {  	v28 =	vsub.f32 v28, v23;
	v23 =	vld [tilespmem:$0x1FC90]  }
0x103: {  	v54 =	vsub.f32 v19, v61;
	v19 =	vld [tilespmem:$0x1FC10]  }
0x104: {  	v41 =	vld [tilespmem:s26+$0x9220]  }
0x105: {  	v24 =	vadd.f32 v25, v24;
	v38 =	vld [tilespmem:s26+$0xB290]  }
0x106: {  	v61 =	vld [tilespmem:s26+$0xB0B0]  }
0x107: {  	v60 =	vld [tilespmem:s26+$0x90B0];
	v24 =	vsub.f32 v24, v23  }
0x108: {  	v19 =	vsub.f32 v58, v19;
	v58 =	vsub.f32 v59, v62;
	v59 =	vld [tilespmem:s26+$0x9130]  }
0x109: {  	v62 =	vld [tilespmem:s26+$0xB130];
	v28 =	vand.u32 $0x7FFFFFFF, v28;
	v24 =	vand.u32 $0x7FFFFFFF, v24  }
0x10a: {  	v24 =	vadd.f32 v24, v28;
	v28 =	vld [tilespmem:s26+$0xB210]  }
0x10b: {  	v25 =	vsub.f32 v50, v20;
	v20 =	vld [tilespmem:$0x1FC70]  }
0x10c: {  	v30 =	vadd.f32 v39, v47;
	v27 =	vadd.f32 v27, v35;
	v17 =	vand.u32 $0x7FFFFFFF, v58;
	v58 =	vld [tilespmem:s26+$0xB190]  }
0x10d: {  	v17 =	vadd.f32 v17, v21;
	v21 =	vld [tilespmem:s26+$0x9180]  }
0x10e: {  	v30 =	vsub.f32 v30, v51;
	v27 =	vsub.f32 v27, v36;
	v63 =	vld [tilespmem:s26+$0xD180]  }
0x10f: {  	v38 =	vadd.f32 v38, v52;
	v50 =	vld [tilespmem:s26+$0xD190];
	v25 =	vand.u32 $0x7FFFFFFF, v25;
	v28 =	vadd.f32 v28, v56  }
0x110: {  	v20 =	vsub.f32 v45, v20;
	v45 =	vld [tilespmem:s26+$0x91A0];
	v24 =	vadd.f32 v25, v24  }
0x111: {  	v25 =	vand.u32 $0x7FFFFFFF, v54;
	v54 =	vadd.f32 v40, v41;
	v40 =	vld [tilespmem:s26+$0x9190];
	v28 =	vsub.f32 v28, v37  }
0x112: {  	v30 =	vand.u32 $0x7FFFFFFF, v30;
	v21 =	vadd.f32 v32, v21;
	v24 =	vadd.f32 v25, v24;
	v25 =	vld [tilespmem:s26+$0x9120]  }
0x113: {  	v4 =	vsub.f32 v54, v4;
	v56 =	vadd.f32 v55, v53;
	v53 =	vld [tilespmem:s26+$0xB090];
	v28 =	vand.u32 $0x7FFFFFFF, v28  }
0x114: {  	v47 =	vadd.f32 v61, v60;
	v28 =	vadd.f32 v28, v30;
	v30 =	vld [tilespmem:s26+$0x9090]  }
0x115: {  	v21 =	vsub.f32 v21, v63;
	v54 =	vadd.f32 v62, v59;
	v59 =	vld [tilespmem:s26+$0xB110];
	v4 =	vand.u32 $0x7FFFFFFF, v4  }
0x116: {  	v51 =	vadd.f32 v43, v45;
	v55 =	vld [tilespmem:s26+$0xB100];
	v4 =	vadd.f32 v4, v28  }
0x117: {  	v2 =	vand.u32 $0x7FFFFFFF, v2;
	v5 =	vsub.f32 v56, v5;
	v56 =	vld [tilespmem:s26+$0x9110];
	v58 =	vadd.f32 v58, v40  }
0x118: {  	v28 =	vld [tilespmem:s26+$0x9100];
	v2 =	vadd.f32 v2, v4;
	v4 =	vadd.f32 v33, v48  }
0x119: {  	v27 =	vand.u32 $0x7FFFFFFF, v27;
	v60 =	vld [tilespmem:s26+$0xD100];
	v33 =	vsub.f32 v58, v50;
	v30 =	vadd.f32 v53, v30  }
0x11a: {  	v61 =	vld [tilespmem:s26+$0xD110];
	v39 =	vsub.f32 v47, v49;
	v21 =	vand.u32 $0x7FFFFFFF, v21;
	v29 =	vsub.f32 v51, v29  }
0x11b: {  	v62 =	vld [tilespmem:s26+$0xD120];
	v25 =	vadd.f32 v26, v25;
	v33 =	vand.u32 $0x7FFFFFFF, v33;
	v30 =	vsub.f32 v30, v42  }
0x11c: {  	v29 =	vand.u32 $0x7FFFFFFF, v29;
	v4 =	vsub.f32 v4, v57;
	v21 =	vadd.f32 v33, v21  }
0x11d: {  	v63 =	vld [tilespmem:s26+$0xD290];
	v28 =	vadd.f32 v55, v28;
	v26 =	vand.u32 $0x7FFFFFFF, v30;
	v30 =	vadd.f32 v59, v56  }
0x11e: {  	(xrf2) =	vadd.scan.msk.f32 $0xffff, v16;
	v21 =	vadd.f32 v29, v21;
	v16 =	vadd.f32 v26, v27;
	v26 =	vld [tilespmem:s26+$0xD130]  }
0x11f: {  	(xrf2) =	vadd.scan.msk.f32 $0xffff, v15;
	v0 =	vand.u32 $0x7FFFFFFF, v0;
	v15 =	vsub.f32 v28, v60;
	v27 =	vsub.f32 v30, v61  }
0x120: {  	(xrf2) =	vadd.scan.msk.f32 $0xffff, v18;
	v18 =	vsub.f32 v25, v62;
	v4 =	vand.u32 $0x7FFFFFFF, v4;
	v0 =	vadd.f32 v0, v21;
	v21 =	vld [tilespmem:s26+$0xD410]  }
0x121: {  	(xrf2) =	vadd.scan.msk.f32 $0xffff, v22;
	v22 =	vld [tilespmem:s26+$0xD2B0];
	v15 =	vand.u32 $0x7FFFFFFF, v15;
	v4 =	vadd.f32 v4, v16;
	v16 =	vand.u32 $0x7FFFFFFF, v27  }
0x122: {  	(xrf2) =	vadd.scan.msk.f32 $0xffff, v34;
	v25 =	vand.u32 $0x7FFFFFFF, v39;
	v15 =	vadd.f32 v16, v15;
	v16 =	vsub.f32 v38, v63  }
0x123: {  	(xrf2) =	vadd.scan.msk.f32 $0xffff, v24;
	v18 =	vand.u32 $0x7FFFFFFF, v18;
	v4 =	vadd.f32 v25, v4;
	v25 =	vld [tilespmem:s26+$0xD590];
	v24 =	vsub.f32 v54, v26  }
0x124: {  	(xrf2) =	vadd.scan.msk.f32 $0xffff, v17;
	v5 =	vand.u32 $0x7FFFFFFF, v5;
	v15 =	vadd.f32 v18, v15;
	v16 =	vand.u32 $0x7FFFFFFF, v16  }
0x125: {  	v17 =	vld [tilespmem:s26+$0xD430];
	(xrf2) =	vadd.scan.msk.f32 $0xffff, v2;
	v3 =	vsub.f32 v3, v21;
	v2 =	vand.u32 $0x7FFFFFFF, v24;
	v5 =	vadd.f32 v16, v5  }
0x126: {  	(xrf2) =	vadd.scan.msk.f32 $0xffff, v0;
	v0 =	vadd.f32 v2, v15;
	v2 =	vand.u32 $0x7FFFFFFF, v10;
	v10 =	vsub.f32 v31, v22;
	v15 =	vld [tilespmem:s26+$0xD710]  }
0x127: {  	(xrf2) =	vadd.scan.msk.f32 $0xffff, v4;
	v4 =	vand.u32 $0x7FFFFFFF, v20;
	v3 =	vand.u32 $0x7FFFFFFF, v3;
	v2 =	vadd.f32 v2, v5;
	v5 =	vld [tilespmem:s26+$0xD5B0]  }
0x128: {  	v3 =	vadd.f32 v3, v4;
	v4 =	vsub.f32 v12, v25;
	v10 =	vand.u32 $0x7FFFFFFF, v10  }
0x129: {  	v2 =	vadd.f32 v10, v2;
	v10 =	vand.u32 $0x7FFFFFFF, v19  }
0x12a: {  	v4 =	vand.u32 $0x7FFFFFFF, v4;
	v3 =	vadd.f32 v10, v3;
	v10 =	vand.u32 $0x7FFFFFFF, v11  }
0x12b: {  	v4 =	vadd.f32 v4, v10;
	v7 =	vsub.f32 v7, v15  }
0x12c: {  	v9 =	vand.u32 $0x7FFFFFFF, v9;
	v16, _, _ =	vpop (xrf2);
	v12 =	vsub.f32 v13, v17;
	(xrf2) =	vadd.scan.msk.f32 $0xffff, v0;
	v5 =	vsub.f32 v8, v5  }
0x12d: {  	v6 =	vand.u32 $0x7FFFFFFF, v6;
	v13 =	vld [tilespmem:s26+$0xD810];
	v0, _, _ =	vpop (xrf2);
	v4 =	vadd.f32 v9, v4;
	v7 =	vand.u32 $0x7FFFFFFF, v7  }
0x12e: {  	v12 =	vand.u32 $0x7FFFFFFF, v12;
	v11 =	vld [tilespmem:s26+$0xD730];
	v17, _, _ =	vpop (xrf2);
	v5 =	vand.u32 $0x7FFFFFFF, v5;
	v6 =	vadd.f32 v7, v6  }
0x12f: {  	v10 =	vld [tilespmem:s26+$0xD820];
	v18, _, _ =	vpop (xrf2);
	v3 =	vadd.f32 v12, v3;
	v4 =	vadd.f32 v5, v4;
	v5 =	vand.u32 $0x7FFFFFFF, v14  }
0x130: {  	(xrf2) =	vadd.scan.msk.f32 $0xffff, v2;
	v2, _, _ =	vpop (xrf2);
	v5 =	vadd.f32 v5, v6;
	v6 =	vld [tilespmem:$0x1FCB0]  }
0x131: {  	v12 =	vld [tilespmem:$0x1FCC0];
	v8, _, _ =	vpop (xrf2)  }
0x132: {  	v9, _, _ =	vpop (xrf2)  }
0x133: {  	(xrf2) =	vadd.scan.msk.f32 $0xffff, v3;
	v1 =	vsub.f32 v1, v11;
	v3, _, _ =	vpop (xrf2)  }
0x134: {  	v7 =	vsub.f32 v46, v13;
	v11, _, _ =	vpop (xrf2)  }
0x135: {  	v1 =	vand.u32 $0x7FFFFFFF, v1;
	v6 =	vsub.f32 v6, v10;
	v10, _, _ =	vpop (xrf2)  }
0x136: {  	v7 =	vand.u32 $0x7FFFFFFF, v7;
	v12 =	vand.u32 $0x7FFFFFFF, v12;
	v1 =	vadd.f32 v1, v5;
	v5, _, _ =	vpop (xrf2)  }
0x137: {  	(xrf2) =	vadd.scan.msk.f32 $0xffff, v4;
	v4 =	vadd.f32 v7, v12;
	v7 =	vbroadcast v10, $0xF;
	v5 =	vbroadcast v5, $0xF  }
0x138: {  	v6 =	vand.u32 $0x7FFFFFFF, v6  }
0x139: {  	(xrf2) =	vadd.scan.msk.f32 $0xffff, v1;
	v1 =	vsel vm0, v7, v5;
	v5 =	vld [tilespmem:$0x1FCD0];
	_ =	sdelay $0x1  }
0x13a: {  	v4 =	vadd.f32 v6, v4;
	v6, _, _ =	vpop (xrf2)  }
0x13b: {  	v10 =	vbroadcast v11, $0xF;
	v6 =	vbroadcast v6, $0xF  }
0x13c: {  	v3 =	vbroadcast v3, $0xF  }
0x13d: {  	v1 =	vsel vm1, v1, v10;
	v5 =	vand.u32 $0x7FFFFFFF, v5  }
0x13e: {  	v1 =	vsel vm2, v1, v3;
	v3 =	vbroadcast v9, $0xF;
	v4 =	vadd.f32 v5, v4  }
0x13f: {  	v1 =	vsel vm3, v1, v6;
	v5 =	vbroadcast v8, $0xF;
	v6, _, _ =	vpop (xrf2)  }
0x140: {  	v1 =	vsel vm4, v1, v3;
	v3 =	vbroadcast v6, $0xF  }
0x141: {  	v2 =	vbroadcast v2, $0xF;
	(xrf2) =	vadd.scan.msk.f32 $0xffff, v4;
	v1 =	vsel vm5, v1, v5  }
0x142: {  	v1 =	vsel vm6, v1, v3;
	v3 =	vbroadcast v18, $0xF;
	v4, _, _ =	vpop (xrf2)  }
0x143: {  	v1 =	vsel vm7, v1, v2;
	v2 =	vbroadcast v4, $0xF  }
0x144: {  	v1 =	vsel vm8, v1, v3;
	v3 =	vbroadcast v17, $0xF  }
0x145: {  	v0 =	vbroadcast v0, $0xF;
	v1 =	vsel vm9, v1, v2  }
0x146: {  	v1 =	vsel vm10, v1, v3  }
0x147: {  	v2, _, _ =	vpop (xrf2);
	v0 =	vsel vm11, v1, v0;
	v1 =	vbroadcast v16, $0xF  }
0x148: {  	v2 =	vbroadcast v2, $0xF;
	_ =	sdelay $0x1  }
0x149: {  	v0 =	vsel vm12, v0, v2  }
0x14a: {  	v0 =	vsel vm13, v0, v1;
	v1, _, _ =	vpop (xrf2)  }
0x14b: {  	v0 =	vsel vm14, v0, v1  }
0x14c: {  	s21 =	simm.s32 $0x800;
	[tilespmem:s18+$0x0] =	vst v0  }
0x14d: {  	v33 =	vld [tilespmem:s21+$0xD830]  }
0x14e: {  	v30 =	vld [tilespmem:s21+$0x9830]  }
0x14f: {  	v17 =	vld [tilespmem:s21+$0xB830]  }
0x150: {  	v42 =	vld [tilespmem:s21+$0xD7B0]  }
0x151: {  	v54 =	vld [tilespmem:s21+$0xD800]  }
0x152: {  	v18 =	vld [tilespmem:s21+$0x9820]  }
0x153: {  	v26 =	vld [tilespmem:s21+$0xB820]  }
0x154: {  	v45 =	vld [tilespmem:s21+$0xD7A0]  }
0x155: {  	v47 =	vld [tilespmem:s21+$0x97B0]  }
0x156: {  	v51 =	vld [tilespmem:s21+$0xB7B0]  }
0x157: {  	v56 =	vld [tilespmem:s21+$0x9800]  }
0x158: {  	v57 =	vld [tilespmem:s21+$0xB800]  }
0x159: {  	v58 =	vld [tilespmem:s21+$0x9810]  }
0x15a: {  	v59 =	vld [tilespmem:s21+$0xB810]  }
0x15b: {  	v60 =	vld [tilespmem:s21+$0xD6B0]  }
0x15c: {  	v25 =	vld [tilespmem:s21+$0xD4A0]  }
0x15d: {  	v61 =	vld [tilespmem:s21+$0xD720]  }
0x15e: {  	v62 =	vld [tilespmem:s21+$0x9730]  }
0x15f: {  	v63 =	vld [tilespmem:s21+$0xB730]  }
0x160: {  	v11 =	vld [tilespmem:s21+$0xD780]  }
0x161: {  	[tilespmem:$0x1FEF0] =	vst v25;
	v25 =	vld [tilespmem:s21+$0xD500]  }
0x162: {  	v13 =	vld [tilespmem:s21+$0xD790]  }
0x163: {  	v14 =	vld [tilespmem:s21+$0x97A0]  }
0x164: {  	v12 =	vld [tilespmem:s21+$0xB7A0]  }
0x165: {  	v0 =	vld [tilespmem:s21+$0xD630]  }
0x166: {  	[tilespmem:$0x1FE10] =	vst v25;
	v25 =	vld [tilespmem:s21+$0xD510]  }
0x167: {  	v3 =	vld [tilespmem:s21+$0xD620]  }
0x168: {  	v19 =	vld [tilespmem:s21+$0x96B0]  }
0x169: {  	v16 =	vld [tilespmem:s21+$0xB6B0]  }
0x16a: {  	v20 =	vld [tilespmem:s21+$0x9720]  }
0x16b: {  	[tilespmem:$0x1FE40] =	vst v25;
	v25 =	vld [tilespmem:s21+$0x9520]  }
0x16c: {  	[tilespmem:$0x1FD60] =	vst v3;
	v3 =	vld [tilespmem:s21+$0x9710]  }
0x16d: {  	v36 =	vld [tilespmem:s21+$0x9780]  }
0x16e: {  	v2 =	vld [tilespmem:s21+$0xB780]  }
0x16f: {  	v1 =	vld [tilespmem:s21+$0x9790]  }
0x170: {  	[tilespmem:$0x1FDF0] =	vst v25;
	v25 =	vld [tilespmem:s21+$0xB520]  }
0x171: {  	[tilespmem:$0x1FD70] =	vst v3;
	v3 =	vld [tilespmem:s21+$0xB710]  }
0x172: {  	v32 =	vld [tilespmem:s21+$0x9630]  }
0x173: {  	v24 =	vld [tilespmem:s21+$0xB630]  }
0x174: {  	v39 =	vld [tilespmem:s21+$0xD680]  }
0x175: {  	[tilespmem:$0x1FE00] =	vst v25;
	v25 =	vld [tilespmem:s21+$0x9580]  }
0x176: {  	[tilespmem:$0x1FD80] =	vst v3;
	v3 =	vld [tilespmem:s21+$0xD530]  }
0x177: {  	[tilespmem:$0x1FD30] =	vst v0;
	v0 =	vld [tilespmem:s21+$0xD6A0]  }
0x178: {  	v43 =	vld [tilespmem:s21+$0xD690]  }
0x179: {  	v23 =	vld [tilespmem:s21+$0x96A0]  }
0x17a: {  	[tilespmem:$0x1FE20] =	vst v25;
	v25 =	vld [tilespmem:s21+$0xB580]  }
0x17b: {  	[tilespmem:$0x1FDC0] =	vst v3;
	v3 =	vld [tilespmem:s21+$0xD5A0]  }
0x17c: {  	[tilespmem:$0x1FD40] =	vst v0;
	v0 =	vld [tilespmem:s21+$0xD700]  }
0x17d: {  	v7 =	vld [tilespmem:s21+$0xD4B0]  }
0x17e: {  	v40 =	vld [tilespmem:s21+$0x9620]  }
0x17f: {  	[tilespmem:$0x1FE30] =	vst v25;
	v25 =	vld [tilespmem:s21+$0x9590]  }
0x180: {  	[tilespmem:$0x1FDD0] =	vst v3;
	v3 =	vld [tilespmem:s21+$0x95B0]  }
0x181: {  	[tilespmem:$0x1FD50] =	vst v0;
	v0 =	vld [tilespmem:s21+$0xB790]  }
0x182: {  	[tilespmem:$0x1FDE0] =	vst v7;
	v7 =	vld [tilespmem:s21+$0xD520]  }
0x183: {  	v4 =	vld [tilespmem:s21+$0x9680]  }
0x184: {  	v17 =	vadd.f32 v17, v30;
	[tilespmem:$0x1FE70] =	vst v25;
	v25 =	vld [tilespmem:s21+$0xB590]  }
0x185: {  	v2 =	vadd.f32 v2, v36;
	[tilespmem:$0x1FD90] =	vst v3;
	v3 =	vld [tilespmem:s21+$0xB5B0]  }
0x186: {  	v6 =	vld [tilespmem:s21+$0x9690];
	v0 =	vadd.f32 v0, v1;
	v1 =	vsub.f32 v17, v33  }
0x187: {  	v5 =	vld [tilespmem:s21+$0xB690];
	v2 =	vsub.f32 v2, v11;
	[tilespmem:$0x1FE50] =	vst v7  }
0x188: {  	v11 =	vadd.f32 v12, v14;
	v7 =	vld [tilespmem:s21+$0xD580];
	[tilespmem:$0x1FCF0] =	vst v1;
	v0 =	vsub.f32 v0, v13  }
0x189: {  	v2 =	vand.u32 $0x7FFFFFFF, v2;
	v1 =	vadd.f32 v51, v47;
	[tilespmem:$0x1FE80] =	vst v25;
	v25 =	vld [tilespmem:s21+$0xD3B0]  }
0x18a: {  	v11 =	vsub.f32 v11, v45;
	v13 =	vadd.f32 v57, v56;
	v0 =	vand.u32 $0x7FFFFFFF, v0;
	[tilespmem:$0x1FDA0] =	vst v3;
	v3 =	vld [tilespmem:s21+$0xB680]  }
0x18b: {  	v9 =	vld [tilespmem:s21+$0x9610];
	v12 =	vsub.f32 v1, v42;
	v0 =	vadd.f32 v0, v2  }
0x18c: {  	v8 =	vld [tilespmem:s21+$0xB610];
	v11 =	vand.u32 $0x7FFFFFFF, v11;
	v2 =	vsub.f32 v13, v54;
	v13 =	vadd.f32 v16, v19  }
0x18d: {  	v5 =	vadd.f32 v5, v6;
	[tilespmem:$0x1FE60] =	vst v7;
	v7 =	vld [tilespmem:s21+$0x95A0];
	v0 =	vadd.f32 v11, v0  }
0x18e: {  	v12 =	vand.u32 $0x7FFFFFFF, v12;
	v11 =	vsub.f32 v13, v60;
	v13 =	vadd.f32 v63, v62;
	[tilespmem:$0x1FF60] =	vst v25;
	v25 =	vld [tilespmem:s21+$0xD420]  }
0x18f: {  	v35 =	vld [tilespmem:s21+$0xB620];
	v16 =	vadd.f32 v12, v0;
	v0 =	vadd.f32 v3, v4  }
0x190: {  	v10 =	vld [tilespmem:s21+$0x9600]  }
0x191: {  	v5 =	vsub.f32 v5, v43;
	[tilespmem:$0x1FD20] =	vst v13;
	v13 =	vld [tilespmem:$0x1FD30];
	v12 =	vsub.f32 v0, v39  }
0x192: {  	[tilespmem:$0x1FDB0] =	vst v7;
	v7 =	vld [tilespmem:s21+$0xB600]  }
0x193: {  	v8 =	vadd.f32 v8, v9;
	v5 =	vand.u32 $0x7FFFFFFF, v5;
	v9 =	vand.u32 $0x7FFFFFFF, v12;
	[tilespmem:$0x1FF70] =	vst v25;
	v25 =	vld [tilespmem:s21+$0x9430]  }
0x194: {  	v4 =	vadd.f32 v24, v32;
	v5 =	vadd.f32 v5, v9;
	v9 =	vld [tilespmem:$0x1FD60]  }
0x195: {  	v21 =	vld [tilespmem:s21+$0xB6A0]  }
0x196: {  	v4 =	vsub.f32 v4, v13;
	v13 =	vld [tilespmem:$0x1FD40]  }
0x197: {  	v7 =	vadd.f32 v7, v10;
	v10 =	vadd.f32 v35, v40;
	v12 =	vld [tilespmem:$0x1FD80]  }
0x198: {  	[tilespmem:$0x1FED0] =	vst v25;
	v25 =	vld [tilespmem:s21+$0xB430]  }
0x199: {  	v9 =	vsub.f32 v10, v9;
	v10 =	vld [tilespmem:$0x1FD70]  }
0x19a: {  	v15 =	vld [tilespmem:s21+$0xB720]  }
0x19b: {  	v44 =	vld [tilespmem:s21+$0xD600];
	v6 =	vadd.f32 v21, v23  }
0x19c: {  	v46 =	vld [tilespmem:s21+$0xD610]  }
0x19d: {  	v13 =	vsub.f32 v6, v13;
	[tilespmem:$0x1FEE0] =	vst v25;
	v25 =	vld [tilespmem:s21+$0xD480]  }
0x19e: {  	v40 =	vadd.f32 v12, v10;
	v12 =	vld [tilespmem:$0x1FD90]  }
0x19f: {  	v10 =	vand.u32 $0x7FFFFFFF, v13;
	v13 =	vld [tilespmem:$0x1FDA0]  }
0x1a0: {  	v52 =	vld [tilespmem:s21+$0x9530]  }
0x1a1: {  	v50 =	vld [tilespmem:s21+$0xB530];
	v8 =	vsub.f32 v8, v46  }
0x1a2: {  	v7 =	vsub.f32 v7, v44;
	[tilespmem:$0x1FEB0] =	vst v25;
	v25 =	vld [tilespmem:s21+$0xD490]  }
0x1a3: {  	v29 =	vld [tilespmem:s21+$0x9700];
	v8 =	vand.u32 $0x7FFFFFFF, v8  }
0x1a4: {  	v7 =	vand.u32 $0x7FFFFFFF, v7;
	v5 =	vadd.f32 v10, v5;
	v45 =	vadd.f32 v13, v12;
	v12 =	vld [tilespmem:$0x1FDC0]  }
0x1a5: {  	v53 =	vld [tilespmem:s21+$0xB5A0];
	v7 =	vadd.f32 v8, v7;
	v8 =	vand.u32 $0x7FFFFFFF, v11  }
0x1a6: {  	v39 =	vadd.f32 v8, v5;
	v8 =	vld [tilespmem:$0x1FDB0]  }
0x1a7: {  	v11 =	vadd.f32 v50, v52;
	[tilespmem:$0x1FEC0] =	vst v25;
	v25 =	vld [tilespmem:s21+$0x94A0]  }
0x1a8: {  	v22 =	vld [tilespmem:s21+$0xB700]  }
0x1a9: {  	v13 =	vsub.f32 v11, v12;
	v11 =	vld [tilespmem:$0x1FDD0]  }
0x1aa: {  	v49 =	vld [tilespmem:s21+$0x94B0]  }
0x1ab: {  	v48 =	vld [tilespmem:s21+$0xB4B0]  }
0x1ac: {  	v8 =	vadd.f32 v53, v8;
	[tilespmem:$0x1FE90] =	vst v25;
	v25 =	vld [tilespmem:s21+$0xB4A0]  }
0x1ad: {  	v5 =	vand.u32 $0x7FFFFFFF, v9;
	v12 =	vld [tilespmem:$0x1FE00]  }
0x1ae: {  	v5 =	vadd.f32 v5, v7;
	v60 =	vsub.f32 v8, v11;
	v8 =	vld [tilespmem:$0x1FDF0]  }
0x1af: {  	v28 =	vld [tilespmem:s21+$0x9500];
	v4 =	vand.u32 $0x7FFFFFFF, v4  }
0x1b0: {  	v21 =	vadd.f32 v4, v5;
	v5 =	vld [tilespmem:$0x1FDE0]  }
0x1b1: {  	[tilespmem:$0x1FEA0] =	vst v25;
	v25 =	vld [tilespmem:s21+$0xB500]  }
0x1b2: {  	v31 =	vld [tilespmem:s21+$0x9510]  }
0x1b3: {  	v12 =	vadd.f32 v12, v8;
	v8 =	vld [tilespmem:$0x1FE10]  }
0x1b4: {  	v27 =	vld [tilespmem:s21+$0xB510];
	v7 =	vadd.f32 v48, v49  }
0x1b5: {  	v38 =	vld [tilespmem:s21+$0xD330]  }
0x1b6: {  	v41 =	vld [tilespmem:s21+$0xD3A0];
	v5 =	vsub.f32 v7, v5;
	v7 =	vadd.f32 v25, v28  }
0x1b7: {  	v19 =	vld [tilespmem:$0x1FE30]  }
0x1b8: {  	v7 =	vsub.f32 v7, v8;
	v8 =	vld [tilespmem:$0x1FE20]  }
0x1b9: {  	v55 =	vld [tilespmem:s21+$0x93B0]  }
0x1ba: {  	v37 =	vld [tilespmem:s21+$0xB3B0]  }
0x1bb: {  	v34 =	vld [tilespmem:s21+$0xB490]  }
0x1bc: {  	[tilespmem:$0x1FF80] =	vst v38;
	v38 =	vld [tilespmem:s21+$0xD400]  }
0x1bd: {  	v19 =	vadd.f32 v19, v8;
	v8 =	vld [tilespmem:$0x1FE40]  }
0x1be: {  	[tilespmem:$0x1FFB0] =	vst v41;
	v41 =	vld [tilespmem:s21+$0x9420]  }
0x1bf: {  	[tilespmem:$0x1FF00] =	vst v55;
	v55 =	vld [tilespmem:s21+$0xB420]  }
0x1c0: {  	[tilespmem:$0x1FF10] =	vst v37;
	v37 =	vld [tilespmem:s21+$0xB480];
	v11 =	vadd.f32 v27, v31  }
0x1c1: {  	v30 =	vld [tilespmem:s21+$0x9400]  }
0x1c2: {  	v31 =	vsub.f32 v11, v8;
	v8 =	vld [tilespmem:$0x1FE50]  }
0x1c3: {  	v36 =	vld [tilespmem:s21+$0xB400]  }
0x1c4: {  	[tilespmem:$0x1FF30] =	vst v55;
	v55 =	vld [tilespmem:s21+$0xD320]  }
0x1c5: {  	v18 =	vadd.f32 v26, v18;
	v26 =	vld [tilespmem:s21+$0x92B0]  }
0x1c6: {  	v23 =	vld [tilespmem:s21+$0xB380]  }
0x1c7: {  	v57 =	vsub.f32 v12, v8;
	v8 =	vld [tilespmem:$0x1FE60]  }
0x1c8: {  	[tilespmem:$0x1FF20] =	vst v41;
	v41 =	vld [tilespmem:s21+$0x9480]  }
0x1c9: {  	[tilespmem:$0x1FFF0] =	vst v55;
	v55 =	vld [tilespmem:s21+$0x9330];
	v7 =	vand.u32 $0x7FFFFFFF, v7;
	v31 =	vand.u32 $0x7FFFFFFF, v31  }
0x1ca: {  	v31 =	vadd.f32 v31, v7;
	v7 =	vld [tilespmem:$0x1FEB0]  }
0x1cb: {  	v12 =	vld [tilespmem:$0x1FE80]  }
0x1cc: {  	v11 =	vsub.f32 v19, v8;
	v8 =	vld [tilespmem:$0x1FE70]  }
0x1cd: {  	[tilespmem:$0x1FFC0] =	vst v38;
	v38 =	vld [tilespmem:s21+$0x9490]  }
0x1ce: {  	[tilespmem:$0x1FF40] =	vst v55;
	v55 =	vld [tilespmem:s21+$0xB330];
	v19 =	vadd.f32 v37, v41  }
0x1cf: {  	v14 =	vadd.f32 v59, v58;
	v58 =	vld [tilespmem:$0x1FEA0]  }
0x1d0: {  	v19 =	vsub.f32 v19, v7;
	v7 =	vld [tilespmem:$0x1FEC0]  }
0x1d1: {  	v12 =	vadd.f32 v12, v8;
	v8 =	vld [tilespmem:$0x1FE90]  }
0x1d2: {  	[tilespmem:$0x1FCE0] =	vst v18;
	v18 =	vld [tilespmem:s21+$0xB410]  }
0x1d3: {  	v43 =	vld [tilespmem:s21+$0x9310];
	v34 =	vadd.f32 v34, v38  }
0x1d4: {  	[tilespmem:$0x1FF50] =	vst v55;
	v55 =	vld [tilespmem:s21+$0xD380]  }
0x1d5: {  	v34 =	vsub.f32 v34, v7;
	v7 =	vld [tilespmem:$0x1FED0]  }
0x1d6: {  	v38 =	vadd.f32 v58, v8;
	v8 =	vld [tilespmem:$0x1FEE0]  }
0x1d7: {  	[tilespmem:$0x1FD10] =	vst v14;
	v14 =	vadd.f32 v15, v20;
	v20 =	vld [tilespmem:s21+$0x9320]  }
0x1d8: {  	v15 =	vld [tilespmem:s21+$0x9380]  }
0x1d9: {  	[tilespmem:$0x1FFD0] =	vst v55;
	v55 =	vld [tilespmem:s21+$0xD390]  }
0x1da: {  	v30 =	vadd.f32 v36, v30;
	v36 =	vld [tilespmem:s21+$0xB130]  }
0x1db: {  	v8 =	vadd.f32 v8, v7;
	v7 =	vld [tilespmem:$0x1FEF0]  }
0x1dc: {  	v61 =	vsub.f32 v14, v61;
	v14 =	vld [tilespmem:s21+$0xD280];
	v44 =	vand.u32 $0x7FFFFFFF, v57  }
0x1dd: {  	v17 =	vld [tilespmem:s21+$0x9410];
	v31 =	vadd.f32 v44, v31  }
0x1de: {  	[tilespmem:$0x1FFE0] =	vst v55;
	v55 =	vld [tilespmem:s21+$0x93A0];
	v13 =	vand.u32 $0x7FFFFFFF, v13  }
0x1df: {  	v31 =	vadd.f32 v13, v31;
	v13 =	vld [tilespmem:$0x1FF10]  }
0x1e0: {  	v38 =	vsub.f32 v38, v7;
	v7 =	vld [tilespmem:$0x1FF00]  }
0x1e1: {  	v33 =	vld [tilespmem:s21+$0xD2A0]  }
0x1e2: {  	v47 =	vld [tilespmem:s21+$0xD300]  }
0x1e3: {  	[tilespmem:$0x1FF90] =	vst v55;
	v55 =	vld [tilespmem:s21+$0xB3A0];
	v19 =	vand.u32 $0x7FFFFFFF, v19;
	v34 =	vand.u32 $0x7FFFFFFF, v34  }
0x1e4: {  	v34 =	vadd.f32 v34, v19;
	v19 =	vld [tilespmem:$0x1FF30]  }
0x1e5: {  	v13 =	vadd.f32 v13, v7;
	v7 =	vld [tilespmem:$0x1FF20]  }
0x1e6: {  	v51 =	vld [tilespmem:s21+$0xD310]  }
0x1e7: {  	v1 =	vld [tilespmem:s21+$0xD230]  }
0x1e8: {  	v42 =	vld [tilespmem:s21+$0xB300]  }
0x1e9: {  	v59 =	vld [tilespmem:$0x1FF50]  }
0x1ea: {  	[tilespmem:$0x1FFA0] =	vst v55;
	v55 =	vadd.f32 v19, v7;
	v7 =	vld [tilespmem:$0x1FF40]  }
0x1eb: {  	v35 =	vld [tilespmem:s21+$0xB2A0]  }
0x1ec: {  	[tilespmem:$0x1FD00] =	vst v2;
	v2 =	vld [tilespmem:s21+$0xB2B0]  }
0x1ed: {  	v54 =	vld [tilespmem:s21+$0xB290]  }
0x1ee: {  	v50 =	vld [tilespmem:s21+$0xB220]  }
0x1ef: {  	v63 =	vadd.f32 v59, v7;
	v7 =	vld [tilespmem:$0x1FF60]  }
0x1f0: {  	v52 =	vld [tilespmem:s21+$0x9280]  }
0x1f1: {  	v17 =	vadd.f32 v18, v17;
	v18 =	vadd.f32 v2, v26;
	v26 =	vld [tilespmem:s21+$0xB210]  }
0x1f2: {  	v3 =	vld [tilespmem:s21+$0xB320]  }
0x1f3: {  	v24 =	vld [tilespmem:s21+$0xB390]  }
0x1f4: {  	v57 =	vsub.f32 v13, v7;
	v7 =	vld [tilespmem:$0x1FF70]  }
0x1f5: {  	v0 =	vadd.f32 v22, v29;
	v22 =	vld [tilespmem:s21+$0x9390]  }
0x1f6: {  	v32 =	vld [tilespmem:s21+$0xB230]  }
0x1f7: {  	v6 =	vld [tilespmem:$0x1FD50]  }
0x1f8: {  	v29 =	vld [tilespmem:s21+$0x9230]  }
0x1f9: {  	v13 =	vsub.f32 v55, v7;
	v7 =	vld [tilespmem:$0x1FF80]  }
0x1fa: {  	v46 =	vadd.f32 v24, v22;
	v22 =	vld [tilespmem:s21+$0xD180];
	v38 =	vand.u32 $0x7FFFFFFF, v38  }
0x1fb: {  	v24 =	vld [tilespmem:s21+$0xD190];
	v34 =	vadd.f32 v38, v34  }
0x1fc: {  	v62 =	vsub.f32 v0, v6;
	v0 =	vld [tilespmem:s21+$0xD1B0];
	v5 =	vand.u32 $0x7FFFFFFF, v5  }
0x1fd: {  	v34 =	vadd.f32 v5, v34;
	v5 =	vld [tilespmem:$0x1FF90]  }
0x1fe: {  	v56 =	vsub.f32 v63, v7;
	v7 =	vld [tilespmem:$0x1FFA0]  }
0x1ff: {  	v6 =	vld [tilespmem:s21+$0xD220]  }
0x200: {  	v10 =	vld [tilespmem:s21+$0x92A0]  }
0x201: {  	v9 =	vld [tilespmem:s21+$0x9300]  }
0x202: {  	v4 =	vld [tilespmem:s21+$0xB310]  }
0x203: {  	v5 =	vadd.f32 v7, v5;
	v7 =	vld [tilespmem:$0x1FFB0]  }
0x204: {  	v48 =	vld [tilespmem:s21+$0xB1B0]  }
0x205: {  	v49 =	vld [tilespmem:s21+$0xD200]  }
0x206: {  	v53 =	vld [tilespmem:s21+$0x9290]  }
0x207: {  	v9 =	vadd.f32 v42, v9;
	v42 =	vld [tilespmem:s21+$0xB1A0]  }
0x208: {  	v4 =	vadd.f32 v4, v43;
	v5 =	vsub.f32 v5, v7;
	v7 =	vld [tilespmem:$0x1FFC0]  }
0x209: {  	v43 =	vld [tilespmem:s21+$0x9200]  }
0x20a: {  	v4 =	vsub.f32 v4, v51;
	v51 =	vld [tilespmem:s21+$0x90A0]  }
0x20b: {  	v27 =	vld [tilespmem:s21+$0x91B0]  }
0x20c: {  	v25 =	vld [tilespmem:s21+$0xD0B0]  }
0x20d: {  	v23 =	vadd.f32 v23, v15;
	v15 =	vsub.f32 v30, v7;
	v7 =	vld [tilespmem:$0x1FFD0]  }
0x20e: {  	v28 =	vld [tilespmem:s21+$0xD1A0]  }
0x20f: {  	v44 =	vld [tilespmem:s21+$0xB280]  }
0x210: {  	v37 =	vld [tilespmem:s21+$0xD210]  }
0x211: {  	v41 =	vld [tilespmem:s21+$0x9220]  }
0x212: {  	v23 =	vsub.f32 v23, v7;
	v7 =	vld [tilespmem:$0x1FFE0]  }
0x213: {  	(xrf2) =	vadd.scan.msk.f32 $0xffff, v16;
	v59 =	vld [tilespmem:s21+$0x91A0]  }
0x214: {  	(xrf2) =	vadd.scan.msk.f32 $0xffff, v39;
	v63 =	vld [tilespmem:s21+$0xB200]  }
0x215: {  	v3 =	vadd.f32 v3, v20;
	(xrf2) =	vadd.scan.msk.f32 $0xffff, v21;
	v20 =	vand.u32 $0x7FFFFFFF, v23;
	v23 =	vld [tilespmem:s21+$0x9210]  }
0x216: {  	(xrf2) =	vadd.scan.msk.f32 $0xffff, v31;
	v31 =	vld [tilespmem:s21+$0x9110]  }
0x217: {  	v9 =	vsub.f32 v9, v47;
	v30 =	vsub.f32 v46, v7;
	v7 =	vld [tilespmem:$0x1FFF0]  }
0x218: {  	v58 =	vld [tilespmem:s21+$0x9130]  }
0x219: {  	v10 =	vadd.f32 v35, v10;
	v9 =	vand.u32 $0x7FFFFFFF, v9;
	v38 =	vld [tilespmem:s21+$0x90B0];
	v16 =	vadd.f32 v63, v43  }
0x21a: {  	v19 =	vld [tilespmem:s21+$0xD0A0];
	v63 =	vadd.f32 v42, v59;
	v2 =	vand.u32 $0x7FFFFFFF, v30;
	v23 =	vadd.f32 v26, v23  }
0x21b: {  	v4 =	vand.u32 $0x7FFFFFFF, v4;
	v55 =	vld [tilespmem:s21+$0xB0B0];
	v26 =	vadd.f32 v50, v41;
	v2 =	vadd.f32 v2, v20  }
0x21c: {  	v5 =	vand.u32 $0x7FFFFFFF, v5;
	v50 =	vld [tilespmem:s21+$0xB180];
	v20 =	vadd.f32 v4, v9;
	v3 =	vsub.f32 v3, v7  }
0x21d: {  	v9 =	vld [tilespmem:s21+$0xD080];
	v2 =	vadd.f32 v5, v2;
	v5 =	vadd.f32 v32, v29  }
0x21e: {  	v16 =	vsub.f32 v16, v49;
	v4 =	vld [tilespmem:s21+$0xD090];
	v23 =	vsub.f32 v23, v37;
	v29 =	vand.u32 $0x7FFFFFFF, v57  }
0x21f: {  	v57 =	vld [tilespmem:s21+$0xB0A0];
	v32 =	vsub.f32 v63, v28;
	v3 =	vand.u32 $0x7FFFFFFF, v3;
	v46 =	vsub.f32 v5, v1  }
0x220: {  	v28 =	vld [tilespmem:s21+$0xB100];
	v30 =	vadd.f32 v3, v20;
	v20 =	vsub.f32 v10, v33  }
0x221: {  	v1 =	vand.u32 $0x7FFFFFFF, v56;
	v56 =	vld [tilespmem:s21+$0xB190];
	v10 =	vadd.f32 v48, v27;
	v27 =	vadd.f32 v44, v52  }
0x222: {  	v26 =	vsub.f32 v26, v6;
	v6 =	vand.u32 $0x7FFFFFFF, v16;
	v2 =	vadd.f32 v29, v2;
	v29 =	vld [tilespmem:s21+$0x9080]  }
0x223: {  	v48 =	vld [tilespmem:s21+$0x9180];
	v10 =	vsub.f32 v10, v0;
	v0 =	vsub.f32 v27, v14;
	v14 =	vand.u32 $0x7FFFFFFF, v23  }
0x224: {  	v16 =	vadd.f32 v55, v38;
	v52 =	vld [tilespmem:s21+$0x9190];
	v14 =	vadd.f32 v14, v6  }
0x225: {  	v26 =	vand.u32 $0x7FFFFFFF, v26;
	v33 =	vld [tilespmem:s21+$0xB090]  }
0x226: {  	v27 =	vld [tilespmem:s21+$0xB080];
	v23 =	vsub.f32 v16, v25;
	v16 =	vadd.f32 v26, v14  }
0x227: {  	v1 =	vadd.f32 v1, v30;
	v30 =	vld [tilespmem:s21+$0x9090]  }
0x228: {  	v21 =	vadd.f32 v36, v58;
	v5 =	vld [tilespmem:s21+$0xB120];
	v6 =	vadd.f32 v54, v53  }
0x229: {  	v3 =	vld [tilespmem:s21+$0x9120];
	v25 =	vand.u32 $0x7FFFFFFF, v46;
	v35 =	vadd.f32 v50, v48;
	v36 =	vadd.f32 v56, v52;
	v14, _, _ =	vpop (xrf2)  }
0x22a: {  	s20 =	simm.s32 $0x4000;
	s26 =	smov.u32 s18;
	v26 =	vld [tilespmem:s21+$0x9100];
	v25 =	vadd.f32 v25, v16;
	(xrf2) =	vadd.scan.msk.f32 $0xffff, v34;
	v34 =	vadd.f32 v57, v51;
	v16, _, _ =	vpop (xrf2)  }
.LBB2_3:
0x22b: {  	v27 =	vadd.f32 v27, v29  }
0x22c: {  	v29 =	vld [tilespmem:s21+$0xB110];
	v22 =	vsub.f32 v35, v22;
	v30 =	vadd.f32 v33, v30  }
0x22d: {  	v63 =	vld [tilespmem:s21+$0xD100];
	v24 =	vsub.f32 v36, v24;
	v19 =	vsub.f32 v34, v19  }
0x22e: {  	v3 =	vadd.f32 v5, v3;
	v9 =	vsub.f32 v27, v9;
	v27 =	vld [tilespmem:s21+$0xD110]  }
0x22f: {  	v4 =	vsub.f32 v30, v4;
	v30 =	vld [tilespmem:s21+$0xD120];
	v22 =	vand.u32 $0x7FFFFFFF, v22;
	v24 =	vand.u32 $0x7FFFFFFF, v24  }
0x230: {  	(xrf2) =	vadd.scan.msk.f32 $0xffff, v2;
	v32 =	vand.u32 $0x7FFFFFFF, v32;
	v5 =	vadd.f32 v24, v22;
	v22 =	vadd.f32 v28, v26  }
0x231: {  	v26 =	vld [tilespmem:s21+$0xD290];
	v9 =	vand.u32 $0x7FFFFFFF, v9;
	v4 =	vand.u32 $0x7FFFFFFF, v4;
	v24 =	vadd.f32 v29, v31  }
0x232: {  	v4 =	vadd.f32 v4, v9;
	v9 =	vld [tilespmem:s21+$0xD130];
	v5 =	vadd.f32 v32, v5  }
0x233: {  	v10 =	vand.u32 $0x7FFFFFFF, v10;
	v2, _, _ =	vpop (xrf2);
	(xrf2) =	vadd.scan.msk.f32 $0xffff, v1;
	v22 =	vsub.f32 v22, v63;
	v24 =	vsub.f32 v24, v27  }
0x234: {  	v19 =	vand.u32 $0x7FFFFFFF, v19;
	v3 =	vsub.f32 v3, v30;
	v5 =	vadd.f32 v10, v5;
	v10 =	vld [tilespmem:s21+$0xD410]  }
0x235: {  	v4 =	vadd.f32 v19, v4;
	v19 =	vand.u32 $0x7FFFFFFF, v22;
	v22 =	vand.u32 $0x7FFFFFFF, v24;
	v24 =	vld [tilespmem:s21+$0xD2B0]  }
0x236: {  	v23 =	vand.u32 $0x7FFFFFFF, v23;
	v1, _, _ =	vpop (xrf2);
	(xrf2) =	vadd.scan.msk.f32 $0xffff, v25;
	v6 =	vsub.f32 v6, v26;
	v19 =	vadd.f32 v22, v19  }
0x237: {  	v0 =	vand.u32 $0x7FFFFFFF, v0;
	v25, _, _ =	vpop (xrf2);
	(xrf2) =	vadd.scan.msk.f32 $0xffff, v5;
	v3 =	vand.u32 $0x7FFFFFFF, v3;
	v5 =	vsub.f32 v21, v9;
	v9 =	vld [tilespmem:s21+$0xD590]  }
0x238: {  	v4 =	vadd.f32 v23, v4;
	v6 =	vand.u32 $0x7FFFFFFF, v6;
	v3 =	vadd.f32 v3, v19;
	v19 =	vld [tilespmem:s21+$0xD430]  }
0x239: {  	v0 =	vadd.f32 v6, v0;
	v5 =	vand.u32 $0x7FFFFFFF, v5;
	v6 =	vsub.f32 v17, v10  }
0x23a: {  	v21, _, _ =	vpop (xrf2);
	(xrf2) =	vadd.scan.msk.f32 $0xffff, v4;
	v4 =	vand.u32 $0x7FFFFFFF, v20;
	v10 =	vld [tilespmem:s21+$0xD710];
	v3 =	vadd.f32 v5, v3;
	v5 =	vsub.f32 v18, v24  }
0x23b: {  	v0 =	vadd.f32 v4, v0;
	v4 =	vand.u32 $0x7FFFFFFF, v15;
	v15 =	vld [tilespmem:s21+$0xD5B0];
	v6 =	vand.u32 $0x7FFFFFFF, v6  }
0x23c: {  	v4 =	vadd.f32 v6, v4;
	v6 =	vsub.f32 v12, v9;
	v5 =	vand.u32 $0x7FFFFFFF, v5  }
0x23d: {  	v17, _, _ =	vpop (xrf2);
	(xrf2) =	vadd.scan.msk.f32 $0xffff, v3;
	v3 =	vand.u32 $0x7FFFFFFF, v13;
	v0 =	vadd.f32 v5, v0;
	v5 =	vsub.f32 v8, v19  }
0x23e: {  	v3 =	vadd.f32 v3, v4;
	v4 =	vand.u32 $0x7FFFFFFF, v11;
	v6 =	vand.u32 $0x7FFFFFFF, v6  }
0x23f: {  	v4 =	vadd.f32 v6, v4;
	v6 =	vsub.f32 v40, v10;
	v5 =	vand.u32 $0x7FFFFFFF, v5  }
0x240: {  	v9, _, _ =	vpop (xrf2);
	(xrf2) =	vadd.scan.msk.f32 $0xffff, v0;
	v0 =	vadd.f32 v5, v3;
	v3 =	vand.u32 $0x7FFFFFFF, v60;
	v5 =	vsub.f32 v45, v15  }
0x241: {  	v6 =	vand.u32 $0x7FFFFFFF, v6;
	v3 =	vadd.f32 v3, v4;
	v4 =	vand.u32 $0x7FFFFFFF, v62  }
0x242: {  	v7 =	vld [tilespmem:s21+$0xD810];
	v5 =	vand.u32 $0x7FFFFFFF, v5;
	v4 =	vadd.f32 v6, v4  }
0x243: {  	v10 =	vld [tilespmem:s21+$0xD820];
	v8, _, _ =	vpop (xrf2);
	(xrf2) =	vadd.scan.msk.f32 $0xffff, v0;
	v0 =	vadd.f32 v5, v3;
	v3 =	vand.u32 $0x7FFFFFFF, v61  }
0x244: {  	v3 =	vadd.f32 v3, v4;
	v4 =	vld [tilespmem:$0x1FCE0]  }
0x245: {  	v11 =	vld [tilespmem:s21+$0xD730]  }
0x246: {  	v6 =	vld [tilespmem:$0x1FD10]  }
0x247: {  	v5 =	vld [tilespmem:$0x1FD20];
	_ =	sdelay $0x1  }
0x248: {  	v4 =	vsub.f32 v4, v10;
	v10 =	vld [tilespmem:$0x1FD00];
	_ =	sdelay $0x1  }
0x249: {  	v6 =	vsub.f32 v6, v7  }
0x24a: {  	v7, _, _ =	vpop (xrf2);
	v12 =	vsub.f32 v5, v11  }
0x24b: {  	v5, _, _ =	vpop (xrf2);
	v6 =	vand.u32 $0x7FFFFFFF, v6  }
0x24c: {  	v5 =	vbroadcast v5, $0xF;
	v11 =	vand.u32 $0x7FFFFFFF, v12;
	v10 =	vand.u32 $0x7FFFFFFF, v10  }
0x24d: {  	(xrf2) =	vadd.scan.msk.f32 $0xffff, v0;
	v0 =	vadd.f32 v11, v3;
	v3 =	vadd.f32 v6, v10;
	v10 =	vbroadcast v7, $0xF;
	_ =	sdelay $0x1  }
0x24e: {  	(xrf2) =	vadd.scan.msk.f32 $0xffff, v0;
	v0 =	vsel vm0, v10, v5;
	v5 =	vld [tilespmem:$0x1FCF0];
	_ =	sdelay $0x2  }
0x24f: {  	v4 =	vand.u32 $0x7FFFFFFF, v4  }
0x250: {  	v7 =	vbroadcast v8, $0xF;
	v3 =	vadd.f32 v4, v3  }
0x251: {  	v6, _, _ =	vpop (xrf2);
	v4 =	vbroadcast v9, $0xF;
	v5 =	vand.u32 $0x7FFFFFFF, v5  }
0x252: {  	v0 =	vsel vm1, v0, v7;
	v7 =	vbroadcast v6, $0xF;
	v3 =	vadd.f32 v5, v3  }
0x253: {  	v0 =	vsel vm2, v0, v4;
	v4 =	vbroadcast v17, $0xF  }
0x254: {  	v6, _, _ =	vpop (xrf2);
	v0 =	vsel vm3, v0, v7;
	v5 =	vbroadcast v21, $0xF;
	(xrf2) =	vadd.scan.msk.f32 $0xffff, v3  }
0x255: {  	v6 =	vbroadcast v6, $0xF;
	v0 =	vsel vm4, v0, v4  }
0x256: {  	v4 =	vbroadcast v25, $0xF;
	v0 =	vsel vm5, v0, v5  }
0x257: {  	v1 =	vbroadcast v1, $0xF;
	v0 =	vsel vm6, v0, v6;
	v3, _, _ =	vpop (xrf2)  }
0x258: {  	v0 =	vsel vm7, v0, v4;
	v4 =	vbroadcast v3, $0xF  }
0x259: {  	v0 =	vsel vm8, v0, v1;
	v1 =	vbroadcast v2, $0xF  }
0x25a: {  	v2 =	vbroadcast v16, $0xF;
	v3, _, _ =	vpop (xrf2);
	v0 =	vsel vm9, v0, v4  }
0x25b: {  	v3 =	vbroadcast v3, $0xF;
	v0 =	vsel vm10, v0, v1  }
0x25c: {  	v0 =	vsel vm11, v0, v2;
	v2 =	vbroadcast v14, $0xF  }
0x25d: {  	v0 =	vsel vm12, v0, v3  }
0x25e: {  	v0 =	vsel vm13, v0, v2;
	v1, _, _ =	vpop (xrf2)  }
0x25f: {  	s26 =	sadd.s32 $0x10, s26;
	v0 =	vsel vm14, v0, v1  }
0x260: {  	s21 =	sshra.s32 s20, $0x2;
	[tilespmem:s26+$0x0] =	vst v0  }
0x261: {  	v0 =	vld [tilespmem:s21+$0xD830];
	_ =	sdelay $0x4  }
0x262: {  	[tilespmem:$0x1F6B0] =	vst v0;
	v0 =	vld [tilespmem:s21+$0x9830];
	_ =	sdelay $0x4  }
0x263: {  	[tilespmem:$0x1F680] =	vst v0;
	v0 =	vld [tilespmem:s21+$0xD7B0];
	_ =	sdelay $0x4  }
0x264: {  	[tilespmem:$0x1F6E0] =	vst v0;
	v0 =	vld [tilespmem:s21+$0xD800];
	_ =	sdelay $0x4  }
0x265: {  	[tilespmem:$0x1F720] =	vst v0;
	v0 =	vld [tilespmem:s21+$0x9820];
	_ =	sdelay $0x4  }
0x266: {  	[tilespmem:$0x1F690] =	vst v0;
	v0 =	vld [tilespmem:s21+$0xB820];
	_ =	sdelay $0x4  }
0x267: {  	[tilespmem:$0x1F6A0] =	vst v0;
	v0 =	vld [tilespmem:s21+$0xD7A0];
	_ =	sdelay $0x4  }
0x268: {  	[tilespmem:$0x1F710] =	vst v0;
	v0 =	vld [tilespmem:s21+$0x97B0];
	_ =	sdelay $0x4  }
0x269: {  	[tilespmem:$0x1F6C0] =	vst v0;
	v0 =	vld [tilespmem:s21+$0xB7B0];
	_ =	sdelay $0x4  }
0x26a: {  	[tilespmem:$0x1F6D0] =	vst v0;
	v0 =	vld [tilespmem:s21+$0x9800];
	_ =	sdelay $0x4  }
0x26b: {  	[tilespmem:$0x1F6F0] =	vst v0;
	v0 =	vld [tilespmem:s21+$0xB800];
	_ =	sdelay $0x4  }
0x26c: {  	[tilespmem:$0x1F700] =	vst v0;
	v0 =	vld [tilespmem:s21+$0x9810];
	_ =	sdelay $0x4  }
0x26d: {  	[tilespmem:$0x1F740] =	vst v0;
	v0 =	vld [tilespmem:s21+$0xB810];
	_ =	sdelay $0x4  }
0x26e: {  	[tilespmem:$0x1F750] =	vst v0;
	v0 =	vld [tilespmem:s21+$0xD6B0];
	_ =	sdelay $0x4  }
0x26f: {  	[tilespmem:$0x1F760] =	vst v0;
	v0 =	vld [tilespmem:s21+$0x9730];
	_ =	sdelay $0x4  }
0x270: {  	[tilespmem:$0x1F770] =	vst v0;
	v0 =	vld [tilespmem:s21+$0xB730];
	_ =	sdelay $0x4  }
0x271: {  	[tilespmem:$0x1F780] =	vst v0;
	v0 =	vld [tilespmem:s21+$0xD630];
	_ =	sdelay $0x4  }
0x272: {  	[tilespmem:$0x1F7A0] =	vst v0;
	v0 =	vld [tilespmem:s21+$0xD6A0];
	_ =	sdelay $0x4  }
0x273: {  	[tilespmem:$0x1F7C0] =	vst v0;
	v0 =	vld [tilespmem:s21+$0x96B0];
	_ =	sdelay $0x4  }
0x274: {  	[tilespmem:$0x1F730] =	vst v0;
	v0 =	vld [tilespmem:s21+$0xD700];
	_ =	sdelay $0x4  }
0x275: {  	[tilespmem:$0x1F7D0] =	vst v0;
	v0 =	vld [tilespmem:s21+$0xD620];
	_ =	sdelay $0x4  }
0x276: {  	[tilespmem:$0x1F7F0] =	vst v0;
	v0 =	vld [tilespmem:s21+$0xD680];
	_ =	sdelay $0x4  }
0x277: {  	[tilespmem:$0x1F790] =	vst v0;
	v0 =	vld [tilespmem:s21+$0xD690];
	_ =	sdelay $0x4  }
0x278: {  	[tilespmem:$0x1F7B0] =	vst v0;
	v0 =	vld [tilespmem:s21+$0x9710];
	_ =	sdelay $0x4  }
0x279: {  	[tilespmem:$0x1F800] =	vst v0;
	v0 =	vld [tilespmem:s21+$0xB710];
	_ =	sdelay $0x4  }
0x27a: {  	[tilespmem:$0x1F810] =	vst v0;
	v0 =	vld [tilespmem:s21+$0xD530];
	_ =	sdelay $0x4  }
0x27b: {  	[tilespmem:$0x1F840] =	vst v0;
	v0 =	vld [tilespmem:s21+$0xD5A0];
	_ =	sdelay $0x4  }
0x27c: {  	[tilespmem:$0x1F850] =	vst v0;
	v0 =	vld [tilespmem:s21+$0x95B0];
	_ =	sdelay $0x4  }
0x27d: {  	[tilespmem:$0x1F820] =	vst v0;
	v0 =	vld [tilespmem:s21+$0xB5B0];
	_ =	sdelay $0x4  }
0x27e: {  	[tilespmem:$0x1F830] =	vst v0;
	v0 =	vld [tilespmem:s21+$0xD600];
	_ =	sdelay $0x4  }
0x27f: {  	[tilespmem:$0x1F7E0] =	vst v0;
	v0 =	vld [tilespmem:s21+$0xD4B0];
	_ =	sdelay $0x4  }
0x280: {  	[tilespmem:$0x1F860] =	vst v0;
	v0 =	vld [tilespmem:s21+$0xD520];
	_ =	sdelay $0x4  }
0x281: {  	[tilespmem:$0x1F890] =	vst v0;
	v0 =	vld [tilespmem:s21+$0xD580];
	_ =	sdelay $0x4  }
0x282: {  	[tilespmem:$0x1F8A0] =	vst v0;
	v0 =	vld [tilespmem:s21+$0xD4A0];
	_ =	sdelay $0x4  }
0x283: {  	[tilespmem:$0x1F8F0] =	vst v0;
	v0 =	vld [tilespmem:s21+$0xD500];
	_ =	sdelay $0x4  }
0x284: {  	[tilespmem:$0x1F870] =	vst v0;
	v0 =	vld [tilespmem:s21+$0xD510];
	_ =	sdelay $0x4  }
0x285: {  	[tilespmem:$0x1F880] =	vst v0;
	v0 =	vld [tilespmem:s21+$0x9590];
	_ =	sdelay $0x4  }
0x286: {  	[tilespmem:$0x1F8B0] =	vst v0;
	v0 =	vld [tilespmem:s21+$0xD3B0];
	_ =	sdelay $0x4  }
0x287: {  	[tilespmem:$0x1F900] =	vst v0;
	v0 =	vld [tilespmem:s21+$0xD420];
	_ =	sdelay $0x4  }
0x288: {  	[tilespmem:$0x1F910] =	vst v0;
	v0 =	vld [tilespmem:s21+$0x9430];
	_ =	sdelay $0x4  }
0x289: {  	[tilespmem:$0x1F8D0] =	vst v0;
	v0 =	vld [tilespmem:s21+$0xB430];
	_ =	sdelay $0x4  }
0x28a: {  	[tilespmem:$0x1F8E0] =	vst v0;
	v0 =	vld [tilespmem:s21+$0xD480];
	_ =	sdelay $0x4  }
0x28b: {  	[tilespmem:$0x1F8C0] =	vst v0;
	v0 =	vld [tilespmem:s21+$0xD330];
	_ =	sdelay $0x4  }
0x28c: {  	[tilespmem:$0x1F920] =	vst v0;
	v0 =	vld [tilespmem:s21+$0xD3A0];
	_ =	sdelay $0x4  }
0x28d: {  	[tilespmem:$0x1F930] =	vst v0;
	v0 =	vld [tilespmem:s21+$0xD400];
	_ =	sdelay $0x4  }
0x28e: {  	[tilespmem:$0x1F940] =	vst v0;
	v0 =	vld [tilespmem:s21+$0xD320];
	_ =	sdelay $0x4  }
0x28f: {  	[tilespmem:$0x1F990] =	vst v0;
	v0 =	vld [tilespmem:s21+$0xD380];
	_ =	sdelay $0x3  }
0x290: {  	v7 =	vld [tilespmem:s21+$0x9410]  }
0x291: {  	[tilespmem:$0x1F950] =	vst v0;
	v0 =	vld [tilespmem:s21+$0xD390];
	_ =	sdelay $0x2  }
0x292: {  	v49 =	vld [tilespmem:s21+$0xB830]  }
0x293: {  	[tilespmem:$0x1F970] =	vst v7;
	v7 =	vld [tilespmem:s21+$0xB410]  }
0x294: {  	[tilespmem:$0x1F960] =	vst v0;
	v0 =	vld [tilespmem:$0x1F680];
	_ =	sdelay $0x3  }
0x295: {  	[tilespmem:$0x1F980] =	vst v7;
	v7 =	vld [tilespmem:$0x1F6A0]  }
0x296: {  	v0 =	vadd.f32 v49, v0;
	v49 =	vld [tilespmem:$0x1F690];
	_ =	sdelay $0x4  }
0x297: {  	v49 =	vadd.f32 v7, v49  }
0x298: {  	v14 =	vld [tilespmem:s21+$0x9790]  }
0x299: {  	[tilespmem:$0x1FCE0] =	vst v49;
	v49 =	vld [tilespmem:$0x1F6B0]  }
0x29a: {  	v10 =	vld [tilespmem:s21+$0xB790];
	_ =	sdelay $0x2  }
0x29b: {  	v19 =	vld [tilespmem:s21+$0x9780]  }
0x29c: {  	v18 =	vld [tilespmem:s21+$0xB780];
	v0 =	vsub.f32 v0, v49  }
0x29d: {  	v10 =	vadd.f32 v10, v14;
	v14 =	vld [tilespmem:s21+$0xD2A0]  }
0x29e: {  	[tilespmem:$0x1FCF0] =	vst v0;
	v0 =	vld [tilespmem:s21+$0xD230]  }
0x29f: {  	v27 =	vld [tilespmem:s21+$0x97A0]  }
0x2a0: {  	v25 =	vld [tilespmem:s21+$0xB7A0];
	_ =	sdelay $0x1  }
0x2a1: {  	[tilespmem:$0x1F9B0] =	vst v14;
	v14 =	vld [tilespmem:$0x1F6C0]  }
0x2a2: {  	[tilespmem:$0x1F9A0] =	vst v0;
	v0 =	vadd.f32 v18, v19;
	v18 =	vld [tilespmem:$0x1F6D0]  }
0x2a3: {  	v36 =	vld [tilespmem:s21+$0xD780]  }
0x2a4: {  	v19 =	vadd.f32 v25, v27;
	v27 =	vld [tilespmem:$0x1F6E0];
	_ =	sdelay $0x2  }
0x2a5: {  	v34 =	vld [tilespmem:s21+$0xD790];
	v25 =	vadd.f32 v18, v14  }
0x2a6: {  	v0 =	vsub.f32 v0, v36;
	v36 =	vld [tilespmem:$0x1F700]  }
0x2a7: {  	v25 =	vsub.f32 v25, v27;
	v27 =	vld [tilespmem:$0x1F6F0];
	_ =	sdelay $0x1  }
0x2a8: {  	v7 =	vld [tilespmem:$0x1F720];
	_ =	sdelay $0x1  }
0x2a9: {  	v10 =	vsub.f32 v10, v34  }
0x2aa: {  	v36 =	vadd.f32 v36, v27  }
0x2ab: {  	v59 =	vld [tilespmem:s21+$0xB6B0];
	v10 =	vand.u32 $0x7FFFFFFF, v10;
	v0 =	vand.u32 $0x7FFFFFFF, v0  }
0x2ac: {  	v0 =	vadd.f32 v10, v0;
	v10 =	vsub.f32 v36, v7;
	v7 =	vld [tilespmem:$0x1F730];
	_ =	sdelay $0x3  }
0x2ad: {  	v49 =	vld [tilespmem:$0x1F710]  }
0x2ae: {  	[tilespmem:$0x1FD00] =	vst v10;
	v10 =	vadd.f32 v59, v7;
	v7 =	vld [tilespmem:$0x1F740]  }
0x2af: {  	v59 =	vld [tilespmem:$0x1F750];
	_ =	sdelay $0x4  }
0x2b0: {  	v19 =	vsub.f32 v19, v49;
	v49 =	vadd.f32 v59, v7;
	v7 =	vld [tilespmem:$0x1F760];
	_ =	sdelay $0x3  }
0x2b1: {  	v19 =	vand.u32 $0x7FFFFFFF, v19  }
0x2b2: {  	v0 =	vadd.f32 v19, v0;
	v19 =	vsub.f32 v10, v7;
	v7 =	vld [tilespmem:$0x1F770]  }
0x2b3: {  	v10 =	vld [tilespmem:$0x1F780];
	_ =	sdelay $0x4  }
0x2b4: {  	v7 =	vadd.f32 v10, v7;
	_ =	sdelay $0x1  }
0x2b5: {  	[tilespmem:$0x1FD20] =	vst v7;
	v7 =	vld [tilespmem:s21+$0xD1B0]  }
0x2b6: {  	v54 =	vld [tilespmem:s21+$0x9720]  }
0x2b7: {  	v17 =	vld [tilespmem:s21+$0x9680]  }
0x2b8: {  	v11 =	vld [tilespmem:s21+$0xB680]  }
0x2b9: {  	v62 =	vld [tilespmem:s21+$0xB720]  }
0x2ba: {  	[tilespmem:$0x1F9C0] =	vst v7;
	v7 =	vld [tilespmem:$0x1F790]  }
0x2bb: {  	v61 =	vld [tilespmem:s21+$0xD720]  }
0x2bc: {  	v58 =	vld [tilespmem:s21+$0x9630]  }
0x2bd: {  	v48 =	vld [tilespmem:s21+$0xB630];
	v11 =	vadd.f32 v11, v17;
	_ =	sdelay $0x1  }
0x2be: {  	v54 =	vadd.f32 v62, v54;
	v11 =	vsub.f32 v11, v7;
	v7 =	vld [tilespmem:$0x1F7A0];
	_ =	sdelay $0x1  }
0x2bf: {  	v16 =	vld [tilespmem:s21+$0x9690];
	v61 =	vsub.f32 v54, v61;
	v25 =	vand.u32 $0x7FFFFFFF, v25  }
0x2c0: {  	v8 =	vld [tilespmem:s21+$0xB690];
	v54 =	vadd.f32 v25, v0;
	v25 =	vadd.f32 v48, v58;
	_ =	sdelay $0x1  }
0x2c1: {  	v25 =	vsub.f32 v25, v7;
	v7 =	vld [tilespmem:$0x1F7B0];
	_ =	sdelay $0x1  }
0x2c2: {  	v45 =	vld [tilespmem:s21+$0x96A0]  }
0x2c3: {  	v37 =	vld [tilespmem:s21+$0xB6A0];
	v8 =	vadd.f32 v8, v16;
	_ =	sdelay $0x1  }
0x2c4: {  	v8 =	vsub.f32 v8, v7;
	v7 =	vld [tilespmem:$0x1F7C0];
	_ =	sdelay $0x1  }
0x2c5: {  	v46 =	vld [tilespmem:s21+$0x9700]  }
0x2c6: {  	v41 =	vld [tilespmem:s21+$0xB700];
	v16 =	vadd.f32 v37, v45;
	_ =	sdelay $0x1  }
0x2c7: {  	v48 =	vsub.f32 v16, v7;
	v7 =	vld [tilespmem:$0x1F7D0]  }
0x2c8: {  	v53 =	vld [tilespmem:s21+$0xD610]  }
0x2c9: {  	v13 =	vld [tilespmem:s21+$0x9600]  }
0x2ca: {  	v6 =	vld [tilespmem:s21+$0xB600];
	v62 =	vadd.f32 v41, v46  }
0x2cb: {  	v3 =	vld [tilespmem:s21+$0x9610]  }
0x2cc: {  	v62 =	vsub.f32 v62, v7;
	v7 =	vld [tilespmem:$0x1F7E0]  }
0x2cd: {  	v1 =	vld [tilespmem:s21+$0xB610]  }
0x2ce: {  	v40 =	vld [tilespmem:s21+$0x9620]  }
0x2cf: {  	v28 =	vld [tilespmem:s21+$0xB620];
	v6 =	vadd.f32 v6, v13  }
0x2d0: {  	v51 =	vld [tilespmem:s21+$0x9530]  }
0x2d1: {  	v6 =	vsub.f32 v6, v7;
	v7 =	vld [tilespmem:$0x1F7F0]  }
0x2d2: {  	v60 =	vld [tilespmem:s21+$0xB530];
	v3 =	vadd.f32 v1, v3  }
0x2d3: {  	v57 =	vld [tilespmem:s21+$0x95A0]  }
0x2d4: {  	v47 =	vld [tilespmem:s21+$0xB5A0];
	v13 =	vsub.f32 v3, v53;
	v1 =	vand.u32 $0x7FFFFFFF, v8;
	v8 =	vadd.f32 v28, v40  }
0x2d5: {  	v30 =	vld [tilespmem:s21+$0x94B0]  }
0x2d6: {  	v29 =	vld [tilespmem:s21+$0xB4B0];
	v13 =	vand.u32 $0x7FFFFFFF, v13;
	v6 =	vand.u32 $0x7FFFFFFF, v6;
	v8 =	vsub.f32 v8, v7  }
0x2d7: {  	v43 =	vld [tilespmem:s21+$0x9520];
	v6 =	vadd.f32 v13, v6  }
0x2d8: {  	v39 =	vld [tilespmem:s21+$0xB520];
	v11 =	vand.u32 $0x7FFFFFFF, v11;
	v8 =	vand.u32 $0x7FFFFFFF, v8  }
0x2d9: {  	v11 =	vadd.f32 v1, v11;
	v6 =	vadd.f32 v8, v6;
	v8 =	vld [tilespmem:$0x1F840]  }
0x2da: {  	v28 =	vand.u32 $0x7FFFFFFF, v48;
	v48 =	vld [tilespmem:$0x1F830]  }
0x2db: {  	v11 =	vadd.f32 v28, v11;
	v28 =	vld [tilespmem:$0x1F820]  }
0x2dc: {  	v44 =	vld [tilespmem:s21+$0x9580];
	v13 =	vand.u32 $0x7FFFFFFF, v19;
	v19 =	vadd.f32 v60, v51  }
0x2dd: {  	v38 =	vld [tilespmem:s21+$0xB580]  }
0x2de: {  	v19 =	vsub.f32 v19, v8;
	v8 =	vld [tilespmem:$0x1F850]  }
0x2df: {  	v52 =	vld [tilespmem:s21+$0xB590]  }
0x2e0: {  	v56 =	vld [tilespmem:s21+$0xD490];
	v45 =	vadd.f32 v48, v28  }
0x2e1: {  	v35 =	vld [tilespmem:s21+$0x94A0];
	v48 =	vadd.f32 v13, v11;
	v11 =	vadd.f32 v47, v57  }
0x2e2: {  	v32 =	vld [tilespmem:s21+$0xB4A0]  }
0x2e3: {  	v60 =	vsub.f32 v11, v8;
	v8 =	vld [tilespmem:$0x1F860]  }
0x2e4: {  	v15 =	vld [tilespmem:s21+$0x9500]  }
0x2e5: {  	v9 =	vld [tilespmem:s21+$0xB500]  }
0x2e6: {  	v12 =	vld [tilespmem:s21+$0x9510];
	v13 =	vadd.f32 v29, v30  }
0x2e7: {  	v5 =	vld [tilespmem:s21+$0xB510]  }
0x2e8: {  	v47 =	vsub.f32 v13, v8;
	v8 =	vld [tilespmem:$0x1F870]  }
0x2e9: {  	v55 =	vld [tilespmem:s21+$0x93B0]  }
0x2ea: {  	v63 =	vld [tilespmem:s21+$0xB3B0]  }
0x2eb: {  	v42 =	vld [tilespmem:s21+$0x9420];
	v9 =	vadd.f32 v9, v15  }
0x2ec: {  	v33 =	vld [tilespmem:s21+$0xB420]  }
0x2ed: {  	v9 =	vsub.f32 v9, v8;
	v8 =	vld [tilespmem:$0x1F880]  }
0x2ee: {  	v50 =	vld [tilespmem:s21+$0x9480]  }
0x2ef: {  	v4 =	vld [tilespmem:s21+$0xB480]  }
0x2f0: {  	v2 =	vld [tilespmem:s21+$0x9490];
	v5 =	vadd.f32 v5, v12  }
0x2f1: {  	v24 =	vld [tilespmem:s21+$0xB490]  }
0x2f2: {  	v5 =	vsub.f32 v5, v8;
	v8 =	vld [tilespmem:$0x1F890]  }
0x2f3: {  	v22 =	vld [tilespmem:s21+$0x9330]  }
0x2f4: {  	v20 =	vld [tilespmem:s21+$0xB330]  }
0x2f5: {  	v31 =	vld [tilespmem:s21+$0x93A0];
	v11 =	vadd.f32 v39, v43  }
0x2f6: {  	v26 =	vld [tilespmem:s21+$0xB3A0]  }
0x2f7: {  	v13 =	vsub.f32 v11, v8;
	v8 =	vld [tilespmem:$0x1F8A0]  }
0x2f8: {  	v23 =	vld [tilespmem:s21+$0x9400]  }
0x2f9: {  	v21 =	vld [tilespmem:s21+$0xB400]  }
0x2fa: {  	v17 =	vld [tilespmem:s21+$0xB390];
	v12 =	vadd.f32 v38, v44  }
0x2fb: {  	v41 =	vld [tilespmem:s21+$0x9230]  }
0x2fc: {  	v11 =	vsub.f32 v12, v8;
	v8 =	vld [tilespmem:$0x1F8B0]  }
0x2fd: {  	v37 =	vld [tilespmem:s21+$0xD280]  }
0x2fe: {  	v38 =	vld [tilespmem:s21+$0xD210]  }
0x2ff: {  	v44 =	vld [tilespmem:s21+$0x9280]  }
0x300: {  	v15 =	vadd.f32 v32, v35;
	v32 =	vld [tilespmem:s21+$0xB280]  }
0x301: {  	v12 =	vadd.f32 v52, v8;
	v8 =	vld [tilespmem:$0x1F8C0]  }
0x302: {  	v35 =	vld [tilespmem:s21+$0x9290]  }
0x303: {  	v4 =	vadd.f32 v4, v50;
	v50 =	vld [tilespmem:s21+$0xB290]  }
0x304: {  	v2 =	vadd.f32 v24, v2;
	v24 =	vld [tilespmem:s21+$0xD190];
	v9 =	vand.u32 $0x7FFFFFFF, v9;
	v5 =	vand.u32 $0x7FFFFFFF, v5  }
0x305: {  	v5 =	vadd.f32 v5, v9;
	v9 =	vand.u32 $0x7FFFFFFF, v13;
	v13 =	vld [tilespmem:$0x1F8E0]  }
0x306: {  	v4 =	vsub.f32 v4, v8;
	v8 =	vld [tilespmem:$0x1F8D0]  }
0x307: {  	v34 =	vld [tilespmem:s21+$0xD310]  }
0x308: {  	v3 =	vld [tilespmem:s21+$0xB2A0]  }
0x309: {  	v53 =	vld [tilespmem:s21+$0x9300]  }
0x30a: {  	v2 =	vsub.f32 v2, v56;
	v56 =	vld [tilespmem:s21+$0x90B0]  }
0x30b: {  	v8 =	vadd.f32 v13, v8;
	v13 =	vld [tilespmem:$0x1F8F0]  }
0x30c: {  	v46 =	vld [tilespmem:$0x1F810]  }
0x30d: {  	v18 =	vld [tilespmem:s21+$0x92B0]  }
0x30e: {  	v14 =	vld [tilespmem:s21+$0xB2B0]  }
0x30f: {  	v2 =	vand.u32 $0x7FFFFFFF, v2;
	v0 =	vld [tilespmem:s21+$0x9390]  }
0x310: {  	v58 =	vld [tilespmem:s21+$0xD220];
	v5 =	vadd.f32 v9, v5;
	v4 =	vand.u32 $0x7FFFFFFF, v4;
	v13 =	vsub.f32 v15, v13  }
0x311: {  	v27 =	vld [tilespmem:s21+$0xD300];
	v9 =	vand.u32 $0x7FFFFFFF, v19;
	v2 =	vadd.f32 v2, v4  }
0x312: {  	v36 =	vld [tilespmem:s21+$0x9320];
	v52 =	vadd.f32 v9, v5;
	v9 =	vand.u32 $0x7FFFFFFF, v13  }
0x313: {  	v2 =	vadd.f32 v9, v2;
	v9 =	vld [tilespmem:$0x1F900]  }
0x314: {  	v59 =	vld [tilespmem:s21+$0xB320]  }
0x315: {  	[tilespmem:$0x1FD10] =	vst v49;
	v49 =	vld [tilespmem:s21+$0x9380]  }
0x316: {  	v10 =	vld [tilespmem:s21+$0xB380];
	v4 =	vadd.f32 v63, v55  }
0x317: {  	(xrf2) =	vadd.scan.msk.f32 $0xffff, v54;
	v54 =	vld [tilespmem:s21+$0x9190]  }
0x318: {  	v15 =	vadd.f32 v20, v22;
	v20 =	vsub.f32 v4, v9;
	v4 =	vld [tilespmem:$0x1F910]  }
0x319: {  	v0 =	vadd.f32 v17, v0;
	v17 =	vld [tilespmem:$0x1F970]  }
0x31a: {  	v36 =	vadd.f32 v59, v36;
	v59 =	vld [tilespmem:s21+$0x9210]  }
0x31b: {  	v5 =	vadd.f32 v33, v42;
	v9 =	vadd.f32 v10, v49;
	v10 =	vld [tilespmem:$0x1F930]  }
0x31c: {  	v40 =	vld [tilespmem:s21+$0xB300]  }
0x31d: {  	v1 =	vld [tilespmem:s21+$0x92A0];
	v13 =	vsub.f32 v5, v4;
	v4 =	vand.u32 $0x7FFFFFFF, v47  }
0x31e: {  	v16 =	vld [tilespmem:s21+$0xB230];
	v55 =	vadd.f32 v4, v2;
	v2 =	vadd.f32 v26, v31  }
0x31f: {  	v5 =	vld [tilespmem:$0x1F920]  }
0x320: {  	v2 =	vsub.f32 v2, v10;
	v10 =	vld [tilespmem:$0x1F940]  }
0x321: {  	v28 =	vld [tilespmem:s21+$0xD0B0]  }
0x322: {  	v51 =	vld [tilespmem:s21+$0xB310]  }
0x323: {  	v7 =	vld [tilespmem:$0x1F800];
	v4 =	vadd.f32 v21, v23  }
0x324: {  	v29 =	vand.u32 $0x7FFFFFFF, v25;
	v25 =	vld [tilespmem:s21+$0xD1A0]  }
0x325: {  	v5 =	vsub.f32 v15, v5;
	v15 =	vsub.f32 v4, v10;
	v4 =	vld [tilespmem:$0x1F950]  }
0x326: {  	v57 =	vld [tilespmem:s21+$0xB1B0]  }
0x327: {  	v30 =	vld [tilespmem:s21+$0xD200]  }
0x328: {  	v7 =	vadd.f32 v46, v7;
	v46 =	vld [tilespmem:s21+$0x9310]  }
0x329: {  	v6 =	vadd.f32 v29, v6;
	v29 =	vld [tilespmem:s21+$0x91B0]  }
0x32a: {  	v4 =	vsub.f32 v9, v4;
	v9 =	vld [tilespmem:$0x1F960]  }
0x32b: {  	v39 =	vld [tilespmem:s21+$0x9220]  }
0x32c: {  	v43 =	vld [tilespmem:s21+$0xB220]  }
0x32d: {  	v19 =	vld [tilespmem:s21+$0xD0A0]  }
0x32e: {  	v33 =	vld [tilespmem:s21+$0xB0B0]  }
0x32f: {  	v42 =	vld [tilespmem:s21+$0x9130];
	v0 =	vsub.f32 v0, v9  }
0x330: {  	v63 =	vld [tilespmem:s21+$0xB210]  }
0x331: {  	v22 =	vld [tilespmem:s21+$0xD180];
	v4 =	vand.u32 $0x7FFFFFFF, v4;
	v0 =	vand.u32 $0x7FFFFFFF, v0  }
0x332: {  	v49 =	vld [tilespmem:s21+$0x90A0];
	v0 =	vadd.f32 v0, v4  }
0x333: {  	v47 =	vld [tilespmem:s21+$0xB130];
	v2 =	vand.u32 $0x7FFFFFFF, v2  }
0x334: {  	v21 =	vld [tilespmem:s21+$0x91A0];
	v0 =	vadd.f32 v2, v0  }
0x335: {  	v23 =	vld [tilespmem:s21+$0xB1A0];
	v2 =	vand.u32 $0x7FFFFFFF, v20  }
0x336: {  	v2 =	vadd.f32 v2, v0;
	v0 =	vld [tilespmem:$0x1F9A0]  }
0x337: {  	v4 =	vld [tilespmem:$0x1F990]  }
0x338: {  	v26 =	vadd.f32 v51, v46;
	v31 =	vld [tilespmem:s21+$0xB200];
	v9 =	vadd.f32 v40, v53  }
0x339: {  	v16 =	vadd.f32 v16, v41;
	v51 =	vld [tilespmem:s21+$0xB0A0]  }
0x33a: {  	v26 =	vsub.f32 v26, v34;
	v53 =	vld [tilespmem:$0x1F980];
	v27 =	vsub.f32 v9, v27  }
0x33b: {  	v18 =	vadd.f32 v14, v18;
	v16 =	vsub.f32 v16, v0;
	v0 =	vld [tilespmem:$0x1F9B0]  }
0x33c: {  	v26 =	vand.u32 $0x7FFFFFFF, v26;
	v10 =	vld [tilespmem:s21+$0x9200];
	v14 =	vand.u32 $0x7FFFFFFF, v27;
	v27 =	vsub.f32 v36, v4  }
0x33d: {  	v40 =	vmov v7;
	v7 =	vld [tilespmem:$0x1F9C0];
	v14 =	vadd.f32 v26, v14  }
0x33e: {  	v1 =	vadd.f32 v3, v1;
	v26 =	vadd.f32 v57, v29;
	v57 =	vld [tilespmem:s21+$0xB190];
	v3 =	vand.u32 $0x7FFFFFFF, v27  }
0x33f: {  	v34 =	vadd.f32 v51, v49;
	v9 =	vld [tilespmem:s21+$0xD080];
	v14 =	vadd.f32 v3, v14  }
0x340: {  	v17 =	vadd.f32 v53, v17;
	v53 =	vld [tilespmem:s21+$0x9180];
	v20 =	vsub.f32 v1, v0;
	v0 =	vand.u32 $0x7FFFFFFF, v5  }
0x341: {  	(xrf2) =	vadd.scan.msk.f32 $0xffff, v48;
	v29 =	vadd.f32 v32, v44;
	v4 =	vld [tilespmem:s21+$0xD090];
	v1 =	vadd.f32 v0, v14  }
0x342: {  	v27 =	vld [tilespmem:s21+$0xB080];
	v0 =	vadd.f32 v31, v10;
	v10 =	vadd.f32 v63, v59  }
0x343: {  	v36 =	vadd.f32 v57, v54;
	v3 =	vld [tilespmem:s21+$0x9120];
	v14 =	vadd.f32 v43, v39  }
0x344: {  	v5 =	vld [tilespmem:s21+$0xB120];
	v0 =	vsub.f32 v0, v30;
	v30 =	vsub.f32 v10, v38  }
0x345: {  	v31 =	vld [tilespmem:s21+$0xB180];
	v10 =	vsub.f32 v26, v7;
	v14 =	vsub.f32 v14, v58  }
0x346: {  	p0 =	sne.s32 s20, $0x6000;
	(xrf2) =	vadd.scan.msk.f32 $0xffff, v6;
	v58 =	vadd.f32 v33, v56;
	v33 =	vld [tilespmem:s21+$0xB090];
	v6 =	vand.u32 $0x7FFFFFFF, v0;
	v26 =	vand.u32 $0x7FFFFFFF, v30  }
.Ltmp0:
0x347: {  	v0 =	vsub.f32 v29, v37;
	v29 =	vld [tilespmem:s21+$0x9080];
	v26 =	vadd.f32 v26, v6;
	(pc) =	sbr.rel @p0 .LBB2_3-.Ltmp0, $4  }
0x348: {  	v59 =	vadd.f32 v23, v21;
	v21 =	vadd.f32 v47, v42;
	v30 =	vld [tilespmem:s21+$0x9090];
	v7 =	vand.u32 $0x7FFFFFFF, v14  }
0x349: {  	v23 =	vsub.f32 v58, v28;
	v28 =	vld [tilespmem:s21+$0xB100];
	v63 =	vadd.f32 v7, v26  }
0x34a: {  	(xrf2) =	vadd.scan.msk.f32 $0xffff, v52;
	v6 =	vadd.f32 v50, v35;
	v35 =	vadd.f32 v31, v53;
	v31 =	vld [tilespmem:s21+$0x9110];
	v14, _, _ =	vpop (xrf2);
	v7 =	vand.u32 $0x7FFFFFFF, v16  }
0x34b: {  	s20 =	sadd.s32 $0x2000, s20;
	v32 =	vsub.f32 v59, v25;
	(xrf2) =	vadd.scan.msk.f32 $0xffff, v55;
	v26 =	vld [tilespmem:s21+$0x9100];
	v16, _, _ =	vpop (xrf2);
	v25 =	vadd.f32 v7, v63  }
0x34c: {  	v27 =	vadd.f32 v27, v29  }
0x34d: {  	v29 =	vld [tilespmem:s21+$0xB110];
	v22 =	vsub.f32 v35, v22;
	v24 =	vsub.f32 v36, v24  }
0x34e: {  	v59 =	vld [tilespmem:s21+$0xD100];
	v19 =	vsub.f32 v34, v19;
	v30 =	vadd.f32 v33, v30  }
0x34f: {  	v3 =	vadd.f32 v5, v3;
	v9 =	vsub.f32 v27, v9;
	v27 =	vld [tilespmem:s21+$0xD110]  }
0x350: {  	v22 =	vand.u32 $0x7FFFFFFF, v22;
	v24 =	vand.u32 $0x7FFFFFFF, v24;
	v4 =	vsub.f32 v30, v4;
	v30 =	vld [tilespmem:s21+$0xD120]  }
0x351: {  	v32 =	vand.u32 $0x7FFFFFFF, v32;
	v5 =	vadd.f32 v24, v22;
	v9 =	vand.u32 $0x7FFFFFFF, v9  }
0x352: {  	v22 =	vadd.f32 v28, v26;
	v26 =	vld [tilespmem:s21+$0xD290];
	v4 =	vand.u32 $0x7FFFFFFF, v4;
	v24 =	vadd.f32 v29, v31  }
0x353: {  	v5 =	vadd.f32 v32, v5;
	v4 =	vadd.f32 v4, v9;
	v9 =	vld [tilespmem:s21+$0xD130]  }
0x354: {  	v10 =	vand.u32 $0x7FFFFFFF, v10;
	v22 =	vsub.f32 v22, v59;
	v24 =	vsub.f32 v24, v27  }
0x355: {  	v19 =	vand.u32 $0x7FFFFFFF, v19;
	v5 =	vadd.f32 v10, v5;
	v10 =	vld [tilespmem:s21+$0xD410];
	v3 =	vsub.f32 v3, v30  }
0x356: {  	v4 =	vadd.f32 v19, v4;
	v19 =	vand.u32 $0x7FFFFFFF, v22;
	v22 =	vand.u32 $0x7FFFFFFF, v24;
	v24 =	vld [tilespmem:s21+$0xD2B0]  }
0x357: {  	v23 =	vand.u32 $0x7FFFFFFF, v23;
	v6 =	vsub.f32 v6, v26;
	v19 =	vadd.f32 v22, v19  }
0x358: {  	(xrf2) =	vadd.scan.msk.f32 $0xffff, v2;
	v2 =	vadd.f32 v23, v4;
	v3 =	vand.u32 $0x7FFFFFFF, v3;
	v4 =	vsub.f32 v21, v9;
	v9 =	vld [tilespmem:s21+$0xD590]  }
0x359: {  	v0 =	vand.u32 $0x7FFFFFFF, v0;
	(xrf2) =	vadd.scan.msk.f32 $0xffff, v1;
	v1 =	vadd.f32 v3, v19;
	v3 =	vand.u32 $0x7FFFFFFF, v6;
	v6 =	vld [tilespmem:s21+$0xD430]  }
0x35a: {  	(xrf2) =	vadd.scan.msk.f32 $0xffff, v25;
	v4 =	vand.u32 $0x7FFFFFFF, v4;
	v0 =	vadd.f32 v3, v0;
	v3 =	vsub.f32 v17, v10  }
0x35b: {  	(xrf2) =	vadd.scan.msk.f32 $0xffff, v5;
	v10 =	vld [tilespmem:s21+$0xD710];
	v1 =	vadd.f32 v4, v1;
	v4 =	vand.u32 $0x7FFFFFFF, v20;
	v5 =	vsub.f32 v18, v24  }
0x35c: {  	(xrf2) =	vadd.scan.msk.f32 $0xffff, v2;
	v2 =	vand.u32 $0x7FFFFFFF, v15;
	v0 =	vadd.f32 v4, v0;
	v3 =	vand.u32 $0x7FFFFFFF, v3  }
0x35d: {  	v5 =	vand.u32 $0x7FFFFFFF, v5;
	v2 =	vadd.f32 v3, v2;
	v3 =	vsub.f32 v12, v9  }
0x35e: {  	(xrf2) =	vadd.scan.msk.f32 $0xffff, v1;
	v1 =	vand.u32 $0x7FFFFFFF, v13;
	v0 =	vadd.f32 v5, v0;
	v5 =	vsub.f32 v8, v6  }
0x35f: {  	v1 =	vadd.f32 v1, v2;
	v2 =	vand.u32 $0x7FFFFFFF, v11;
	v3 =	vand.u32 $0x7FFFFFFF, v3  }
0x360: {  	v5 =	vand.u32 $0x7FFFFFFF, v5;
	v2 =	vadd.f32 v3, v2;
	v3 =	vsub.f32 v40, v10  }
0x361: {  	v4 =	vld [tilespmem:s21+$0xD5B0];
	v1 =	vadd.f32 v5, v1;
	v5 =	vand.u32 $0x7FFFFFFF, v60  }
0x362: {  	v6 =	vld [tilespmem:s21+$0xD810];
	v2 =	vadd.f32 v5, v2;
	v5 =	vand.u32 $0x7FFFFFFF, v62;
	v3 =	vand.u32 $0x7FFFFFFF, v3  }
0x363: {  	v3 =	vadd.f32 v3, v5;
	v5 =	vld [tilespmem:$0x1FD10];
	_ =	sdelay $0x2  }
0x364: {  	v9 =	vld [tilespmem:s21+$0xD730];
	v4 =	vsub.f32 v45, v4  }
0x365: {  	v13 =	vld [tilespmem:$0x1FD00]  }
0x366: {  	v7, _, _ =	vpop (xrf2);
	v4 =	vand.u32 $0x7FFFFFFF, v4;
	v5 =	vsub.f32 v5, v6;
	v6 =	vld [tilespmem:$0x1FD20]  }
0x367: {  	v11, _, _ =	vpop (xrf2);
	v10 =	vld [tilespmem:s21+$0xD820];
	v2 =	vadd.f32 v4, v2;
	v4 =	vand.u32 $0x7FFFFFFF, v61  }
0x368: {  	(xrf2) =	vadd.scan.msk.f32 $0xffff, v0;
	v0, _, _ =	vpop (xrf2);
	v3 =	vadd.f32 v4, v3;
	v4 =	vld [tilespmem:$0x1FCE0]  }
0x369: {  	v8, _, _ =	vpop (xrf2)  }
0x36a: {  	v12, _, _ =	vpop (xrf2)  }
0x36b: {  	(xrf2) =	vadd.scan.msk.f32 $0xffff, v1;
	v1, _, _ =	vpop (xrf2);
	v5 =	vand.u32 $0x7FFFFFFF, v5;
	v6 =	vsub.f32 v6, v9  }
0x36c: {  	v9, _, _ =	vpop (xrf2)  }
0x36d: {  	v13 =	vand.u32 $0x7FFFFFFF, v13;
	v4 =	vsub.f32 v4, v10;
	v10, _, _ =	vpop (xrf2);
	v6 =	vand.u32 $0x7FFFFFFF, v6  }
0x36e: {  	(xrf2) =	vadd.scan.msk.f32 $0xffff, v2;
	v2 =	vadd.f32 v6, v3;
	v3 =	vadd.f32 v5, v13;
	v5, _, _ =	vpop (xrf2)  }
0x36f: {  	v5 =	vbroadcast v5, $0xF  }
0x370: {  	v4 =	vand.u32 $0x7FFFFFFF, v4  }
0x371: {  	v6 =	vbroadcast v10, $0xF;
	v3 =	vadd.f32 v4, v3;
	v4 =	vld [tilespmem:$0x1FCF0];
	_ =	sdelay $0x1  }
0x372: {  	(xrf2) =	vadd.scan.msk.f32 $0xffff, v2;
	v2 =	vsel vm0, v6, v5;
	v5, _, _ =	vpop (xrf2)  }
0x373: {  	v9 =	vbroadcast v9, $0xF;
	v5 =	vbroadcast v5, $0xF  }
0x374: {  	v1 =	vbroadcast v1, $0xF  }
0x375: {  	v2 =	vsel vm1, v2, v9;
	v4 =	vand.u32 $0x7FFFFFFF, v4  }
0x376: {  	v1 =	vsel vm2, v2, v1;
	v2 =	vbroadcast v12, $0xF;
	v3 =	vadd.f32 v4, v3  }
0x377: {  	v1 =	vsel vm3, v1, v5;
	v4 =	vbroadcast v8, $0xF;
	v5, _, _ =	vpop (xrf2)  }
0x378: {  	v1 =	vsel vm4, v1, v2;
	v2 =	vbroadcast v5, $0xF  }
0x379: {  	v0 =	vbroadcast v0, $0xF;
	(xrf2) =	vadd.scan.msk.f32 $0xffff, v3;
	v1 =	vsel vm5, v1, v4  }
0x37a: {  	v3, _, _ =	vpop (xrf2);
	v1 =	vsel vm6, v1, v2;
	v2 =	vbroadcast v11, $0xF  }
0x37b: {  	v0 =	vsel vm7, v1, v0;
	v1 =	vbroadcast v3, $0xF  }
0x37c: {  	v0 =	vsel vm8, v0, v2;
	v2 =	vbroadcast v7, $0xF  }
0x37d: {  	v0 =	vsel vm9, v0, v1;
	v1 =	vbroadcast v16, $0xF  }
0x37e: {  	v0 =	vsel vm10, v0, v2  }
0x37f: {  	v3, _, _ =	vpop (xrf2);
	v0 =	vsel vm11, v0, v1;
	v1 =	vbroadcast v14, $0xF  }
0x380: {  	v2 =	vbroadcast v3, $0xF;
	_ =	sdelay $0x1  }
0x381: {  	v0 =	vsel vm12, v0, v2  }
0x382: {  	v0 =	vsel vm13, v0, v1;
	v1, _, _ =	vpop (xrf2)  }
0x383: {  	s20 =	sadd.s32 $0x10, s26;
	p0 =	seq.s32 s0, $0x40;
	v0 =	vsel vm14, v0, v1  }
0x384: {  	s26 =	simm.s32 @!p0 $0x9080;
	s21 =	simm.s32 @!p0 $0x40;
	[tilespmem:s20+$0x0] =	vst v0;
	s20 =	sadd.s32 @!p0 $0x80, s19  }
0x385: {  	[tilespmem:s26], [sflag:$0x2] =	stream.indirect.gather @!p0 [hbm4b:s3+s21], $0x80, s20, s21, $0xb8;
	[tilespmem:$0x15080] =	vst v63  }
0x386: {  	s20 =	sadd.s32 @!p0 $0x2480, s19;
	s26 =	simm.s32 @!p0 $0xB080  }
0x387: {  	[tilespmem:s26], [sflag:$0x2] =	stream.indirect.gather @!p0 [hbm4b:s4+s21], $0x80, s20, s21, $0xb8;
	[tilespmem:$0x15080] =	vst v63  }
0x388: {  	s19 =	sadd.s32 @!p0 $0x4880, s19;
	s20 =	simm.s32 @!p0 $0xD080  }
0x389: {  	[tilespmem:s20], [sflag:$0x2] =	stream.indirect.gather @!p0 [hbm4b:s3+s21], $0x80, s19, s21, $0xb8;
	[tilespmem:$0x15080] =	vst v63  }
0x38a: {  	_ =	swait.ge [sflag:s1], $0x2000  }
0x38b: {  	[sflag:s1] =	ssyncset.done $0x0  }
0x38c: {  	[sflag:s1] =	ssyncadd.s32 $0xFFFFE000  }
0x38d: {  	_ =	swait.ge [sflag:s1], $0x2000  }
0x38e: {  	[sflag:s1] =	ssyncset.done $0x0  }
0x38f: {  	[sflag:s1] =	ssyncadd.s32 $0xFFFFE000  }
0x390: {  	_ =	swait.ge [sflag:s1], $0x2000  }
0x391: {  	[sflag:s1] =	ssyncset.done $0x0  }
0x392: {  	s26 =	simm.s32 $0x0;
	[sflag:s1] =	ssyncadd.s32 $0xFFFFE000  }
0x393: {  	v39 =	vld [tilespmem:s26+$0x13830]  }
0x394: {  	v0 =	vld [tilespmem:s26+$0xF830]  }
0x395: {  	v45 =	vld [tilespmem:s26+$0x11830]  }
0x396: {  	v46 =	vld [tilespmem:s26+$0x137B0]  }
0x397: {  	v59 =	vld [tilespmem:s26+$0x13800]  }
0x398: {  	v17 =	vld [tilespmem:s26+$0xF820]  }
0x399: {  	v16 =	vld [tilespmem:s26+$0x11820]  }
0x39a: {  	v48 =	vld [tilespmem:s26+$0x137A0]  }
0x39b: {  	v23 =	vld [tilespmem:s26+$0xF7B0]  }
0x39c: {  	v20 =	vld [tilespmem:s26+$0x117B0]  }
0x39d: {  	v31 =	vld [tilespmem:s26+$0xF800]  }
0x39e: {  	v36 =	vld [tilespmem:s26+$0x11800]  }
0x39f: {  	v51 =	vld [tilespmem:s26+$0xF810]  }
0x3a0: {  	v56 =	vld [tilespmem:s26+$0x11810]  }
0x3a1: {  	v63 =	vld [tilespmem:s26+$0x136B0]  }
0x3a2: {  	v58 =	vld [tilespmem:s26+$0x13720]  }
0x3a3: {  	v55 =	vld [tilespmem:s26+$0xF730]  }
0x3a4: {  	v54 =	vld [tilespmem:s26+$0x11730]  }
0x3a5: {  	v12 =	vld [tilespmem:s26+$0x13780]  }
0x3a6: {  	v13 =	vld [tilespmem:s26+$0x13790]  }
0x3a7: {  	v15 =	vld [tilespmem:s26+$0xF7A0]  }
0x3a8: {  	v14 =	vld [tilespmem:s26+$0x117A0]  }
0x3a9: {  	v1 =	vld [tilespmem:s26+$0x13630]  }
0x3aa: {  	v22 =	vld [tilespmem:s26+$0xF6B0]  }
0x3ab: {  	v19 =	vld [tilespmem:s26+$0x116B0]  }
0x3ac: {  	v21 =	vld [tilespmem:s26+$0xF720]  }
0x3ad: {  	v18 =	vld [tilespmem:s26+$0x11720]  }
0x3ae: {  	v3 =	vld [tilespmem:s26+$0xF780]  }
0x3af: {  	v2 =	vld [tilespmem:s26+$0x11780]  }
0x3b0: {  	v27 =	vld [tilespmem:s26+$0x11790]  }
0x3b1: {  	v4 =	vld [tilespmem:s26+$0x13620]  }
0x3b2: {  	v35 =	vld [tilespmem:s26+$0xF630]  }
0x3b3: {  	v29 =	vld [tilespmem:s26+$0x134A0]  }
0x3b4: {  	v28 =	vld [tilespmem:s26+$0x11630]  }
0x3b5: {  	v42 =	vld [tilespmem:s26+$0x13680]  }
0x3b6: {  	v47 =	vld [tilespmem:s26+$0x13690]  }
0x3b7: {  	v26 =	vld [tilespmem:s26+$0xF6A0]  }
0x3b8: {  	[tilespmem:$0x1F230] =	vst v29;
	v29 =	vld [tilespmem:s26+$0x13500]  }
0x3b9: {  	v24 =	vld [tilespmem:s26+$0x116A0]  }
0x3ba: {  	v33 =	vld [tilespmem:s26+$0xF700]  }
0x3bb: {  	v25 =	vld [tilespmem:s26+$0x11700]  }
0x3bc: {  	v50 =	vld [tilespmem:s26+$0x13600]  }
0x3bd: {  	[tilespmem:$0x1F150] =	vst v29;
	v29 =	vld [tilespmem:s26+$0x13510]  }
0x3be: {  	v49 =	vld [tilespmem:s26+$0x13610]  }
0x3bf: {  	v44 =	vld [tilespmem:s26+$0xF620]  }
0x3c0: {  	v43 =	vld [tilespmem:s26+$0x11620]  }
0x3c1: {  	[tilespmem:$0x1F0A0] =	vst v4;
	v4 =	vld [tilespmem:s26+$0xF710]  }
0x3c2: {  	[tilespmem:$0x1F180] =	vst v29;
	v29 =	vld [tilespmem:s26+$0xF520]  }
0x3c3: {  	v5 =	vld [tilespmem:s26+$0xF680]  }
0x3c4: {  	v7 =	vld [tilespmem:s26+$0xF690]  }
0x3c5: {  	v6 =	vld [tilespmem:s26+$0x11690]  }
0x3c6: {  	[tilespmem:$0x1F0B0] =	vst v4;
	v4 =	vld [tilespmem:s26+$0x11710]  }
0x3c7: {  	[tilespmem:$0x1F130] =	vst v29;
	v29 =	vld [tilespmem:s26+$0x11520]  }
0x3c8: {  	v8 =	vld [tilespmem:s26+$0x134B0]  }
0x3c9: {  	v61 =	vld [tilespmem:s26+$0xF530]  }
0x3ca: {  	v57 =	vld [tilespmem:s26+$0x11530]  }
0x3cb: {  	[tilespmem:$0x1F0C0] =	vst v4;
	v4 =	vld [tilespmem:s26+$0x13530]  }
0x3cc: {  	[tilespmem:$0x1F140] =	vst v29;
	v29 =	vld [tilespmem:s26+$0xF580]  }
0x3cd: {  	v60 =	vld [tilespmem:s26+$0x115A0]  }
0x3ce: {  	v11 =	vld [tilespmem:s26+$0xF600]  }
0x3cf: {  	[tilespmem:$0x1F120] =	vst v8;
	v8 =	vld [tilespmem:s26+$0x13520]  }
0x3d0: {  	[tilespmem:$0x1F100] =	vst v4;
	v4 =	vld [tilespmem:s26+$0x135A0]  }
0x3d1: {  	[tilespmem:$0x1F160] =	vst v29;
	v29 =	vld [tilespmem:s26+$0x11580]  }
0x3d2: {  	v10 =	vld [tilespmem:s26+$0xF610]  }
0x3d3: {  	[tilespmem:$0x1F070] =	vst v1;
	v1 =	vld [tilespmem:s26+$0x136A0]  }
0x3d4: {  	[tilespmem:$0x1F190] =	vst v8;
	v8 =	vld [tilespmem:s26+$0x13580]  }
0x3d5: {  	[tilespmem:$0x1F110] =	vst v4;
	v4 =	vld [tilespmem:s26+$0xF5B0]  }
0x3d6: {  	[tilespmem:$0x1F170] =	vst v29;
	v29 =	vld [tilespmem:s26+$0xF590]  }
0x3d7: {  	v9 =	vld [tilespmem:s26+$0x11610]  }
0x3d8: {  	[tilespmem:$0x1F080] =	vst v1;
	v1 =	vld [tilespmem:s26+$0x13700]  }
0x3d9: {  	[tilespmem:$0x1F1A0] =	vst v8;
	v8 =	vld [tilespmem:s26+$0xF5A0]  }
0x3da: {  	[tilespmem:$0x1F0D0] =	vst v4;
	v4 =	vld [tilespmem:s26+$0x115B0]  }
0x3db: {  	[tilespmem:$0x1F1B0] =	vst v29;
	v29 =	vld [tilespmem:s26+$0x11590]  }
0x3dc: {  	v53 =	vld [tilespmem:s26+$0xF4B0]  }
0x3dd: {  	v52 =	vld [tilespmem:s26+$0x114B0];
	[tilespmem:$0x1F090] =	vst v1  }
0x3de: {  	v1 =	vld [tilespmem:s26+$0xF790];
	[tilespmem:$0x1F0F0] =	vst v8  }
0x3df: {  	v8 =	vld [tilespmem:s26+$0x11600];
	[tilespmem:$0x1F0E0] =	vst v4  }
0x3e0: {  	v4 =	vld [tilespmem:s26+$0x11680];
	[tilespmem:$0x1F1C0] =	vst v29  }
0x3e1: {  	v29 =	vld [tilespmem:s26+$0x133B0]  }
0x3e2: {  	v32 =	vld [tilespmem:s26+$0xF500]  }
0x3e3: {  	v34 =	vld [tilespmem:s26+$0xF510]  }
0x3e4: {  	v30 =	vld [tilespmem:s26+$0x11510]  }
0x3e5: {  	v0 =	vadd.f32 v45, v0;
	v2 =	vadd.f32 v2, v3;
	v37 =	vld [tilespmem:s26+$0x13330]  }
0x3e6: {  	v1 =	vadd.f32 v27, v1;
	v62 =	vld [tilespmem:s26+$0x133A0]  }
0x3e7: {  	v0 =	vsub.f32 v0, v39;
	v12 =	vsub.f32 v2, v12;
	v40 =	vld [tilespmem:s26+$0xF3B0]  }
0x3e8: {  	v1 =	vsub.f32 v1, v13;
	v13 =	vadd.f32 v14, v15;
	v41 =	vld [tilespmem:s26+$0x113B0]  }
0x3e9: {  	v12 =	vand.u32 $0x7FFFFFFF, v12;
	v38 =	vld [tilespmem:s26+$0x11490]  }
0x3ea: {  	v1 =	vand.u32 $0x7FFFFFFF, v1;
	v13 =	vsub.f32 v13, v48;
	[tilespmem:$0x1F370] =	vst v0;
	v0 =	vadd.f32 v20, v23;
	v45 =	vld [tilespmem:s26+$0x11400]  }
0x3eb: {  	v1 =	vadd.f32 v1, v12;
	[tilespmem:$0x1F2A0] =	vst v29;
	v29 =	vld [tilespmem:s26+$0x13420]  }
0x3ec: {  	v13 =	vand.u32 $0x7FFFFFFF, v13;
	v27 =	vld [tilespmem:s26+$0xF410];
	v0 =	vsub.f32 v0, v46  }
0x3ed: {  	v16 =	vadd.f32 v16, v17;
	v13 =	vadd.f32 v13, v1;
	v3 =	vld [tilespmem:s26+$0x11410]  }
0x3ee: {  	v2 =	vld [tilespmem:s26+$0x13230];
	v0 =	vand.u32 $0x7FFFFFFF, v0  }
0x3ef: {  	[tilespmem:$0x1F350] =	vst v16;
	v17 =	vld [tilespmem:s26+$0x132A0];
	v16 =	vadd.f32 v0, v13;
	v0 =	vadd.f32 v4, v5  }
0x3f0: {  	[tilespmem:$0x1F2B0] =	vst v29;
	v29 =	vld [tilespmem:s26+$0xF430]  }
0x3f1: {  	v5 =	vadd.f32 v6, v7;
	v7 =	vsub.f32 v0, v42;
	v0 =	vld [tilespmem:$0x1F070]  }
0x3f2: {  	v14 =	vadd.f32 v36, v31;
	v31 =	vld [tilespmem:s26+$0xF2B0]  }
0x3f3: {  	v36 =	vld [tilespmem:s26+$0x112B0]  }
0x3f4: {  	v39 =	vld [tilespmem:s26+$0x13300];
	v4 =	vadd.f32 v28, v35  }
0x3f5: {  	v12 =	vsub.f32 v14, v59;
	[tilespmem:$0x1F210] =	vst v29;
	v29 =	vld [tilespmem:s26+$0x11430]  }
0x3f6: {  	v14 =	vadd.f32 v18, v21;
	v18 =	vsub.f32 v4, v0;
	v0 =	vld [tilespmem:$0x1F080]  }
0x3f7: {  	v4 =	vld [tilespmem:$0x1F090]  }
0x3f8: {  	v21 =	vld [tilespmem:s26+$0xF320]  }
0x3f9: {  	v48 =	vld [tilespmem:s26+$0x11320];
	v6 =	vadd.f32 v24, v26;
	v5 =	vsub.f32 v5, v47  }
0x3fa: {  	v9 =	vadd.f32 v9, v10;
	v13 =	vadd.f32 v25, v33;
	[tilespmem:$0x1F220] =	vst v29;
	v29 =	vld [tilespmem:s26+$0x13480]  }
0x3fb: {  	v20 =	vld [tilespmem:s26+$0xF380];
	v7 =	vand.u32 $0x7FFFFFFF, v7;
	v5 =	vand.u32 $0x7FFFFFFF, v5;
	v15 =	vsub.f32 v6, v0  }
0x3fc: {  	v6 =	vsub.f32 v13, v4;
	v13 =	vadd.f32 v5, v7;
	v7 =	vld [tilespmem:$0x1F0A0]  }
0x3fd: {  	v8 =	vadd.f32 v8, v11;
	v10 =	vld [tilespmem:s26+$0xF230]  }
0x3fe: {  	v9 =	vsub.f32 v9, v49;
	[tilespmem:$0x1F360] =	vst v12;
	v12 =	vadd.f32 v19, v22;
	v19 =	vld [tilespmem:$0x1F0C0]  }
0x3ff: {  	v11 =	vadd.f32 v43, v44;
	v8 =	vsub.f32 v8, v50;
	[tilespmem:$0x1F1D0] =	vst v29;
	v29 =	vld [tilespmem:s26+$0x13490]  }
0x400: {  	v9 =	vand.u32 $0x7FFFFFFF, v9;
	v43 =	vld [tilespmem:s26+$0x11300];
	v15 =	vand.u32 $0x7FFFFFFF, v15  }
0x401: {  	v44 =	vld [tilespmem:s26+$0xF310];
	v13 =	vadd.f32 v15, v13;
	v15 =	vand.u32 $0x7FFFFFFF, v8;
	v11 =	vsub.f32 v11, v7  }
0x402: {  	v49 =	vld [tilespmem:s26+$0x130B0];
	v9 =	vadd.f32 v9, v15  }
0x403: {  	v22 =	vld [tilespmem:$0x1F140];
	v11 =	vand.u32 $0x7FFFFFFF, v11  }
0x404: {  	v11 =	vadd.f32 v11, v9;
	[tilespmem:$0x1F1E0] =	vst v29;
	v29 =	vld [tilespmem:s26+$0xF4A0]  }
0x405: {  	v23 =	vld [tilespmem:$0x1F170];
	v18 =	vand.u32 $0x7FFFFFFF, v18  }
0x406: {  	v12 =	vsub.f32 v12, v63;
	v18 =	vadd.f32 v18, v11;
	v11 =	vld [tilespmem:$0x1F120]  }
0x407: {  	v1 =	vadd.f32 v54, v55;
	v55 =	vld [tilespmem:s26+$0x11280]  }
0x408: {  	v46 =	vadd.f32 v56, v51;
	v56 =	vld [tilespmem:s26+$0x13310];
	v12 =	vand.u32 $0x7FFFFFFF, v12  }
0x409: {  	v15 =	vadd.f32 v12, v13;
	v13 =	vadd.f32 v52, v53;
	[tilespmem:$0x1F1F0] =	vst v29;
	v29 =	vld [tilespmem:s26+$0x114A0]  }
0x40a: {  	v51 =	vld [tilespmem:s26+$0x13200]  }
0x40b: {  	v50 =	vsub.f32 v13, v11;
	v13 =	vld [tilespmem:$0x1F130]  }
0x40c: {  	v7 =	vld [tilespmem:$0x1F0B0]  }
0x40d: {  	v28 =	vld [tilespmem:s26+$0x11380]  }
0x40e: {  	[tilespmem:$0x1F200] =	vst v29;
	v29 =	vld [tilespmem:s26+$0x11500]  }
0x40f: {  	v8 =	vld [tilespmem:$0x1F0D0]  }
0x410: {  	v13 =	vadd.f32 v22, v13;
	v22 =	vld [tilespmem:$0x1F150]  }
0x411: {  	v7 =	vadd.f32 v19, v7;
	v19 =	vld [tilespmem:$0x1F0E0]  }
0x412: {  	[tilespmem:$0x1F300] =	vst v62;
	v62 =	vld [tilespmem:s26+$0x13400]  }
0x413: {  	v9 =	vld [tilespmem:$0x1F100];
	v11 =	vadd.f32 v29, v32  }
0x414: {  	v24 =	vld [tilespmem:s26+$0xF390]  }
0x415: {  	v22 =	vsub.f32 v11, v22;
	v11 =	vld [tilespmem:$0x1F160]  }
0x416: {  	v12 =	vld [tilespmem:$0x1F0F0];
	v8 =	vadd.f32 v19, v8;
	v19 =	vadd.f32 v57, v61  }
0x417: {  	[tilespmem:$0x1F310] =	vst v62;
	v62 =	vld [tilespmem:s26+$0x13320]  }
0x418: {  	v19 =	vsub.f32 v19, v9;
	v9 =	vld [tilespmem:$0x1F110]  }
0x419: {  	v25 =	vld [tilespmem:s26+$0x11390]  }
0x41a: {  	v11 =	vadd.f32 v23, v11;
	v23 =	vld [tilespmem:$0x1F180]  }
0x41b: {  	v26 =	vld [tilespmem:s26+$0x11230];
	v12 =	vadd.f32 v60, v12  }
0x41c: {  	[tilespmem:$0x1F340] =	vst v62;
	v62 =	vld [tilespmem:s26+$0xF330]  }
0x41d: {  	v33 =	vld [tilespmem:s26+$0xF2A0];
	v9 =	vsub.f32 v12, v9;
	v12 =	vadd.f32 v30, v34  }
0x41e: {  	[tilespmem:$0x1F240] =	vst v40;
	v40 =	vld [tilespmem:s26+$0xF420]  }
0x41f: {  	v12 =	vsub.f32 v12, v23;
	v23 =	vld [tilespmem:$0x1F190]  }
0x420: {  	[tilespmem:$0x1F250] =	vst v41;
	v41 =	vld [tilespmem:s26+$0x11420]  }
0x421: {  	[tilespmem:$0x1F280] =	vst v62;
	v62 =	vld [tilespmem:s26+$0x11330]  }
0x422: {  	[tilespmem:$0x1F2C0] =	vst v37;
	v37 =	vld [tilespmem:s26+$0x11480]  }
0x423: {  	v14 =	vsub.f32 v14, v58;
	v58 =	vand.u32 $0x7FFFFFFF, v12;
	v12 =	vld [tilespmem:$0x1F1B0]  }
0x424: {  	v57 =	vsub.f32 v13, v23;
	v23 =	vld [tilespmem:$0x1F1C0]  }
0x425: {  	[tilespmem:$0x1F270] =	vst v41;
	v41 =	vld [tilespmem:s26+$0xF480]  }
0x426: {  	[tilespmem:$0x1F290] =	vst v62;
	v62 =	vld [tilespmem:s26+$0x13380]  }
0x427: {  	v13 =	vld [tilespmem:$0x1F1A0]  }
0x428: {  	v35 =	vld [tilespmem:s26+$0x112A0]  }
0x429: {  	v12 =	vadd.f32 v23, v12;
	v23 =	vld [tilespmem:$0x1F1D0]  }
0x42a: {  	v31 =	vadd.f32 v36, v31;
	v36 =	vld [tilespmem:s26+$0x13080]  }
0x42b: {  	[tilespmem:$0x1F260] =	vst v40;
	v40 =	vld [tilespmem:s26+$0xF490]  }
0x42c: {  	[tilespmem:$0x1F320] =	vst v62;
	v62 =	vld [tilespmem:s26+$0x13390];
	v11 =	vsub.f32 v11, v13;
	v13 =	vadd.f32 v37, v41  }
0x42d: {  	v42 =	vld [tilespmem:s26+$0xF300]  }
0x42e: {  	v59 =	vsub.f32 v13, v23;
	v13 =	vld [tilespmem:$0x1F1E0]  }
0x42f: {  	v47 =	vld [tilespmem:s26+$0x11310]  }
0x430: {  	v28 =	vadd.f32 v28, v20;
	v20 =	vld [tilespmem:$0x1F300]  }
0x431: {  	v38 =	vadd.f32 v38, v40;
	[tilespmem:$0x1F330] =	vst v62;
	v62 =	vld [tilespmem:s26+$0xF3A0]  }
0x432: {  	v23 =	vld [tilespmem:$0x1F200]  }
0x433: {  	v38 =	vsub.f32 v38, v13;
	v13 =	vld [tilespmem:$0x1F1F0]  }
0x434: {  	v10 =	vadd.f32 v26, v10;
	v26 =	vadd.f32 v35, v33;
	v33 =	vld [tilespmem:s26+$0x110A0]  }
0x435: {  	v35 =	vld [tilespmem:s26+$0xF080]  }
0x436: {  	v63 =	vld [tilespmem:$0x1F270]  }
0x437: {  	[tilespmem:$0x1F2D0] =	vst v62;
	v62 =	vld [tilespmem:s26+$0x113A0]  }
0x438: {  	v22 =	vand.u32 $0x7FFFFFFF, v22;
	v60 =	vadd.f32 v23, v13;
	v13 =	vld [tilespmem:$0x1F210]  }
0x439: {  	v22 =	vadd.f32 v58, v22;
	v23 =	vld [tilespmem:$0x1F220]  }
0x43a: {  	v42 =	vadd.f32 v43, v42;
	v43 =	vld [tilespmem:s26+$0x111A0];
	v34 =	vand.u32 $0x7FFFFFFF, v57  }
0x43b: {  	v44 =	vadd.f32 v47, v44;
	v47 =	vld [tilespmem:s26+$0xF200];
	v22 =	vadd.f32 v34, v22  }
0x43c: {  	v19 =	vand.u32 $0x7FFFFFFF, v19;
	[tilespmem:$0x1F2E0] =	vst v62;
	v62 =	vld [tilespmem:s26+$0xF400]  }
0x43d: {  	v22 =	vadd.f32 v19, v22;
	v19 =	vld [tilespmem:$0x1F240]  }
0x43e: {  	v13 =	vadd.f32 v23, v13;
	v23 =	vld [tilespmem:$0x1F250]  }
0x43f: {  	v2 =	vsub.f32 v10, v2;
	v10 =	vsub.f32 v26, v17;
	v26 =	vld [tilespmem:s26+$0x11120]  }
0x440: {  	v3 =	vadd.f32 v3, v27;
	v27 =	vsub.f32 v42, v39;
	v39 =	vld [tilespmem:s26+$0x11200]  }
0x441: {  	v42 =	vsub.f32 v44, v56;
	v56 =	vld [tilespmem:s26+$0xF210]  }
0x442: {  	[tilespmem:$0x1F2F0] =	vst v62;
	v62 =	vld [tilespmem:$0x1F230]  }
0x443: {  	v19 =	vadd.f32 v23, v19;
	v23 =	vld [tilespmem:$0x1F260]  }
0x444: {  	v40 =	vld [tilespmem:s26+$0x11220]  }
0x445: {  	v0 =	vld [tilespmem:s26+$0x131B0]  }
0x446: {  	v4 =	vld [tilespmem:s26+$0x13220]  }
0x447: {  	v54 =	vsub.f32 v60, v62;
	v60 =	vld [tilespmem:$0x1F290]  }
0x448: {  	v58 =	vadd.f32 v63, v23;
	v23 =	vld [tilespmem:$0x1F280]  }
0x449: {  	v5 =	vld [tilespmem:s26+$0x13280]  }
0x44a: {  	v21 =	vadd.f32 v48, v21;
	v27 =	vand.u32 $0x7FFFFFFF, v27;
	v42 =	vand.u32 $0x7FFFFFFF, v42;
	v48 =	vld [tilespmem:$0x1F340]  }
0x44b: {  	v27 =	vadd.f32 v42, v27;
	v42 =	vld [tilespmem:s26+$0x13090]  }
0x44c: {  	v63 =	vld [tilespmem:$0x1F2E0]  }
0x44d: {  	v61 =	vand.u32 $0x7FFFFFFF, v59;
	v38 =	vand.u32 $0x7FFFFFFF, v38;
	v59 =	vadd.f32 v60, v23;
	v23 =	vld [tilespmem:$0x1F2D0]  }
0x44e: {  	v30 =	vld [tilespmem:s26+$0xF1B0];
	v34 =	vadd.f32 v38, v61  }
0x44f: {  	v32 =	vld [tilespmem:s26+$0x111B0];
	v54 =	vand.u32 $0x7FFFFFFF, v54  }
0x450: {  	v53 =	vld [tilespmem:s26+$0xF280];
	v34 =	vadd.f32 v54, v34  }
0x451: {  	v52 =	vld [tilespmem:s26+$0xF290];
	v21 =	vsub.f32 v21, v48;
	v50 =	vand.u32 $0x7FFFFFFF, v50  }
0x452: {  	v34 =	vadd.f32 v50, v34;
	v50 =	vadd.f32 v63, v23;
	v23 =	vld [tilespmem:$0x1F2F0]  }
0x453: {  	v48 =	vld [tilespmem:s26+$0xF0A0];
	v21 =	vand.u32 $0x7FFFFFFF, v21  }
0x454: {  	v21 =	vadd.f32 v21, v27;
	v29 =	vld [tilespmem:s26+$0x131A0];
	v27 =	vadd.f32 v32, v30  }
0x455: {  	v32 =	vld [tilespmem:s26+$0x11180]  }
0x456: {  	v0 =	vsub.f32 v27, v0;
	v27 =	vld [tilespmem:s26+$0x11080]  }
0x457: {  	v45 =	vadd.f32 v45, v23;
	v23 =	vld [tilespmem:$0x1F320]  }
0x458: {  	v61 =	vld [tilespmem:$0x1F2A0]  }
0x459: {  	v57 =	vld [tilespmem:s26+$0x130A0]  }
0x45a: {  	v37 =	vld [tilespmem:s26+$0x13210]  }
0x45b: {  	v62 =	vld [tilespmem:$0x1F2C0]  }
0x45c: {  	v28 =	vsub.f32 v28, v23;
	v23 =	vld [tilespmem:$0x1F330]  }
0x45d: {  	v54 =	vsub.f32 v19, v61;
	v19 =	vld [tilespmem:$0x1F2B0]  }
0x45e: {  	v41 =	vld [tilespmem:s26+$0xF220]  }
0x45f: {  	v24 =	vadd.f32 v25, v24;
	v38 =	vld [tilespmem:s26+$0x11290]  }
0x460: {  	v61 =	vld [tilespmem:s26+$0x110B0]  }
0x461: {  	v60 =	vld [tilespmem:s26+$0xF0B0];
	v24 =	vsub.f32 v24, v23  }
0x462: {  	v19 =	vsub.f32 v58, v19;
	v58 =	vsub.f32 v59, v62;
	v59 =	vld [tilespmem:s26+$0xF130]  }
0x463: {  	v62 =	vld [tilespmem:s26+$0x11130];
	v28 =	vand.u32 $0x7FFFFFFF, v28;
	v24 =	vand.u32 $0x7FFFFFFF, v24  }
0x464: {  	v24 =	vadd.f32 v24, v28;
	v28 =	vld [tilespmem:s26+$0x11210]  }
0x465: {  	v25 =	vsub.f32 v50, v20;
	v20 =	vld [tilespmem:$0x1F310]  }
0x466: {  	v30 =	vadd.f32 v39, v47;
	v27 =	vadd.f32 v27, v35;
	v17 =	vand.u32 $0x7FFFFFFF, v58;
	v58 =	vld [tilespmem:s26+$0x11190]  }
0x467: {  	v17 =	vadd.f32 v17, v21;
	v21 =	vld [tilespmem:s26+$0xF180]  }
0x468: {  	v30 =	vsub.f32 v30, v51;
	v27 =	vsub.f32 v27, v36;
	v63 =	vld [tilespmem:s26+$0x13180]  }
0x469: {  	v38 =	vadd.f32 v38, v52;
	v50 =	vld [tilespmem:s26+$0x13190];
	v25 =	vand.u32 $0x7FFFFFFF, v25;
	v28 =	vadd.f32 v28, v56  }
0x46a: {  	v20 =	vsub.f32 v45, v20;
	v45 =	vld [tilespmem:s26+$0xF1A0];
	v24 =	vadd.f32 v25, v24  }
0x46b: {  	v25 =	vand.u32 $0x7FFFFFFF, v54;
	v54 =	vadd.f32 v40, v41;
	v40 =	vld [tilespmem:s26+$0xF190];
	v28 =	vsub.f32 v28, v37  }
0x46c: {  	v30 =	vand.u32 $0x7FFFFFFF, v30;
	v21 =	vadd.f32 v32, v21;
	v24 =	vadd.f32 v25, v24;
	v25 =	vld [tilespmem:s26+$0xF120]  }
0x46d: {  	v4 =	vsub.f32 v54, v4;
	v56 =	vadd.f32 v55, v53;
	v53 =	vld [tilespmem:s26+$0x11090];
	v28 =	vand.u32 $0x7FFFFFFF, v28  }
0x46e: {  	v47 =	vadd.f32 v61, v60;
	v28 =	vadd.f32 v28, v30;
	v30 =	vld [tilespmem:s26+$0xF090]  }
0x46f: {  	v21 =	vsub.f32 v21, v63;
	v54 =	vadd.f32 v62, v59;
	v59 =	vld [tilespmem:s26+$0x11110];
	v4 =	vand.u32 $0x7FFFFFFF, v4  }
0x470: {  	v51 =	vadd.f32 v43, v45;
	v55 =	vld [tilespmem:s26+$0x11100];
	v4 =	vadd.f32 v4, v28  }
0x471: {  	v2 =	vand.u32 $0x7FFFFFFF, v2;
	v5 =	vsub.f32 v56, v5;
	v56 =	vld [tilespmem:s26+$0xF110];
	v58 =	vadd.f32 v58, v40  }
0x472: {  	v28 =	vld [tilespmem:s26+$0xF100];
	v2 =	vadd.f32 v2, v4;
	v4 =	vadd.f32 v33, v48  }
0x473: {  	v27 =	vand.u32 $0x7FFFFFFF, v27;
	v60 =	vld [tilespmem:s26+$0x13100];
	v33 =	vsub.f32 v58, v50;
	v30 =	vadd.f32 v53, v30  }
0x474: {  	v61 =	vld [tilespmem:s26+$0x13110];
	v39 =	vsub.f32 v47, v49;
	v21 =	vand.u32 $0x7FFFFFFF, v21;
	v29 =	vsub.f32 v51, v29  }
0x475: {  	v62 =	vld [tilespmem:s26+$0x13120];
	v25 =	vadd.f32 v26, v25;
	v33 =	vand.u32 $0x7FFFFFFF, v33;
	v30 =	vsub.f32 v30, v42  }
0x476: {  	v29 =	vand.u32 $0x7FFFFFFF, v29;
	v4 =	vsub.f32 v4, v57;
	v21 =	vadd.f32 v33, v21  }
0x477: {  	v63 =	vld [tilespmem:s26+$0x13290];
	v28 =	vadd.f32 v55, v28;
	v26 =	vand.u32 $0x7FFFFFFF, v30;
	v30 =	vadd.f32 v59, v56  }
0x478: {  	(xrf2) =	vadd.scan.msk.f32 $0xffff, v16;
	v21 =	vadd.f32 v29, v21;
	v16 =	vadd.f32 v26, v27;
	v26 =	vld [tilespmem:s26+$0x13130]  }
0x479: {  	(xrf2) =	vadd.scan.msk.f32 $0xffff, v15;
	v0 =	vand.u32 $0x7FFFFFFF, v0;
	v15 =	vsub.f32 v28, v60;
	v27 =	vsub.f32 v30, v61  }
0x47a: {  	(xrf2) =	vadd.scan.msk.f32 $0xffff, v18;
	v18 =	vsub.f32 v25, v62;
	v4 =	vand.u32 $0x7FFFFFFF, v4;
	v0 =	vadd.f32 v0, v21;
	v21 =	vld [tilespmem:s26+$0x13410]  }
0x47b: {  	(xrf2) =	vadd.scan.msk.f32 $0xffff, v22;
	v22 =	vld [tilespmem:s26+$0x132B0];
	v15 =	vand.u32 $0x7FFFFFFF, v15;
	v4 =	vadd.f32 v4, v16;
	v16 =	vand.u32 $0x7FFFFFFF, v27  }
0x47c: {  	(xrf2) =	vadd.scan.msk.f32 $0xffff, v34;
	v25 =	vand.u32 $0x7FFFFFFF, v39;
	v15 =	vadd.f32 v16, v15;
	v16 =	vsub.f32 v38, v63  }
0x47d: {  	(xrf2) =	vadd.scan.msk.f32 $0xffff, v24;
	v18 =	vand.u32 $0x7FFFFFFF, v18;
	v4 =	vadd.f32 v25, v4;
	v25 =	vld [tilespmem:s26+$0x13590];
	v24 =	vsub.f32 v54, v26  }
0x47e: {  	(xrf2) =	vadd.scan.msk.f32 $0xffff, v17;
	v5 =	vand.u32 $0x7FFFFFFF, v5;
	v15 =	vadd.f32 v18, v15;
	v16 =	vand.u32 $0x7FFFFFFF, v16  }
0x47f: {  	v17 =	vld [tilespmem:s26+$0x13430];
	(xrf2) =	vadd.scan.msk.f32 $0xffff, v2;
	v3 =	vsub.f32 v3, v21;
	v2 =	vand.u32 $0x7FFFFFFF, v24;
	v5 =	vadd.f32 v16, v5  }
0x480: {  	(xrf2) =	vadd.scan.msk.f32 $0xffff, v0;
	v0 =	vadd.f32 v2, v15;
	v2 =	vand.u32 $0x7FFFFFFF, v10;
	v10 =	vsub.f32 v31, v22;
	v15 =	vld [tilespmem:s26+$0x13710]  }
0x481: {  	(xrf2) =	vadd.scan.msk.f32 $0xffff, v4;
	v4 =	vand.u32 $0x7FFFFFFF, v20;
	v3 =	vand.u32 $0x7FFFFFFF, v3;
	v2 =	vadd.f32 v2, v5;
	v5 =	vld [tilespmem:s26+$0x135B0]  }
0x482: {  	v3 =	vadd.f32 v3, v4;
	v4 =	vsub.f32 v12, v25;
	v10 =	vand.u32 $0x7FFFFFFF, v10  }
0x483: {  	v2 =	vadd.f32 v10, v2;
	v10 =	vand.u32 $0x7FFFFFFF, v19  }
0x484: {  	v4 =	vand.u32 $0x7FFFFFFF, v4;
	v3 =	vadd.f32 v10, v3;
	v10 =	vand.u32 $0x7FFFFFFF, v11  }
0x485: {  	v4 =	vadd.f32 v4, v10;
	v7 =	vsub.f32 v7, v15  }
0x486: {  	v9 =	vand.u32 $0x7FFFFFFF, v9;
	v16, _, _ =	vpop (xrf2);
	v12 =	vsub.f32 v13, v17;
	(xrf2) =	vadd.scan.msk.f32 $0xffff, v0;
	v5 =	vsub.f32 v8, v5  }
0x487: {  	v6 =	vand.u32 $0x7FFFFFFF, v6;
	v13 =	vld [tilespmem:s26+$0x13810];
	v0, _, _ =	vpop (xrf2);
	v4 =	vadd.f32 v9, v4;
	v7 =	vand.u32 $0x7FFFFFFF, v7  }
0x488: {  	v12 =	vand.u32 $0x7FFFFFFF, v12;
	v11 =	vld [tilespmem:s26+$0x13730];
	v17, _, _ =	vpop (xrf2);
	v5 =	vand.u32 $0x7FFFFFFF, v5;
	v6 =	vadd.f32 v7, v6  }
0x489: {  	v10 =	vld [tilespmem:s26+$0x13820];
	v18, _, _ =	vpop (xrf2);
	v3 =	vadd.f32 v12, v3;
	v4 =	vadd.f32 v5, v4;
	v5 =	vand.u32 $0x7FFFFFFF, v14  }
0x48a: {  	(xrf2) =	vadd.scan.msk.f32 $0xffff, v2;
	v2, _, _ =	vpop (xrf2);
	v5 =	vadd.f32 v5, v6;
	v6 =	vld [tilespmem:$0x1F350]  }
0x48b: {  	v12 =	vld [tilespmem:$0x1F360];
	v8, _, _ =	vpop (xrf2)  }
0x48c: {  	v9, _, _ =	vpop (xrf2)  }
0x48d: {  	(xrf2) =	vadd.scan.msk.f32 $0xffff, v3;
	v1 =	vsub.f32 v1, v11;
	v3, _, _ =	vpop (xrf2)  }
0x48e: {  	v7 =	vsub.f32 v46, v13;
	v11, _, _ =	vpop (xrf2)  }
0x48f: {  	v1 =	vand.u32 $0x7FFFFFFF, v1;
	v6 =	vsub.f32 v6, v10;
	v10, _, _ =	vpop (xrf2)  }
0x490: {  	v7 =	vand.u32 $0x7FFFFFFF, v7;
	v12 =	vand.u32 $0x7FFFFFFF, v12;
	v1 =	vadd.f32 v1, v5;
	v5, _, _ =	vpop (xrf2)  }
0x491: {  	(xrf2) =	vadd.scan.msk.f32 $0xffff, v4;
	v4 =	vadd.f32 v7, v12;
	v7 =	vbroadcast v10, $0xF;
	v5 =	vbroadcast v5, $0xF  }
0x492: {  	v6 =	vand.u32 $0x7FFFFFFF, v6  }
0x493: {  	(xrf2) =	vadd.scan.msk.f32 $0xffff, v1;
	v1 =	vsel vm0, v7, v5;
	v5 =	vld [tilespmem:$0x1F370];
	_ =	sdelay $0x1  }
0x494: {  	v4 =	vadd.f32 v6, v4;
	v6, _, _ =	vpop (xrf2)  }
0x495: {  	v10 =	vbroadcast v11, $0xF;
	v6 =	vbroadcast v6, $0xF  }
0x496: {  	v3 =	vbroadcast v3, $0xF  }
0x497: {  	v1 =	vsel vm1, v1, v10;
	v5 =	vand.u32 $0x7FFFFFFF, v5  }
0x498: {  	v1 =	vsel vm2, v1, v3;
	v3 =	vbroadcast v9, $0xF;
	v4 =	vadd.f32 v5, v4  }
0x499: {  	v1 =	vsel vm3, v1, v6;
	v5 =	vbroadcast v8, $0xF;
	v6, _, _ =	vpop (xrf2)  }
0x49a: {  	v1 =	vsel vm4, v1, v3;
	v3 =	vbroadcast v6, $0xF  }
0x49b: {  	v2 =	vbroadcast v2, $0xF;
	(xrf2) =	vadd.scan.msk.f32 $0xffff, v4;
	v1 =	vsel vm5, v1, v5  }
0x49c: {  	v1 =	vsel vm6, v1, v3;
	v3 =	vbroadcast v18, $0xF;
	v4, _, _ =	vpop (xrf2)  }
0x49d: {  	v1 =	vsel vm7, v1, v2;
	v2 =	vbroadcast v4, $0xF  }
0x49e: {  	v1 =	vsel vm8, v1, v3;
	v3 =	vbroadcast v17, $0xF  }
0x49f: {  	v0 =	vbroadcast v0, $0xF;
	v1 =	vsel vm9, v1, v2  }
0x4a0: {  	v1 =	vsel vm10, v1, v3  }
0x4a1: {  	v2, _, _ =	vpop (xrf2);
	v0 =	vsel vm11, v1, v0;
	v1 =	vbroadcast v16, $0xF  }
0x4a2: {  	v2 =	vbroadcast v2, $0xF;
	_ =	sdelay $0x1  }
0x4a3: {  	v0 =	vsel vm12, v0, v2  }
0x4a4: {  	v0 =	vsel vm13, v0, v1;
	v1, _, _ =	vpop (xrf2)  }
0x4a5: {  	v0 =	vsel vm14, v0, v1  }
0x4a6: {  	s19 =	simm.s32 $0x800;
	[tilespmem:s25+$0x0] =	vst v0  }
0x4a7: {  	v33 =	vld [tilespmem:s19+$0x13830]  }
0x4a8: {  	v30 =	vld [tilespmem:s19+$0xF830]  }
0x4a9: {  	v17 =	vld [tilespmem:s19+$0x11830]  }
0x4aa: {  	v41 =	vld [tilespmem:s19+$0x137B0]  }
0x4ab: {  	v54 =	vld [tilespmem:s19+$0x13800]  }
0x4ac: {  	v18 =	vld [tilespmem:s19+$0xF820]  }
0x4ad: {  	v26 =	vld [tilespmem:s19+$0x11820]  }
0x4ae: {  	v45 =	vld [tilespmem:s19+$0x137A0]  }
0x4af: {  	v47 =	vld [tilespmem:s19+$0xF7B0]  }
0x4b0: {  	v51 =	vld [tilespmem:s19+$0x117B0]  }
0x4b1: {  	v56 =	vld [tilespmem:s19+$0xF800]  }
0x4b2: {  	v57 =	vld [tilespmem:s19+$0x11800]  }
0x4b3: {  	v58 =	vld [tilespmem:s19+$0xF810]  }
0x4b4: {  	v59 =	vld [tilespmem:s19+$0x11810]  }
0x4b5: {  	v60 =	vld [tilespmem:s19+$0x136B0]  }
0x4b6: {  	v61 =	vld [tilespmem:s19+$0x13720]  }
0x4b7: {  	v62 =	vld [tilespmem:s19+$0xF730]  }
0x4b8: {  	v63 =	vld [tilespmem:s19+$0x11730]  }
0x4b9: {  	v11 =	vld [tilespmem:s19+$0x13780]  }
0x4ba: {  	v13 =	vld [tilespmem:s19+$0x13790]  }
0x4bb: {  	v14 =	vld [tilespmem:s19+$0xF7A0]  }
0x4bc: {  	v12 =	vld [tilespmem:s19+$0x117A0]  }
0x4bd: {  	v0 =	vld [tilespmem:s19+$0x13630]  }
0x4be: {  	v19 =	vld [tilespmem:s19+$0xF6B0]  }
0x4bf: {  	v16 =	vld [tilespmem:s19+$0x116B0]  }
0x4c0: {  	v20 =	vld [tilespmem:s19+$0xF720]  }
0x4c1: {  	v15 =	vld [tilespmem:s19+$0x11720]  }
0x4c2: {  	v36 =	vld [tilespmem:s19+$0xF780]  }
0x4c3: {  	v2 =	vld [tilespmem:s19+$0x11780]  }
0x4c4: {  	v1 =	vld [tilespmem:s19+$0xF790]  }
0x4c5: {  	v3 =	vld [tilespmem:s19+$0x13620]  }
0x4c6: {  	v29 =	vld [tilespmem:s19+$0xF630]  }
0x4c7: {  	v24 =	vld [tilespmem:s19+$0x11630]  }
0x4c8: {  	v39 =	vld [tilespmem:s19+$0x13680]  }
0x4c9: {  	v43 =	vld [tilespmem:s19+$0x13690]  }
0x4ca: {  	v23 =	vld [tilespmem:s19+$0xF6A0]  }
0x4cb: {  	v21 =	vld [tilespmem:s19+$0x116A0]  }
0x4cc: {  	v32 =	vld [tilespmem:s19+$0xF700]  }
0x4cd: {  	v22 =	vld [tilespmem:s19+$0x11700]  }
0x4ce: {  	v44 =	vld [tilespmem:s19+$0x13600]  }
0x4cf: {  	v25 =	vld [tilespmem:s19+$0x134A0]  }
0x4d0: {  	v46 =	vld [tilespmem:s19+$0x13610]  }
0x4d1: {  	v40 =	vld [tilespmem:s19+$0xF620]  }
0x4d2: {  	v35 =	vld [tilespmem:s19+$0x11620]  }
0x4d3: {  	v4 =	vld [tilespmem:s19+$0xF680]  }
0x4d4: {  	[tilespmem:$0x1F570] =	vst v25;
	v25 =	vld [tilespmem:s19+$0x13500]  }
0x4d5: {  	v6 =	vld [tilespmem:s19+$0xF690]  }
0x4d6: {  	v5 =	vld [tilespmem:s19+$0x11690]  }
0x4d7: {  	v7 =	vld [tilespmem:s19+$0x134B0]  }
0x4d8: {  	v52 =	vld [tilespmem:s19+$0xF530]  }
0x4d9: {  	[tilespmem:$0x1F490] =	vst v25;
	v25 =	vld [tilespmem:s19+$0x13510]  }
0x4da: {  	v50 =	vld [tilespmem:s19+$0x11530]  }
0x4db: {  	v53 =	vld [tilespmem:s19+$0x115A0]  }
0x4dc: {  	v10 =	vld [tilespmem:s19+$0xF600]  }
0x4dd: {  	v9 =	vld [tilespmem:s19+$0xF610]  }
0x4de: {  	[tilespmem:$0x1F4C0] =	vst v25;
	v25 =	vld [tilespmem:s19+$0xF520]  }
0x4df: {  	v8 =	vld [tilespmem:s19+$0x11610]  }
0x4e0: {  	v49 =	vld [tilespmem:s19+$0xF4B0]  }
0x4e1: {  	v48 =	vld [tilespmem:s19+$0x114B0]  }
0x4e2: {  	[tilespmem:$0x1F3E0] =	vst v3;
	v3 =	vld [tilespmem:s19+$0xF710]  }
0x4e3: {  	[tilespmem:$0x1F470] =	vst v25;
	v25 =	vld [tilespmem:s19+$0x11520]  }
0x4e4: {  	v28 =	vld [tilespmem:s19+$0xF500]  }
0x4e5: {  	v31 =	vld [tilespmem:s19+$0xF510]  }
0x4e6: {  	v27 =	vld [tilespmem:s19+$0x11510]  }
0x4e7: {  	[tilespmem:$0x1F3F0] =	vst v3;
	v3 =	vld [tilespmem:s19+$0x11710]  }
0x4e8: {  	[tilespmem:$0x1F480] =	vst v25;
	v25 =	vld [tilespmem:s19+$0xF580]  }
0x4e9: {  	v38 =	vld [tilespmem:s19+$0x13330]  }
0x4ea: {  	v42 =	vld [tilespmem:s19+$0x133A0]  }
0x4eb: {  	[tilespmem:$0x1F3B0] =	vst v0;
	v0 =	vld [tilespmem:s19+$0x136A0]  }
0x4ec: {  	[tilespmem:$0x1F400] =	vst v3;
	v3 =	vld [tilespmem:s19+$0x13530]  }
0x4ed: {  	[tilespmem:$0x1F4A0] =	vst v25;
	v25 =	vld [tilespmem:s19+$0x11580]  }
0x4ee: {  	v55 =	vld [tilespmem:s19+$0xF3B0]  }
0x4ef: {  	v37 =	vld [tilespmem:s19+$0x113B0]  }
0x4f0: {  	[tilespmem:$0x1F3C0] =	vst v0;
	v0 =	vld [tilespmem:s19+$0x13700]  }
0x4f1: {  	[tilespmem:$0x1F440] =	vst v3;
	v3 =	vld [tilespmem:s19+$0x135A0]  }
0x4f2: {  	[tilespmem:$0x1F4B0] =	vst v25;
	v25 =	vld [tilespmem:s19+$0xF590]  }
0x4f3: {  	v34 =	vld [tilespmem:s19+$0x11490]  }
0x4f4: {  	[tilespmem:$0x1F460] =	vst v7;
	v7 =	vld [tilespmem:s19+$0x13520]  }
0x4f5: {  	[tilespmem:$0x1F3D0] =	vst v0;
	v0 =	vld [tilespmem:s19+$0x11790]  }
0x4f6: {  	[tilespmem:$0x1F450] =	vst v3;
	v3 =	vld [tilespmem:s19+$0xF5B0]  }
0x4f7: {  	[tilespmem:$0x1F4F0] =	vst v25;
	v25 =	vld [tilespmem:s19+$0x11590]  }
0x4f8: {  	[tilespmem:$0x1F600] =	vst v38;
	v38 =	vld [tilespmem:s19+$0x13400]  }
0x4f9: {  	[tilespmem:$0x1F630] =	vst v42;
	v42 =	vld [tilespmem:s19+$0xF420];
	v2 =	vadd.f32 v2, v36  }
0x4fa: {  	[tilespmem:$0x1F580] =	vst v55;
	v55 =	vld [tilespmem:s19+$0x11420];
	v0 =	vadd.f32 v0, v1  }
0x4fb: {  	v17 =	vadd.f32 v17, v30;
	v2 =	vsub.f32 v2, v11;
	[tilespmem:$0x1F410] =	vst v3;
	v3 =	vld [tilespmem:s19+$0x115B0]  }
0x4fc: {  	v11 =	vadd.f32 v12, v14;
	v0 =	vsub.f32 v0, v13;
	[tilespmem:$0x1F500] =	vst v25;
	v25 =	vld [tilespmem:s19+$0x133B0]  }
0x4fd: {  	[tilespmem:$0x1F590] =	vst v37;
	v37 =	vld [tilespmem:s19+$0x11480];
	v2 =	vand.u32 $0x7FFFFFFF, v2;
	v1 =	vsub.f32 v17, v33  }
0x4fe: {  	v11 =	vsub.f32 v11, v45;
	[tilespmem:$0x1F4D0] =	vst v7;
	v7 =	vld [tilespmem:s19+$0x13580];
	v13 =	vadd.f32 v57, v56;
	v0 =	vand.u32 $0x7FFFFFFF, v0  }
0x4ff: {  	v30 =	vld [tilespmem:s19+$0xF400];
	[tilespmem:$0x1F390] =	vst v1;
	v1 =	vadd.f32 v51, v47;
	v0 =	vadd.f32 v0, v2  }
0x500: {  	v2 =	vsub.f32 v13, v54;
	v13 =	vadd.f32 v16, v19;
	[tilespmem:$0x1F420] =	vst v3;
	v3 =	vld [tilespmem:s19+$0x11680]  }
0x501: {  	v11 =	vand.u32 $0x7FFFFFFF, v11;
	v12 =	vsub.f32 v1, v41;
	[tilespmem:$0x1F5E0] =	vst v25;
	v25 =	vld [tilespmem:s19+$0x13420]  }
0x502: {  	v0 =	vadd.f32 v11, v0;
	v11 =	vsub.f32 v13, v60;
	v13 =	vld [tilespmem:$0x1F3B0]  }
0x503: {  	[tilespmem:$0x1F4E0] =	vst v7;
	v7 =	vld [tilespmem:s19+$0xF5A0];
	v12 =	vand.u32 $0x7FFFFFFF, v12  }
0x504: {  	v18 =	vadd.f32 v26, v18;
	v36 =	vld [tilespmem:s19+$0x11400];
	v16 =	vadd.f32 v12, v0  }
0x505: {  	v26 =	vld [tilespmem:s19+$0xF2B0];
	v0 =	vadd.f32 v3, v4;
	v4 =	vadd.f32 v24, v29  }
0x506: {  	[tilespmem:$0x1F5F0] =	vst v25;
	v25 =	vld [tilespmem:s19+$0xF430]  }
0x507: {  	v4 =	vsub.f32 v4, v13;
	v13 =	vld [tilespmem:$0x1F3C0]  }
0x508: {  	[tilespmem:$0x1F430] =	vst v7;
	v7 =	vld [tilespmem:s19+$0x11600];
	v12 =	vsub.f32 v0, v39  }
0x509: {  	v5 =	vadd.f32 v5, v6;
	v6 =	vadd.f32 v21, v23;
	v21 =	vld [tilespmem:s19+$0x11380]  }
0x50a: {  	v8 =	vadd.f32 v8, v9;
	v9 =	vand.u32 $0x7FFFFFFF, v12;
	v12 =	vld [tilespmem:$0x1F3E0]  }
0x50b: {  	[tilespmem:$0x1F550] =	vst v25;
	v25 =	vld [tilespmem:s19+$0x11430]  }
0x50c: {  	v6 =	vsub.f32 v6, v13;
	v13 =	vld [tilespmem:$0x1F3D0]  }
0x50d: {  	v23 =	vld [tilespmem:s19+$0x11390];
	v7 =	vadd.f32 v7, v10;
	v10 =	vadd.f32 v35, v40  }
0x50e: {  	[tilespmem:$0x1F380] =	vst v18;
	v18 =	vld [tilespmem:s19+$0x11410];
	v14 =	vadd.f32 v15, v20  }
0x50f: {  	v0 =	vadd.f32 v22, v32;
	v10 =	vsub.f32 v10, v12;
	v12 =	vld [tilespmem:$0x1F3F0]  }
0x510: {  	[tilespmem:$0x1F560] =	vst v25;
	v25 =	vld [tilespmem:s19+$0x13480]  }
0x511: {  	v60 =	vsub.f32 v14, v61;
	v61 =	vsub.f32 v0, v13;
	v13 =	vld [tilespmem:$0x1F400]  }
0x512: {  	v20 =	vld [tilespmem:s19+$0xF320];
	v5 =	vsub.f32 v5, v43  }
0x513: {  	v15 =	vld [tilespmem:s19+$0xF380]  }
0x514: {  	v43 =	vld [tilespmem:s19+$0x11300];
	v5 =	vand.u32 $0x7FFFFFFF, v5  }
0x515: {  	v5 =	vadd.f32 v5, v9;
	[tilespmem:$0x1F530] =	vst v25;
	v25 =	vld [tilespmem:s19+$0x13490]  }
0x516: {  	v8 =	vsub.f32 v8, v46;
	v46 =	vadd.f32 v13, v12;
	v12 =	vand.u32 $0x7FFFFFFF, v6;
	v13 =	vld [tilespmem:$0x1F420]  }
0x517: {  	v5 =	vadd.f32 v12, v5;
	v12 =	vld [tilespmem:$0x1F410]  }
0x518: {  	[tilespmem:$0x1F5B0] =	vst v55;
	v55 =	vld [tilespmem:s19+$0x13320]  }
0x519: {  	[tilespmem:$0x1F5A0] =	vst v42;
	v42 =	vld [tilespmem:s19+$0xF480]  }
0x51a: {  	[tilespmem:$0x1F540] =	vst v25;
	v25 =	vld [tilespmem:s19+$0xF4A0]  }
0x51b: {  	[tilespmem:$0x1F640] =	vst v38;
	v38 =	vld [tilespmem:s19+$0xF490];
	v41 =	vadd.f32 v63, v62  }
0x51c: {  	v7 =	vsub.f32 v7, v44;
	v62 =	vadd.f32 v13, v12;
	v12 =	vld [tilespmem:$0x1F440]  }
0x51d: {  	[tilespmem:$0x1F670] =	vst v55;
	v55 =	vld [tilespmem:s19+$0xF330]  }
0x51e: {  	v8 =	vand.u32 $0x7FFFFFFF, v8;
	v21 =	vadd.f32 v21, v15;
	v15 =	vld [tilespmem:$0x1F630];
	v7 =	vand.u32 $0x7FFFFFFF, v7  }
0x51f: {  	v7 =	vadd.f32 v8, v7;
	v8 =	vand.u32 $0x7FFFFFFF, v11;
	v11 =	vadd.f32 v50, v52;
	[tilespmem:$0x1F510] =	vst v25;
	v25 =	vld [tilespmem:s19+$0x114A0]  }
0x520: {  	v19 =	vld [tilespmem:$0x1F480];
	v39 =	vadd.f32 v8, v5;
	v5 =	vand.u32 $0x7FFFFFFF, v10  }
0x521: {  	v5 =	vadd.f32 v5, v7;
	v13 =	vsub.f32 v11, v12;
	v12 =	vld [tilespmem:$0x1F470]  }
0x522: {  	[tilespmem:$0x1F5C0] =	vst v55;
	v55 =	vld [tilespmem:s19+$0x11330];
	v4 =	vand.u32 $0x7FFFFFFF, v4  }
0x523: {  	v40 =	vadd.f32 v4, v5;
	v5 =	vld [tilespmem:$0x1F460]  }
0x524: {  	[tilespmem:$0x1F520] =	vst v25;
	v25 =	vld [tilespmem:s19+$0x11500]  }
0x525: {  	v17 =	vld [tilespmem:s19+$0xF410]  }
0x526: {  	v12 =	vadd.f32 v19, v12;
	v19 =	vld [tilespmem:$0x1F490]  }
0x527: {  	v33 =	vld [tilespmem:s19+$0x132A0];
	v7 =	vadd.f32 v48, v49  }
0x528: {  	v47 =	vld [tilespmem:s19+$0x13300]  }
0x529: {  	v51 =	vld [tilespmem:s19+$0x13310];
	v5 =	vsub.f32 v7, v5;
	v7 =	vadd.f32 v25, v28  }
0x52a: {  	v24 =	vld [tilespmem:$0x1F4B0]  }
0x52b: {  	v7 =	vsub.f32 v7, v19;
	v19 =	vld [tilespmem:$0x1F4A0]  }
0x52c: {  	v8 =	vld [tilespmem:$0x1F430]  }
0x52d: {  	[tilespmem:$0x1F5D0] =	vst v55;
	v55 =	vld [tilespmem:s19+$0x13380]  }
0x52e: {  	v11 =	vld [tilespmem:$0x1F450]  }
0x52f: {  	v56 =	vld [tilespmem:$0x1F5C0]  }
0x530: {  	v19 =	vadd.f32 v24, v19;
	v24 =	vld [tilespmem:$0x1F4C0]  }
0x531: {  	v1 =	vld [tilespmem:s19+$0x13230];
	v8 =	vadd.f32 v53, v8  }
0x532: {  	v35 =	vld [tilespmem:s19+$0x112A0]  }
0x533: {  	[tilespmem:$0x1F650] =	vst v55;
	v55 =	vld [tilespmem:s19+$0x13390];
	v8 =	vsub.f32 v8, v11;
	v11 =	vadd.f32 v27, v31  }
0x534: {  	v63 =	vld [tilespmem:$0x1F5D0]  }
0x535: {  	v24 =	vsub.f32 v11, v24;
	v11 =	vld [tilespmem:$0x1F4D0]  }
0x536: {  	[tilespmem:$0x1F3A0] =	vst v2;
	v2 =	vld [tilespmem:s19+$0x112B0]  }
0x537: {  	v14 =	vld [tilespmem:s19+$0x13220]  }
0x538: {  	[tilespmem:$0x1F660] =	vst v55;
	v55 =	vld [tilespmem:s19+$0xF3A0]  }
0x539: {  	v44 =	vld [tilespmem:s19+$0xF310]  }
0x53a: {  	v31 =	vsub.f32 v12, v11;
	v11 =	vld [tilespmem:$0x1F4E0]  }
0x53b: {  	v50 =	vld [tilespmem:s19+$0x11220]  }
0x53c: {  	v52 =	vld [tilespmem:s19+$0xF280]  }
0x53d: {  	[tilespmem:$0x1F610] =	vst v55;
	v55 =	vld [tilespmem:s19+$0x113A0]  }
0x53e: {  	v12 =	vld [tilespmem:$0x1F4F0]  }
0x53f: {  	v11 =	vsub.f32 v19, v11;
	v19 =	vld [tilespmem:$0x1F500]  }
0x540: {  	v29 =	vld [tilespmem:s19+$0x11230];
	v7 =	vand.u32 $0x7FFFFFFF, v7;
	v24 =	vand.u32 $0x7FFFFFFF, v24  }
0x541: {  	v24 =	vadd.f32 v24, v7;
	v7 =	vld [tilespmem:$0x1F530]  }
0x542: {  	v22 =	vld [tilespmem:s19+$0xF390]  }
0x543: {  	v9 =	vld [tilespmem:s19+$0xF230]  }
0x544: {  	v3 =	vld [tilespmem:s19+$0x11320];
	v12 =	vadd.f32 v19, v12;
	v19 =	vadd.f32 v37, v42  }
0x545: {  	v32 =	vld [tilespmem:s19+$0xF2A0]  }
0x546: {  	v19 =	vsub.f32 v19, v7;
	v7 =	vld [tilespmem:$0x1F540]  }
0x547: {  	v34 =	vadd.f32 v34, v38;
	v17 =	vadd.f32 v18, v17;
	[tilespmem:$0x1F620] =	vst v55;
	v55 =	vld [tilespmem:s19+$0x11290]  }
0x548: {  	v23 =	vadd.f32 v23, v22;
	v22 =	vld [tilespmem:s19+$0x13180];
	v9 =	vadd.f32 v29, v9  }
0x549: {  	v56 =	vadd.f32 v63, v56;
	v18 =	vadd.f32 v2, v26;
	v63 =	vld [tilespmem:$0x1F5E0]  }
0x54a: {  	v26 =	vadd.f32 v35, v32;
	v0 =	vld [tilespmem:s19+$0x131B0];
	v35 =	vsub.f32 v9, v1;
	v31 =	vand.u32 $0x7FFFFFFF, v31  }
0x54b: {  	v9 =	vld [tilespmem:s19+$0x11120];
	v24 =	vadd.f32 v31, v24;
	v34 =	vsub.f32 v34, v7  }
0x54c: {  	v6 =	vld [tilespmem:s19+$0x13280];
	v13 =	vand.u32 $0x7FFFFFFF, v13  }
0x54d: {  	v54 =	vadd.f32 v13, v24;
	v13 =	vld [tilespmem:$0x1F580];
	v19 =	vand.u32 $0x7FFFFFFF, v19;
	v34 =	vand.u32 $0x7FFFFFFF, v34  }
0x54e: {  	v34 =	vadd.f32 v34, v19;
	v19 =	vld [tilespmem:$0x1F590]  }
0x54f: {  	v57 =	vld [tilespmem:$0x1F510]  }
0x550: {  	v45 =	vadd.f32 v59, v58;
	v58 =	vld [tilespmem:$0x1F520]  }
0x551: {  	v10 =	vld [tilespmem:s19+$0xF300]  }
0x552: {  	v24 =	vld [tilespmem:$0x1F5B0]  }
0x553: {  	v13 =	vadd.f32 v19, v13;
	v19 =	vld [tilespmem:$0x1F5A0]  }
0x554: {  	v31 =	vld [tilespmem:$0x1F570]  }
0x555: {  	v38 =	vadd.f32 v58, v57;
	v57 =	vsub.f32 v13, v63;
	v13 =	vld [tilespmem:$0x1F5F0]  }
0x556: {  	v48 =	vld [tilespmem:s19+$0x111B0]  }
0x557: {  	v49 =	vld [tilespmem:s19+$0x13200]  }
0x558: {  	v4 =	vld [tilespmem:s19+$0x11310];
	v24 =	vadd.f32 v24, v19  }
0x559: {  	v53 =	vld [tilespmem:s19+$0xF290];
	v31 =	vsub.f32 v38, v31  }
0x55a: {  	v13 =	vsub.f32 v24, v13;
	v24 =	vld [tilespmem:$0x1F600]  }
0x55b: {  	v10 =	vadd.f32 v43, v10;
	v43 =	vld [tilespmem:s19+$0x111A0];
	v31 =	vand.u32 $0x7FFFFFFF, v31  }
0x55c: {  	v59 =	vld [tilespmem:$0x1F560];
	v31 =	vadd.f32 v31, v34  }
0x55d: {  	v4 =	vadd.f32 v4, v44;
	v5 =	vand.u32 $0x7FFFFFFF, v5;
	v27 =	vld [tilespmem:s19+$0xF1B0]  }
0x55e: {  	v10 =	vsub.f32 v10, v47;
	v31 =	vadd.f32 v5, v31;
	v5 =	vld [tilespmem:$0x1F610]  }
0x55f: {  	v4 =	vsub.f32 v4, v51;
	v56 =	vsub.f32 v56, v24;
	v24 =	vld [tilespmem:$0x1F620]  }
0x560: {  	v44 =	vld [tilespmem:s19+$0xF200]  }
0x561: {  	v10 =	vand.u32 $0x7FFFFFFF, v10;
	v51 =	vld [tilespmem:s19+$0xF0A0];
	v4 =	vand.u32 $0x7FFFFFFF, v4  }
0x562: {  	v10 =	vadd.f32 v4, v10;
	v4 =	vld [tilespmem:s19+$0x13090]  }
0x563: {  	(xrf2) =	vadd.scan.msk.f32 $0xffff, v16;
	v16 =	vadd.f32 v48, v27;
	v48 =	vld [tilespmem:s19+$0xF180]  }
0x564: {  	v5 =	vadd.f32 v24, v5;
	v24 =	vadd.f32 v36, v30;
	v30 =	vld [tilespmem:$0x1F650]  }
0x565: {  	v27 =	vld [tilespmem:s19+$0x11080]  }
0x566: {  	v25 =	vld [tilespmem:s19+$0x130B0]  }
0x567: {  	v28 =	vld [tilespmem:s19+$0x131A0]  }
0x568: {  	v58 =	vld [tilespmem:s19+$0x110B0]  }
0x569: {  	v21 =	vsub.f32 v21, v30;
	v30 =	vld [tilespmem:$0x1F660]  }
0x56a: {  	v38 =	vld [tilespmem:s19+$0x11280]  }
0x56b: {  	v37 =	vld [tilespmem:s19+$0x13210]  }
0x56c: {  	v42 =	vld [tilespmem:s19+$0xF220]  }
0x56d: {  	v7 =	vld [tilespmem:$0x1F550]  }
0x56e: {  	v34 =	vld [tilespmem:s19+$0xF0B0];
	v23 =	vsub.f32 v23, v30  }
0x56f: {  	v5 =	vsub.f32 v5, v15;
	v15 =	vld [tilespmem:$0x1F640]  }
0x570: {  	v3 =	vadd.f32 v3, v20;
	v20 =	vand.u32 $0x7FFFFFFF, v21;
	v21 =	vld [tilespmem:s19+$0xF210];
	v2 =	vand.u32 $0x7FFFFFFF, v23  }
0x571: {  	v2 =	vadd.f32 v2, v20;
	v20 =	vld [tilespmem:$0x1F670]  }
0x572: {  	v23 =	vld [tilespmem:s19+$0x11210]  }
0x573: {  	v7 =	vadd.f32 v59, v7;
	v59 =	vld [tilespmem:s19+$0xF130]  }
0x574: {  	v63 =	vld [tilespmem:s19+$0x11200]  }
0x575: {  	v19 =	vld [tilespmem:s19+$0x130A0]  }
0x576: {  	v1 =	vand.u32 $0x7FFFFFFF, v56;
	v56 =	vld [tilespmem:s19+$0x11180];
	v3 =	vsub.f32 v3, v20  }
0x577: {  	v36 =	vld [tilespmem:s19+$0x11130];
	v15 =	vsub.f32 v24, v15;
	v21 =	vadd.f32 v23, v21  }
0x578: {  	v24 =	vld [tilespmem:s19+$0x13190];
	v23 =	vadd.f32 v50, v42;
	v20 =	vand.u32 $0x7FFFFFFF, v5;
	v3 =	vand.u32 $0x7FFFFFFF, v3  }
0x579: {  	v30 =	vld [tilespmem:s19+$0xF1A0];
	v2 =	vadd.f32 v20, v2;
	v10 =	vadd.f32 v3, v10  }
0x57a: {  	(xrf2) =	vadd.scan.msk.f32 $0xffff, v39;
	v5 =	vld [tilespmem:s19+$0x13080];
	v21 =	vsub.f32 v21, v37;
	v14 =	vsub.f32 v23, v14  }
0x57b: {  	v20 =	vand.u32 $0x7FFFFFFF, v57;
	v57 =	vld [tilespmem:s19+$0x110A0];
	v1 =	vadd.f32 v1, v10;
	v10 =	vadd.f32 v63, v44  }
0x57c: {  	v2 =	vadd.f32 v20, v2;
	v20 =	vsub.f32 v26, v33;
	v3 =	vld [tilespmem:s19+$0xF120]  }
0x57d: {  	v26 =	vadd.f32 v38, v52;
	v33 =	vld [tilespmem:s19+$0x11090];
	v29 =	vsub.f32 v10, v49  }
0x57e: {  	v23 =	vadd.f32 v58, v34;
	v21 =	vand.u32 $0x7FFFFFFF, v21;
	v63 =	vld [tilespmem:s19+$0xF190];
	v10 =	vsub.f32 v16, v0  }
0x57f: {  	v16 =	vld [tilespmem:s19+$0x11190];
	v0 =	vsub.f32 v26, v6;
	v26 =	vadd.f32 v43, v30;
	v6 =	vand.u32 $0x7FFFFFFF, v29  }
0x580: {  	v14 =	vand.u32 $0x7FFFFFFF, v14;
	v23 =	vsub.f32 v23, v25;
	v29 =	vld [tilespmem:s19+$0xF080];
	v21 =	vadd.f32 v21, v6  }
0x581: {  	(xrf2) =	vadd.scan.msk.f32 $0xffff, v40;
	v34 =	vadd.f32 v57, v51;
	v30 =	vld [tilespmem:s19+$0xF090];
	v32 =	vsub.f32 v26, v28  }
0x582: {  	(xrf2) =	vadd.scan.msk.f32 $0xffff, v54;
	v26 =	vld [tilespmem:s19+$0xF100];
	v28 =	vand.u32 $0x7FFFFFFF, v35;
	v35 =	vadd.f32 v56, v48;
	v25 =	vadd.f32 v14, v21  }
0x583: {  	v6 =	vadd.f32 v55, v53;
	v21 =	vadd.f32 v36, v59;
	v14, _, _ =	vpop (xrf2);
	(xrf2) =	vadd.scan.msk.f32 $0xffff, v31;
	v31 =	vld [tilespmem:s19+$0xF110]  }
0x584: {  	s0 =	sadd.s32 $0x1, s0;
	s20 =	simm.s32 $0x4000;
	s21 =	smov.u32 s25;
	v36 =	vadd.f32 v16, v63;
	v16, _, _ =	vpop (xrf2);
	v25 =	vadd.f32 v28, v25;
	v28 =	vld [tilespmem:s19+$0x11100]  }
.LBB2_5:
0x585: {  	v27 =	vadd.f32 v27, v29  }
0x586: {  	v29 =	vld [tilespmem:s19+$0x11110];
	v22 =	vsub.f32 v35, v22;
	v30 =	vadd.f32 v33, v30  }
0x587: {  	v48 =	vld [tilespmem:s19+$0x13100];
	v24 =	vsub.f32 v36, v24;
	v19 =	vsub.f32 v34, v19  }
0x588: {  	v3 =	vadd.f32 v9, v3;
	v5 =	vsub.f32 v27, v5;
	v27 =	vld [tilespmem:s19+$0x13110]  }
0x589: {  	v4 =	vsub.f32 v30, v4;
	v30 =	vld [tilespmem:s19+$0x13120];
	v22 =	vand.u32 $0x7FFFFFFF, v22;
	v24 =	vand.u32 $0x7FFFFFFF, v24  }
0x58a: {  	(xrf2) =	vadd.scan.msk.f32 $0xffff, v2;
	v32 =	vand.u32 $0x7FFFFFFF, v32;
	v9 =	vadd.f32 v24, v22;
	v22 =	vadd.f32 v28, v26  }
0x58b: {  	v26 =	vld [tilespmem:s19+$0x13290];
	v5 =	vand.u32 $0x7FFFFFFF, v5;
	v4 =	vand.u32 $0x7FFFFFFF, v4;
	v24 =	vadd.f32 v29, v31  }
0x58c: {  	v4 =	vadd.f32 v4, v5;
	v5 =	vld [tilespmem:s19+$0x13130];
	v9 =	vadd.f32 v32, v9  }
0x58d: {  	v10 =	vand.u32 $0x7FFFFFFF, v10;
	v2, _, _ =	vpop (xrf2);
	(xrf2) =	vadd.scan.msk.f32 $0xffff, v1;
	v22 =	vsub.f32 v22, v48;
	v24 =	vsub.f32 v24, v27  }
0x58e: {  	v19 =	vand.u32 $0x7FFFFFFF, v19;
	v3 =	vsub.f32 v3, v30;
	v9 =	vadd.f32 v10, v9;
	v10 =	vld [tilespmem:s19+$0x13410]  }
0x58f: {  	v4 =	vadd.f32 v19, v4;
	v19 =	vand.u32 $0x7FFFFFFF, v22;
	v22 =	vand.u32 $0x7FFFFFFF, v24;
	v24 =	vld [tilespmem:s19+$0x132B0]  }
0x590: {  	v23 =	vand.u32 $0x7FFFFFFF, v23;
	v1, _, _ =	vpop (xrf2);
	(xrf2) =	vadd.scan.msk.f32 $0xffff, v25;
	v6 =	vsub.f32 v6, v26;
	v19 =	vadd.f32 v22, v19  }
0x591: {  	v0 =	vand.u32 $0x7FFFFFFF, v0;
	v25, _, _ =	vpop (xrf2);
	(xrf2) =	vadd.scan.msk.f32 $0xffff, v9;
	v3 =	vand.u32 $0x7FFFFFFF, v3;
	v9 =	vld [tilespmem:s19+$0x13590];
	v5 =	vsub.f32 v21, v5  }
0x592: {  	v4 =	vadd.f32 v23, v4;
	v6 =	vand.u32 $0x7FFFFFFF, v6;
	v3 =	vadd.f32 v3, v19;
	v19 =	vld [tilespmem:s19+$0x13430]  }
0x593: {  	v0 =	vadd.f32 v6, v0;
	v5 =	vand.u32 $0x7FFFFFFF, v5;
	v6 =	vsub.f32 v17, v10  }
0x594: {  	v21, _, _ =	vpop (xrf2);
	(xrf2) =	vadd.scan.msk.f32 $0xffff, v4;
	v4 =	vand.u32 $0x7FFFFFFF, v20;
	v10 =	vld [tilespmem:s19+$0x13710];
	v3 =	vadd.f32 v5, v3;
	v5 =	vsub.f32 v18, v24  }
0x595: {  	v0 =	vadd.f32 v4, v0;
	v4 =	vand.u32 $0x7FFFFFFF, v15;
	v15 =	vld [tilespmem:s19+$0x135B0];
	v6 =	vand.u32 $0x7FFFFFFF, v6  }
0x596: {  	v4 =	vadd.f32 v6, v4;
	v6 =	vsub.f32 v12, v9;
	v5 =	vand.u32 $0x7FFFFFFF, v5  }
0x597: {  	v17, _, _ =	vpop (xrf2);
	(xrf2) =	vadd.scan.msk.f32 $0xffff, v3;
	v3 =	vand.u32 $0x7FFFFFFF, v13;
	v0 =	vadd.f32 v5, v0;
	v5 =	vsub.f32 v7, v19  }
0x598: {  	v3 =	vadd.f32 v3, v4;
	v4 =	vand.u32 $0x7FFFFFFF, v11;
	v6 =	vand.u32 $0x7FFFFFFF, v6  }
0x599: {  	v4 =	vadd.f32 v6, v4;
	v6 =	vsub.f32 v46, v10;
	v5 =	vand.u32 $0x7FFFFFFF, v5  }
0x59a: {  	v9, _, _ =	vpop (xrf2);
	(xrf2) =	vadd.scan.msk.f32 $0xffff, v0;
	v0 =	vadd.f32 v5, v3;
	v3 =	vand.u32 $0x7FFFFFFF, v8;
	v5 =	vsub.f32 v62, v15  }
0x59b: {  	v6 =	vand.u32 $0x7FFFFFFF, v6;
	v3 =	vadd.f32 v3, v4;
	v4 =	vand.u32 $0x7FFFFFFF, v61  }
0x59c: {  	v5 =	vand.u32 $0x7FFFFFFF, v5;
	v4 =	vadd.f32 v6, v4  }
0x59d: {  	v10 =	vld [tilespmem:s19+$0x13820];
	v8, _, _ =	vpop (xrf2);
	(xrf2) =	vadd.scan.msk.f32 $0xffff, v0;
	v0 =	vadd.f32 v5, v3;
	v3 =	vand.u32 $0x7FFFFFFF, v60  }
0x59e: {  	v3 =	vadd.f32 v3, v4;
	v4 =	vld [tilespmem:$0x1F380];
	_ =	sdelay $0x1  }
0x59f: {  	v11 =	vld [tilespmem:s19+$0x13730]  }
0x5a0: {  	v7 =	vld [tilespmem:s19+$0x13810];
	_ =	sdelay $0x1  }
0x5a1: {  	v4 =	vsub.f32 v4, v10;
	v10 =	vld [tilespmem:$0x1F3A0];
	_ =	sdelay $0x1  }
0x5a2: {  	v12 =	vsub.f32 v41, v11  }
0x5a3: {  	v6 =	vsub.f32 v45, v7  }
0x5a4: {  	v7, _, _ =	vpop (xrf2);
	v11 =	vand.u32 $0x7FFFFFFF, v12  }
0x5a5: {  	v6 =	vand.u32 $0x7FFFFFFF, v6;
	(xrf2) =	vadd.scan.msk.f32 $0xffff, v0;
	v0 =	vadd.f32 v11, v3;
	v5, _, _ =	vpop (xrf2);
	v10 =	vand.u32 $0x7FFFFFFF, v10  }
0x5a6: {  	v5 =	vbroadcast v5, $0xF;
	v3 =	vadd.f32 v6, v10;
	v10 =	vbroadcast v7, $0xF;
	_ =	sdelay $0x1  }
0x5a7: {  	(xrf2) =	vadd.scan.msk.f32 $0xffff, v0;
	v0 =	vsel vm0, v10, v5;
	v5 =	vld [tilespmem:$0x1F390];
	_ =	sdelay $0x2  }
0x5a8: {  	v4 =	vand.u32 $0x7FFFFFFF, v4  }
0x5a9: {  	v7 =	vbroadcast v8, $0xF;
	v3 =	vadd.f32 v4, v3  }
0x5aa: {  	v6, _, _ =	vpop (xrf2);
	v4 =	vbroadcast v9, $0xF;
	v5 =	vand.u32 $0x7FFFFFFF, v5  }
0x5ab: {  	v0 =	vsel vm1, v0, v7;
	v7 =	vbroadcast v6, $0xF;
	v3 =	vadd.f32 v5, v3  }
0x5ac: {  	v0 =	vsel vm2, v0, v4;
	v4 =	vbroadcast v17, $0xF  }
0x5ad: {  	v6, _, _ =	vpop (xrf2);
	v0 =	vsel vm3, v0, v7;
	v5 =	vbroadcast v21, $0xF;
	(xrf2) =	vadd.scan.msk.f32 $0xffff, v3  }
0x5ae: {  	v6 =	vbroadcast v6, $0xF;
	v0 =	vsel vm4, v0, v4  }
0x5af: {  	v4 =	vbroadcast v25, $0xF;
	v0 =	vsel vm5, v0, v5  }
0x5b0: {  	v1 =	vbroadcast v1, $0xF;
	v0 =	vsel vm6, v0, v6;
	v3, _, _ =	vpop (xrf2)  }
0x5b1: {  	v0 =	vsel vm7, v0, v4;
	v4 =	vbroadcast v3, $0xF  }
0x5b2: {  	v0 =	vsel vm8, v0, v1;
	v1 =	vbroadcast v2, $0xF  }
0x5b3: {  	v2 =	vbroadcast v16, $0xF;
	v3, _, _ =	vpop (xrf2);
	v0 =	vsel vm9, v0, v4  }
0x5b4: {  	v3 =	vbroadcast v3, $0xF;
	v0 =	vsel vm10, v0, v1  }
0x5b5: {  	v0 =	vsel vm11, v0, v2;
	v2 =	vbroadcast v14, $0xF  }
0x5b6: {  	v0 =	vsel vm12, v0, v3  }
0x5b7: {  	v0 =	vsel vm13, v0, v2;
	v1, _, _ =	vpop (xrf2)  }
0x5b8: {  	s21 =	sadd.s32 $0x10, s21;
	v0 =	vsel vm14, v0, v1  }
0x5b9: {  	s19 =	sshra.s32 s20, $0x2;
	[tilespmem:s21+$0x0] =	vst v0  }
0x5ba: {  	v0 =	vld [tilespmem:s19+$0x13830];
	_ =	sdelay $0x4  }
0x5bb: {  	[tilespmem:$0x1ED20] =	vst v0;
	v0 =	vld [tilespmem:s19+$0xF830];
	_ =	sdelay $0x4  }
0x5bc: {  	[tilespmem:$0x1ECF0] =	vst v0;
	v0 =	vld [tilespmem:s19+$0x137B0];
	_ =	sdelay $0x4  }
0x5bd: {  	[tilespmem:$0x1ED50] =	vst v0;
	v0 =	vld [tilespmem:s19+$0x13800];
	_ =	sdelay $0x4  }
0x5be: {  	[tilespmem:$0x1ED90] =	vst v0;
	v0 =	vld [tilespmem:s19+$0xF820];
	_ =	sdelay $0x4  }
0x5bf: {  	[tilespmem:$0x1ED00] =	vst v0;
	v0 =	vld [tilespmem:s19+$0x11820];
	_ =	sdelay $0x4  }
0x5c0: {  	[tilespmem:$0x1ED10] =	vst v0;
	v0 =	vld [tilespmem:s19+$0x137A0];
	_ =	sdelay $0x4  }
0x5c1: {  	[tilespmem:$0x1ED80] =	vst v0;
	v0 =	vld [tilespmem:s19+$0xF7B0];
	_ =	sdelay $0x4  }
0x5c2: {  	[tilespmem:$0x1ED30] =	vst v0;
	v0 =	vld [tilespmem:s19+$0x117B0];
	_ =	sdelay $0x4  }
0x5c3: {  	[tilespmem:$0x1ED40] =	vst v0;
	v0 =	vld [tilespmem:s19+$0xF800];
	_ =	sdelay $0x4  }
0x5c4: {  	[tilespmem:$0x1ED60] =	vst v0;
	v0 =	vld [tilespmem:s19+$0x11800];
	_ =	sdelay $0x4  }
0x5c5: {  	[tilespmem:$0x1ED70] =	vst v0;
	v0 =	vld [tilespmem:s19+$0xF810];
	_ =	sdelay $0x4  }
0x5c6: {  	[tilespmem:$0x1EDB0] =	vst v0;
	v0 =	vld [tilespmem:s19+$0x11810];
	_ =	sdelay $0x4  }
0x5c7: {  	[tilespmem:$0x1EDC0] =	vst v0;
	v0 =	vld [tilespmem:s19+$0x136B0];
	_ =	sdelay $0x4  }
0x5c8: {  	[tilespmem:$0x1EDD0] =	vst v0;
	v0 =	vld [tilespmem:s19+$0x13720];
	_ =	sdelay $0x4  }
0x5c9: {  	[tilespmem:$0x1EE00] =	vst v0;
	v0 =	vld [tilespmem:s19+$0xF730];
	_ =	sdelay $0x4  }
0x5ca: {  	[tilespmem:$0x1EDE0] =	vst v0;
	v0 =	vld [tilespmem:s19+$0x11730];
	_ =	sdelay $0x4  }
0x5cb: {  	[tilespmem:$0x1EDF0] =	vst v0;
	v0 =	vld [tilespmem:s19+$0x13630];
	_ =	sdelay $0x4  }
0x5cc: {  	[tilespmem:$0x1EE20] =	vst v0;
	v0 =	vld [tilespmem:s19+$0x136A0];
	_ =	sdelay $0x4  }
0x5cd: {  	[tilespmem:$0x1EE40] =	vst v0;
	v0 =	vld [tilespmem:s19+$0xF6B0];
	_ =	sdelay $0x4  }
0x5ce: {  	[tilespmem:$0x1EDA0] =	vst v0;
	v0 =	vld [tilespmem:s19+$0x13700];
	_ =	sdelay $0x4  }
0x5cf: {  	[tilespmem:$0x1EE50] =	vst v0;
	v0 =	vld [tilespmem:s19+$0x13620];
	_ =	sdelay $0x4  }
0x5d0: {  	[tilespmem:$0x1EE70] =	vst v0;
	v0 =	vld [tilespmem:s19+$0x13680];
	_ =	sdelay $0x4  }
0x5d1: {  	[tilespmem:$0x1EE10] =	vst v0;
	v0 =	vld [tilespmem:s19+$0x13690];
	_ =	sdelay $0x4  }
0x5d2: {  	[tilespmem:$0x1EE30] =	vst v0;
	v0 =	vld [tilespmem:s19+$0xF710];
	_ =	sdelay $0x4  }
0x5d3: {  	[tilespmem:$0x1EE80] =	vst v0;
	v0 =	vld [tilespmem:s19+$0x11710];
	_ =	sdelay $0x4  }
0x5d4: {  	[tilespmem:$0x1EE90] =	vst v0;
	v0 =	vld [tilespmem:s19+$0x13530];
	_ =	sdelay $0x4  }
0x5d5: {  	[tilespmem:$0x1EEC0] =	vst v0;
	v0 =	vld [tilespmem:s19+$0x135A0];
	_ =	sdelay $0x4  }
0x5d6: {  	[tilespmem:$0x1EED0] =	vst v0;
	v0 =	vld [tilespmem:s19+$0xF5B0];
	_ =	sdelay $0x4  }
0x5d7: {  	[tilespmem:$0x1EEA0] =	vst v0;
	v0 =	vld [tilespmem:s19+$0x115B0];
	_ =	sdelay $0x4  }
0x5d8: {  	[tilespmem:$0x1EEB0] =	vst v0;
	v0 =	vld [tilespmem:s19+$0x13600];
	_ =	sdelay $0x4  }
0x5d9: {  	[tilespmem:$0x1EE60] =	vst v0;
	v0 =	vld [tilespmem:s19+$0x134B0];
	_ =	sdelay $0x4  }
0x5da: {  	[tilespmem:$0x1EEE0] =	vst v0;
	v0 =	vld [tilespmem:s19+$0x13520];
	_ =	sdelay $0x4  }
0x5db: {  	[tilespmem:$0x1EF10] =	vst v0;
	v0 =	vld [tilespmem:s19+$0x13580];
	_ =	sdelay $0x4  }
0x5dc: {  	[tilespmem:$0x1EF20] =	vst v0;
	v0 =	vld [tilespmem:s19+$0x134A0];
	_ =	sdelay $0x4  }
0x5dd: {  	[tilespmem:$0x1EF60] =	vst v0;
	v0 =	vld [tilespmem:s19+$0x13500];
	_ =	sdelay $0x4  }
0x5de: {  	[tilespmem:$0x1EEF0] =	vst v0;
	v0 =	vld [tilespmem:s19+$0x13510];
	_ =	sdelay $0x4  }
0x5df: {  	[tilespmem:$0x1EF00] =	vst v0;
	v0 =	vld [tilespmem:s19+$0x133B0];
	_ =	sdelay $0x4  }
0x5e0: {  	[tilespmem:$0x1EF70] =	vst v0;
	v0 =	vld [tilespmem:s19+$0x13420];
	_ =	sdelay $0x4  }
0x5e1: {  	[tilespmem:$0x1EF80] =	vst v0;
	v0 =	vld [tilespmem:s19+$0xF430];
	_ =	sdelay $0x4  }
0x5e2: {  	[tilespmem:$0x1EF40] =	vst v0;
	v0 =	vld [tilespmem:s19+$0x11430];
	_ =	sdelay $0x4  }
0x5e3: {  	[tilespmem:$0x1EF50] =	vst v0;
	v0 =	vld [tilespmem:s19+$0x13480];
	_ =	sdelay $0x4  }
0x5e4: {  	[tilespmem:$0x1EF30] =	vst v0;
	v0 =	vld [tilespmem:s19+$0x13330];
	_ =	sdelay $0x4  }
0x5e5: {  	[tilespmem:$0x1EF90] =	vst v0;
	v0 =	vld [tilespmem:s19+$0x133A0];
	_ =	sdelay $0x4  }
0x5e6: {  	[tilespmem:$0x1EFA0] =	vst v0;
	v0 =	vld [tilespmem:s19+$0x13400];
	_ =	sdelay $0x4  }
0x5e7: {  	[tilespmem:$0x1EFB0] =	vst v0;
	v0 =	vld [tilespmem:s19+$0x13320];
	_ =	sdelay $0x4  }
0x5e8: {  	[tilespmem:$0x1F000] =	vst v0;
	v0 =	vld [tilespmem:s19+$0x13380];
	_ =	sdelay $0x3  }
0x5e9: {  	v49 =	vld [tilespmem:s19+$0x11830]  }
0x5ea: {  	[tilespmem:$0x1EFC0] =	vst v0;
	v0 =	vld [tilespmem:s19+$0x13390]  }
0x5eb: {  	v36 =	vld [tilespmem:s19+$0x13780]  }
0x5ec: {  	v34 =	vld [tilespmem:s19+$0x13790]  }
0x5ed: {  	v27 =	vld [tilespmem:s19+$0xF7A0]  }
0x5ee: {  	v25 =	vld [tilespmem:s19+$0x117A0]  }
0x5ef: {  	[tilespmem:$0x1EFD0] =	vst v0;
	v0 =	vld [tilespmem:$0x1ECF0]  }
0x5f0: {  	v59 =	vld [tilespmem:s19+$0x116B0]  }
0x5f1: {  	v54 =	vld [tilespmem:s19+$0xF720]  }
0x5f2: {  	v62 =	vld [tilespmem:s19+$0x11720]  }
0x5f3: {  	v19 =	vld [tilespmem:s19+$0xF780]  }
0x5f4: {  	v0 =	vadd.f32 v49, v0;
	v49 =	vld [tilespmem:s19+$0xF410]  }
0x5f5: {  	v18 =	vld [tilespmem:s19+$0x11780]  }
0x5f6: {  	v14 =	vld [tilespmem:s19+$0xF790]  }
0x5f7: {  	v10 =	vld [tilespmem:s19+$0x11790]  }
0x5f8: {  	v58 =	vld [tilespmem:s19+$0xF630]  }
0x5f9: {  	[tilespmem:$0x1EFE0] =	vst v49;
	v49 =	vld [tilespmem:s19+$0x11410]  }
0x5fa: {  	v48 =	vld [tilespmem:s19+$0x11630]  }
0x5fb: {  	v61 =	vld [tilespmem:s19+$0xF6A0]  }
0x5fc: {  	v30 =	vld [tilespmem:s19+$0x116A0]  }
0x5fd: {  	v45 =	vld [tilespmem:$0x1ED10]  }
0x5fe: {  	[tilespmem:$0x1EFF0] =	vst v49;
	v49 =	vld [tilespmem:$0x1ED00]  }
0x5ff: {  	v46 =	vld [tilespmem:s19+$0xF700]  }
0x600: {  	v40 =	vld [tilespmem:s19+$0x11700]  }
0x601: {  	v53 =	vld [tilespmem:s19+$0x13610]  }
0x602: {  	v41 =	vld [tilespmem:s19+$0xF620]  }
0x603: {  	v49 =	vadd.f32 v45, v49;
	v45 =	vld [tilespmem:$0x1ED20]  }
0x604: {  	v28 =	vld [tilespmem:s19+$0x11620]  }
0x605: {  	v17 =	vld [tilespmem:s19+$0xF680]  }
0x606: {  	v11 =	vld [tilespmem:s19+$0x11680]  }
0x607: {  	v16 =	vld [tilespmem:s19+$0xF690]  }
0x608: {  	v8 =	vld [tilespmem:s19+$0x11690];
	v0 =	vsub.f32 v0, v45  }
0x609: {  	v10 =	vadd.f32 v10, v14;
	v14 =	vld [tilespmem:s19+$0x132A0]  }
0x60a: {  	[tilespmem:$0x1F390] =	vst v0;
	v0 =	vld [tilespmem:s19+$0x13230]  }
0x60b: {  	v51 =	vld [tilespmem:s19+$0xF530]  }
0x60c: {  	v60 =	vld [tilespmem:s19+$0x11530]  }
0x60d: {  	v57 =	vld [tilespmem:s19+$0xF5A0]  }
0x60e: {  	[tilespmem:$0x1F020] =	vst v14;
	v14 =	vld [tilespmem:$0x1ED30]  }
0x60f: {  	[tilespmem:$0x1F010] =	vst v0;
	v0 =	vadd.f32 v18, v19;
	v18 =	vld [tilespmem:$0x1ED40]  }
0x610: {  	v47 =	vld [tilespmem:s19+$0x115A0]  }
0x611: {  	v19 =	vadd.f32 v25, v27;
	v27 =	vld [tilespmem:$0x1ED50]  }
0x612: {  	v13 =	vld [tilespmem:s19+$0xF600]  }
0x613: {  	v6 =	vld [tilespmem:s19+$0x11600]  }
0x614: {  	v3 =	vld [tilespmem:s19+$0xF610];
	v25 =	vadd.f32 v18, v14  }
0x615: {  	v10 =	vsub.f32 v10, v34;
	v0 =	vsub.f32 v0, v36;
	v36 =	vld [tilespmem:$0x1ED70]  }
0x616: {  	v25 =	vsub.f32 v25, v27;
	v27 =	vld [tilespmem:$0x1ED60]  }
0x617: {  	v1 =	vld [tilespmem:s19+$0x11610];
	v10 =	vand.u32 $0x7FFFFFFF, v10;
	v0 =	vand.u32 $0x7FFFFFFF, v0  }
0x618: {  	v0 =	vadd.f32 v10, v0;
	v10 =	vld [tilespmem:$0x1ED90]  }
0x619: {  	[tilespmem:$0x1F380] =	vst v49;
	v49 =	vld [tilespmem:$0x1ED80]  }
0x61a: {  	v31 =	vld [tilespmem:s19+$0xF4B0]  }
0x61b: {  	v26 =	vld [tilespmem:s19+$0x114B0];
	v45 =	vadd.f32 v36, v27  }
0x61c: {  	v44 =	vld [tilespmem:s19+$0xF520];
	v8 =	vadd.f32 v8, v16  }
0x61d: {  	v16 =	vadd.f32 v30, v61;
	v30 =	vld [tilespmem:s19+$0x131B0];
	v10 =	vsub.f32 v45, v10  }
0x61e: {  	v39 =	vld [tilespmem:s19+$0x11520];
	v19 =	vsub.f32 v19, v49  }
0x61f: {  	[tilespmem:$0x1F3A0] =	vst v10;
	v10 =	vld [tilespmem:$0x1EDA0]  }
0x620: {  	v43 =	vld [tilespmem:s19+$0xF580];
	v19 =	vand.u32 $0x7FFFFFFF, v19  }
0x621: {  	v0 =	vadd.f32 v19, v0;
	v19 =	vld [tilespmem:$0x1EDD0]  }
0x622: {  	[tilespmem:$0x1F030] =	vst v30;
	v30 =	vld [tilespmem:$0x1EE10]  }
0x623: {  	v38 =	vld [tilespmem:s19+$0x11580]  }
0x624: {  	v52 =	vld [tilespmem:s19+$0xF590];
	v10 =	vadd.f32 v59, v10  }
0x625: {  	v11 =	vadd.f32 v11, v17;
	v49 =	vld [tilespmem:$0x1EDF0]  }
0x626: {  	v19 =	vsub.f32 v10, v19;
	v10 =	vld [tilespmem:$0x1EDE0]  }
0x627: {  	v11 =	vsub.f32 v11, v30;
	v30 =	vadd.f32 v40, v46;
	v46 =	vld [tilespmem:$0x1EE30]  }
0x628: {  	v45 =	vld [tilespmem:$0x1EDB0]  }
0x629: {  	v59 =	vld [tilespmem:$0x1EDC0]  }
0x62a: {  	v50 =	vld [tilespmem:s19+$0x11590]  }
0x62b: {  	v10 =	vadd.f32 v49, v10;
	v49 =	vld [tilespmem:$0x1EE00]  }
0x62c: {  	v6 =	vadd.f32 v6, v13;
	v8 =	vsub.f32 v8, v46;
	v13 =	vld [tilespmem:$0x1EE60]  }
0x62d: {  	v56 =	vld [tilespmem:s19+$0x13490];
	v62 =	vadd.f32 v62, v54;
	v3 =	vadd.f32 v1, v3  }
0x62e: {  	v1 =	vand.u32 $0x7FFFFFFF, v8;
	v8 =	vadd.f32 v28, v41;
	v28 =	vld [tilespmem:$0x1EE70];
	v45 =	vadd.f32 v59, v45  }
0x62f: {  	v37 =	vld [tilespmem:s19+$0xF4A0]  }
0x630: {  	v33 =	vld [tilespmem:s19+$0x114A0];
	[tilespmem:$0x1F040] =	vst v45;
	v45 =	vsub.f32 v62, v49  }
0x631: {  	v15 =	vld [tilespmem:s19+$0xF500];
	v6 =	vsub.f32 v6, v13;
	v13 =	vsub.f32 v3, v53;
	v25 =	vand.u32 $0x7FFFFFFF, v25  }
0x632: {  	[tilespmem:$0x1F050] =	vst v45;
	v45 =	vadd.f32 v25, v0;
	v25 =	vadd.f32 v48, v58;
	v48 =	vld [tilespmem:$0x1EE40]  }
0x633: {  	v8 =	vsub.f32 v8, v28;
	v6 =	vand.u32 $0x7FFFFFFF, v6;
	v13 =	vand.u32 $0x7FFFFFFF, v13;
	v62 =	vld [tilespmem:$0x1EE20]  }
0x634: {  	v9 =	vld [tilespmem:s19+$0x11500];
	v6 =	vadd.f32 v13, v6  }
0x635: {  	v12 =	vld [tilespmem:s19+$0xF510];
	v8 =	vand.u32 $0x7FFFFFFF, v8  }
0x636: {  	v6 =	vadd.f32 v8, v6;
	v8 =	vld [tilespmem:$0x1EEC0]  }
0x637: {  	v11 =	vand.u32 $0x7FFFFFFF, v11;
	v58 =	vld [tilespmem:$0x1EE80];
	v46 =	vsub.f32 v16, v48  }
0x638: {  	v11 =	vadd.f32 v1, v11;
	v25 =	vsub.f32 v25, v62;
	v62 =	vld [tilespmem:$0x1EE90]  }
0x639: {  	v48 =	vld [tilespmem:$0x1EEB0];
	v28 =	vand.u32 $0x7FFFFFFF, v46  }
0x63a: {  	v11 =	vadd.f32 v28, v11;
	v28 =	vld [tilespmem:$0x1EEA0]  }
0x63b: {  	v5 =	vld [tilespmem:s19+$0x11510];
	v13 =	vand.u32 $0x7FFFFFFF, v19;
	v19 =	vadd.f32 v60, v51  }
0x63c: {  	v55 =	vld [tilespmem:s19+$0xF3B0]  }
0x63d: {  	v19 =	vsub.f32 v19, v8;
	v8 =	vld [tilespmem:$0x1EED0]  }
0x63e: {  	v63 =	vld [tilespmem:s19+$0x113B0]  }
0x63f: {  	v42 =	vld [tilespmem:s19+$0xF420];
	v58 =	vadd.f32 v62, v58;
	v62 =	vadd.f32 v48, v28  }
0x640: {  	v35 =	vld [tilespmem:s19+$0x11420];
	v48 =	vadd.f32 v13, v11;
	v11 =	vadd.f32 v47, v57  }
0x641: {  	v7 =	vld [tilespmem:s19+$0xF480]  }
0x642: {  	v8 =	vsub.f32 v11, v8;
	v11 =	vld [tilespmem:$0x1EEE0]  }
0x643: {  	v4 =	vld [tilespmem:s19+$0x11480]  }
0x644: {  	v2 =	vld [tilespmem:s19+$0xF490]  }
0x645: {  	v24 =	vld [tilespmem:s19+$0x11490];
	v13 =	vadd.f32 v26, v31  }
0x646: {  	v22 =	vld [tilespmem:s19+$0xF330]  }
0x647: {  	v60 =	vsub.f32 v13, v11;
	v13 =	vld [tilespmem:$0x1EF00]  }
0x648: {  	v20 =	vld [tilespmem:s19+$0x11330]  }
0x649: {  	v32 =	vld [tilespmem:s19+$0xF3A0]  }
0x64a: {  	v29 =	vld [tilespmem:s19+$0x113A0];
	v5 =	vadd.f32 v5, v12  }
0x64b: {  	v12 =	vld [tilespmem:$0x1EEF0]  }
0x64c: {  	v5 =	vsub.f32 v5, v13;
	v13 =	vld [tilespmem:$0x1EF10]  }
0x64d: {  	v4 =	vadd.f32 v4, v7;
	v7 =	vld [tilespmem:$0x1EF30]  }
0x64e: {  	v23 =	vld [tilespmem:s19+$0xF400];
	v9 =	vadd.f32 v9, v15  }
0x64f: {  	v21 =	vld [tilespmem:s19+$0x11400];
	v11 =	vadd.f32 v39, v44  }
0x650: {  	v54 =	vld [tilespmem:s19+$0xF380];
	v9 =	vsub.f32 v9, v12  }
0x651: {  	v17 =	vld [tilespmem:s19+$0x11390];
	v13 =	vsub.f32 v11, v13  }
0x652: {  	v9 =	vand.u32 $0x7FFFFFFF, v9;
	v4 =	vsub.f32 v4, v7;
	v7 =	vld [tilespmem:$0x1EF40];
	v5 =	vand.u32 $0x7FFFFFFF, v5  }
0x653: {  	v5 =	vadd.f32 v5, v9;
	v9 =	vand.u32 $0x7FFFFFFF, v13;
	v13 =	vld [tilespmem:$0x1EF50]  }
0x654: {  	v15 =	vadd.f32 v33, v37;
	v33 =	vld [tilespmem:s19+$0x11280]  }
0x655: {  	v37 =	vld [tilespmem:s19+$0xF290]  }
0x656: {  	v2 =	vadd.f32 v24, v2;
	v24 =	vld [tilespmem:s19+$0x13190]  }
0x657: {  	v34 =	vld [tilespmem:s19+$0x13310]  }
0x658: {  	v7 =	vadd.f32 v13, v7;
	v13 =	vld [tilespmem:$0x1EF60]  }
0x659: {  	v11 =	vld [tilespmem:$0x1EF20]  }
0x65a: {  	v2 =	vsub.f32 v2, v56;
	v56 =	vld [tilespmem:s19+$0xF0B0]  }
0x65b: {  	v40 =	vld [tilespmem:s19+$0xF230]  }
0x65c: {  	v2 =	vand.u32 $0x7FFFFFFF, v2;
	v41 =	vld [tilespmem:s19+$0x11300];
	v12 =	vadd.f32 v38, v43  }
0x65d: {  	v1 =	vld [tilespmem:s19+$0xF2A0];
	v4 =	vand.u32 $0x7FFFFFFF, v4;
	v5 =	vadd.f32 v9, v5;
	v13 =	vsub.f32 v15, v13  }
0x65e: {  	v3 =	vld [tilespmem:s19+$0x112A0];
	v2 =	vadd.f32 v2, v4;
	v9 =	vand.u32 $0x7FFFFFFF, v19;
	v11 =	vsub.f32 v12, v11  }
0x65f: {  	v53 =	vld [tilespmem:s19+$0xF300];
	v12 =	vadd.f32 v50, v52;
	v52 =	vadd.f32 v9, v5;
	v9 =	vand.u32 $0x7FFFFFFF, v13  }
0x660: {  	v2 =	vadd.f32 v9, v2;
	v9 =	vld [tilespmem:$0x1EF70]  }
0x661: {  	v38 =	vld [tilespmem:s19+$0x13210]  }
0x662: {  	v43 =	vld [tilespmem:s19+$0x11220]  }
0x663: {  	v4 =	vadd.f32 v63, v55;
	v63 =	vld [tilespmem:s19+$0xF210]  }
0x664: {  	v14 =	vld [tilespmem:s19+$0xF2B0]  }
0x665: {  	v9 =	vsub.f32 v4, v9;
	v4 =	vld [tilespmem:$0x1EF80]  }
0x666: {  	v18 =	vld [tilespmem:s19+$0x112B0]  }
0x667: {  	v27 =	vld [tilespmem:s19+$0x13300]  }
0x668: {  	v36 =	vld [tilespmem:s19+$0xF320];
	v5 =	vadd.f32 v35, v42  }
0x669: {  	[tilespmem:$0x1F060] =	vst v10;
	v10 =	vld [tilespmem:s19+$0x11380]  }
0x66a: {  	v13 =	vsub.f32 v5, v4;
	v5 =	vld [tilespmem:$0x1EF90]  }
0x66b: {  	v51 =	vld [tilespmem:s19+$0x11310]  }
0x66c: {  	v0 =	vld [tilespmem:s19+$0xF390]  }
0x66d: {  	v59 =	vld [tilespmem:s19+$0x11320];
	v15 =	vadd.f32 v20, v22  }
0x66e: {  	v49 =	vld [tilespmem:s19+$0x13220]  }
0x66f: {  	v55 =	vsub.f32 v15, v5;
	v5 =	vadd.f32 v10, v54;
	v10 =	vld [tilespmem:$0x1EFA0]  }
0x670: {  	v16 =	vld [tilespmem:$0x1EE50]  }
0x671: {  	(xrf2) =	vadd.scan.msk.f32 $0xffff, v45;
	v45 =	vld [tilespmem:$0x1F040];
	v0 =	vadd.f32 v17, v0;
	v4 =	vand.u32 $0x7FFFFFFF, v60  }
0x672: {  	v17 =	vld [tilespmem:$0x1EFE0];
	v60 =	vadd.f32 v4, v2;
	v2 =	vadd.f32 v29, v32  }
0x673: {  	v46 =	vld [tilespmem:s19+$0xF310]  }
0x674: {  	v2 =	vsub.f32 v2, v10;
	v10 =	vld [tilespmem:$0x1EFB0]  }
0x675: {  	v61 =	vsub.f32 v30, v16;
	v16 =	vld [tilespmem:s19+$0x11230]  }
0x676: {  	v30 =	vld [tilespmem:s19+$0x13280]  }
0x677: {  	v28 =	vld [tilespmem:s19+$0x130B0];
	v4 =	vadd.f32 v21, v23  }
0x678: {  	v57 =	vld [tilespmem:s19+$0x111B0]  }
0x679: {  	v26 =	vand.u32 $0x7FFFFFFF, v25;
	v15 =	vsub.f32 v4, v10;
	v4 =	vld [tilespmem:$0x1EFC0]  }
0x67a: {  	v6 =	vadd.f32 v26, v6;
	v26 =	vld [tilespmem:s19+$0xF1B0]  }
0x67b: {  	v25 =	vld [tilespmem:s19+$0x131A0]  }
0x67c: {  	v31 =	vld [tilespmem:s19+$0x13200]  }
0x67d: {  	v47 =	vld [tilespmem:s19+$0x11130]  }
0x67e: {  	v4 =	vsub.f32 v5, v4;
	v5 =	vld [tilespmem:$0x1EFD0]  }
0x67f: {  	v26 =	vadd.f32 v57, v26;
	v57 =	vld [tilespmem:s19+$0xF190]  }
0x680: {  	v39 =	vld [tilespmem:s19+$0xF220]  }
0x681: {  	v44 =	vld [tilespmem:s19+$0xF280]  }
0x682: {  	v19 =	vld [tilespmem:s19+$0x130A0]  }
0x683: {  	v50 =	vld [tilespmem:s19+$0x11290];
	v0 =	vsub.f32 v0, v5  }
0x684: {  	v35 =	vld [tilespmem:s19+$0x110B0]  }
0x685: {  	v42 =	vld [tilespmem:s19+$0xF130];
	v4 =	vand.u32 $0x7FFFFFFF, v4;
	v0 =	vand.u32 $0x7FFFFFFF, v0  }
0x686: {  	v22 =	vld [tilespmem:s19+$0x13180];
	v0 =	vadd.f32 v0, v4  }
0x687: {  	v20 =	vadd.f32 v51, v46;
	v51 =	vld [tilespmem:s19+$0x11210];
	v2 =	vand.u32 $0x7FFFFFFF, v2  }
0x688: {  	v21 =	vld [tilespmem:s19+$0xF1A0];
	v0 =	vadd.f32 v2, v0  }
0x689: {  	v54 =	vadd.f32 v59, v36;
	v59 =	vld [tilespmem:$0x1EFF0];
	v2 =	vand.u32 $0x7FFFFFFF, v9  }
0x68a: {  	v2 =	vadd.f32 v2, v0;
	v0 =	vld [tilespmem:$0x1F010]  }
0x68b: {  	v4 =	vld [tilespmem:$0x1F000]  }
0x68c: {  	v23 =	vld [tilespmem:s19+$0x111A0];
	v5 =	vadd.f32 v41, v53  }
0x68d: {  	v20 =	vsub.f32 v20, v34;
	v29 =	vld [tilespmem:s19+$0x11200];
	v9 =	vadd.f32 v16, v40  }
0x68e: {  	v17 =	vadd.f32 v59, v17;
	v59 =	vld [tilespmem:s19+$0x11190];
	v27 =	vsub.f32 v5, v27  }
0x68f: {  	v18 =	vadd.f32 v18, v14;
	v40 =	vsub.f32 v9, v0;
	v0 =	vld [tilespmem:$0x1F020]  }
0x690: {  	v20 =	vand.u32 $0x7FFFFFFF, v20;
	v10 =	vld [tilespmem:s19+$0xF200];
	v14 =	vand.u32 $0x7FFFFFFF, v27;
	v27 =	vsub.f32 v54, v4  }
0x691: {  	v53 =	vld [tilespmem:s19+$0xF0A0];
	v14 =	vadd.f32 v20, v14  }
0x692: {  	v1 =	vadd.f32 v3, v1;
	v41 =	vld [tilespmem:$0x1F060];
	v3 =	vand.u32 $0x7FFFFFFF, v27  }
0x693: {  	v5 =	vld [tilespmem:s19+$0x13080];
	v14 =	vadd.f32 v3, v14  }
0x694: {  	v16 =	vld [tilespmem:s19+$0x110A0];
	v20 =	vsub.f32 v1, v0;
	v0 =	vand.u32 $0x7FFFFFFF, v55  }
0x695: {  	v4 =	vld [tilespmem:s19+$0x13090];
	v1 =	vadd.f32 v0, v14  }
0x696: {  	v54 =	vld [tilespmem:s19+$0xF180];
	v0 =	vadd.f32 v29, v10;
	v10 =	vadd.f32 v51, v63  }
0x697: {  	v27 =	vld [tilespmem:s19+$0x11080]  }
0x698: {  	(xrf2) =	vadd.scan.msk.f32 $0xffff, v48;
	v0 =	vsub.f32 v0, v31;
	v31 =	vsub.f32 v10, v38;
	v10 =	vld [tilespmem:$0x1F030]  }
0x699: {  	v3 =	vld [tilespmem:s19+$0xF120];
	v14 =	vadd.f32 v43, v39  }
0x69a: {  	v9 =	vld [tilespmem:s19+$0x11120]  }
0x69b: {  	v55 =	vld [tilespmem:s19+$0x11180];
	v29 =	vadd.f32 v33, v44;
	v14 =	vsub.f32 v14, v49  }
0x69c: {  	(xrf2) =	vadd.scan.msk.f32 $0xffff, v6;
	v36 =	vadd.f32 v59, v57;
	v63 =	vadd.f32 v23, v21;
	v33 =	vld [tilespmem:s19+$0x11090];
	v6 =	vand.u32 $0x7FFFFFFF, v0  }
0x69d: {  	p0 =	seq.s32 s20, $0x6000;
	v0 =	vsub.f32 v29, v30;
	v29 =	vld [tilespmem:s19+$0xF080];
	v10 =	vsub.f32 v26, v10;
	v26 =	vand.u32 $0x7FFFFFFF, v31  }
.Ltmp1:
0x69e: {  	(xrf2) =	vadd.scan.msk.f32 $0xffff, v52;
	v30 =	vld [tilespmem:s19+$0xF090];
	v31 =	vadd.f32 v35, v56;
	v26 =	vadd.f32 v26, v6;
	(pc) =	sbr.rel @!p0 .LBB2_5-.Ltmp1, $4  }
0x69f: {  	v34 =	vadd.f32 v16, v53;
	v32 =	vsub.f32 v63, v25;
	v21 =	vand.u32 $0x7FFFFFFF, v14;
	v14, _, _ =	vpop (xrf2);
	(xrf2) =	vadd.scan.msk.f32 $0xffff, v60;
	v60 =	vld [tilespmem:$0x1F050]  }
0x6a0: {  	v23 =	vsub.f32 v31, v28;
	v28 =	vld [tilespmem:s19+$0x11100];
	v31 =	vadd.f32 v21, v26  }
0x6a1: {  	v25 =	vand.u32 $0x7FFFFFFF, v40;
	v35 =	vadd.f32 v55, v54;
	v6 =	vadd.f32 v50, v37;
	v26 =	vld [tilespmem:s19+$0xF100]  }
0x6a2: {  	s20 =	sadd.s32 $0x2000, s20;
	v46 =	vmov v58;
	v16, _, _ =	vpop (xrf2);
	v21 =	vadd.f32 v47, v42;
	v25 =	vadd.f32 v25, v31;
	v31 =	vld [tilespmem:s19+$0xF110]  }
0x6a3: {  	v27 =	vadd.f32 v27, v29;
	v37 =	vld [tilespmem:s19+$0x11110];
	v22 =	vsub.f32 v35, v22  }
0x6a4: {  	v30 =	vadd.f32 v33, v30;
	v38 =	vld [tilespmem:s19+$0x13100];
	v24 =	vsub.f32 v36, v24  }
0x6a5: {  	v19 =	vsub.f32 v34, v19;
	v39 =	vld [tilespmem:s19+$0x13110];
	v32 =	vand.u32 $0x7FFFFFFF, v32;
	v3 =	vadd.f32 v9, v3  }
0x6a6: {  	v40 =	vld [tilespmem:s19+$0x13120];
	v10 =	vand.u32 $0x7FFFFFFF, v10;
	v5 =	vsub.f32 v27, v5;
	v4 =	vsub.f32 v30, v4  }
0x6a7: {  	v47 =	vld [tilespmem:s19+$0x13290];
	v22 =	vand.u32 $0x7FFFFFFF, v22;
	v24 =	vand.u32 $0x7FFFFFFF, v24;
	v43 =	vadd.f32 v28, v26  }
0x6a8: {  	v48 =	vld [tilespmem:s19+$0x13130];
	v5 =	vand.u32 $0x7FFFFFFF, v5;
	v4 =	vand.u32 $0x7FFFFFFF, v4;
	v44 =	vadd.f32 v37, v31  }
0x6a9: {  	v49 =	vld [tilespmem:s19+$0x13410];
	v23 =	vand.u32 $0x7FFFFFFF, v23;
	v42 =	vadd.f32 v24, v22;
	v4 =	vadd.f32 v4, v5  }
0x6aa: {  	v0 =	vand.u32 $0x7FFFFFFF, v0;
	v22 =	vsub.f32 v43, v38;
	v24 =	vsub.f32 v44, v39  }
0x6ab: {  	v19 =	vand.u32 $0x7FFFFFFF, v19;
	v9 =	vadd.f32 v32, v42;
	v3 =	vsub.f32 v3, v40  }
0x6ac: {  	v52 =	vld [tilespmem:s19+$0x132B0];
	v6 =	vsub.f32 v6, v47;
	v50 =	vand.u32 $0x7FFFFFFF, v22;
	v51 =	vand.u32 $0x7FFFFFFF, v24  }
0x6ad: {  	v63 =	vand.u32 $0x7FFFFFFF, v20;
	v4 =	vadd.f32 v19, v4;
	v19 =	vadd.f32 v51, v50  }
0x6ae: {  	(xrf2) =	vadd.scan.msk.f32 $0xffff, v2;
	v55 =	vld [tilespmem:s19+$0x13590];
	v54 =	vsub.f32 v21, v48;
	v59 =	vsub.f32 v17, v49;
	v3 =	vand.u32 $0x7FFFFFFF, v3  }
0x6af: {  	v58 =	vld [tilespmem:s19+$0x13430];
	(xrf2) =	vadd.scan.msk.f32 $0xffff, v1;
	v9 =	vadd.f32 v10, v9;
	v57 =	vand.u32 $0x7FFFFFFF, v6;
	v56 =	vadd.f32 v3, v19  }
0x6b0: {  	(xrf2) =	vadd.scan.msk.f32 $0xffff, v25;
	v27 =	vld [tilespmem:s19+$0x13730];
	v0 =	vadd.f32 v57, v0;
	v53 =	vadd.f32 v23, v4;
	v4 =	vand.u32 $0x7FFFFFFF, v54  }
0x6b1: {  	v26 =	vand.u32 $0x7FFFFFFF, v11;
	v17 =	vsub.f32 v18, v52;
	v18 =	vld [tilespmem:s19+$0x13710];
	(xrf2) =	vadd.scan.msk.f32 $0xffff, v9;
	v1 =	vadd.f32 v4, v56  }
0x6b2: {  	v20 =	vld [tilespmem:s19+$0x135B0];
	v0 =	vadd.f32 v63, v0;
	(xrf2) =	vadd.scan.msk.f32 $0xffff, v53;
	v19 =	vand.u32 $0x7FFFFFFF, v15;
	v3 =	vand.u32 $0x7FFFFFFF, v59  }
0x6b3: {  	v21 =	vsub.f32 v12, v55;
	v9 =	vand.u32 $0x7FFFFFFF, v17;
	v2 =	vadd.f32 v3, v19;
	(xrf2) =	vadd.scan.msk.f32 $0xffff, v1  }
0x6b4: {  	v30 =	vld [tilespmem:s19+$0x13820];
	v22 =	vand.u32 $0x7FFFFFFF, v13;
	v23 =	vsub.f32 v7, v58;
	v0 =	vadd.f32 v9, v0  }
0x6b5: {  	v25, _, _ =	vpop (xrf2);
	v39 =	vsub.f32 v41, v27;
	v24 =	vld [tilespmem:s19+$0x13810];
	v3 =	vand.u32 $0x7FFFFFFF, v21;
	v1 =	vadd.f32 v22, v2  }
0x6b6: {  	v28, _, _ =	vpop (xrf2);
	v43 =	vld [tilespmem:$0x1F3A0];
	v29 =	vsub.f32 v46, v18;
	v5 =	vand.u32 $0x7FFFFFFF, v23;
	v2 =	vadd.f32 v3, v26;
	(xrf2) =	vadd.scan.msk.f32 $0xffff, v0  }
0x6b7: {  	v32 =	vand.u32 $0x7FFFFFFF, v8;
	v31, _, _ =	vpop (xrf2);
	v41 =	vld [tilespmem:$0x1F380];
	v4 =	vsub.f32 v62, v20;
	v1 =	vadd.f32 v5, v1  }
0x6b8: {  	v34 =	vand.u32 $0x7FFFFFFF, v61;
	v33, _, _ =	vpop (xrf2);
	v3 =	vand.u32 $0x7FFFFFFF, v29;
	v2 =	vadd.f32 v32, v2  }
0x6b9: {  	v35, _, _ =	vpop (xrf2);
	v4 =	vand.u32 $0x7FFFFFFF, v4;
	v3 =	vadd.f32 v3, v34;
	(xrf2) =	vadd.scan.msk.f32 $0xffff, v1  }
0x6ba: {  	v38 =	vand.u32 $0x7FFFFFFF, v60;
	v37, _, _ =	vpop (xrf2);
	v36 =	vsub.f32 v45, v24;
	v2 =	vadd.f32 v4, v2  }
0x6bb: {  	v49 =	vld [tilespmem:$0x1F390];
	v6 =	vand.u32 $0x7FFFFFFF, v39;
	v40, _, _ =	vpop (xrf2);
	v3 =	vadd.f32 v38, v3  }
0x6bc: {  	v13 =	vand.u32 $0x7FFFFFFF, v43;
	v5 =	vand.u32 $0x7FFFFFFF, v36;
	v4 =	vsub.f32 v41, v30;
	v42, _, _ =	vpop (xrf2);
	(xrf2) =	vadd.scan.msk.f32 $0xffff, v2  }
0x6bd: {  	v45 =	vadd.f32 v5, v13;
	v44 =	vadd.f32 v6, v3;
	v46, _, _ =	vpop (xrf2)  }
0x6be: {  	v47 =	vbroadcast v42, $0xF;
	v4 =	vand.u32 $0x7FFFFFFF, v4;
	v5 =	vbroadcast v46, $0xF  }
0x6bf: {  	v9 =	vbroadcast v40, $0xF;
	v3 =	vadd.f32 v4, v45;
	(xrf2) =	vadd.scan.msk.f32 $0xffff, v44  }
0x6c0: {  	v1 =	vbroadcast v37, $0xF;
	v4 =	vand.u32 $0x7FFFFFFF, v49;
	v50, _, _ =	vpop (xrf2);
	v48 =	vsel vm0, v47, v5  }
0x6c1: {  	v3 =	vadd.f32 v4, v3;
	v5 =	vbroadcast v50, $0xF;
	v2 =	vsel vm1, v48, v9  }
0x6c2: {  	v51 =	vbroadcast v35, $0xF;
	v1 =	vsel vm2, v2, v1  }
0x6c3: {  	v52 =	vbroadcast v33, $0xF;
	v53, _, _ =	vpop (xrf2);
	(xrf2) =	vadd.scan.msk.f32 $0xffff, v3;
	v1 =	vsel vm3, v1, v5  }
0x6c4: {  	v54 =	vbroadcast v53, $0xF;
	v1 =	vsel vm4, v1, v51  }
0x6c5: {  	v0 =	vbroadcast v31, $0xF;
	v1 =	vsel vm5, v1, v52  }
0x6c6: {  	v55 =	vbroadcast v28, $0xF;
	v56, _, _ =	vpop (xrf2);
	v1 =	vsel vm6, v1, v54  }
0x6c7: {  	v57 =	vbroadcast v56, $0xF;
	v0 =	vsel vm7, v1, v0  }
0x6c8: {  	v58 =	vbroadcast v25, $0xF;
	v0 =	vsel vm8, v0, v55  }
0x6c9: {  	v59 =	vbroadcast v16, $0xF;
	v60, _, _ =	vpop (xrf2);
	v0 =	vsel vm9, v0, v57  }
0x6ca: {  	p0 =	sne.s32 s0, $0x41;
	v61 =	vbroadcast v60, $0xF;
	v0 =	vsel vm10, v0, v58  }
.Ltmp2:
0x6cb: {  	v62 =	vbroadcast v14, $0xF;
	v0 =	vsel vm11, v0, v59;
	(pc) =	sbr.rel @p0 .LBB2_2-.Ltmp2, $4  }
0x6cc: {  	v0 =	vsel vm12, v0, v61  }
0x6cd: {  	v63, _, _ =	vpop (xrf2);
	v0 =	vsel vm13, v0, v62  }
0x6ce: {  	s26 =	sadd.s32 $0x10, s21;
	v0 =	vsel vm14, v0, v63  }
0x6cf: {  	s18 =	sadd.s32 $0x80, s18;
	s25 =	sadd.s32 $0x80, s25;
	[tilespmem:s26+$0x0] =	vst v0  }
0x6d0: {  	v7 =	vld [tilespmem:$0x6C00];
	s0 =	simm.s32 $0x0  }
0x6d1: {  	v9 =	vld [tilespmem:s0+$0x6C80]  }
0x6d2: {  	v6 =	vld [tilespmem:$0x6C10]  }
0x6d3: {  	v10 =	vld [tilespmem:s0+$0x6C90]  }
0x6d4: {  	v5 =	vld [tilespmem:$0x6C20]  }
0x6d5: {  	v11 =	vld [tilespmem:s0+$0x6CA0]  }
0x6d6: {  	v4 =	vld [tilespmem:$0x6C30];
	v9 =	vsub.f32 v7, v9  }
0x6d7: {  	v12 =	vld [tilespmem:s0+$0x6CB0]  }
0x6d8: {  	v3 =	vld [tilespmem:$0x6C40];
	v10 =	vsub.f32 v6, v10;
	v9 =	vadd.f32 $1.000000000e+00, v9  }
0x6d9: {  	v8 =	vimm.f32 $0.0e+00;
	v13 =	vld [tilespmem:s0+$0x6CC0]  }
0x6da: {  	v2 =	vld [tilespmem:$0x6C50];
	v11 =	vsub.f32 v5, v11;
	v10 =	vadd.f32 $1.000000000e+00, v10;
	v9 =	vmax.f32 v9, $0.0e+00  }
0x6db: {  	v14 =	vld [tilespmem:s0+$0x6CD0];
	v8 =	vadd.f32 v9, v8  }
0x6dc: {  	v1 =	vld [tilespmem:$0x6C60];
	v9 =	vmax.f32 v10, $0.0e+00;
	v10 =	vadd.f32 $1.000000000e+00, v11;
	v11 =	vsub.f32 v4, v12  }
0x6dd: {  	v8 =	vadd.f32 v9, v8;
	v9 =	vld [tilespmem:s0+$0x6CE0]  }
0x6de: {  	v0 =	vld [tilespmem:$0x6C70];
	v12 =	vsub.f32 v3, v13;
	v10 =	vmax.f32 v10, $0.0e+00;
	v11 =	vadd.f32 $1.000000000e+00, v11  }
0x6df: {  	v10 =	vadd.f32 v10, v8;
	v8 =	vld [tilespmem:s0+$0x6CF0]  }
0x6e0: {  	s18 =	simm.s32 $0x400;
	s0 =	simm.s32 $0x80;
	v13 =	vmax.f32 v11, $0.0e+00;
	v11 =	vadd.f32 $1.000000000e+00, v12;
	v12 =	vsub.f32 v2, v14  }
.LBB2_8:
0x6e1: {  	p0 =	sne.s32 s18, $0x7E00;
	v14 =	vld [tilespmem:s0+$0x6C80];
	v10 =	vadd.f32 v13, v10  }
0x6e2: {  	v11 =	vmax.f32 v11, $0.0e+00;
	v12 =	vadd.f32 $1.000000000e+00, v12;
	v9 =	vsub.f32 v1, v9  }
0x6e3: {  	v13 =	vld [tilespmem:s0+$0x6C90];
	v10 =	vadd.f32 v11, v10  }
0x6e4: {  	v11 =	vmax.f32 v12, $0.0e+00;
	v9 =	vadd.f32 $1.000000000e+00, v9;
	v8 =	vsub.f32 v0, v8  }
0x6e5: {  	v12 =	vld [tilespmem:s0+$0x6CA0];
	v10 =	vadd.f32 v11, v10  }
0x6e6: {  	v11 =	vsub.f32 v7, v14;
	v9 =	vmax.f32 v9, $0.0e+00;
	v8 =	vadd.f32 $1.000000000e+00, v8  }
0x6e7: {  	v14 =	vld [tilespmem:s0+$0x6CB0];
	v9 =	vadd.f32 v9, v10  }
0x6e8: {  	v10 =	vadd.f32 $1.000000000e+00, v11;
	v11 =	vsub.f32 v6, v13;
	v8 =	vmax.f32 v8, $0.0e+00  }
0x6e9: {  	v13 =	vld [tilespmem:s0+$0x6CC0];
	v8 =	vadd.f32 v8, v9  }
0x6ea: {  	v9 =	vmax.f32 v10, $0.0e+00;
	v10 =	vadd.f32 $1.000000000e+00, v11;
	v11 =	vsub.f32 v5, v12  }
0x6eb: {  	v8 =	vadd.f32 v9, v8;
	v12 =	vld [tilespmem:s0+$0x6CD0]  }
.Ltmp3:
0x6ec: {  	v9 =	vmax.f32 v10, $0.0e+00;
	v10 =	vadd.f32 $1.000000000e+00, v11;
	v11 =	vsub.f32 v4, v14;
	(pc) =	sbr.rel @p0 .LBB2_8-.Ltmp3, $4  }
0x6ed: {  	v8 =	vadd.f32 v9, v8;
	v9 =	vld [tilespmem:s0+$0x6CE0]  }
0x6ee: {  	v10 =	vmax.f32 v10, $0.0e+00;
	v11 =	vadd.f32 $1.000000000e+00, v11;
	v14 =	vsub.f32 v3, v13  }
0x6ef: {  	v10 =	vadd.f32 v10, v8;
	v8 =	vld [tilespmem:s0+$0x6CF0]  }
0x6f0: {  	s0 =	sshra.s32 s18, $0x2;
	s18 =	sadd.s32 $0x200, s18;
	v13 =	vmax.f32 v11, $0.0e+00;
	v11 =	vadd.f32 $1.000000000e+00, v14;
	v12 =	vsub.f32 v2, v12  }
0x6f1: {  	v14 =	vld [tilespmem:s0+$0x6C80];
	v10 =	vadd.f32 v13, v10  }
0x6f2: {  	v11 =	vmax.f32 v11, $0.0e+00;
	v12 =	vadd.f32 $1.000000000e+00, v12;
	v9 =	vsub.f32 v1, v9  }
0x6f3: {  	v54 =	vld [tilespmem:s0+$0x6C90];
	v10 =	vadd.f32 v11, v10  }
0x6f4: {  	v55 =	vmax.f32 v12, $0.0e+00;
	v9 =	vadd.f32 $1.000000000e+00, v9;
	v8 =	vsub.f32 v0, v8  }
0x6f5: {  	v56 =	vld [tilespmem:s0+$0x6CA0];
	v10 =	vadd.f32 v55, v10  }
0x6f6: {  	v7 =	vsub.f32 v7, v14;
	v9 =	vmax.f32 v9, $0.0e+00;
	v8 =	vadd.f32 $1.000000000e+00, v8  }
0x6f7: {  	v57 =	vld [tilespmem:s0+$0x6CB0];
	v9 =	vadd.f32 v9, v10  }
0x6f8: {  	v6 =	vsub.f32 v6, v54;
	v7 =	vadd.f32 $1.000000000e+00, v7;
	v8 =	vmax.f32 v8, $0.0e+00  }
0x6f9: {  	v58 =	vld [tilespmem:s0+$0x6CC0];
	v8 =	vadd.f32 v8, v9  }
0x6fa: {  	v5 =	vsub.f32 v5, v56;
	v6 =	vadd.f32 $1.000000000e+00, v6;
	v7 =	vmax.f32 v7, $0.0e+00  }
0x6fb: {  	v59 =	vld [tilespmem:s0+$0x6CD0];
	v7 =	vadd.f32 v7, v8  }
0x6fc: {  	v4 =	vsub.f32 v4, v57;
	v5 =	vadd.f32 $1.000000000e+00, v5;
	v6 =	vmax.f32 v6, $0.0e+00  }
0x6fd: {  	v60 =	vld [tilespmem:s0+$0x6CE0];
	v6 =	vadd.f32 v6, v7  }
0x6fe: {  	v3 =	vsub.f32 v3, v58;
	v4 =	vadd.f32 $1.000000000e+00, v4;
	v5 =	vmax.f32 v5, $0.0e+00  }
0x6ff: {  	v61 =	vld [tilespmem:s0+$0x6CF0];
	v5 =	vadd.f32 v5, v6  }
0x700: {  	v2 =	vsub.f32 v2, v59;
	v3 =	vadd.f32 $1.000000000e+00, v3;
	v4 =	vmax.f32 v4, $0.0e+00  }
0x701: {  	v4 =	vadd.f32 v4, v5  }
0x702: {  	v62 =	vsub.f32 v1, v60;
	v2 =	vadd.f32 $1.000000000e+00, v2;
	v3 =	vmax.f32 v3, $0.0e+00  }
0x703: {  	v3 =	vadd.f32 v3, v4  }
0x704: {  	v63 =	vsub.f32 v0, v61;
	v1 =	vadd.f32 $1.000000000e+00, v62;
	v2 =	vmax.f32 v2, $0.0e+00  }
0x705: {  	v2 =	vadd.f32 v2, v3  }
0x706: {  	v0 =	vadd.f32 $1.000000000e+00, v63;
	v1 =	vmax.f32 v1, $0.0e+00  }
0x707: {  	v1 =	vadd.f32 v1, v2  }
0x708: {  	v0 =	vmax.f32 v0, $0.0e+00  }
0x709: {  	v0 =	vadd.f32 v0, v1;
	_ =	sdelay $0x1  }
0x70a: {  	s21 =	simm.s32 $0x6C00;
	[tilespmem:$0x9000] =	vst v0  }
0x70b: {  	[hbm4b:s11+s2] =	stream.linear.scatter [tilespmem:s21], [sflag:$0x4], $0x80, $0x38;
	[tilespmem:$0x15080] =	vst v63  }
0x70c: {  	_ =	swait.ge [sflag:s17], $0x80  }
0x70d: {  	[sflag:s17] =	ssyncset.done $0x0  }
0x70e: {  	s25 =	simm.s32 $0x6C80;
	[sflag:s17] =	ssyncadd.s32 $0xFFFFFF80  }
0x70f: {  	[hbm4b:s12+s15] =	stream.strided.scatter [tilespmem:s25], [sflag:$0x4], $0x2000, s16, s15, $0x38;
	[tilespmem:$0x15080] =	vst v63  }
0x710: {  	s24 =	sadd.s32 $0x1, s24;
	_ =	swait.ge [sflag:s17], $0x2000  }
0x711: {  	p0 =	sne.s32 s24, s14;
	[sflag:s17] =	ssyncset.done $0x0  }
.Ltmp4:
0x712: {  	s26 =	simm.s32 $0x9000;
	[sflag:s17] =	ssyncadd.s32 $0xFFFFE000;
	(pc) =	sbr.rel @p0 .LBB2_1-.Ltmp4, $4  }
0x713: {  	[hbm4b:s13+s2] =	stream.linear.scatter [tilespmem:s26], [sflag:$0x4], $0x80, $0x38;
	[tilespmem:$0x15080] =	vst v63  }
0x714: {  	_ =	swait.ge [sflag:s17], $0x80  }
0x715: {  	[sflag:s17] =	ssyncset.done $0x0  }
0x716: {  	[sflag:s17] =	ssyncadd.s32 $0xFFFFFF80  }
0x717: {  	_ =	sfence.sel $0x180000  }
0x718: {  	[bflag:$0x0] =	sbarrier.arrive $0xFFFF  }
0x719: {  	_ =	strace $0x90000047  }
0x71a: {  	s0 =	stileid.u32;
	[bflag:$0x2] =	sbarrier.arrive $0xFFFF  }
0x71b: {  	p0 =	sne.s32 s0, $0x0;
	s0 =	rddreg [dreg:$0x3]  }
0x71c: {  	s0 =	sadd.s32 @!p0 $0x100000, s0  }
0x71d: {  	[sflag:s0] =	ssyncadd.tile.s32 @!p0 $0x1;
	_ =	shalt  }
.Lfunc_end2:
_tile_overlayer_lowered:
.L_overlay_start_2:
0x71e: {  	(tag) =	ssettag $0x2  }
0x71f: {  	s0 =	rddreg [dreg:$0x0];
	s2 =	stileid.u32  }
0x720: {  	s1 =	rddreg [dreg:$0x1];
	p0 =	sne.s32 s2, $0x0  }
0x721: {  	s3 =	rddreg [dreg:$0x2];
	[bflag:$0x3] =	sbarrier.arrive $0xFFFF;
	s2 =	simm.s32 @!p0 $0x1C04  }
0x722: {  	[timem:s3], [sflag:s2] =	dma.local @!p0 [hbm:s0], s1  }
0x723: {  	s0 =	simm.s32 @!p0 $0x4  }
0x724: {  	_ =	swait.ge @!p0 [sflag:s0], s1  }
0x725: {  	s1 =	ssub.s32 @!p0 $0x0, s1;
	[sflag:s0] =	ssyncset.done @!p0 $0x0  }
0x726: {  	[sflag:s0] =	ssyncadd.s32 @!p0 s1  }
0x727: {  	[bflag:$0x3] =	sbarrier.arrive $0xFFFF  }
0x728: {  	_ =	shalt  }

</sc_bundles>
